<compile_context>
chip_gen: v7x
topology: tpu7x:2x2x1
jax: 0.10.2.dev20260603
libtpu: 0.0.44.dev20260713+nightly
codegen_flags: <defaults>
</compile_context>

<pallas_src>
import jax
import jax.numpy as jnp
from jax import lax
from jax.experimental import pallas as pl
from jax.experimental.pallas import tpu as pltpu
from jax.experimental.pallas import tpu_sc as plsc

N = 10000
E = 320000
D = 128
H = 512
C = 64
K = 8

NC = 2
NS = 16
L = 16

DH = D // NC
RPT = N // NS
RC = 125
NRC = RPT // RC
EPT = E // NS
CH = 128
IB = 16
NB = 10
NCH = NB * IB
EPAD = NCH * CH - EPT
KV = DH // L


def _rsqrt16(x):
    i = lax.bitcast_convert_type(x, jnp.int32)
    i = jnp.int32(0x5F3759DF) - lax.shift_right_logical(i, 1)
    y = lax.bitcast_convert_type(i, jnp.float32)
    for _ in range(3):
        y = y * (1.5 - 0.5 * x * y * y)
    return y


def _sc_body(feats_hbm, src_hbm, dst_hbm, uk_hbm, nrm2_hbm,
             t_sh, u_sh, sidx, didx, gbuf, gbuf2, gbuf3, tbuf, nrm2_v,
             gsem0, gsem1, gsem2, ssem0, ssem1, ssem2):
    c = lax.axis_index("c")
    s = lax.axis_index("s")
    row0 = s * RPT
    slots = (gbuf, gbuf2, gbuf3)
    gsems = (gsem0, gsem1, gsem2)
    ssems = (ssem0, ssem1, ssem2)
    zero16 = jnp.zeros((L,), jnp.float32)
    one16 = jnp.ones((L,), jnp.float32)

    def zero_gbuf(i, _):
        for k in range(KV):
            gbuf[i, pl.ds(k * L, L)] = zero16
        return 0

    def fill_gbuf_ones(i, _):
        for k in range(KV):
            gbuf[i, pl.ds(k * L, L)] = one16
        return 0

    def zero_tbuf(i, _):
        for k in range(KV):
            tbuf[i, pl.ds(k * L, L)] = zero16
        return 0

    lax.fori_loop(0, CH, fill_gbuf_ones, 0)
    lax.fori_loop(0, RC, zero_tbuf, 0)

    def zero_sh(rc, _):
        r0 = row0 + rc * RC
        pltpu.sync_copy(tbuf, t_sh.at[pl.ds(r0, RC)])
        return 0

    lax.fori_loop(0, NRC, zero_sh, 0)

    @pl.when(s == 0)
    def _():
        pltpu.sync_copy(tbuf.at[pl.ds(0, 8)], t_sh.at[pl.ds(N, 8)])

    plsc.subcore_barrier()

    def deg_scat(jb, _):
        pltpu.sync_copy(dst_hbm.at[s, pl.ds(jb * IB, IB)], didx)
        descs = [pltpu.async_copy(gbuf, t_sh.at[didx.at[jj]],
                                  ssems[jj % 2], add=True)
                 for jj in range(IB)]
        for dsc in descs:
            dsc.wait()
        return 0

    lax.fori_loop(0, NB, deg_scat, 0)
    plsc.subcore_barrier()

    for rc in range(NRC):
        r0 = row0 + rc * RC
        pltpu.sync_copy(t_sh.at[pl.ds(r0, RC)], gbuf.at[pl.ds(0, RC)])
        pltpu.sync_copy(feats_hbm.at[c, pl.ds(r0, RC)], tbuf)

        def prow(i, _, rc=rc):
            d = gbuf[i, pl.ds(0, L)]
            dc = jnp.maximum(d, 1.0)
            nrm = _rsqrt16(dc)
            nrm2_v[rc * RC + i, :] = 1.0 / dc
            for k in range(KV):
                u0 = tbuf[i, pl.ds(k * L, L)] * nrm
                tbuf[i, pl.ds(k * L, L)] = u0
                gbuf[i, pl.ds(k * L, L)] = zero16
            return 0

        lax.fori_loop(0, RC, prow, 0)
        pltpu.sync_copy(gbuf.at[pl.ds(0, RC)], t_sh.at[pl.ds(r0, RC)])
        pltpu.sync_copy(tbuf, u_sh.at[pl.ds(r0, RC)])
        pltpu.sync_copy(tbuf, uk_hbm.at[0, c, pl.ds(r0, RC)])

        @pl.when(c == 0)
        def _(rc=rc, r0=r0):
            pltpu.sync_copy(nrm2_v.at[pl.ds(rc * RC, RC)],
                            nrm2_hbm.at[pl.ds(r0, RC)])

    plsc.subcore_barrier()

    def hop(h, carry):
        def edge_block(jb, _):
            pltpu.sync_copy(src_hbm.at[s, pl.ds(jb * IB, IB)], sidx)
            pltpu.sync_copy(dst_hbm.at[s, pl.ds(jb * IB, IB)], didx)
            g = [None, None, None]
            sc = [None, None, None]
            g[0] = pltpu.async_copy(u_sh.at[sidx.at[0]], slots[0], gsems[0])
            g[1] = pltpu.async_copy(u_sh.at[sidx.at[1]], slots[1], gsems[1])
            for jj in range(IB):
                p = jj % 3
                if jj + 2 < IB:
                    q = (jj + 2) % 3
                    if sc[q] is not None:
                        sc[q].wait()
                    g[q] = pltpu.async_copy(
                        u_sh.at[sidx.at[jj + 2]], slots[q], gsems[q])
                g[p].wait()
                sc[p] = pltpu.async_copy(
                    slots[p], t_sh.at[didx.at[jj]], ssems[p], add=True)
            for d in sc:
                if d is not None:
                    d.wait()
            return 0

        lax.fori_loop(0, NB, edge_block, 0)
        plsc.subcore_barrier()

        lax.fori_loop(0, CH, zero_gbuf, 0)
        for rc in range(NRC):
            r0 = row0 + rc * RC
            pltpu.sync_copy(t_sh.at[pl.ds(r0, RC)], tbuf)
            pltpu.sync_copy(gbuf.at[pl.ds(0, RC)], t_sh.at[pl.ds(r0, RC)])

            def rrow(i, _, rc=rc):
                nv = nrm2_v[rc * RC + i, :]
                for k in range(KV):
                    un = tbuf[i, pl.ds(k * L, L)] * nv
                    tbuf[i, pl.ds(k * L, L)] = un
                return 0

            lax.fori_loop(0, RC, rrow, 0)
            pltpu.sync_copy(tbuf, u_sh.at[pl.ds(r0, RC)])
            pltpu.sync_copy(tbuf, uk_hbm.at[h + 1, c, pl.ds(r0, RC)])
        plsc.subcore_barrier()
        return carry

    lax.fori_loop(0, K, hop, 0)


@jax.jit
def _grand_sc(feats_split, src_idx, dst_idx):
    mesh = plsc.VectorSubcoreMesh(
        core_axis_name="c", subcore_axis_name="s",
        num_cores=NC, num_subcores=NS)
    kern = pl.kernel(
        _sc_body,
        out_type=(
            jax.ShapeDtypeStruct((K + 1, NC, N, DH), jnp.float32),
            jax.ShapeDtypeStruct((N, L), jnp.float32),
        ),
        mesh=mesh,
        scratch_types=[
            pltpu.VMEM_SHARED((N + 8, DH), jnp.float32),
            pltpu.VMEM_SHARED((N, DH), jnp.float32),
            pltpu.VMEM((IB, CH), jnp.int32),
            pltpu.VMEM((IB, CH), jnp.int32),
            pltpu.VMEM((CH, DH), jnp.float32),
            pltpu.VMEM((CH, DH), jnp.float32),
            pltpu.VMEM((CH, DH), jnp.float32),
            pltpu.VMEM((RC, DH), jnp.float32),
            pltpu.VMEM((RPT, L), jnp.float32),
            pltpu.SemaphoreType.DMA,
            pltpu.SemaphoreType.DMA,
            pltpu.SemaphoreType.DMA,
            pltpu.SemaphoreType.DMA,
            pltpu.SemaphoreType.DMA,
            pltpu.SemaphoreType.DMA,
        ],
        compiler_params=pltpu.CompilerParams(use_tc_tiling_on_sc=False),
    )
    return kern(feats_split, src_idx, dst_idx)


def _mlp_body(uk_ref, n2_ref, w1_ref, b1_ref, w2_ref, b2_ref, o_ref):
    uk = uk_ref[...]
    usum = jnp.sum(uk, axis=0)
    x = jnp.concatenate([usum[0], usum[1]], axis=-1)
    fs = lax.rsqrt(n2_ref[...][:, :1]) * (1.0 / (K + 1))
    x = x * fs
    h = jnp.dot(x, w1_ref[...], preferred_element_type=jnp.float32)
    h = jnp.maximum(h + b1_ref[...], 0.0)
    o = jnp.dot(h, w2_ref[...], preferred_element_type=jnp.float32)
    o = o + b2_ref[...]
    m = jnp.max(o, axis=-1, keepdims=True)
    e = jnp.exp(o - m)
    ssum = jnp.sum(e, axis=-1, keepdims=True)
    o_ref[...] = o - m - jnp.log(ssum)


_BR = 256


@jax.jit
def _mlp(uk, n2, W1, b1r, W2, b2r):
    return pl.pallas_call(
        _mlp_body,
        grid=(pl.cdiv(N, _BR),),
        in_specs=[
            pl.BlockSpec((K + 1, NC, _BR, DH), lambda i: (0, 0, i, 0)),
            pl.BlockSpec((_BR, L), lambda i: (i, 0)),
            pl.BlockSpec((D, H), lambda i: (0, 0)),
            pl.BlockSpec((1, H), lambda i: (0, 0)),
            pl.BlockSpec((H, C), lambda i: (0, 0)),
            pl.BlockSpec((1, C), lambda i: (0, 0)),
        ],
        out_specs=pl.BlockSpec((_BR, C), lambda i: (i, 0)),
        out_shape=jax.ShapeDtypeStruct((N, C), jnp.float32),
    )(uk, n2, W1, b1r, W2, b2r)


def kernel(feats, edge_index, W1, b1, W2, b2):
    src = edge_index[0]
    dst = edge_index[1]
    src_idx = jnp.pad(src.reshape(NS, EPT),
                      ((0, 0), (0, EPAD))).reshape(NS, NCH, CH)
    dst_idx = jnp.pad(dst.reshape(NS, EPT), ((0, 0), (0, EPAD)),
                      constant_values=N).reshape(NS, NCH, CH)
    feats_split = feats.reshape(N, NC, DH).transpose(1, 0, 2)

    uk, n2 = _grand_sc(feats_split, src_idx, dst_idx)
    logp = _mlp(uk, n2, W1, b1.reshape(1, H), W2, b2.reshape(1, C))
    return (logp, logp, logp, logp)

# --- scband reference (transcript-rebuilt; emitter-appended) ---
"""Pipeline reference for scband-grand-26079041421836 (READ-ONLY COPY).

The authoritative reference and input builder live on the scoring server;
editing this copy changes nothing except your own understanding.
"""

import jax, jax.numpy as jnp
import numpy as np

N = 10000
E = 320000
D = 128
H = 512
C = 64
S = 4
K = 8


def setup_inputs(seed: int = 0) -> dict:
    key = jax.random.key(seed)
    k1, k2, k3, k4, k5, k6 = jax.random.split(key, 6)
    feats = jax.random.normal(k1, (N, D), dtype=jnp.float32)
    edge_index = jax.random.randint(k2, (2, E), 0, N, dtype=jnp.int32)
    W1 = jax.random.normal(k3, (D, H), dtype=jnp.float32) * (1.0 / np.sqrt(D))
    b1 = jnp.zeros((H,), dtype=jnp.float32)
    W2 = jax.random.normal(k4, (H, C), dtype=jnp.float32) * (1.0 / np.sqrt(H))
    b2 = jnp.zeros((C,), dtype=jnp.float32)
    return {"feats": feats, "edge_index": edge_index, "W1": W1, "b1": b1, "W2": W2, "b2": b2}


def _grand_conv(feats, src, dst, order):
    # symmetric-normalized adjacency propagation, summed over 0..order hops
    deg = jnp.clip(jnp.bincount(dst, length=N).astype(jnp.float32), 1.0, None)
    norm = jnp.power(deg, -0.5)
    w = (norm[src] * norm[dst])[:, None]  # per-edge weight = norm[u] * norm[v]
    x = feats
    y = feats
    for _ in range(order):
        msg = x[src] * w                     # gather + u_mul_e
        x = jnp.zeros((N, D), dtype=feats.dtype).at[dst].add(msg)  # scatter-sum to dst
        y = y + x
    return y / (order + 1)


def _mlp(x, W1, b1, W2, b2):
    # dropout rates are 0 -> identity; no batchnorm
    h = jnp.maximum(x @ W1 + b1, 0.0)
    return h @ W2 + b2


def reference(feats, edge_index, W1, b1, W2, b2):
    src = edge_index[0]
    dst = edge_index[1]
    # training=True path with node_dropout=0.0: bernoulli(1.0) masks are all-ones,
    # so drop_node is the identity; each of the S augmentation branches is identical.
    outputs = []
    for _ in range(S):
        drop_feat = feats  # drop_node with drop_rate=0.0
        feat = _grand_conv(drop_feat, src, dst, K)
        logits = _mlp(feat, W1, b1, W2, b2)
        outputs.append(jax.nn.log_softmax(logits, axis=-1))
    return tuple(outputs)

if __name__ == "__main__":
    import jax
    _d = setup_inputs()
    print(jax.jit(kernel)(*tuple(_d.values())))

</pallas_src>

<mosaic_0001>
#map = affine_map<(d0, d1) -> (0, 0, 0)>
#map1 = affine_map<(d0, d1) -> (0, 0, 0, 0)>
#map2 = affine_map<(d0, d1) -> (0, 0)>
module attributes {stable_mosaic.version = 14 : i64} {
  func.func @_sc_body(%arg0: i32, %arg1: i32, %arg2: memref<2x10000x64xf32, #tpu.memory_space<hbm>>, %arg3: memref<16x160x128xi32, #tpu.memory_space<hbm>>, %arg4: memref<16x160x128xi32, #tpu.memory_space<hbm>>, %arg5: memref<9x2x10000x64xf32, #tpu.memory_space<hbm>>, %arg6: memref<10000x16xf32, #tpu.memory_space<hbm>>, %arg7: memref<10008x64xf32, #tpu.memory_space<vmem_shared>>, %arg8: memref<10000x64xf32, #tpu.memory_space<vmem_shared>>, %arg9: memref<16x128xi32, #tpu.memory_space<vmem>>, %arg10: memref<16x128xi32, #tpu.memory_space<vmem>>, %arg11: memref<128x64xf32, #tpu.memory_space<vmem>>, %arg12: memref<128x64xf32, #tpu.memory_space<vmem>>, %arg13: memref<128x64xf32, #tpu.memory_space<vmem>>, %arg14: memref<125x64xf32, #tpu.memory_space<vmem>>, %arg15: memref<625x16xf32, #tpu.memory_space<vmem>>, %arg16: memref<!tpu.dma_semaphore, #tpu.memory_space<semaphore_mem>>, %arg17: memref<!tpu.dma_semaphore, #tpu.memory_space<semaphore_mem>>, %arg18: memref<!tpu.dma_semaphore, #tpu.memory_space<semaphore_mem>>, %arg19: memref<!tpu.dma_semaphore, #tpu.memory_space<semaphore_mem>>, %arg20: memref<!tpu.dma_semaphore, #tpu.memory_space<semaphore_mem>>, %arg21: memref<!tpu.dma_semaphore, #tpu.memory_space<semaphore_mem>>) attributes {dimension_semantics = [#tpu.dimension_semantics<core_parallel>, #tpu.dimension_semantics<subcore_parallel>], iteration_bounds = array<i64: 2, 16>, scalar_prefetch = 0 : i64, scratch_operands = 15 : i64, tpu.core_type = #tpu.core_type<sc_vector_subcore>, window_params = [{transform_indices = #map}, {transform_indices = #map}, {transform_indices = #map}, {transform_indices = #map1}, {transform_indices = #map2}]} {
    %mul3A = arith.constant 625 : i32
    %mul3A_0 = arith.muli %arg1, %mul3A : i32
    %broadcast_in_dim3A = arith.constant 0.000000e+00 : f32
    %broadcast_in_dim3A_1 = vector.broadcast %broadcast_in_dim3A : f32 to vector<16xf32>
    %broadcast_in_dim3A_2 = arith.constant 1.000000e+00 : f32
    %broadcast_in_dim3A_3 = vector.broadcast %broadcast_in_dim3A_2 : f32 to vector<16xf32>
    %scan3A = arith.constant 0 : i32
    %scan3A_4 = arith.constant 0 : i32
    %scan3A_5 = arith.constant 128 : i32
    %scan3A_6 = arith.addi %scan3A_4, %scan3A_5 : i32
    %scan3A_7 = arith.constant 1 : i32
    %scan3A_8 = scf.for %scan3A_114 = %scan3A_4 to %scan3A_6 step %scan3A_7 iter_args(%scan3A_115 = %scan3A) -> (i32)  : i32 {
      %swap3A = arith.index_cast %scan3A_114 : i32 to index
      %swap3A_116 = arith.constant 0 : index
      %swap3A_117 = tpu.vector_load %arg11[%swap3A, %swap3A_116] {strides = array<i32>} : memref<128x64xf32, #tpu.memory_space<vmem>>, vector<1x16xf32>,
      %swap3A_118 = vector.shape_cast %swap3A_117 : vector<1x16xf32> to vector<16xf32>
      %swap3A_119 = vector.shape_cast %broadcast_in_dim3A_3 : vector<16xf32> to vector<1x16xf32>
      tpu.vector_store %arg11[%swap3A, %swap3A_116], %swap3A_119 {strides = array<i32>} : memref<128x64xf32, #tpu.memory_space<vmem>>, vector<1x16xf32>,
      %swap3A_120 = arith.index_cast %scan3A_114 : i32 to index
      %swap3A_121 = arith.constant 16 : index
      %swap3A_122 = tpu.vector_load %arg11[%swap3A_120, %swap3A_121] {strides = array<i32>} : memref<128x64xf32, #tpu.memory_space<vmem>>, vector<1x16xf32>,
      %swap3A_123 = vector.shape_cast %swap3A_122 : vector<1x16xf32> to vector<16xf32>
      %swap3A_124 = vector.shape_cast %broadcast_in_dim3A_3 : vector<16xf32> to vector<1x16xf32>
      tpu.vector_store %arg11[%swap3A_120, %swap3A_121], %swap3A_124 {strides = array<i32>} : memref<128x64xf32, #tpu.memory_space<vmem>>, vector<1x16xf32>,
      %swap3A_125 = arith.index_cast %scan3A_114 : i32 to index
      %swap3A_126 = arith.constant 32 : index
      %swap3A_127 = tpu.vector_load %arg11[%swap3A_125, %swap3A_126] {strides = array<i32>} : memref<128x64xf32, #tpu.memory_space<vmem>>, vector<1x16xf32>,
      %swap3A_128 = vector.shape_cast %swap3A_127 : vector<1x16xf32> to vector<16xf32>
      %swap3A_129 = vector.shape_cast %broadcast_in_dim3A_3 : vector<16xf32> to vector<1x16xf32>
      tpu.vector_store %arg11[%swap3A_125, %swap3A_126], %swap3A_129 {strides = array<i32>} : memref<128x64xf32, #tpu.memory_space<vmem>>, vector<1x16xf32>,
      %swap3A_130 = arith.index_cast %scan3A_114 : i32 to index
      %swap3A_131 = arith.constant 48 : index
      %swap3A_132 = tpu.vector_load %arg11[%swap3A_130, %swap3A_131] {strides = array<i32>} : memref<128x64xf32, #tpu.memory_space<vmem>>, vector<1x16xf32>,
      %swap3A_133 = vector.shape_cast %swap3A_132 : vector<1x16xf32> to vector<16xf32>
      %swap3A_134 = vector.shape_cast %broadcast_in_dim3A_3 : vector<16xf32> to vector<1x16xf32>
      tpu.vector_store %arg11[%swap3A_130, %swap3A_131], %swap3A_134 {strides = array<i32>} : memref<128x64xf32, #tpu.memory_space<vmem>>, vector<1x16xf32>,
      %scan3A_135 = arith.constant 0 : i32
      scf.yield %scan3A_135 : i32
    }
    %scan3A_9 = arith.constant 128 : i32
    %scan3A_10 = arith.constant 0 : i32
    %scan3A_11 = arith.constant 0 : i32
    %scan3A_12 = arith.constant 125 : i32
    %scan3A_13 = arith.addi %scan3A_11, %scan3A_12 : i32
    %scan3A_14 = arith.constant 1 : i32
    %scan3A_15 = scf.for %scan3A_114 = %scan3A_11 to %scan3A_13 step %scan3A_14 iter_args(%scan3A_115 = %scan3A_10) -> (i32)  : i32 {
      %swap3A = arith.index_cast %scan3A_114 : i32 to index
      %swap3A_116 = arith.constant 0 : index
      %swap3A_117 = tpu.vector_load %arg14[%swap3A, %swap3A_116] {strides = array<i32>} : memref<125x64xf32, #tpu.memory_space<vmem>>, vector<1x16xf32>,
      %swap3A_118 = vector.shape_cast %swap3A_117 : vector<1x16xf32> to vector<16xf32>
      %swap3A_119 = vector.shape_cast %broadcast_in_dim3A_1 : vector<16xf32> to vector<1x16xf32>
      tpu.vector_store %arg14[%swap3A, %swap3A_116], %swap3A_119 {strides = array<i32>} : memref<125x64xf32, #tpu.memory_space<vmem>>, vector<1x16xf32>,
      %swap3A_120 = arith.index_cast %scan3A_114 : i32 to index
      %swap3A_121 = arith.constant 16 : index
      %swap3A_122 = tpu.vector_load %arg14[%swap3A_120, %swap3A_121] {strides = array<i32>} : memref<125x64xf32, #tpu.memory_space<vmem>>, vector<1x16xf32>,
      %swap3A_123 = vector.shape_cast %swap3A_122 : vector<1x16xf32> to vector<16xf32>
      %swap3A_124 = vector.shape_cast %broadcast_in_dim3A_1 : vector<16xf32> to vector<1x16xf32>
      tpu.vector_store %arg14[%swap3A_120, %swap3A_121], %swap3A_124 {strides = array<i32>} : memref<125x64xf32, #tpu.memory_space<vmem>>, vector<1x16xf32>,
      %swap3A_125 = arith.index_cast %scan3A_114 : i32 to index
      %swap3A_126 = arith.constant 32 : index
      %swap3A_127 = tpu.vector_load %arg14[%swap3A_125, %swap3A_126] {strides = array<i32>} : memref<125x64xf32, #tpu.memory_space<vmem>>, vector<1x16xf32>,
      %swap3A_128 = vector.shape_cast %swap3A_127 : vector<1x16xf32> to vector<16xf32>
      %swap3A_129 = vector.shape_cast %broadcast_in_dim3A_1 : vector<16xf32> to vector<1x16xf32>
      tpu.vector_store %arg14[%swap3A_125, %swap3A_126], %swap3A_129 {strides = array<i32>} : memref<125x64xf32, #tpu.memory_space<vmem>>, vector<1x16xf32>,
      %swap3A_130 = arith.index_cast %scan3A_114 : i32 to index
      %swap3A_131 = arith.constant 48 : index
      %swap3A_132 = tpu.vector_load %arg14[%swap3A_130, %swap3A_131] {strides = array<i32>} : memref<125x64xf32, #tpu.memory_space<vmem>>, vector<1x16xf32>,
      %swap3A_133 = vector.shape_cast %swap3A_132 : vector<1x16xf32> to vector<16xf32>
      %swap3A_134 = vector.shape_cast %broadcast_in_dim3A_1 : vector<16xf32> to vector<1x16xf32>
      tpu.vector_store %arg14[%swap3A_130, %swap3A_131], %swap3A_134 {strides = array<i32>} : memref<125x64xf32, #tpu.memory_space<vmem>>, vector<1x16xf32>,
      %scan3A_135 = arith.constant 0 : i32
      scf.yield %scan3A_135 : i32
    }
    %scan3A_16 = arith.constant 125 : i32
    %scan3A_17 = arith.constant 0 : i32
    %scan3A_18 = arith.constant 0 : i32
    %scan3A_19 = arith.constant 5 : i32
    %scan3A_20 = arith.addi %scan3A_18, %scan3A_19 : i32
    %scan3A_21 = arith.constant 1 : i32
    %scan3A_22 = scf.for %scan3A_114 = %scan3A_18 to %scan3A_20 step %scan3A_21 iter_args(%scan3A_115 = %scan3A_17) -> (i32)  : i32 {
      %mul3A_116 = arith.constant 125 : i32
      %mul3A_117 = arith.muli %scan3A_114, %mul3A_116 : i32
      %add3A_118 = arith.addi %mul3A_0, %mul3A_117 : i32
      "tpu.region"() ({
        %run_scoped3A_120 = tpu.sem_alloc : memref<!tpu.dma_semaphore, #tpu.memory_space<semaphore_mem>>
        %dma_start3A = arith.constant 0 : i32
        %dma_start3A_121 = tpu.memref_slice %arg7[%add3A_118, %dma_start3A] : memref<10008x64xf32, #tpu.memory_space<vmem_shared>> -> memref<125x64xf32, #tpu.memory_space<vmem_shared>>
        %dma_start3A_122 = arith.constant 0 : i32
        %dma_start3A_123 = tpu.memref_slice %arg7[%add3A_118, %dma_start3A_122] : memref<10008x64xf32, #tpu.memory_space<vmem_shared>> -> memref<125x64xf32, #tpu.memory_space<vmem_shared>>
        tpu.enqueue_dma source(%arg14 : memref<125x64xf32, #tpu.memory_space<vmem>>) target(%dma_start3A_123 : memref<125x64xf32, #tpu.memory_space<vmem_shared>>) target_semaphore(%run_scoped3A_120 : memref<!tpu.dma_semaphore, #tpu.memory_space<semaphore_mem>>)
        %dma_wait3A = arith.constant 0 : i32
        %dma_wait3A_124 = tpu.memref_slice %arg7[%add3A_118, %dma_wait3A] : memref<10008x64xf32, #tpu.memory_space<vmem_shared>> -> memref<125x64xf32, #tpu.memory_space<vmem_shared>>
        %dma_wait3A_125 = arith.constant 0 : i32
        %dma_wait3A_126 = tpu.memref_slice %arg7[%add3A_118, %dma_wait3A_125] : memref<10008x64xf32, #tpu.memory_space<vmem_shared>> -> memref<125x64xf32, #tpu.memory_space<vmem_shared>>
        tpu.wait_dma2 semaphore(%run_scoped3A_120 : memref<!tpu.dma_semaphore, #tpu.memory_space<semaphore_mem>>) src(%arg14 : memref<125x64xf32, #tpu.memory_space<vmem>>) dst(%dma_wait3A_126 : memref<125x64xf32, #tpu.memory_space<vmem_shared>>)
        tpu.yield
      }) : () -> ()
      %scan3A_119 = arith.constant 0 : i32
      scf.yield %scan3A_119 : i32
    }
    %scan3A_23 = arith.constant 5 : i32
    %eq3A = arith.constant 0 : i32
    %eq3A_24 = arith.cmpi eq, %arg1, %eq3A : i32
    %convert_element_type3A = arith.extui %eq3A_24 : i1 to i32
    %cond3A = arith.constant 0 : i32
    %cond3A_25 = arith.cmpi ne, %convert_element_type3A, %cond3A : i32
    scf.if %cond3A_25 {
      "tpu.region"() ({
        %run_scoped3A_114 = tpu.sem_alloc : memref<!tpu.dma_semaphore, #tpu.memory_space<semaphore_mem>>
        %dma_start3A = arith.constant 0 : i32
        %dma_start3A_115 = arith.constant 0 : i32
        %dma_start3A_116 = tpu.memref_slice %arg14[%dma_start3A, %dma_start3A_115] : memref<125x64xf32, #tpu.memory_space<vmem>> -> memref<8x64xf32, #tpu.memory_space<vmem>>
        %dma_start3A_117 = arith.constant 10000 : i32
        %dma_start3A_118 = arith.constant 0 : i32
        %dma_start3A_119 = tpu.memref_slice %arg7[%dma_start3A_117, %dma_start3A_118] : memref<10008x64xf32, #tpu.memory_space<vmem_shared>> -> memref<8x64xf32, #tpu.memory_space<vmem_shared>>
        %dma_start3A_120 = arith.constant 10000 : i32
        %dma_start3A_121 = arith.constant 0 : i32
        %dma_start3A_122 = tpu.memref_slice %arg7[%dma_start3A_120, %dma_start3A_121] : memref<10008x64xf32, #tpu.memory_space<vmem_shared>> -> memref<8x64xf32, #tpu.memory_space<vmem_shared>>
        %dma_start3A_123 = arith.constant 0 : i32
        %dma_start3A_124 = arith.constant 0 : i32
        %dma_start3A_125 = tpu.memref_slice %arg14[%dma_start3A_123, %dma_start3A_124] : memref<125x64xf32, #tpu.memory_space<vmem>> -> memref<8x64xf32, #tpu.memory_space<vmem>>
        tpu.enqueue_dma source(%dma_start3A_125 : memref<8x64xf32, #tpu.memory_space<vmem>>) target(%dma_start3A_122 : memref<8x64xf32, #tpu.memory_space<vmem_shared>>) target_semaphore(%run_scoped3A_114 : memref<!tpu.dma_semaphore, #tpu.memory_space<semaphore_mem>>)
        %dma_wait3A = arith.constant 0 : i32
        %dma_wait3A_126 = arith.constant 0 : i32
        %dma_wait3A_127 = tpu.memref_slice %arg14[%dma_wait3A, %dma_wait3A_126] : memref<125x64xf32, #tpu.memory_space<vmem>> -> memref<8x64xf32, #tpu.memory_space<vmem>>
        %dma_wait3A_128 = arith.constant 10000 : i32
        %dma_wait3A_129 = arith.constant 0 : i32
        %dma_wait3A_130 = tpu.memref_slice %arg7[%dma_wait3A_128, %dma_wait3A_129] : memref<10008x64xf32, #tpu.memory_space<vmem_shared>> -> memref<8x64xf32, #tpu.memory_space<vmem_shared>>
        %dma_wait3A_131 = arith.constant 10000 : i32
        %dma_wait3A_132 = arith.constant 0 : i32
        %dma_wait3A_133 = tpu.memref_slice %arg7[%dma_wait3A_131, %dma_wait3A_132] : memref<10008x64xf32, #tpu.memory_space<vmem_shared>> -> memref<8x64xf32, #tpu.memory_space<vmem_shared>>
        %dma_wait3A_134 = arith.constant 0 : i32
        %dma_wait3A_135 = arith.constant 0 : i32
        %dma_wait3A_136 = tpu.memref_slice %arg14[%dma_wait3A_134, %dma_wait3A_135] : memref<125x64xf32, #tpu.memory_space<vmem>> -> memref<8x64xf32, #tpu.memory_space<vmem>>
        tpu.wait_dma2 semaphore(%run_scoped3A_114 : memref<!tpu.dma_semaphore, #tpu.memory_space<semaphore_mem>>) src(%dma_wait3A_136 : memref<8x64xf32, #tpu.memory_space<vmem>>) dst(%dma_wait3A_133 : memref<8x64xf32, #tpu.memory_space<vmem_shared>>)
        tpu.yield
      }) : () -> ()
    } else {
    }
    %barrier3A = arith.constant 0 : index
    tpu.barrier barrier_id(%barrier3A)
    %scan3A_26 = arith.constant 0 : i32
    %scan3A_27 = arith.constant 0 : i32
    %scan3A_28 = arith.constant 10 : i32
    %scan3A_29 = arith.addi %scan3A_27, %scan3A_28 : i32
    %scan3A_30 = arith.constant 1 : i32
    %scan3A_31 = scf.for %scan3A_114 = %scan3A_27 to %scan3A_29 step %scan3A_30 iter_args(%scan3A_115 = %scan3A_26) -> (i32)  : i32 {
      %mul3A_116 = arith.constant 16 : i32
      %mul3A_117 = arith.muli %scan3A_114, %mul3A_116 : i32
      "tpu.region"() ({
        %run_scoped3A_341 = tpu.sem_alloc : memref<!tpu.dma_semaphore, #tpu.memory_space<semaphore_mem>>
        %dma_start3A_342 = arith.constant 0 : i32
        %dma_start3A_343 = tpu.memref_slice %arg4[%arg1, %mul3A_117, %dma_start3A_342] : memref<16x160x128xi32, #tpu.memory_space<hbm>> -> memref<1x16x128xi32, #tpu.memory_space<hbm>>
        %dma_start3A_344 = tpu.memref_squeeze %dma_start3A_343 : memref<1x16x128xi32, #tpu.memory_space<hbm>> -> memref<16x128xi32, #tpu.memory_space<hbm>>
        %dma_start3A_345 = arith.constant 0 : i32
        %dma_start3A_346 = tpu.memref_slice %arg4[%arg1, %mul3A_117, %dma_start3A_345] : memref<16x160x128xi32, #tpu.memory_space<hbm>> -> memref<1x16x128xi32, #tpu.memory_space<hbm>>
        %dma_start3A_347 = tpu.memref_squeeze %dma_start3A_346 : memref<1x16x128xi32, #tpu.memory_space<hbm>> -> memref<16x128xi32, #tpu.memory_space<hbm>>
        tpu.enqueue_dma source(%dma_start3A_347 : memref<16x128xi32, #tpu.memory_space<hbm>>) target(%arg10 : memref<16x128xi32, #tpu.memory_space<vmem>>) target_semaphore(%run_scoped3A_341 : memref<!tpu.dma_semaphore, #tpu.memory_space<semaphore_mem>>)
        %dma_wait3A_348 = arith.constant 0 : i32
        %dma_wait3A_349 = tpu.memref_slice %arg4[%arg1, %mul3A_117, %dma_wait3A_348] : memref<16x160x128xi32, #tpu.memory_space<hbm>> -> memref<1x16x128xi32, #tpu.memory_space<hbm>>
        %dma_wait3A_350 = tpu.memref_squeeze %dma_wait3A_349 : memref<1x16x128xi32, #tpu.memory_space<hbm>> -> memref<16x128xi32, #tpu.memory_space<hbm>>
        %dma_wait3A_351 = arith.constant 0 : i32
        %dma_wait3A_352 = tpu.memref_slice %arg4[%arg1, %mul3A_117, %dma_wait3A_351] : memref<16x160x128xi32, #tpu.memory_space<hbm>> -> memref<1x16x128xi32, #tpu.memory_space<hbm>>
        %dma_wait3A_353 = tpu.memref_squeeze %dma_wait3A_352 : memref<1x16x128xi32, #tpu.memory_space<hbm>> -> memref<16x128xi32, #tpu.memory_space<hbm>>
        tpu.wait_dma2 semaphore(%run_scoped3A_341 : memref<!tpu.dma_semaphore, #tpu.memory_space<semaphore_mem>>) src(%dma_wait3A_353 : memref<16x128xi32, #tpu.memory_space<hbm>>) dst(%arg10 : memref<16x128xi32, #tpu.memory_space<vmem>>)
        tpu.yield
      }) : () -> ()
      %dma_start3A = arith.constant 0 : i32
      %dma_start3A_118 = arith.constant 0 : i32
      %dma_start3A_119 = tpu.memref_slice %arg10[%dma_start3A, %dma_start3A_118] : memref<16x128xi32, #tpu.memory_space<vmem>> -> memref<1x128xi32, #tpu.memory_space<vmem>>
      %dma_start3A_120 = tpu.memref_squeeze %dma_start3A_119 : memref<1x128xi32, #tpu.memory_space<vmem>> -> memref<128xi32, #tpu.memory_space<vmem>>
      %dma_start3A_121 = arith.constant 0 : i32
      %dma_start3A_122 = arith.constant 0 : i32
      %dma_start3A_123 = tpu.memref_slice %arg7[%dma_start3A_121, %dma_start3A_122] : memref<10008x64xf32, #tpu.memory_space<vmem_shared>> -> memref<10008x64xf32, #tpu.memory_space<vmem_shared>>
      tpu.enqueue_indirect_dma source(%arg11 : memref<128x64xf32, #tpu.memory_space<vmem>>) target(%dma_start3A_123 : memref<10008x64xf32, #tpu.memory_space<vmem_shared>>) offsets(%dma_start3A_120 : memref<128xi32, #tpu.memory_space<vmem>>) semaphore(%arg19 : memref<!tpu.dma_semaphore, #tpu.memory_space<semaphore_mem>>) {add = true}
      %dma_start3A_124 = arith.constant 1 : i32
      %dma_start3A_125 = arith.constant 0 : i32
      %dma_start3A_126 = tpu.memref_slice %arg10[%dma_start3A_124, %dma_start3A_125] : memref<16x128xi32, #tpu.memory_space<vmem>> -> memref<1x128xi32, #tpu.memory_space<vmem>>
      %dma_start3A_127 = tpu.memref_squeeze %dma_start3A_126 : memref<1x128xi32, #tpu.memory_space<vmem>> -> memref<128xi32, #tpu.memory_space<vmem>>
      %dma_start3A_128 = arith.constant 0 : i32
      %dma_start3A_129 = arith.constant 0 : i32
      %dma_start3A_130 = tpu.memref_slice %arg7[%dma_start3A_128, %dma_start3A_129] : memref<10008x64xf32, #tpu.memory_space<vmem_shared>> -> memref<10008x64xf32, #tpu.memory_space<vmem_shared>>
      tpu.enqueue_indirect_dma source(%arg11 : memref<128x64xf32, #tpu.memory_space<vmem>>) target(%dma_start3A_130 : memref<10008x64xf32, #tpu.memory_space<vmem_shared>>) offsets(%dma_start3A_127 : memref<128xi32, #tpu.memory_space<vmem>>) semaphore(%arg20 : memref<!tpu.dma_semaphore, #tpu.memory_space<semaphore_mem>>) {add = true}
      %dma_start3A_131 = arith.constant 2 : i32
      %dma_start3A_132 = arith.constant 0 : i32
      %dma_start3A_133 = tpu.memref_slice %arg10[%dma_start3A_131, %dma_start3A_132] : memref<16x128xi32, #tpu.memory_space<vmem>> -> memref<1x128xi32, #tpu.memory_space<vmem>>
      %dma_start3A_134 = tpu.memref_squeeze %dma_start3A_133 : memref<1x128xi32, #tpu.memory_space<vmem>> -> memref<128xi32, #tpu.memory_space<vmem>>
      %dma_start3A_135 = arith.constant 0 : i32
      %dma_start3A_136 = arith.constant 0 : i32
      %dma_start3A_137 = tpu.memref_slice %arg7[%dma_start3A_135, %dma_start3A_136] : memref<10008x64xf32, #tpu.memory_space<vmem_shared>> -> memref<10008x64xf32, #tpu.memory_space<vmem_shared>>
      tpu.enqueue_indirect_dma source(%arg11 : memref<128x64xf32, #tpu.memory_space<vmem>>) target(%dma_start3A_137 : memref<10008x64xf32, #tpu.memory_space<vmem_shared>>) offsets(%dma_start3A_134 : memref<128xi32, #tpu.memory_space<vmem>>) semaphore(%arg19 : memref<!tpu.dma_semaphore, #tpu.memory_space<semaphore_mem>>) {add = true}
      %dma_start3A_138 = arith.constant 3 : i32
      %dma_start3A_139 = arith.constant 0 : i32
      %dma_start3A_140 = tpu.memref_slice %arg10[%dma_start3A_138, %dma_start3A_139] : memref<16x128xi32, #tpu.memory_space<vmem>> -> memref<1x128xi32, #tpu.memory_space<vmem>>
      %dma_start3A_141 = tpu.memref_squeeze %dma_start3A_140 : memref<1x128xi32, #tpu.memory_space<vmem>> -> memref<128xi32, #tpu.memory_space<vmem>>
      %dma_start3A_142 = arith.constant 0 : i32
      %dma_start3A_143 = arith.constant 0 : i32
      %dma_start3A_144 = tpu.memref_slice %arg7[%dma_start3A_142, %dma_start3A_143] : memref<10008x64xf32, #tpu.memory_space<vmem_shared>> -> memref<10008x64xf32, #tpu.memory_space<vmem_shared>>
      tpu.enqueue_indirect_dma source(%arg11 : memref<128x64xf32, #tpu.memory_space<vmem>>) target(%dma_start3A_144 : memref<10008x64xf32, #tpu.memory_space<vmem_shared>>) offsets(%dma_start3A_141 : memref<128xi32, #tpu.memory_space<vmem>>) semaphore(%arg20 : memref<!tpu.dma_semaphore, #tpu.memory_space<semaphore_mem>>) {add = true}
      %dma_start3A_145 = arith.constant 4 : i32
      %dma_start3A_146 = arith.constant 0 : i32
      %dma_start3A_147 = tpu.memref_slice %arg10[%dma_start3A_145, %dma_start3A_146] : memref<16x128xi32, #tpu.memory_space<vmem>> -> memref<1x128xi32, #tpu.memory_space<vmem>>
      %dma_start3A_148 = tpu.memref_squeeze %dma_start3A_147 : memref<1x128xi32, #tpu.memory_space<vmem>> -> memref<128xi32, #tpu.memory_space<vmem>>
      %dma_start3A_149 = arith.constant 0 : i32
      %dma_start3A_150 = arith.constant 0 : i32
      %dma_start3A_151 = tpu.memref_slice %arg7[%dma_start3A_149, %dma_start3A_150] : memref<10008x64xf32, #tpu.memory_space<vmem_shared>> -> memref<10008x64xf32, #tpu.memory_space<vmem_shared>>
      tpu.enqueue_indirect_dma source(%arg11 : memref<128x64xf32, #tpu.memory_space<vmem>>) target(%dma_start3A_151 : memref<10008x64xf32, #tpu.memory_space<vmem_shared>>) offsets(%dma_start3A_148 : memref<128xi32, #tpu.memory_space<vmem>>) semaphore(%arg19 : memref<!tpu.dma_semaphore, #tpu.memory_space<semaphore_mem>>) {add = true}
      %dma_start3A_152 = arith.constant 5 : i32
      %dma_start3A_153 = arith.constant 0 : i32
      %dma_start3A_154 = tpu.memref_slice %arg10[%dma_start3A_152, %dma_start3A_153] : memref<16x128xi32, #tpu.memory_space<vmem>> -> memref<1x128xi32, #tpu.memory_space<vmem>>
      %dma_start3A_155 = tpu.memref_squeeze %dma_start3A_154 : memref<1x128xi32, #tpu.memory_space<vmem>> -> memref<128xi32, #tpu.memory_space<vmem>>
      %dma_start3A_156 = arith.constant 0 : i32
      %dma_start3A_157 = arith.constant 0 : i32
      %dma_start3A_158 = tpu.memref_slice %arg7[%dma_start3A_156, %dma_start3A_157] : memref<10008x64xf32, #tpu.memory_space<vmem_shared>> -> memref<10008x64xf32, #tpu.memory_space<vmem_shared>>
      tpu.enqueue_indirect_dma source(%arg11 : memref<128x64xf32, #tpu.memory_space<vmem>>) target(%dma_start3A_158 : memref<10008x64xf32, #tpu.memory_space<vmem_shared>>) offsets(%dma_start3A_155 : memref<128xi32, #tpu.memory_space<vmem>>) semaphore(%arg20 : memref<!tpu.dma_semaphore, #tpu.memory_space<semaphore_mem>>) {add = true}
      %dma_start3A_159 = arith.constant 6 : i32
      %dma_start3A_160 = arith.constant 0 : i32
      %dma_start3A_161 = tpu.memref_slice %arg10[%dma_start3A_159, %dma_start3A_160] : memref<16x128xi32, #tpu.memory_space<vmem>> -> memref<1x128xi32, #tpu.memory_space<vmem>>
      %dma_start3A_162 = tpu.memref_squeeze %dma_start3A_161 : memref<1x128xi32, #tpu.memory_space<vmem>> -> memref<128xi32, #tpu.memory_space<vmem>>
      %dma_start3A_163 = arith.constant 0 : i32
      %dma_start3A_164 = arith.constant 0 : i32
      %dma_start3A_165 = tpu.memref_slice %arg7[%dma_start3A_163, %dma_start3A_164] : memref<10008x64xf32, #tpu.memory_space<vmem_shared>> -> memref<10008x64xf32, #tpu.memory_space<vmem_shared>>
      tpu.enqueue_indirect_dma source(%arg11 : memref<128x64xf32, #tpu.memory_space<vmem>>) target(%dma_start3A_165 : memref<10008x64xf32, #tpu.memory_space<vmem_shared>>) offsets(%dma_start3A_162 : memref<128xi32, #tpu.memory_space<vmem>>) semaphore(%arg19 : memref<!tpu.dma_semaphore, #tpu.memory_space<semaphore_mem>>) {add = true}
      %dma_start3A_166 = arith.constant 7 : i32
      %dma_start3A_167 = arith.constant 0 : i32
      %dma_start3A_168 = tpu.memref_slice %arg10[%dma_start3A_166, %dma_start3A_167] : memref<16x128xi32, #tpu.memory_space<vmem>> -> memref<1x128xi32, #tpu.memory_space<vmem>>
      %dma_start3A_169 = tpu.memref_squeeze %dma_start3A_168 : memref<1x128xi32, #tpu.memory_space<vmem>> -> memref<128xi32, #tpu.memory_space<vmem>>
      %dma_start3A_170 = arith.constant 0 : i32
      %dma_start3A_171 = arith.constant 0 : i32
      %dma_start3A_172 = tpu.memref_slice %arg7[%dma_start3A_170, %dma_start3A_171] : memref<10008x64xf32, #tpu.memory_space<vmem_shared>> -> memref<10008x64xf32, #tpu.memory_space<vmem_shared>>
      tpu.enqueue_indirect_dma source(%arg11 : memref<128x64xf32, #tpu.memory_space<vmem>>) target(%dma_start3A_172 : memref<10008x64xf32, #tpu.memory_space<vmem_shared>>) offsets(%dma_start3A_169 : memref<128xi32, #tpu.memory_space<vmem>>) semaphore(%arg20 : memref<!tpu.dma_semaphore, #tpu.memory_space<semaphore_mem>>) {add = true}
      %dma_start3A_173 = arith.constant 8 : i32
      %dma_start3A_174 = arith.constant 0 : i32
      %dma_start3A_175 = tpu.memref_slice %arg10[%dma_start3A_173, %dma_start3A_174] : memref<16x128xi32, #tpu.memory_space<vmem>> -> memref<1x128xi32, #tpu.memory_space<vmem>>
      %dma_start3A_176 = tpu.memref_squeeze %dma_start3A_175 : memref<1x128xi32, #tpu.memory_space<vmem>> -> memref<128xi32, #tpu.memory_space<vmem>>
      %dma_start3A_177 = arith.constant 0 : i32
      %dma_start3A_178 = arith.constant 0 : i32
      %dma_start3A_179 = tpu.memref_slice %arg7[%dma_start3A_177, %dma_start3A_178] : memref<10008x64xf32, #tpu.memory_space<vmem_shared>> -> memref<10008x64xf32, #tpu.memory_space<vmem_shared>>
      tpu.enqueue_indirect_dma source(%arg11 : memref<128x64xf32, #tpu.memory_space<vmem>>) target(%dma_start3A_179 : memref<10008x64xf32, #tpu.memory_space<vmem_shared>>) offsets(%dma_start3A_176 : memref<128xi32, #tpu.memory_space<vmem>>) semaphore(%arg19 : memref<!tpu.dma_semaphore, #tpu.memory_space<semaphore_mem>>) {add = true}
      %dma_start3A_180 = arith.constant 9 : i32
      %dma_start3A_181 = arith.constant 0 : i32
      %dma_start3A_182 = tpu.memref_slice %arg10[%dma_start3A_180, %dma_start3A_181] : memref<16x128xi32, #tpu.memory_space<vmem>> -> memref<1x128xi32, #tpu.memory_space<vmem>>
      %dma_start3A_183 = tpu.memref_squeeze %dma_start3A_182 : memref<1x128xi32, #tpu.memory_space<vmem>> -> memref<128xi32, #tpu.memory_space<vmem>>
      %dma_start3A_184 = arith.constant 0 : i32
      %dma_start3A_185 = arith.constant 0 : i32
      %dma_start3A_186 = tpu.memref_slice %arg7[%dma_start3A_184, %dma_start3A_185] : memref<10008x64xf32, #tpu.memory_space<vmem_shared>> -> memref<10008x64xf32, #tpu.memory_space<vmem_shared>>
      tpu.enqueue_indirect_dma source(%arg11 : memref<128x64xf32, #tpu.memory_space<vmem>>) target(%dma_start3A_186 : memref<10008x64xf32, #tpu.memory_space<vmem_shared>>) offsets(%dma_start3A_183 : memref<128xi32, #tpu.memory_space<vmem>>) semaphore(%arg20 : memref<!tpu.dma_semaphore, #tpu.memory_space<semaphore_mem>>) {add = true}
      %dma_start3A_187 = arith.constant 10 : i32
      %dma_start3A_188 = arith.constant 0 : i32
      %dma_start3A_189 = tpu.memref_slice %arg10[%dma_start3A_187, %dma_start3A_188] : memref<16x128xi32, #tpu.memory_space<vmem>> -> memref<1x128xi32, #tpu.memory_space<vmem>>
      %dma_start3A_190 = tpu.memref_squeeze %dma_start3A_189 : memref<1x128xi32, #tpu.memory_space<vmem>> -> memref<128xi32, #tpu.memory_space<vmem>>
      %dma_start3A_191 = arith.constant 0 : i32
      %dma_start3A_192 = arith.constant 0 : i32
      %dma_start3A_193 = tpu.memref_slice %arg7[%dma_start3A_191, %dma_start3A_192] : memref<10008x64xf32, #tpu.memory_space<vmem_shared>> -> memref<10008x64xf32, #tpu.memory_space<vmem_shared>>
      tpu.enqueue_indirect_dma source(%arg11 : memref<128x64xf32, #tpu.memory_space<vmem>>) target(%dma_start3A_193 : memref<10008x64xf32, #tpu.memory_space<vmem_shared>>) offsets(%dma_start3A_190 : memref<128xi32, #tpu.memory_space<vmem>>) semaphore(%arg19 : memref<!tpu.dma_semaphore, #tpu.memory_space<semaphore_mem>>) {add = true}
      %dma_start3A_194 = arith.constant 11 : i32
      %dma_start3A_195 = arith.constant 0 : i32
      %dma_start3A_196 = tpu.memref_slice %arg10[%dma_start3A_194, %dma_start3A_195] : memref<16x128xi32, #tpu.memory_space<vmem>> -> memref<1x128xi32, #tpu.memory_space<vmem>>
      %dma_start3A_197 = tpu.memref_squeeze %dma_start3A_196 : memref<1x128xi32, #tpu.memory_space<vmem>> -> memref<128xi32, #tpu.memory_space<vmem>>
      %dma_start3A_198 = arith.constant 0 : i32
      %dma_start3A_199 = arith.constant 0 : i32
      %dma_start3A_200 = tpu.memref_slice %arg7[%dma_start3A_198, %dma_start3A_199] : memref<10008x64xf32, #tpu.memory_space<vmem_shared>> -> memref<10008x64xf32, #tpu.memory_space<vmem_shared>>
      tpu.enqueue_indirect_dma source(%arg11 : memref<128x64xf32, #tpu.memory_space<vmem>>) target(%dma_start3A_200 : memref<10008x64xf32, #tpu.memory_space<vmem_shared>>) offsets(%dma_start3A_197 : memref<128xi32, #tpu.memory_space<vmem>>) semaphore(%arg20 : memref<!tpu.dma_semaphore, #tpu.memory_space<semaphore_mem>>) {add = true}
      %dma_start3A_201 = arith.constant 12 : i32
      %dma_start3A_202 = arith.constant 0 : i32
      %dma_start3A_203 = tpu.memref_slice %arg10[%dma_start3A_201, %dma_start3A_202] : memref<16x128xi32, #tpu.memory_space<vmem>> -> memref<1x128xi32, #tpu.memory_space<vmem>>
      %dma_start3A_204 = tpu.memref_squeeze %dma_start3A_203 : memref<1x128xi32, #tpu.memory_space<vmem>> -> memref<128xi32, #tpu.memory_space<vmem>>
      %dma_start3A_205 = arith.constant 0 : i32
      %dma_start3A_206 = arith.constant 0 : i32
      %dma_start3A_207 = tpu.memref_slice %arg7[%dma_start3A_205, %dma_start3A_206] : memref<10008x64xf32, #tpu.memory_space<vmem_shared>> -> memref<10008x64xf32, #tpu.memory_space<vmem_shared>>
      tpu.enqueue_indirect_dma source(%arg11 : memref<128x64xf32, #tpu.memory_space<vmem>>) target(%dma_start3A_207 : memref<10008x64xf32, #tpu.memory_space<vmem_shared>>) offsets(%dma_start3A_204 : memref<128xi32, #tpu.memory_space<vmem>>) semaphore(%arg19 : memref<!tpu.dma_semaphore, #tpu.memory_space<semaphore_mem>>) {add = true}
      %dma_start3A_208 = arith.constant 13 : i32
      %dma_start3A_209 = arith.constant 0 : i32
      %dma_start3A_210 = tpu.memref_slice %arg10[%dma_start3A_208, %dma_start3A_209] : memref<16x128xi32, #tpu.memory_space<vmem>> -> memref<1x128xi32, #tpu.memory_space<vmem>>
      %dma_start3A_211 = tpu.memref_squeeze %dma_start3A_210 : memref<1x128xi32, #tpu.memory_space<vmem>> -> memref<128xi32, #tpu.memory_space<vmem>>
      %dma_start3A_212 = arith.constant 0 : i32
      %dma_start3A_213 = arith.constant 0 : i32
      %dma_start3A_214 = tpu.memref_slice %arg7[%dma_start3A_212, %dma_start3A_213] : memref<10008x64xf32, #tpu.memory_space<vmem_shared>> -> memref<10008x64xf32, #tpu.memory_space<vmem_shared>>
      tpu.enqueue_indirect_dma source(%arg11 : memref<128x64xf32, #tpu.memory_space<vmem>>) target(%dma_start3A_214 : memref<10008x64xf32, #tpu.memory_space<vmem_shared>>) offsets(%dma_start3A_211 : memref<128xi32, #tpu.memory_space<vmem>>) semaphore(%arg20 : memref<!tpu.dma_semaphore, #tpu.memory_space<semaphore_mem>>) {add = true}
      %dma_start3A_215 = arith.constant 14 : i32
      %dma_start3A_216 = arith.constant 0 : i32
      %dma_start3A_217 = tpu.memref_slice %arg10[%dma_start3A_215, %dma_start3A_216] : memref<16x128xi32, #tpu.memory_space<vmem>> -> memref<1x128xi32, #tpu.memory_space<vmem>>
      %dma_start3A_218 = tpu.memref_squeeze %dma_start3A_217 : memref<1x128xi32, #tpu.memory_space<vmem>> -> memref<128xi32, #tpu.memory_space<vmem>>
      %dma_start3A_219 = arith.constant 0 : i32
      %dma_start3A_220 = arith.constant 0 : i32
      %dma_start3A_221 = tpu.memref_slice %arg7[%dma_start3A_219, %dma_start3A_220] : memref<10008x64xf32, #tpu.memory_space<vmem_shared>> -> memref<10008x64xf32, #tpu.memory_space<vmem_shared>>
      tpu.enqueue_indirect_dma source(%arg11 : memref<128x64xf32, #tpu.memory_space<vmem>>) target(%dma_start3A_221 : memref<10008x64xf32, #tpu.memory_space<vmem_shared>>) offsets(%dma_start3A_218 : memref<128xi32, #tpu.memory_space<vmem>>) semaphore(%arg19 : memref<!tpu.dma_semaphore, #tpu.memory_space<semaphore_mem>>) {add = true}
      %dma_start3A_222 = arith.constant 15 : i32
      %dma_start3A_223 = arith.constant 0 : i32
      %dma_start3A_224 = tpu.memref_slice %arg10[%dma_start3A_222, %dma_start3A_223] : memref<16x128xi32, #tpu.memory_space<vmem>> -> memref<1x128xi32, #tpu.memory_space<vmem>>
      %dma_start3A_225 = tpu.memref_squeeze %dma_start3A_224 : memref<1x128xi32, #tpu.memory_space<vmem>> -> memref<128xi32, #tpu.memory_space<vmem>>
      %dma_start3A_226 = arith.constant 0 : i32
      %dma_start3A_227 = arith.constant 0 : i32
      %dma_start3A_228 = tpu.memref_slice %arg7[%dma_start3A_226, %dma_start3A_227] : memref<10008x64xf32, #tpu.memory_space<vmem_shared>> -> memref<10008x64xf32, #tpu.memory_space<vmem_shared>>
      tpu.enqueue_indirect_dma source(%arg11 : memref<128x64xf32, #tpu.memory_space<vmem>>) target(%dma_start3A_228 : memref<10008x64xf32, #tpu.memory_space<vmem_shared>>) offsets(%dma_start3A_225 : memref<128xi32, #tpu.memory_space<vmem>>) semaphore(%arg20 : memref<!tpu.dma_semaphore, #tpu.memory_space<semaphore_mem>>) {add = true}
      %dma_wait3A = arith.constant 0 : i32
      %dma_wait3A_229 = arith.constant 0 : i32
      %dma_wait3A_230 = tpu.memref_slice %arg10[%dma_wait3A, %dma_wait3A_229] : memref<16x128xi32, #tpu.memory_space<vmem>> -> memref<1x128xi32, #tpu.memory_space<vmem>>
      %dma_wait3A_231 = tpu.memref_squeeze %dma_wait3A_230 : memref<1x128xi32, #tpu.memory_space<vmem>> -> memref<128xi32, #tpu.memory_space<vmem>>
      %dma_wait3A_232 = arith.constant 0 : i32
      %dma_wait3A_233 = arith.constant 0 : i32
      %dma_wait3A_234 = tpu.memref_slice %arg7[%dma_wait3A_232, %dma_wait3A_233] : memref<10008x64xf32, #tpu.memory_space<vmem_shared>> -> memref<10008x64xf32, #tpu.memory_space<vmem_shared>>
      tpu.wait_indirect_dma semaphore(%arg19 : memref<!tpu.dma_semaphore, #tpu.memory_space<semaphore_mem>>) src(%arg11 : memref<128x64xf32, #tpu.memory_space<vmem>>) dst(%dma_wait3A_234 : memref<10008x64xf32, #tpu.memory_space<vmem_shared>>)
      %dma_wait3A_235 = arith.constant 1 : i32
      %dma_wait3A_236 = arith.constant 0 : i32
      %dma_wait3A_237 = tpu.memref_slice %arg10[%dma_wait3A_235, %dma_wait3A_236] : memref<16x128xi32, #tpu.memory_space<vmem>> -> memref<1x128xi32, #tpu.memory_space<vmem>>
      %dma_wait3A_238 = tpu.memref_squeeze %dma_wait3A_237 : memref<1x128xi32, #tpu.memory_space<vmem>> -> memref<128xi32, #tpu.memory_space<vmem>>
      %dma_wait3A_239 = arith.constant 0 : i32
      %dma_wait3A_240 = arith.constant 0 : i32
      %dma_wait3A_241 = tpu.memref_slice %arg7[%dma_wait3A_239, %dma_wait3A_240] : memref<10008x64xf32, #tpu.memory_space<vmem_shared>> -> memref<10008x64xf32, #tpu.memory_space<vmem_shared>>
      tpu.wait_indirect_dma semaphore(%arg20 : memref<!tpu.dma_semaphore, #tpu.memory_space<semaphore_mem>>) src(%arg11 : memref<128x64xf32, #tpu.memory_space<vmem>>) dst(%dma_wait3A_241 : memref<10008x64xf32, #tpu.memory_space<vmem_shared>>)
      %dma_wait3A_242 = arith.constant 2 : i32
      %dma_wait3A_243 = arith.constant 0 : i32
      %dma_wait3A_244 = tpu.memref_slice %arg10[%dma_wait3A_242, %dma_wait3A_243] : memref<16x128xi32, #tpu.memory_space<vmem>> -> memref<1x128xi32, #tpu.memory_space<vmem>>
      %dma_wait3A_245 = tpu.memref_squeeze %dma_wait3A_244 : memref<1x128xi32, #tpu.memory_space<vmem>> -> memref<128xi32, #tpu.memory_space<vmem>>
      %dma_wait3A_246 = arith.constant 0 : i32
      %dma_wait3A_247 = arith.constant 0 : i32
      %dma_wait3A_248 = tpu.memref_slice %arg7[%dma_wait3A_246, %dma_wait3A_247] : memref<10008x64xf32, #tpu.memory_space<vmem_shared>> -> memref<10008x64xf32, #tpu.memory_space<vmem_shared>>
      tpu.wait_indirect_dma semaphore(%arg19 : memref<!tpu.dma_semaphore, #tpu.memory_space<semaphore_mem>>) src(%arg11 : memref<128x64xf32, #tpu.memory_space<vmem>>) dst(%dma_wait3A_248 : memref<10008x64xf32, #tpu.memory_space<vmem_shared>>)
      %dma_wait3A_249 = arith.constant 3 : i32
      %dma_wait3A_250 = arith.constant 0 : i32
      %dma_wait3A_251 = tpu.memref_slice %arg10[%dma_wait3A_249, %dma_wait3A_250] : memref<16x128xi32, #tpu.memory_space<vmem>> -> memref<1x128xi32, #tpu.memory_space<vmem>>
      %dma_wait3A_252 = tpu.memref_squeeze %dma_wait3A_251 : memref<1x128xi32, #tpu.memory_space<vmem>> -> memref<128xi32, #tpu.memory_space<vmem>>
      %dma_wait3A_253 = arith.constant 0 : i32
      %dma_wait3A_254 = arith.constant 0 : i32
      %dma_wait3A_255 = tpu.memref_slice %arg7[%dma_wait3A_253, %dma_wait3A_254] : memref<10008x64xf32, #tpu.memory_space<vmem_shared>> -> memref<10008x64xf32, #tpu.memory_space<vmem_shared>>
      tpu.wait_indirect_dma semaphore(%arg20 : memref<!tpu.dma_semaphore, #tpu.memory_space<semaphore_mem>>) src(%arg11 : memref<128x64xf32, #tpu.memory_space<vmem>>) dst(%dma_wait3A_255 : memref<10008x64xf32, #tpu.memory_space<vmem_shared>>)
      %dma_wait3A_256 = arith.constant 4 : i32
      %dma_wait3A_257 = arith.constant 0 : i32
      %dma_wait3A_258 = tpu.memref_slice %arg10[%dma_wait3A_256, %dma_wait3A_257] : memref<16x128xi32, #tpu.memory_space<vmem>> -> memref<1x128xi32, #tpu.memory_space<vmem>>
      %dma_wait3A_259 = tpu.memref_squeeze %dma_wait3A_258 : memref<1x128xi32, #tpu.memory_space<vmem>> -> memref<128xi32, #tpu.memory_space<vmem>>
      %dma_wait3A_260 = arith.constant 0 : i32
      %dma_wait3A_261 = arith.constant 0 : i32
      %dma_wait3A_262 = tpu.memref_slice %arg7[%dma_wait3A_260, %dma_wait3A_261] : memref<10008x64xf32, #tpu.memory_space<vmem_shared>> -> memref<10008x64xf32, #tpu.memory_space<vmem_shared>>
      tpu.wait_indirect_dma semaphore(%arg19 : memref<!tpu.dma_semaphore, #tpu.memory_space<semaphore_mem>>) src(%arg11 : memref<128x64xf32, #tpu.memory_space<vmem>>) dst(%dma_wait3A_262 : memref<10008x64xf32, #tpu.memory_space<vmem_shared>>)
      %dma_wait3A_263 = arith.constant 5 : i32
      %dma_wait3A_264 = arith.constant 0 : i32
      %dma_wait3A_265 = tpu.memref_slice %arg10[%dma_wait3A_263, %dma_wait3A_264] : memref<16x128xi32, #tpu.memory_space<vmem>> -> memref<1x128xi32, #tpu.memory_space<vmem>>
      %dma_wait3A_266 = tpu.memref_squeeze %dma_wait3A_265 : memref<1x128xi32, #tpu.memory_space<vmem>> -> memref<128xi32, #tpu.memory_space<vmem>>
      %dma_wait3A_267 = arith.constant 0 : i32
      %dma_wait3A_268 = arith.constant 0 : i32
      %dma_wait3A_269 = tpu.memref_slice %arg7[%dma_wait3A_267, %dma_wait3A_268] : memref<10008x64xf32, #tpu.memory_space<vmem_shared>> -> memref<10008x64xf32, #tpu.memory_space<vmem_shared>>
      tpu.wait_indirect_dma semaphore(%arg20 : memref<!tpu.dma_semaphore, #tpu.memory_space<semaphore_mem>>) src(%arg11 : memref<128x64xf32, #tpu.memory_space<vmem>>) dst(%dma_wait3A_269 : memref<10008x64xf32, #tpu.memory_space<vmem_shared>>)
      %dma_wait3A_270 = arith.constant 6 : i32
      %dma_wait3A_271 = arith.constant 0 : i32
      %dma_wait3A_272 = tpu.memref_slice %arg10[%dma_wait3A_270, %dma_wait3A_271] : memref<16x128xi32, #tpu.memory_space<vmem>> -> memref<1x128xi32, #tpu.memory_space<vmem>>
      %dma_wait3A_273 = tpu.memref_squeeze %dma_wait3A_272 : memref<1x128xi32, #tpu.memory_space<vmem>> -> memref<128xi32, #tpu.memory_space<vmem>>
      %dma_wait3A_274 = arith.constant 0 : i32
      %dma_wait3A_275 = arith.constant 0 : i32
      %dma_wait3A_276 = tpu.memref_slice %arg7[%dma_wait3A_274, %dma_wait3A_275] : memref<10008x64xf32, #tpu.memory_space<vmem_shared>> -> memref<10008x64xf32, #tpu.memory_space<vmem_shared>>
      tpu.wait_indirect_dma semaphore(%arg19 : memref<!tpu.dma_semaphore, #tpu.memory_space<semaphore_mem>>) src(%arg11 : memref<128x64xf32, #tpu.memory_space<vmem>>) dst(%dma_wait3A_276 : memref<10008x64xf32, #tpu.memory_space<vmem_shared>>)
      %dma_wait3A_277 = arith.constant 7 : i32
      %dma_wait3A_278 = arith.constant 0 : i32
      %dma_wait3A_279 = tpu.memref_slice %arg10[%dma_wait3A_277, %dma_wait3A_278] : memref<16x128xi32, #tpu.memory_space<vmem>> -> memref<1x128xi32, #tpu.memory_space<vmem>>
      %dma_wait3A_280 = tpu.memref_squeeze %dma_wait3A_279 : memref<1x128xi32, #tpu.memory_space<vmem>> -> memref<128xi32, #tpu.memory_space<vmem>>
      %dma_wait3A_281 = arith.constant 0 : i32
      %dma_wait3A_282 = arith.constant 0 : i32
      %dma_wait3A_283 = tpu.memref_slice %arg7[%dma_wait3A_281, %dma_wait3A_282] : memref<10008x64xf32, #tpu.memory_space<vmem_shared>> -> memref<10008x64xf32, #tpu.memory_space<vmem_shared>>
      tpu.wait_indirect_dma semaphore(%arg20 : memref<!tpu.dma_semaphore, #tpu.memory_space<semaphore_mem>>) src(%arg11 : memref<128x64xf32, #tpu.memory_space<vmem>>) dst(%dma_wait3A_283 : memref<10008x64xf32, #tpu.memory_space<vmem_shared>>)
      %dma_wait3A_284 = arith.constant 8 : i32
      %dma_wait3A_285 = arith.constant 0 : i32
      %dma_wait3A_286 = tpu.memref_slice %arg10[%dma_wait3A_284, %dma_wait3A_285] : memref<16x128xi32, #tpu.memory_space<vmem>> -> memref<1x128xi32, #tpu.memory_space<vmem>>
      %dma_wait3A_287 = tpu.memref_squeeze %dma_wait3A_286 : memref<1x128xi32, #tpu.memory_space<vmem>> -> memref<128xi32, #tpu.memory_space<vmem>>
      %dma_wait3A_288 = arith.constant 0 : i32
      %dma_wait3A_289 = arith.constant 0 : i32
      %dma_wait3A_290 = tpu.memref_slice %arg7[%dma_wait3A_288, %dma_wait3A_289] : memref<10008x64xf32, #tpu.memory_space<vmem_shared>> -> memref<10008x64xf32, #tpu.memory_space<vmem_shared>>
      tpu.wait_indirect_dma semaphore(%arg19 : memref<!tpu.dma_semaphore, #tpu.memory_space<semaphore_mem>>) src(%arg11 : memref<128x64xf32, #tpu.memory_space<vmem>>) dst(%dma_wait3A_290 : memref<10008x64xf32, #tpu.memory_space<vmem_shared>>)
      %dma_wait3A_291 = arith.constant 9 : i32
      %dma_wait3A_292 = arith.constant 0 : i32
      %dma_wait3A_293 = tpu.memref_slice %arg10[%dma_wait3A_291, %dma_wait3A_292] : memref<16x128xi32, #tpu.memory_space<vmem>> -> memref<1x128xi32, #tpu.memory_space<vmem>>
      %dma_wait3A_294 = tpu.memref_squeeze %dma_wait3A_293 : memref<1x128xi32, #tpu.memory_space<vmem>> -> memref<128xi32, #tpu.memory_space<vmem>>
      %dma_wait3A_295 = arith.constant 0 : i32
      %dma_wait3A_296 = arith.constant 0 : i32
      %dma_wait3A_297 = tpu.memref_slice %arg7[%dma_wait3A_295, %dma_wait3A_296] : memref<10008x64xf32, #tpu.memory_space<vmem_shared>> -> memref<10008x64xf32, #tpu.memory_space<vmem_shared>>
      tpu.wait_indirect_dma semaphore(%arg20 : memref<!tpu.dma_semaphore, #tpu.memory_space<semaphore_mem>>) src(%arg11 : memref<128x64xf32, #tpu.memory_space<vmem>>) dst(%dma_wait3A_297 : memref<10008x64xf32, #tpu.memory_space<vmem_shared>>)
      %dma_wait3A_298 = arith.constant 10 : i32
      %dma_wait3A_299 = arith.constant 0 : i32
      %dma_wait3A_300 = tpu.memref_slice %arg10[%dma_wait3A_298, %dma_wait3A_299] : memref<16x128xi32, #tpu.memory_space<vmem>> -> memref<1x128xi32, #tpu.memory_space<vmem>>
      %dma_wait3A_301 = tpu.memref_squeeze %dma_wait3A_300 : memref<1x128xi32, #tpu.memory_space<vmem>> -> memref<128xi32, #tpu.memory_space<vmem>>
      %dma_wait3A_302 = arith.constant 0 : i32
      %dma_wait3A_303 = arith.constant 0 : i32
      %dma_wait3A_304 = tpu.memref_slice %arg7[%dma_wait3A_302, %dma_wait3A_303] : memref<10008x64xf32, #tpu.memory_space<vmem_shared>> -> memref<10008x64xf32, #tpu.memory_space<vmem_shared>>
      tpu.wait_indirect_dma semaphore(%arg19 : memref<!tpu.dma_semaphore, #tpu.memory_space<semaphore_mem>>) src(%arg11 : memref<128x64xf32, #tpu.memory_space<vmem>>) dst(%dma_wait3A_304 : memref<10008x64xf32, #tpu.memory_space<vmem_shared>>)
      %dma_wait3A_305 = arith.constant 11 : i32
      %dma_wait3A_306 = arith.constant 0 : i32
      %dma_wait3A_307 = tpu.memref_slice %arg10[%dma_wait3A_305, %dma_wait3A_306] : memref<16x128xi32, #tpu.memory_space<vmem>> -> memref<1x128xi32, #tpu.memory_space<vmem>>
      %dma_wait3A_308 = tpu.memref_squeeze %dma_wait3A_307 : memref<1x128xi32, #tpu.memory_space<vmem>> -> memref<128xi32, #tpu.memory_space<vmem>>
      %dma_wait3A_309 = arith.constant 0 : i32
      %dma_wait3A_310 = arith.constant 0 : i32
      %dma_wait3A_311 = tpu.memref_slice %arg7[%dma_wait3A_309, %dma_wait3A_310] : memref<10008x64xf32, #tpu.memory_space<vmem_shared>> -> memref<10008x64xf32, #tpu.memory_space<vmem_shared>>
      tpu.wait_indirect_dma semaphore(%arg20 : memref<!tpu.dma_semaphore, #tpu.memory_space<semaphore_mem>>) src(%arg11 : memref<128x64xf32, #tpu.memory_space<vmem>>) dst(%dma_wait3A_311 : memref<10008x64xf32, #tpu.memory_space<vmem_shared>>)
      %dma_wait3A_312 = arith.constant 12 : i32
      %dma_wait3A_313 = arith.constant 0 : i32
      %dma_wait3A_314 = tpu.memref_slice %arg10[%dma_wait3A_312, %dma_wait3A_313] : memref<16x128xi32, #tpu.memory_space<vmem>> -> memref<1x128xi32, #tpu.memory_space<vmem>>
      %dma_wait3A_315 = tpu.memref_squeeze %dma_wait3A_314 : memref<1x128xi32, #tpu.memory_space<vmem>> -> memref<128xi32, #tpu.memory_space<vmem>>
      %dma_wait3A_316 = arith.constant 0 : i32
      %dma_wait3A_317 = arith.constant 0 : i32
      %dma_wait3A_318 = tpu.memref_slice %arg7[%dma_wait3A_316, %dma_wait3A_317] : memref<10008x64xf32, #tpu.memory_space<vmem_shared>> -> memref<10008x64xf32, #tpu.memory_space<vmem_shared>>
      tpu.wait_indirect_dma semaphore(%arg19 : memref<!tpu.dma_semaphore, #tpu.memory_space<semaphore_mem>>) src(%arg11 : memref<128x64xf32, #tpu.memory_space<vmem>>) dst(%dma_wait3A_318 : memref<10008x64xf32, #tpu.memory_space<vmem_shared>>)
      %dma_wait3A_319 = arith.constant 13 : i32
      %dma_wait3A_320 = arith.constant 0 : i32
      %dma_wait3A_321 = tpu.memref_slice %arg10[%dma_wait3A_319, %dma_wait3A_320] : memref<16x128xi32, #tpu.memory_space<vmem>> -> memref<1x128xi32, #tpu.memory_space<vmem>>
      %dma_wait3A_322 = tpu.memref_squeeze %dma_wait3A_321 : memref<1x128xi32, #tpu.memory_space<vmem>> -> memref<128xi32, #tpu.memory_space<vmem>>
      %dma_wait3A_323 = arith.constant 0 : i32
      %dma_wait3A_324 = arith.constant 0 : i32
      %dma_wait3A_325 = tpu.memref_slice %arg7[%dma_wait3A_323, %dma_wait3A_324] : memref<10008x64xf32, #tpu.memory_space<vmem_shared>> -> memref<10008x64xf32, #tpu.memory_space<vmem_shared>>
      tpu.wait_indirect_dma semaphore(%arg20 : memref<!tpu.dma_semaphore, #tpu.memory_space<semaphore_mem>>) src(%arg11 : memref<128x64xf32, #tpu.memory_space<vmem>>) dst(%dma_wait3A_325 : memref<10008x64xf32, #tpu.memory_space<vmem_shared>>)
      %dma_wait3A_326 = arith.constant 14 : i32
      %dma_wait3A_327 = arith.constant 0 : i32
      %dma_wait3A_328 = tpu.memref_slice %arg10[%dma_wait3A_326, %dma_wait3A_327] : memref<16x128xi32, #tpu.memory_space<vmem>> -> memref<1x128xi32, #tpu.memory_space<vmem>>
      %dma_wait3A_329 = tpu.memref_squeeze %dma_wait3A_328 : memref<1x128xi32, #tpu.memory_space<vmem>> -> memref<128xi32, #tpu.memory_space<vmem>>
      %dma_wait3A_330 = arith.constant 0 : i32
      %dma_wait3A_331 = arith.constant 0 : i32
      %dma_wait3A_332 = tpu.memref_slice %arg7[%dma_wait3A_330, %dma_wait3A_331] : memref<10008x64xf32, #tpu.memory_space<vmem_shared>> -> memref<10008x64xf32, #tpu.memory_space<vmem_shared>>
      tpu.wait_indirect_dma semaphore(%arg19 : memref<!tpu.dma_semaphore, #tpu.memory_space<semaphore_mem>>) src(%arg11 : memref<128x64xf32, #tpu.memory_space<vmem>>) dst(%dma_wait3A_332 : memref<10008x64xf32, #tpu.memory_space<vmem_shared>>)
      %dma_wait3A_333 = arith.constant 15 : i32
      %dma_wait3A_334 = arith.constant 0 : i32
      %dma_wait3A_335 = tpu.memref_slice %arg10[%dma_wait3A_333, %dma_wait3A_334] : memref<16x128xi32, #tpu.memory_space<vmem>> -> memref<1x128xi32, #tpu.memory_space<vmem>>
      %dma_wait3A_336 = tpu.memref_squeeze %dma_wait3A_335 : memref<1x128xi32, #tpu.memory_space<vmem>> -> memref<128xi32, #tpu.memory_space<vmem>>
      %dma_wait3A_337 = arith.constant 0 : i32
      %dma_wait3A_338 = arith.constant 0 : i32
      %dma_wait3A_339 = tpu.memref_slice %arg7[%dma_wait3A_337, %dma_wait3A_338] : memref<10008x64xf32, #tpu.memory_space<vmem_shared>> -> memref<10008x64xf32, #tpu.memory_space<vmem_shared>>
      tpu.wait_indirect_dma semaphore(%arg20 : memref<!tpu.dma_semaphore, #tpu.memory_space<semaphore_mem>>) src(%arg11 : memref<128x64xf32, #tpu.memory_space<vmem>>) dst(%dma_wait3A_339 : memref<10008x64xf32, #tpu.memory_space<vmem_shared>>)
      %scan3A_340 = arith.constant 0 : i32
      scf.yield %scan3A_340 : i32
    }
    %scan3A_32 = arith.constant 10 : i32
    %barrier3A_33 = arith.constant 0 : index
    tpu.barrier barrier_id(%barrier3A_33)
    %add3A = arith.constant 0 : i32
    %add3A_34 = arith.addi %mul3A_0, %add3A : i32
    "tpu.region"() ({
      %run_scoped3A_114 = tpu.sem_alloc : memref<!tpu.dma_semaphore, #tpu.memory_space<semaphore_mem>>
      %dma_start3A = arith.constant 0 : i32
      %dma_start3A_115 = arith.constant 0 : i32
      %dma_start3A_116 = tpu.memref_slice %arg11[%dma_start3A, %dma_start3A_115] : memref<128x64xf32, #tpu.memory_space<vmem>> -> memref<125x64xf32, #tpu.memory_space<vmem>>
      %dma_start3A_117 = arith.constant 0 : i32
      %dma_start3A_118 = tpu.memref_slice %arg7[%add3A_34, %dma_start3A_117] : memref<10008x64xf32, #tpu.memory_space<vmem_shared>> -> memref<125x64xf32, #tpu.memory_space<vmem_shared>>
      %dma_start3A_119 = arith.constant 0 : i32
      %dma_start3A_120 = arith.constant 0 : i32
      %dma_start3A_121 = tpu.memref_slice %arg11[%dma_start3A_119, %dma_start3A_120] : memref<128x64xf32, #tpu.memory_space<vmem>> -> memref<125x64xf32, #tpu.memory_space<vmem>>
      %dma_start3A_122 = arith.constant 0 : i32
      %dma_start3A_123 = tpu.memref_slice %arg7[%add3A_34, %dma_start3A_122] : memref<10008x64xf32, #tpu.memory_space<vmem_shared>> -> memref<125x64xf32, #tpu.memory_space<vmem_shared>>
      tpu.enqueue_dma source(%dma_start3A_123 : memref<125x64xf32, #tpu.memory_space<vmem_shared>>) target(%dma_start3A_121 : memref<125x64xf32, #tpu.memory_space<vmem>>) target_semaphore(%run_scoped3A_114 : memref<!tpu.dma_semaphore, #tpu.memory_space<semaphore_mem>>)
      %dma_wait3A = arith.constant 0 : i32
      %dma_wait3A_124 = arith.constant 0 : i32
      %dma_wait3A_125 = tpu.memref_slice %arg11[%dma_wait3A, %dma_wait3A_124] : memref<128x64xf32, #tpu.memory_space<vmem>> -> memref<125x64xf32, #tpu.memory_space<vmem>>
      %dma_wait3A_126 = arith.constant 0 : i32
      %dma_wait3A_127 = tpu.memref_slice %arg7[%add3A_34, %dma_wait3A_126] : memref<10008x64xf32, #tpu.memory_space<vmem_shared>> -> memref<125x64xf32, #tpu.memory_space<vmem_shared>>
      %dma_wait3A_128 = arith.constant 0 : i32
      %dma_wait3A_129 = arith.constant 0 : i32
      %dma_wait3A_130 = tpu.memref_slice %arg11[%dma_wait3A_128, %dma_wait3A_129] : memref<128x64xf32, #tpu.memory_space<vmem>> -> memref<125x64xf32, #tpu.memory_space<vmem>>
      %dma_wait3A_131 = arith.constant 0 : i32
      %dma_wait3A_132 = tpu.memref_slice %arg7[%add3A_34, %dma_wait3A_131] : memref<10008x64xf32, #tpu.memory_space<vmem_shared>> -> memref<125x64xf32, #tpu.memory_space<vmem_shared>>
      tpu.wait_dma2 semaphore(%run_scoped3A_114 : memref<!tpu.dma_semaphore, #tpu.memory_space<semaphore_mem>>) src(%dma_wait3A_132 : memref<125x64xf32, #tpu.memory_space<vmem_shared>>) dst(%dma_wait3A_130 : memref<125x64xf32, #tpu.memory_space<vmem>>)
      tpu.yield
    }) : () -> ()
    "tpu.region"() ({
      %run_scoped3A_114 = tpu.sem_alloc : memref<!tpu.dma_semaphore, #tpu.memory_space<semaphore_mem>>
      %dma_start3A = arith.constant 0 : i32
      %dma_start3A_115 = tpu.memref_slice %arg2[%arg0, %add3A_34, %dma_start3A] : memref<2x10000x64xf32, #tpu.memory_space<hbm>> -> memref<1x125x64xf32, #tpu.memory_space<hbm>>
      %dma_start3A_116 = tpu.memref_squeeze %dma_start3A_115 : memref<1x125x64xf32, #tpu.memory_space<hbm>> -> memref<125x64xf32, #tpu.memory_space<hbm>>
      %dma_start3A_117 = arith.constant 0 : i32
      %dma_start3A_118 = tpu.memref_slice %arg2[%arg0, %add3A_34, %dma_start3A_117] : memref<2x10000x64xf32, #tpu.memory_space<hbm>> -> memref<1x125x64xf32, #tpu.memory_space<hbm>>
      %dma_start3A_119 = tpu.memref_squeeze %dma_start3A_118 : memref<1x125x64xf32, #tpu.memory_space<hbm>> -> memref<125x64xf32, #tpu.memory_space<hbm>>
      tpu.enqueue_dma source(%dma_start3A_119 : memref<125x64xf32, #tpu.memory_space<hbm>>) target(%arg14 : memref<125x64xf32, #tpu.memory_space<vmem>>) target_semaphore(%run_scoped3A_114 : memref<!tpu.dma_semaphore, #tpu.memory_space<semaphore_mem>>)
      %dma_wait3A = arith.constant 0 : i32
      %dma_wait3A_120 = tpu.memref_slice %arg2[%arg0, %add3A_34, %dma_wait3A] : memref<2x10000x64xf32, #tpu.memory_space<hbm>> -> memref<1x125x64xf32, #tpu.memory_space<hbm>>
      %dma_wait3A_121 = tpu.memref_squeeze %dma_wait3A_120 : memref<1x125x64xf32, #tpu.memory_space<hbm>> -> memref<125x64xf32, #tpu.memory_space<hbm>>
      %dma_wait3A_122 = arith.constant 0 : i32
      %dma_wait3A_123 = tpu.memref_slice %arg2[%arg0, %add3A_34, %dma_wait3A_122] : memref<2x10000x64xf32, #tpu.memory_space<hbm>> -> memref<1x125x64xf32, #tpu.memory_space<hbm>>
      %dma_wait3A_124 = tpu.memref_squeeze %dma_wait3A_123 : memref<1x125x64xf32, #tpu.memory_space<hbm>> -> memref<125x64xf32, #tpu.memory_space<hbm>>
      tpu.wait_dma2 semaphore(%run_scoped3A_114 : memref<!tpu.dma_semaphore, #tpu.memory_space<semaphore_mem>>) src(%dma_wait3A_124 : memref<125x64xf32, #tpu.memory_space<hbm>>) dst(%arg14 : memref<125x64xf32, #tpu.memory_space<vmem>>)
      tpu.yield
    }) : () -> ()
    %scan3A_35 = arith.constant 0 : i32
    %scan3A_36 = arith.constant 0 : i32
    %scan3A_37 = arith.constant 125 : i32
    %scan3A_38 = arith.addi %scan3A_36, %scan3A_37 : i32
    %scan3A_39 = arith.constant 1 : i32
    %scan3A_40 = scf.for %scan3A_114 = %scan3A_36 to %scan3A_38 step %scan3A_39 iter_args(%scan3A_115 = %scan3A_35) -> (i32)  : i32 {
      %get3A = arith.index_cast %scan3A_114 : i32 to index
      %get3A_116 = arith.constant 0 : index
      %get3A_117 = tpu.vector_load %arg11[%get3A, %get3A_116] {strides = array<i32>} : memref<128x64xf32, #tpu.memory_space<vmem>>, vector<1x16xf32>,
      %get3A_118 = vector.shape_cast %get3A_117 : vector<1x16xf32> to vector<16xf32>
      %max3A = arith.constant 1.000000e+00 : f32
      %max3A_119 = vector.broadcast %max3A : f32 to vector<16xf32>
      %max3A_120 = arith.maximumf %get3A_118, %max3A_119 : vector<16xf32>
      %bitcast_convert_type3A = tpu.bitcast %max3A_120 : vector<16xf32> -> vector<16xi32>
      %shift_right_logical3A = arith.constant 1 : i32
      %shift_right_logical3A_121 = vector.broadcast %shift_right_logical3A : i32 to vector<16xi32>
      %shift_right_logical3A_122 = arith.shrui %bitcast_convert_type3A, %shift_right_logical3A_121 : vector<16xi32>
      %sub3A = arith.constant 1597463007 : i32
      %sub3A_123 = vector.broadcast %sub3A : i32 to vector<16xi32>
      %sub3A_124 = arith.subi %sub3A_123, %shift_right_logical3A_122 : vector<16xi32>
      %bitcast_convert_type3A_125 = tpu.bitcast %sub3A_124 : vector<16xi32> -> vector<16xf32>
      %mul3A_126 = arith.constant 5.000000e-01 : f32
      %mul3A_127 = vector.broadcast %mul3A_126 : f32 to vector<16xf32>
      %mul3A_128 = arith.mulf %mul3A_127, %max3A_120 : vector<16xf32>
      %mul3A_129 = arith.mulf %mul3A_128, %bitcast_convert_type3A_125 : vector<16xf32>
      %mul3A_130 = arith.mulf %mul3A_129, %bitcast_convert_type3A_125 : vector<16xf32>
      %sub3A_131 = arith.constant 1.500000e+00 : f32
      %sub3A_132 = vector.broadcast %sub3A_131 : f32 to vector<16xf32>
      %sub3A_133 = arith.subf %sub3A_132, %mul3A_130 : vector<16xf32>
      %mul3A_134 = arith.mulf %bitcast_convert_type3A_125, %sub3A_133 : vector<16xf32>
      %mul3A_135 = arith.constant 5.000000e-01 : f32
      %mul3A_136 = vector.broadcast %mul3A_135 : f32 to vector<16xf32>
      %mul3A_137 = arith.mulf %mul3A_136, %max3A_120 : vector<16xf32>
      %mul3A_138 = arith.mulf %mul3A_137, %mul3A_134 : vector<16xf32>
      %mul3A_139 = arith.mulf %mul3A_138, %mul3A_134 : vector<16xf32>
      %sub3A_140 = arith.constant 1.500000e+00 : f32
      %sub3A_141 = vector.broadcast %sub3A_140 : f32 to vector<16xf32>
      %sub3A_142 = arith.subf %sub3A_141, %mul3A_139 : vector<16xf32>
      %mul3A_143 = arith.mulf %mul3A_134, %sub3A_142 : vector<16xf32>
      %mul3A_144 = arith.constant 5.000000e-01 : f32
      %mul3A_145 = vector.broadcast %mul3A_144 : f32 to vector<16xf32>
      %mul3A_146 = arith.mulf %mul3A_145, %max3A_120 : vector<16xf32>
      %mul3A_147 = arith.mulf %mul3A_146, %mul3A_143 : vector<16xf32>
      %mul3A_148 = arith.mulf %mul3A_147, %mul3A_143 : vector<16xf32>
      %sub3A_149 = arith.constant 1.500000e+00 : f32
      %sub3A_150 = vector.broadcast %sub3A_149 : f32 to vector<16xf32>
      %sub3A_151 = arith.subf %sub3A_150, %mul3A_148 : vector<16xf32>
      %mul3A_152 = arith.mulf %mul3A_143, %sub3A_151 : vector<16xf32>
      %div3A = arith.constant 1.000000e+00 : f32
      %div3A_153 = vector.broadcast %div3A : f32 to vector<16xf32>
      %div3A_154 = arith.divf %div3A_153, %max3A_120 : vector<16xf32>
      %add3A_155 = arith.constant 0 : i32
      %add3A_156 = arith.addi %add3A_155, %scan3A_114 : i32
      %swap3A = arith.index_cast %add3A_156 : i32 to index
      %swap3A_157 = arith.constant 0 : index
      %swap3A_158 = tpu.vector_load %arg15[%swap3A, %swap3A_157] {strides = array<i32>} : memref<625x16xf32, #tpu.memory_space<vmem>>, vector<1x16xf32>,
      %swap3A_159 = vector.shape_cast %swap3A_158 : vector<1x16xf32> to vector<16xf32>
      %swap3A_160 = vector.shape_cast %div3A_154 : vector<16xf32> to vector<1x16xf32>
      tpu.vector_store %arg15[%swap3A, %swap3A_157], %swap3A_160 {strides = array<i32>} : memref<625x16xf32, #tpu.memory_space<vmem>>, vector<1x16xf32>,
      %get3A_161 = arith.index_cast %scan3A_114 : i32 to index
      %get3A_162 = arith.constant 0 : index
      %get3A_163 = tpu.vector_load %arg14[%get3A_161, %get3A_162] {strides = array<i32>} : memref<125x64xf32, #tpu.memory_space<vmem>>, vector<1x16xf32>,
      %get3A_164 = vector.shape_cast %get3A_163 : vector<1x16xf32> to vector<16xf32>
      %mul3A_165 = arith.mulf %get3A_164, %mul3A_152 : vector<16xf32>
      %swap3A_166 = arith.index_cast %scan3A_114 : i32 to index
      %swap3A_167 = arith.constant 0 : index
      %swap3A_168 = tpu.vector_load %arg14[%swap3A_166, %swap3A_167] {strides = array<i32>} : memref<125x64xf32, #tpu.memory_space<vmem>>, vector<1x16xf32>,
      %swap3A_169 = vector.shape_cast %swap3A_168 : vector<1x16xf32> to vector<16xf32>
      %swap3A_170 = vector.shape_cast %mul3A_165 : vector<16xf32> to vector<1x16xf32>
      tpu.vector_store %arg14[%swap3A_166, %swap3A_167], %swap3A_170 {strides = array<i32>} : memref<125x64xf32, #tpu.memory_space<vmem>>, vector<1x16xf32>,
      %swap3A_171 = arith.index_cast %scan3A_114 : i32 to index
      %swap3A_172 = arith.constant 0 : index
      %swap3A_173 = tpu.vector_load %arg11[%swap3A_171, %swap3A_172] {strides = array<i32>} : memref<128x64xf32, #tpu.memory_space<vmem>>, vector<1x16xf32>,
      %swap3A_174 = vector.shape_cast %swap3A_173 : vector<1x16xf32> to vector<16xf32>
      %swap3A_175 = vector.shape_cast %broadcast_in_dim3A_1 : vector<16xf32> to vector<1x16xf32>
      tpu.vector_store %arg11[%swap3A_171, %swap3A_172], %swap3A_175 {strides = array<i32>} : memref<128x64xf32, #tpu.memory_space<vmem>>, vector<1x16xf32>,
      %get3A_176 = arith.index_cast %scan3A_114 : i32 to index
      %get3A_177 = arith.constant 16 : index
      %get3A_178 = tpu.vector_load %arg14[%get3A_176, %get3A_177] {strides = array<i32>} : memref<125x64xf32, #tpu.memory_space<vmem>>, vector<1x16xf32>,
      %get3A_179 = vector.shape_cast %get3A_178 : vector<1x16xf32> to vector<16xf32>
      %mul3A_180 = arith.mulf %get3A_179, %mul3A_152 : vector<16xf32>
      %swap3A_181 = arith.index_cast %scan3A_114 : i32 to index
      %swap3A_182 = arith.constant 16 : index
      %swap3A_183 = tpu.vector_load %arg14[%swap3A_181, %swap3A_182] {strides = array<i32>} : memref<125x64xf32, #tpu.memory_space<vmem>>, vector<1x16xf32>,
      %swap3A_184 = vector.shape_cast %swap3A_183 : vector<1x16xf32> to vector<16xf32>
      %swap3A_185 = vector.shape_cast %mul3A_180 : vector<16xf32> to vector<1x16xf32>
      tpu.vector_store %arg14[%swap3A_181, %swap3A_182], %swap3A_185 {strides = array<i32>} : memref<125x64xf32, #tpu.memory_space<vmem>>, vector<1x16xf32>,
      %swap3A_186 = arith.index_cast %scan3A_114 : i32 to index
      %swap3A_187 = arith.constant 16 : index
      %swap3A_188 = tpu.vector_load %arg11[%swap3A_186, %swap3A_187] {strides = array<i32>} : memref<128x64xf32, #tpu.memory_space<vmem>>, vector<1x16xf32>,
      %swap3A_189 = vector.shape_cast %swap3A_188 : vector<1x16xf32> to vector<16xf32>
      %swap3A_190 = vector.shape_cast %broadcast_in_dim3A_1 : vector<16xf32> to vector<1x16xf32>
      tpu.vector_store %arg11[%swap3A_186, %swap3A_187], %swap3A_190 {strides = array<i32>} : memref<128x64xf32, #tpu.memory_space<vmem>>, vector<1x16xf32>,
      %get3A_191 = arith.index_cast %scan3A_114 : i32 to index
      %get3A_192 = arith.constant 32 : index
      %get3A_193 = tpu.vector_load %arg14[%get3A_191, %get3A_192] {strides = array<i32>} : memref<125x64xf32, #tpu.memory_space<vmem>>, vector<1x16xf32>,
      %get3A_194 = vector.shape_cast %get3A_193 : vector<1x16xf32> to vector<16xf32>
      %mul3A_195 = arith.mulf %get3A_194, %mul3A_152 : vector<16xf32>
      %swap3A_196 = arith.index_cast %scan3A_114 : i32 to index
      %swap3A_197 = arith.constant 32 : index
      %swap3A_198 = tpu.vector_load %arg14[%swap3A_196, %swap3A_197] {strides = array<i32>} : memref<125x64xf32, #tpu.memory_space<vmem>>, vector<1x16xf32>,
      %swap3A_199 = vector.shape_cast %swap3A_198 : vector<1x16xf32> to vector<16xf32>
      %swap3A_200 = vector.shape_cast %mul3A_195 : vector<16xf32> to vector<1x16xf32>
      tpu.vector_store %arg14[%swap3A_196, %swap3A_197], %swap3A_200 {strides = array<i32>} : memref<125x64xf32, #tpu.memory_space<vmem>>, vector<1x16xf32>,
      %swap3A_201 = arith.index_cast %scan3A_114 : i32 to index
      %swap3A_202 = arith.constant 32 : index
      %swap3A_203 = tpu.vector_load %arg11[%swap3A_201, %swap3A_202] {strides = array<i32>} : memref<128x64xf32, #tpu.memory_space<vmem>>, vector<1x16xf32>,
      %swap3A_204 = vector.shape_cast %swap3A_203 : vector<1x16xf32> to vector<16xf32>
      %swap3A_205 = vector.shape_cast %broadcast_in_dim3A_1 : vector<16xf32> to vector<1x16xf32>
      tpu.vector_store %arg11[%swap3A_201, %swap3A_202], %swap3A_205 {strides = array<i32>} : memref<128x64xf32, #tpu.memory_space<vmem>>, vector<1x16xf32>,
      %get3A_206 = arith.index_cast %scan3A_114 : i32 to index
      %get3A_207 = arith.constant 48 : index
      %get3A_208 = tpu.vector_load %arg14[%get3A_206, %get3A_207] {strides = array<i32>} : memref<125x64xf32, #tpu.memory_space<vmem>>, vector<1x16xf32>,
      %get3A_209 = vector.shape_cast %get3A_208 : vector<1x16xf32> to vector<16xf32>
      %mul3A_210 = arith.mulf %get3A_209, %mul3A_152 : vector<16xf32>
      %swap3A_211 = arith.index_cast %scan3A_114 : i32 to index
      %swap3A_212 = arith.constant 48 : index
      %swap3A_213 = tpu.vector_load %arg14[%swap3A_211, %swap3A_212] {strides = array<i32>} : memref<125x64xf32, #tpu.memory_space<vmem>>, vector<1x16xf32>,
      %swap3A_214 = vector.shape_cast %swap3A_213 : vector<1x16xf32> to vector<16xf32>
      %swap3A_215 = vector.shape_cast %mul3A_210 : vector<16xf32> to vector<1x16xf32>
      tpu.vector_store %arg14[%swap3A_211, %swap3A_212], %swap3A_215 {strides = array<i32>} : memref<125x64xf32, #tpu.memory_space<vmem>>, vector<1x16xf32>,
      %swap3A_216 = arith.index_cast %scan3A_114 : i32 to index
      %swap3A_217 = arith.constant 48 : index
      %swap3A_218 = tpu.vector_load %arg11[%swap3A_216, %swap3A_217] {strides = array<i32>} : memref<128x64xf32, #tpu.memory_space<vmem>>, vector<1x16xf32>,
      %swap3A_219 = vector.shape_cast %swap3A_218 : vector<1x16xf32> to vector<16xf32>
      %swap3A_220 = vector.shape_cast %broadcast_in_dim3A_1 : vector<16xf32> to vector<1x16xf32>
      tpu.vector_store %arg11[%swap3A_216, %swap3A_217], %swap3A_220 {strides = array<i32>} : memref<128x64xf32, #tpu.memory_space<vmem>>, vector<1x16xf32>,
      %scan3A_221 = arith.constant 0 : i32
      scf.yield %scan3A_221 : i32
    }
    %scan3A_41 = arith.constant 125 : i32
    "tpu.region"() ({
      %run_scoped3A_114 = tpu.sem_alloc : memref<!tpu.dma_semaphore, #tpu.memory_space<semaphore_mem>>
      %dma_start3A = arith.constant 0 : i32
      %dma_start3A_115 = arith.constant 0 : i32
      %dma_start3A_116 = tpu.memref_slice %arg11[%dma_start3A, %dma_start3A_115] : memref<128x64xf32, #tpu.memory_space<vmem>> -> memref<125x64xf32, #tpu.memory_space<vmem>>
      %dma_start3A_117 = arith.constant 0 : i32
      %dma_start3A_118 = tpu.memref_slice %arg7[%add3A_34, %dma_start3A_117] : memref<10008x64xf32, #tpu.memory_space<vmem_shared>> -> memref<125x64xf32, #tpu.memory_space<vmem_shared>>
      %dma_start3A_119 = arith.constant 0 : i32
      %dma_start3A_120 = tpu.memref_slice %arg7[%add3A_34, %dma_start3A_119] : memref<10008x64xf32, #tpu.memory_space<vmem_shared>> -> memref<125x64xf32, #tpu.memory_space<vmem_shared>>
      %dma_start3A_121 = arith.constant 0 : i32
      %dma_start3A_122 = arith.constant 0 : i32
      %dma_start3A_123 = tpu.memref_slice %arg11[%dma_start3A_121, %dma_start3A_122] : memref<128x64xf32, #tpu.memory_space<vmem>> -> memref<125x64xf32, #tpu.memory_space<vmem>>
      tpu.enqueue_dma source(%dma_start3A_123 : memref<125x64xf32, #tpu.memory_space<vmem>>) target(%dma_start3A_120 : memref<125x64xf32, #tpu.memory_space<vmem_shared>>) target_semaphore(%run_scoped3A_114 : memref<!tpu.dma_semaphore, #tpu.memory_space<semaphore_mem>>)
      %dma_wait3A = arith.constant 0 : i32
      %dma_wait3A_124 = arith.constant 0 : i32
      %dma_wait3A_125 = tpu.memref_slice %arg11[%dma_wait3A, %dma_wait3A_124] : memref<128x64xf32, #tpu.memory_space<vmem>> -> memref<125x64xf32, #tpu.memory_space<vmem>>
      %dma_wait3A_126 = arith.constant 0 : i32
      %dma_wait3A_127 = tpu.memref_slice %arg7[%add3A_34, %dma_wait3A_126] : memref<10008x64xf32, #tpu.memory_space<vmem_shared>> -> memref<125x64xf32, #tpu.memory_space<vmem_shared>>
      %dma_wait3A_128 = arith.constant 0 : i32
      %dma_wait3A_129 = tpu.memref_slice %arg7[%add3A_34, %dma_wait3A_128] : memref<10008x64xf32, #tpu.memory_space<vmem_shared>> -> memref<125x64xf32, #tpu.memory_space<vmem_shared>>
      %dma_wait3A_130 = arith.constant 0 : i32
      %dma_wait3A_131 = arith.constant 0 : i32
      %dma_wait3A_132 = tpu.memref_slice %arg11[%dma_wait3A_130, %dma_wait3A_131] : memref<128x64xf32, #tpu.memory_space<vmem>> -> memref<125x64xf32, #tpu.memory_space<vmem>>
      tpu.wait_dma2 semaphore(%run_scoped3A_114 : memref<!tpu.dma_semaphore, #tpu.memory_space<semaphore_mem>>) src(%dma_wait3A_132 : memref<125x64xf32, #tpu.memory_space<vmem>>) dst(%dma_wait3A_129 : memref<125x64xf32, #tpu.memory_space<vmem_shared>>)
      tpu.yield
    }) : () -> ()
    "tpu.region"() ({
      %run_scoped3A_114 = tpu.sem_alloc : memref<!tpu.dma_semaphore, #tpu.memory_space<semaphore_mem>>
      %dma_start3A = arith.constant 0 : i32
      %dma_start3A_115 = tpu.memref_slice %arg8[%add3A_34, %dma_start3A] : memref<10000x64xf32, #tpu.memory_space<vmem_shared>> -> memref<125x64xf32, #tpu.memory_space<vmem_shared>>
      %dma_start3A_116 = arith.constant 0 : i32
      %dma_start3A_117 = tpu.memref_slice %arg8[%add3A_34, %dma_start3A_116] : memref<10000x64xf32, #tpu.memory_space<vmem_shared>> -> memref<125x64xf32, #tpu.memory_space<vmem_shared>>
      tpu.enqueue_dma source(%arg14 : memref<125x64xf32, #tpu.memory_space<vmem>>) target(%dma_start3A_117 : memref<125x64xf32, #tpu.memory_space<vmem_shared>>) target_semaphore(%run_scoped3A_114 : memref<!tpu.dma_semaphore, #tpu.memory_space<semaphore_mem>>)
      %dma_wait3A = arith.constant 0 : i32
      %dma_wait3A_118 = tpu.memref_slice %arg8[%add3A_34, %dma_wait3A] : memref<10000x64xf32, #tpu.memory_space<vmem_shared>> -> memref<125x64xf32, #tpu.memory_space<vmem_shared>>
      %dma_wait3A_119 = arith.constant 0 : i32
      %dma_wait3A_120 = tpu.memref_slice %arg8[%add3A_34, %dma_wait3A_119] : memref<10000x64xf32, #tpu.memory_space<vmem_shared>> -> memref<125x64xf32, #tpu.memory_space<vmem_shared>>
      tpu.wait_dma2 semaphore(%run_scoped3A_114 : memref<!tpu.dma_semaphore, #tpu.memory_space<semaphore_mem>>) src(%arg14 : memref<125x64xf32, #tpu.memory_space<vmem>>) dst(%dma_wait3A_120 : memref<125x64xf32, #tpu.memory_space<vmem_shared>>)
      tpu.yield
    }) : () -> ()
    %run_scoped3A = arith.constant 0 : i32
    "tpu.region"() ({
      %run_scoped3A_114 = tpu.sem_alloc : memref<!tpu.dma_semaphore, #tpu.memory_space<semaphore_mem>>
      %dma_start3A = arith.constant 0 : i32
      %dma_start3A_115 = tpu.memref_slice %arg5[%run_scoped3A, %arg0, %add3A_34, %dma_start3A] : memref<9x2x10000x64xf32, #tpu.memory_space<hbm>> -> memref<1x1x125x64xf32, #tpu.memory_space<hbm>>
      %dma_start3A_116 = tpu.memref_squeeze %dma_start3A_115 : memref<1x1x125x64xf32, #tpu.memory_space<hbm>> -> memref<125x64xf32, #tpu.memory_space<hbm>>
      %dma_start3A_117 = arith.constant 0 : i32
      %dma_start3A_118 = tpu.memref_slice %arg5[%run_scoped3A, %arg0, %add3A_34, %dma_start3A_117] : memref<9x2x10000x64xf32, #tpu.memory_space<hbm>> -> memref<1x1x125x64xf32, #tpu.memory_space<hbm>>
      %dma_start3A_119 = tpu.memref_squeeze %dma_start3A_118 : memref<1x1x125x64xf32, #tpu.memory_space<hbm>> -> memref<125x64xf32, #tpu.memory_space<hbm>>
      tpu.enqueue_dma source(%arg14 : memref<125x64xf32, #tpu.memory_space<vmem>>) target(%dma_start3A_119 : memref<125x64xf32, #tpu.memory_space<hbm>>) target_semaphore(%run_scoped3A_114 : memref<!tpu.dma_semaphore, #tpu.memory_space<semaphore_mem>>)
      %dma_wait3A = arith.constant 0 : i32
      %dma_wait3A_120 = tpu.memref_slice %arg5[%run_scoped3A, %arg0, %add3A_34, %dma_wait3A] : memref<9x2x10000x64xf32, #tpu.memory_space<hbm>> -> memref<1x1x125x64xf32, #tpu.memory_space<hbm>>
      %dma_wait3A_121 = tpu.memref_squeeze %dma_wait3A_120 : memref<1x1x125x64xf32, #tpu.memory_space<hbm>> -> memref<125x64xf32, #tpu.memory_space<hbm>>
      %dma_wait3A_122 = arith.constant 0 : i32
      %dma_wait3A_123 = tpu.memref_slice %arg5[%run_scoped3A, %arg0, %add3A_34, %dma_wait3A_122] : memref<9x2x10000x64xf32, #tpu.memory_space<hbm>> -> memref<1x1x125x64xf32, #tpu.memory_space<hbm>>
      %dma_wait3A_124 = tpu.memref_squeeze %dma_wait3A_123 : memref<1x1x125x64xf32, #tpu.memory_space<hbm>> -> memref<125x64xf32, #tpu.memory_space<hbm>>
      tpu.wait_dma2 semaphore(%run_scoped3A_114 : memref<!tpu.dma_semaphore, #tpu.memory_space<semaphore_mem>>) src(%arg14 : memref<125x64xf32, #tpu.memory_space<vmem>>) dst(%dma_wait3A_124 : memref<125x64xf32, #tpu.memory_space<hbm>>)
      tpu.yield
    }) : () -> ()
    %eq3A_42 = arith.constant 0 : i32
    %eq3A_43 = arith.cmpi eq, %arg0, %eq3A_42 : i32
    %convert_element_type3A_44 = arith.extui %eq3A_43 : i1 to i32
    %cond3A_45 = arith.constant 0 : i32
    %cond3A_46 = arith.cmpi ne, %convert_element_type3A_44, %cond3A_45 : i32
    scf.if %cond3A_46 {
      "tpu.region"() ({
        %run_scoped3A_114 = tpu.sem_alloc : memref<!tpu.dma_semaphore, #tpu.memory_space<semaphore_mem>>
        %dma_start3A = arith.constant 0 : i32
        %dma_start3A_115 = arith.constant 0 : i32
        %dma_start3A_116 = tpu.memref_slice %arg15[%dma_start3A, %dma_start3A_115] : memref<625x16xf32, #tpu.memory_space<vmem>> -> memref<125x16xf32, #tpu.memory_space<vmem>>
        %dma_start3A_117 = arith.constant 0 : i32
        %dma_start3A_118 = tpu.memref_slice %arg6[%add3A_34, %dma_start3A_117] : memref<10000x16xf32, #tpu.memory_space<hbm>> -> memref<125x16xf32, #tpu.memory_space<hbm>>
        %dma_start3A_119 = arith.constant 0 : i32
        %dma_start3A_120 = tpu.memref_slice %arg6[%add3A_34, %dma_start3A_119] : memref<10000x16xf32, #tpu.memory_space<hbm>> -> memref<125x16xf32, #tpu.memory_space<hbm>>
        %dma_start3A_121 = arith.constant 0 : i32
        %dma_start3A_122 = arith.constant 0 : i32
        %dma_start3A_123 = tpu.memref_slice %arg15[%dma_start3A_121, %dma_start3A_122] : memref<625x16xf32, #tpu.memory_space<vmem>> -> memref<125x16xf32, #tpu.memory_space<vmem>>
        tpu.enqueue_dma source(%dma_start3A_123 : memref<125x16xf32, #tpu.memory_space<vmem>>) target(%dma_start3A_120 : memref<125x16xf32, #tpu.memory_space<hbm>>) target_semaphore(%run_scoped3A_114 : memref<!tpu.dma_semaphore, #tpu.memory_space<semaphore_mem>>)
        %dma_wait3A = arith.constant 0 : i32
        %dma_wait3A_124 = arith.constant 0 : i32
        %dma_wait3A_125 = tpu.memref_slice %arg15[%dma_wait3A, %dma_wait3A_124] : memref<625x16xf32, #tpu.memory_space<vmem>> -> memref<125x16xf32, #tpu.memory_space<vmem>>
        %dma_wait3A_126 = arith.constant 0 : i32
        %dma_wait3A_127 = tpu.memref_slice %arg6[%add3A_34, %dma_wait3A_126] : memref<10000x16xf32, #tpu.memory_space<hbm>> -> memref<125x16xf32, #tpu.memory_space<hbm>>
        %dma_wait3A_128 = arith.constant 0 : i32
        %dma_wait3A_129 = tpu.memref_slice %arg6[%add3A_34, %dma_wait3A_128] : memref<10000x16xf32, #tpu.memory_space<hbm>> -> memref<125x16xf32, #tpu.memory_space<hbm>>
        %dma_wait3A_130 = arith.constant 0 : i32
        %dma_wait3A_131 = arith.constant 0 : i32
        %dma_wait3A_132 = tpu.memref_slice %arg15[%dma_wait3A_130, %dma_wait3A_131] : memref<625x16xf32, #tpu.memory_space<vmem>> -> memref<125x16xf32, #tpu.memory_space<vmem>>
        tpu.wait_dma2 semaphore(%run_scoped3A_114 : memref<!tpu.dma_semaphore, #tpu.memory_space<semaphore_mem>>) src(%dma_wait3A_132 : memref<125x16xf32, #tpu.memory_space<vmem>>) dst(%dma_wait3A_129 : memref<125x16xf32, #tpu.memory_space<hbm>>)
        tpu.yield
      }) : () -> ()
    } else {
    }
    %add3A_47 = arith.constant 125 : i32
    %add3A_48 = arith.addi %mul3A_0, %add3A_47 : i32
    "tpu.region"() ({
      %run_scoped3A_114 = tpu.sem_alloc : memref<!tpu.dma_semaphore, #tpu.memory_space<semaphore_mem>>
      %dma_start3A = arith.constant 0 : i32
      %dma_start3A_115 = arith.constant 0 : i32
      %dma_start3A_116 = tpu.memref_slice %arg11[%dma_start3A, %dma_start3A_115] : memref<128x64xf32, #tpu.memory_space<vmem>> -> memref<125x64xf32, #tpu.memory_space<vmem>>
      %dma_start3A_117 = arith.constant 0 : i32
      %dma_start3A_118 = tpu.memref_slice %arg7[%add3A_48, %dma_start3A_117] : memref<10008x64xf32, #tpu.memory_space<vmem_shared>> -> memref<125x64xf32, #tpu.memory_space<vmem_shared>>
      %dma_start3A_119 = arith.constant 0 : i32
      %dma_start3A_120 = arith.constant 0 : i32
      %dma_start3A_121 = tpu.memref_slice %arg11[%dma_start3A_119, %dma_start3A_120] : memref<128x64xf32, #tpu.memory_space<vmem>> -> memref<125x64xf32, #tpu.memory_space<vmem>>
      %dma_start3A_122 = arith.constant 0 : i32
      %dma_start3A_123 = tpu.memref_slice %arg7[%add3A_48, %dma_start3A_122] : memref<10008x64xf32, #tpu.memory_space<vmem_shared>> -> memref<125x64xf32, #tpu.memory_space<vmem_shared>>
      tpu.enqueue_dma source(%dma_start3A_123 : memref<125x64xf32, #tpu.memory_space<vmem_shared>>) target(%dma_start3A_121 : memref<125x64xf32, #tpu.memory_space<vmem>>) target_semaphore(%run_scoped3A_114 : memref<!tpu.dma_semaphore, #tpu.memory_space<semaphore_mem>>)
      %dma_wait3A = arith.constant 0 : i32
      %dma_wait3A_124 = arith.constant 0 : i32
      %dma_wait3A_125 = tpu.memref_slice %arg11[%dma_wait3A, %dma_wait3A_124] : memref<128x64xf32, #tpu.memory_space<vmem>> -> memref<125x64xf32, #tpu.memory_space<vmem>>
      %dma_wait3A_126 = arith.constant 0 : i32
      %dma_wait3A_127 = tpu.memref_slice %arg7[%add3A_48, %dma_wait3A_126] : memref<10008x64xf32, #tpu.memory_space<vmem_shared>> -> memref<125x64xf32, #tpu.memory_space<vmem_shared>>
      %dma_wait3A_128 = arith.constant 0 : i32
      %dma_wait3A_129 = arith.constant 0 : i32
      %dma_wait3A_130 = tpu.memref_slice %arg11[%dma_wait3A_128, %dma_wait3A_129] : memref<128x64xf32, #tpu.memory_space<vmem>> -> memref<125x64xf32, #tpu.memory_space<vmem>>
      %dma_wait3A_131 = arith.constant 0 : i32
      %dma_wait3A_132 = tpu.memref_slice %arg7[%add3A_48, %dma_wait3A_131] : memref<10008x64xf32, #tpu.memory_space<vmem_shared>> -> memref<125x64xf32, #tpu.memory_space<vmem_shared>>
      tpu.wait_dma2 semaphore(%run_scoped3A_114 : memref<!tpu.dma_semaphore, #tpu.memory_space<semaphore_mem>>) src(%dma_wait3A_132 : memref<125x64xf32, #tpu.memory_space<vmem_shared>>) dst(%dma_wait3A_130 : memref<125x64xf32, #tpu.memory_space<vmem>>)
      tpu.yield
    }) : () -> ()
    "tpu.region"() ({
      %run_scoped3A_114 = tpu.sem_alloc : memref<!tpu.dma_semaphore, #tpu.memory_space<semaphore_mem>>
      %dma_start3A = arith.constant 0 : i32
      %dma_start3A_115 = tpu.memref_slice %arg2[%arg0, %add3A_48, %dma_start3A] : memref<2x10000x64xf32, #tpu.memory_space<hbm>> -> memref<1x125x64xf32, #tpu.memory_space<hbm>>
      %dma_start3A_116 = tpu.memref_squeeze %dma_start3A_115 : memref<1x125x64xf32, #tpu.memory_space<hbm>> -> memref<125x64xf32, #tpu.memory_space<hbm>>
      %dma_start3A_117 = arith.constant 0 : i32
      %dma_start3A_118 = tpu.memref_slice %arg2[%arg0, %add3A_48, %dma_start3A_117] : memref<2x10000x64xf32, #tpu.memory_space<hbm>> -> memref<1x125x64xf32, #tpu.memory_space<hbm>>
      %dma_start3A_119 = tpu.memref_squeeze %dma_start3A_118 : memref<1x125x64xf32, #tpu.memory_space<hbm>> -> memref<125x64xf32, #tpu.memory_space<hbm>>
      tpu.enqueue_dma source(%dma_start3A_119 : memref<125x64xf32, #tpu.memory_space<hbm>>) target(%arg14 : memref<125x64xf32, #tpu.memory_space<vmem>>) target_semaphore(%run_scoped3A_114 : memref<!tpu.dma_semaphore, #tpu.memory_space<semaphore_mem>>)
      %dma_wait3A = arith.constant 0 : i32
      %dma_wait3A_120 = tpu.memref_slice %arg2[%arg0, %add3A_48, %dma_wait3A] : memref<2x10000x64xf32, #tpu.memory_space<hbm>> -> memref<1x125x64xf32, #tpu.memory_space<hbm>>
      %dma_wait3A_121 = tpu.memref_squeeze %dma_wait3A_120 : memref<1x125x64xf32, #tpu.memory_space<hbm>> -> memref<125x64xf32, #tpu.memory_space<hbm>>
      %dma_wait3A_122 = arith.constant 0 : i32
      %dma_wait3A_123 = tpu.memref_slice %arg2[%arg0, %add3A_48, %dma_wait3A_122] : memref<2x10000x64xf32, #tpu.memory_space<hbm>> -> memref<1x125x64xf32, #tpu.memory_space<hbm>>
      %dma_wait3A_124 = tpu.memref_squeeze %dma_wait3A_123 : memref<1x125x64xf32, #tpu.memory_space<hbm>> -> memref<125x64xf32, #tpu.memory_space<hbm>>
      tpu.wait_dma2 semaphore(%run_scoped3A_114 : memref<!tpu.dma_semaphore, #tpu.memory_space<semaphore_mem>>) src(%dma_wait3A_124 : memref<125x64xf32, #tpu.memory_space<hbm>>) dst(%arg14 : memref<125x64xf32, #tpu.memory_space<vmem>>)
      tpu.yield
    }) : () -> ()
    %scan3A_49 = arith.constant 0 : i32
    %scan3A_50 = arith.constant 0 : i32
    %scan3A_51 = arith.constant 125 : i32
    %scan3A_52 = arith.addi %scan3A_50, %scan3A_51 : i32
    %scan3A_53 = arith.constant 1 : i32
    %scan3A_54 = scf.for %scan3A_114 = %scan3A_50 to %scan3A_52 step %scan3A_53 iter_args(%scan3A_115 = %scan3A_49) -> (i32)  : i32 {
      %get3A = arith.index_cast %scan3A_114 : i32 to index
      %get3A_116 = arith.constant 0 : index
      %get3A_117 = tpu.vector_load %arg11[%get3A, %get3A_116] {strides = array<i32>} : memref<128x64xf32, #tpu.memory_space<vmem>>, vector<1x16xf32>,
      %get3A_118 = vector.shape_cast %get3A_117 : vector<1x16xf32> to vector<16xf32>
      %max3A = arith.constant 1.000000e+00 : f32
      %max3A_119 = vector.broadcast %max3A : f32 to vector<16xf32>
      %max3A_120 = arith.maximumf %get3A_118, %max3A_119 : vector<16xf32>
      %bitcast_convert_type3A = tpu.bitcast %max3A_120 : vector<16xf32> -> vector<16xi32>
      %shift_right_logical3A = arith.constant 1 : i32
      %shift_right_logical3A_121 = vector.broadcast %shift_right_logical3A : i32 to vector<16xi32>
      %shift_right_logical3A_122 = arith.shrui %bitcast_convert_type3A, %shift_right_logical3A_121 : vector<16xi32>
      %sub3A = arith.constant 1597463007 : i32
      %sub3A_123 = vector.broadcast %sub3A : i32 to vector<16xi32>
      %sub3A_124 = arith.subi %sub3A_123, %shift_right_logical3A_122 : vector<16xi32>
      %bitcast_convert_type3A_125 = tpu.bitcast %sub3A_124 : vector<16xi32> -> vector<16xf32>
      %mul3A_126 = arith.constant 5.000000e-01 : f32
      %mul3A_127 = vector.broadcast %mul3A_126 : f32 to vector<16xf32>
      %mul3A_128 = arith.mulf %mul3A_127, %max3A_120 : vector<16xf32>
      %mul3A_129 = arith.mulf %mul3A_128, %bitcast_convert_type3A_125 : vector<16xf32>
      %mul3A_130 = arith.mulf %mul3A_129, %bitcast_convert_type3A_125 : vector<16xf32>
      %sub3A_131 = arith.constant 1.500000e+00 : f32
      %sub3A_132 = vector.broadcast %sub3A_131 : f32 to vector<16xf32>
      %sub3A_133 = arith.subf %sub3A_132, %mul3A_130 : vector<16xf32>
      %mul3A_134 = arith.mulf %bitcast_convert_type3A_125, %sub3A_133 : vector<16xf32>
      %mul3A_135 = arith.constant 5.000000e-01 : f32
      %mul3A_136 = vector.broadcast %mul3A_135 : f32 to vector<16xf32>
      %mul3A_137 = arith.mulf %mul3A_136, %max3A_120 : vector<16xf32>
      %mul3A_138 = arith.mulf %mul3A_137, %mul3A_134 : vector<16xf32>
      %mul3A_139 = arith.mulf %mul3A_138, %mul3A_134 : vector<16xf32>
      %sub3A_140 = arith.constant 1.500000e+00 : f32
      %sub3A_141 = vector.broadcast %sub3A_140 : f32 to vector<16xf32>
      %sub3A_142 = arith.subf %sub3A_141, %mul3A_139 : vector<16xf32>
      %mul3A_143 = arith.mulf %mul3A_134, %sub3A_142 : vector<16xf32>
      %mul3A_144 = arith.constant 5.000000e-01 : f32
      %mul3A_145 = vector.broadcast %mul3A_144 : f32 to vector<16xf32>
      %mul3A_146 = arith.mulf %mul3A_145, %max3A_120 : vector<16xf32>
      %mul3A_147 = arith.mulf %mul3A_146, %mul3A_143 : vector<16xf32>
      %mul3A_148 = arith.mulf %mul3A_147, %mul3A_143 : vector<16xf32>
      %sub3A_149 = arith.constant 1.500000e+00 : f32
      %sub3A_150 = vector.broadcast %sub3A_149 : f32 to vector<16xf32>
      %sub3A_151 = arith.subf %sub3A_150, %mul3A_148 : vector<16xf32>
      %mul3A_152 = arith.mulf %mul3A_143, %sub3A_151 : vector<16xf32>
      %div3A = arith.constant 1.000000e+00 : f32
      %div3A_153 = vector.broadcast %div3A : f32 to vector<16xf32>
      %div3A_154 = arith.divf %div3A_153, %max3A_120 : vector<16xf32>
      %add3A_155 = arith.constant 125 : i32
      %add3A_156 = arith.addi %add3A_155, %scan3A_114 : i32
      %swap3A = arith.index_cast %add3A_156 : i32 to index
      %swap3A_157 = arith.constant 0 : index
      %swap3A_158 = tpu.vector_load %arg15[%swap3A, %swap3A_157] {strides = array<i32>} : memref<625x16xf32, #tpu.memory_space<vmem>>, vector<1x16xf32>,
      %swap3A_159 = vector.shape_cast %swap3A_158 : vector<1x16xf32> to vector<16xf32>
      %swap3A_160 = vector.shape_cast %div3A_154 : vector<16xf32> to vector<1x16xf32>
      tpu.vector_store %arg15[%swap3A, %swap3A_157], %swap3A_160 {strides = array<i32>} : memref<625x16xf32, #tpu.memory_space<vmem>>, vector<1x16xf32>,
      %get3A_161 = arith.index_cast %scan3A_114 : i32 to index
      %get3A_162 = arith.constant 0 : index
      %get3A_163 = tpu.vector_load %arg14[%get3A_161, %get3A_162] {strides = array<i32>} : memref<125x64xf32, #tpu.memory_space<vmem>>, vector<1x16xf32>,
      %get3A_164 = vector.shape_cast %get3A_163 : vector<1x16xf32> to vector<16xf32>
      %mul3A_165 = arith.mulf %get3A_164, %mul3A_152 : vector<16xf32>
      %swap3A_166 = arith.index_cast %scan3A_114 : i32 to index
      %swap3A_167 = arith.constant 0 : index
      %swap3A_168 = tpu.vector_load %arg14[%swap3A_166, %swap3A_167] {strides = array<i32>} : memref<125x64xf32, #tpu.memory_space<vmem>>, vector<1x16xf32>,
      %swap3A_169 = vector.shape_cast %swap3A_168 : vector<1x16xf32> to vector<16xf32>
      %swap3A_170 = vector.shape_cast %mul3A_165 : vector<16xf32> to vector<1x16xf32>
      tpu.vector_store %arg14[%swap3A_166, %swap3A_167], %swap3A_170 {strides = array<i32>} : memref<125x64xf32, #tpu.memory_space<vmem>>, vector<1x16xf32>,
      %swap3A_171 = arith.index_cast %scan3A_114 : i32 to index
      %swap3A_172 = arith.constant 0 : index
      %swap3A_173 = tpu.vector_load %arg11[%swap3A_171, %swap3A_172] {strides = array<i32>} : memref<128x64xf32, #tpu.memory_space<vmem>>, vector<1x16xf32>,
      %swap3A_174 = vector.shape_cast %swap3A_173 : vector<1x16xf32> to vector<16xf32>
      %swap3A_175 = vector.shape_cast %broadcast_in_dim3A_1 : vector<16xf32> to vector<1x16xf32>
      tpu.vector_store %arg11[%swap3A_171, %swap3A_172], %swap3A_175 {strides = array<i32>} : memref<128x64xf32, #tpu.memory_space<vmem>>, vector<1x16xf32>,
      %get3A_176 = arith.index_cast %scan3A_114 : i32 to index
      %get3A_177 = arith.constant 16 : index
      %get3A_178 = tpu.vector_load %arg14[%get3A_176, %get3A_177] {strides = array<i32>} : memref<125x64xf32, #tpu.memory_space<vmem>>, vector<1x16xf32>,
      %get3A_179 = vector.shape_cast %get3A_178 : vector<1x16xf32> to vector<16xf32>
      %mul3A_180 = arith.mulf %get3A_179, %mul3A_152 : vector<16xf32>
      %swap3A_181 = arith.index_cast %scan3A_114 : i32 to index
      %swap3A_182 = arith.constant 16 : index
      %swap3A_183 = tpu.vector_load %arg14[%swap3A_181, %swap3A_182] {strides = array<i32>} : memref<125x64xf32, #tpu.memory_space<vmem>>, vector<1x16xf32>,
      %swap3A_184 = vector.shape_cast %swap3A_183 : vector<1x16xf32> to vector<16xf32>
      %swap3A_185 = vector.shape_cast %mul3A_180 : vector<16xf32> to vector<1x16xf32>
      tpu.vector_store %arg14[%swap3A_181, %swap3A_182], %swap3A_185 {strides = array<i32>} : memref<125x64xf32, #tpu.memory_space<vmem>>, vector<1x16xf32>,
      %swap3A_186 = arith.index_cast %scan3A_114 : i32 to index
      %swap3A_187 = arith.constant 16 : index
      %swap3A_188 = tpu.vector_load %arg11[%swap3A_186, %swap3A_187] {strides = array<i32>} : memref<128x64xf32, #tpu.memory_space<vmem>>, vector<1x16xf32>,
      %swap3A_189 = vector.shape_cast %swap3A_188 : vector<1x16xf32> to vector<16xf32>
      %swap3A_190 = vector.shape_cast %broadcast_in_dim3A_1 : vector<16xf32> to vector<1x16xf32>
      tpu.vector_store %arg11[%swap3A_186, %swap3A_187], %swap3A_190 {strides = array<i32>} : memref<128x64xf32, #tpu.memory_space<vmem>>, vector<1x16xf32>,
      %get3A_191 = arith.index_cast %scan3A_114 : i32 to index
      %get3A_192 = arith.constant 32 : index
      %get3A_193 = tpu.vector_load %arg14[%get3A_191, %get3A_192] {strides = array<i32>} : memref<125x64xf32, #tpu.memory_space<vmem>>, vector<1x16xf32>,
      %get3A_194 = vector.shape_cast %get3A_193 : vector<1x16xf32> to vector<16xf32>
      %mul3A_195 = arith.mulf %get3A_194, %mul3A_152 : vector<16xf32>
      %swap3A_196 = arith.index_cast %scan3A_114 : i32 to index
      %swap3A_197 = arith.constant 32 : index
      %swap3A_198 = tpu.vector_load %arg14[%swap3A_196, %swap3A_197] {strides = array<i32>} : memref<125x64xf32, #tpu.memory_space<vmem>>, vector<1x16xf32>,
      %swap3A_199 = vector.shape_cast %swap3A_198 : vector<1x16xf32> to vector<16xf32>
      %swap3A_200 = vector.shape_cast %mul3A_195 : vector<16xf32> to vector<1x16xf32>
      tpu.vector_store %arg14[%swap3A_196, %swap3A_197], %swap3A_200 {strides = array<i32>} : memref<125x64xf32, #tpu.memory_space<vmem>>, vector<1x16xf32>,
      %swap3A_201 = arith.index_cast %scan3A_114 : i32 to index
      %swap3A_202 = arith.constant 32 : index
      %swap3A_203 = tpu.vector_load %arg11[%swap3A_201, %swap3A_202] {strides = array<i32>} : memref<128x64xf32, #tpu.memory_space<vmem>>, vector<1x16xf32>,
      %swap3A_204 = vector.shape_cast %swap3A_203 : vector<1x16xf32> to vector<16xf32>
      %swap3A_205 = vector.shape_cast %broadcast_in_dim3A_1 : vector<16xf32> to vector<1x16xf32>
      tpu.vector_store %arg11[%swap3A_201, %swap3A_202], %swap3A_205 {strides = array<i32>} : memref<128x64xf32, #tpu.memory_space<vmem>>, vector<1x16xf32>,
      %get3A_206 = arith.index_cast %scan3A_114 : i32 to index
      %get3A_207 = arith.constant 48 : index
      %get3A_208 = tpu.vector_load %arg14[%get3A_206, %get3A_207] {strides = array<i32>} : memref<125x64xf32, #tpu.memory_space<vmem>>, vector<1x16xf32>,
      %get3A_209 = vector.shape_cast %get3A_208 : vector<1x16xf32> to vector<16xf32>
      %mul3A_210 = arith.mulf %get3A_209, %mul3A_152 : vector<16xf32>
      %swap3A_211 = arith.index_cast %scan3A_114 : i32 to index
      %swap3A_212 = arith.constant 48 : index
      %swap3A_213 = tpu.vector_load %arg14[%swap3A_211, %swap3A_212] {strides = array<i32>} : memref<125x64xf32, #tpu.memory_space<vmem>>, vector<1x16xf32>,
      %swap3A_214 = vector.shape_cast %swap3A_213 : vector<1x16xf32> to vector<16xf32>
      %swap3A_215 = vector.shape_cast %mul3A_210 : vector<16xf32> to vector<1x16xf32>
      tpu.vector_store %arg14[%swap3A_211, %swap3A_212], %swap3A_215 {strides = array<i32>} : memref<125x64xf32, #tpu.memory_space<vmem>>, vector<1x16xf32>,
      %swap3A_216 = arith.index_cast %scan3A_114 : i32 to index
      %swap3A_217 = arith.constant 48 : index
      %swap3A_218 = tpu.vector_load %arg11[%swap3A_216, %swap3A_217] {strides = array<i32>} : memref<128x64xf32, #tpu.memory_space<vmem>>, vector<1x16xf32>,
      %swap3A_219 = vector.shape_cast %swap3A_218 : vector<1x16xf32> to vector<16xf32>
      %swap3A_220 = vector.shape_cast %broadcast_in_dim3A_1 : vector<16xf32> to vector<1x16xf32>
      tpu.vector_store %arg11[%swap3A_216, %swap3A_217], %swap3A_220 {strides = array<i32>} : memref<128x64xf32, #tpu.memory_space<vmem>>, vector<1x16xf32>,
      %scan3A_221 = arith.constant 0 : i32
      scf.yield %scan3A_221 : i32
    }
    %scan3A_55 = arith.constant 125 : i32
    "tpu.region"() ({
      %run_scoped3A_114 = tpu.sem_alloc : memref<!tpu.dma_semaphore, #tpu.memory_space<semaphore_mem>>
      %dma_start3A = arith.constant 0 : i32
      %dma_start3A_115 = arith.constant 0 : i32
      %dma_start3A_116 = tpu.memref_slice %arg11[%dma_start3A, %dma_start3A_115] : memref<128x64xf32, #tpu.memory_space<vmem>> -> memref<125x64xf32, #tpu.memory_space<vmem>>
      %dma_start3A_117 = arith.constant 0 : i32
      %dma_start3A_118 = tpu.memref_slice %arg7[%add3A_48, %dma_start3A_117] : memref<10008x64xf32, #tpu.memory_space<vmem_shared>> -> memref<125x64xf32, #tpu.memory_space<vmem_shared>>
      %dma_start3A_119 = arith.constant 0 : i32
      %dma_start3A_120 = tpu.memref_slice %arg7[%add3A_48, %dma_start3A_119] : memref<10008x64xf32, #tpu.memory_space<vmem_shared>> -> memref<125x64xf32, #tpu.memory_space<vmem_shared>>
      %dma_start3A_121 = arith.constant 0 : i32
      %dma_start3A_122 = arith.constant 0 : i32
      %dma_start3A_123 = tpu.memref_slice %arg11[%dma_start3A_121, %dma_start3A_122] : memref<128x64xf32, #tpu.memory_space<vmem>> -> memref<125x64xf32, #tpu.memory_space<vmem>>
      tpu.enqueue_dma source(%dma_start3A_123 : memref<125x64xf32, #tpu.memory_space<vmem>>) target(%dma_start3A_120 : memref<125x64xf32, #tpu.memory_space<vmem_shared>>) target_semaphore(%run_scoped3A_114 : memref<!tpu.dma_semaphore, #tpu.memory_space<semaphore_mem>>)
      %dma_wait3A = arith.constant 0 : i32
      %dma_wait3A_124 = arith.constant 0 : i32
      %dma_wait3A_125 = tpu.memref_slice %arg11[%dma_wait3A, %dma_wait3A_124] : memref<128x64xf32, #tpu.memory_space<vmem>> -> memref<125x64xf32, #tpu.memory_space<vmem>>
      %dma_wait3A_126 = arith.constant 0 : i32
      %dma_wait3A_127 = tpu.memref_slice %arg7[%add3A_48, %dma_wait3A_126] : memref<10008x64xf32, #tpu.memory_space<vmem_shared>> -> memref<125x64xf32, #tpu.memory_space<vmem_shared>>
      %dma_wait3A_128 = arith.constant 0 : i32
      %dma_wait3A_129 = tpu.memref_slice %arg7[%add3A_48, %dma_wait3A_128] : memref<10008x64xf32, #tpu.memory_space<vmem_shared>> -> memref<125x64xf32, #tpu.memory_space<vmem_shared>>
      %dma_wait3A_130 = arith.constant 0 : i32
      %dma_wait3A_131 = arith.constant 0 : i32
      %dma_wait3A_132 = tpu.memref_slice %arg11[%dma_wait3A_130, %dma_wait3A_131] : memref<128x64xf32, #tpu.memory_space<vmem>> -> memref<125x64xf32, #tpu.memory_space<vmem>>
      tpu.wait_dma2 semaphore(%run_scoped3A_114 : memref<!tpu.dma_semaphore, #tpu.memory_space<semaphore_mem>>) src(%dma_wait3A_132 : memref<125x64xf32, #tpu.memory_space<vmem>>) dst(%dma_wait3A_129 : memref<125x64xf32, #tpu.memory_space<vmem_shared>>)
      tpu.yield
    }) : () -> ()
    "tpu.region"() ({
      %run_scoped3A_114 = tpu.sem_alloc : memref<!tpu.dma_semaphore, #tpu.memory_space<semaphore_mem>>
      %dma_start3A = arith.constant 0 : i32
      %dma_start3A_115 = tpu.memref_slice %arg8[%add3A_48, %dma_start3A] : memref<10000x64xf32, #tpu.memory_space<vmem_shared>> -> memref<125x64xf32, #tpu.memory_space<vmem_shared>>
      %dma_start3A_116 = arith.constant 0 : i32
      %dma_start3A_117 = tpu.memref_slice %arg8[%add3A_48, %dma_start3A_116] : memref<10000x64xf32, #tpu.memory_space<vmem_shared>> -> memref<125x64xf32, #tpu.memory_space<vmem_shared>>
      tpu.enqueue_dma source(%arg14 : memref<125x64xf32, #tpu.memory_space<vmem>>) target(%dma_start3A_117 : memref<125x64xf32, #tpu.memory_space<vmem_shared>>) target_semaphore(%run_scoped3A_114 : memref<!tpu.dma_semaphore, #tpu.memory_space<semaphore_mem>>)
      %dma_wait3A = arith.constant 0 : i32
      %dma_wait3A_118 = tpu.memref_slice %arg8[%add3A_48, %dma_wait3A] : memref<10000x64xf32, #tpu.memory_space<vmem_shared>> -> memref<125x64xf32, #tpu.memory_space<vmem_shared>>
      %dma_wait3A_119 = arith.constant 0 : i32
      %dma_wait3A_120 = tpu.memref_slice %arg8[%add3A_48, %dma_wait3A_119] : memref<10000x64xf32, #tpu.memory_space<vmem_shared>> -> memref<125x64xf32, #tpu.memory_space<vmem_shared>>
      tpu.wait_dma2 semaphore(%run_scoped3A_114 : memref<!tpu.dma_semaphore, #tpu.memory_space<semaphore_mem>>) src(%arg14 : memref<125x64xf32, #tpu.memory_space<vmem>>) dst(%dma_wait3A_120 : memref<125x64xf32, #tpu.memory_space<vmem_shared>>)
      tpu.yield
    }) : () -> ()
    %run_scoped3A_56 = arith.constant 0 : i32
    "tpu.region"() ({
      %run_scoped3A_114 = tpu.sem_alloc : memref<!tpu.dma_semaphore, #tpu.memory_space<semaphore_mem>>
      %dma_start3A = arith.constant 0 : i32
      %dma_start3A_115 = tpu.memref_slice %arg5[%run_scoped3A_56, %arg0, %add3A_48, %dma_start3A] : memref<9x2x10000x64xf32, #tpu.memory_space<hbm>> -> memref<1x1x125x64xf32, #tpu.memory_space<hbm>>
      %dma_start3A_116 = tpu.memref_squeeze %dma_start3A_115 : memref<1x1x125x64xf32, #tpu.memory_space<hbm>> -> memref<125x64xf32, #tpu.memory_space<hbm>>
      %dma_start3A_117 = arith.constant 0 : i32
      %dma_start3A_118 = tpu.memref_slice %arg5[%run_scoped3A_56, %arg0, %add3A_48, %dma_start3A_117] : memref<9x2x10000x64xf32, #tpu.memory_space<hbm>> -> memref<1x1x125x64xf32, #tpu.memory_space<hbm>>
      %dma_start3A_119 = tpu.memref_squeeze %dma_start3A_118 : memref<1x1x125x64xf32, #tpu.memory_space<hbm>> -> memref<125x64xf32, #tpu.memory_space<hbm>>
      tpu.enqueue_dma source(%arg14 : memref<125x64xf32, #tpu.memory_space<vmem>>) target(%dma_start3A_119 : memref<125x64xf32, #tpu.memory_space<hbm>>) target_semaphore(%run_scoped3A_114 : memref<!tpu.dma_semaphore, #tpu.memory_space<semaphore_mem>>)
      %dma_wait3A = arith.constant 0 : i32
      %dma_wait3A_120 = tpu.memref_slice %arg5[%run_scoped3A_56, %arg0, %add3A_48, %dma_wait3A] : memref<9x2x10000x64xf32, #tpu.memory_space<hbm>> -> memref<1x1x125x64xf32, #tpu.memory_space<hbm>>
      %dma_wait3A_121 = tpu.memref_squeeze %dma_wait3A_120 : memref<1x1x125x64xf32, #tpu.memory_space<hbm>> -> memref<125x64xf32, #tpu.memory_space<hbm>>
      %dma_wait3A_122 = arith.constant 0 : i32
      %dma_wait3A_123 = tpu.memref_slice %arg5[%run_scoped3A_56, %arg0, %add3A_48, %dma_wait3A_122] : memref<9x2x10000x64xf32, #tpu.memory_space<hbm>> -> memref<1x1x125x64xf32, #tpu.memory_space<hbm>>
      %dma_wait3A_124 = tpu.memref_squeeze %dma_wait3A_123 : memref<1x1x125x64xf32, #tpu.memory_space<hbm>> -> memref<125x64xf32, #tpu.memory_space<hbm>>
      tpu.wait_dma2 semaphore(%run_scoped3A_114 : memref<!tpu.dma_semaphore, #tpu.memory_space<semaphore_mem>>) src(%arg14 : memref<125x64xf32, #tpu.memory_space<vmem>>) dst(%dma_wait3A_124 : memref<125x64xf32, #tpu.memory_space<hbm>>)
      tpu.yield
    }) : () -> ()
    %eq3A_57 = arith.constant 0 : i32
    %eq3A_58 = arith.cmpi eq, %arg0, %eq3A_57 : i32
    %convert_element_type3A_59 = arith.extui %eq3A_58 : i1 to i32
    %cond3A_60 = arith.constant 0 : i32
    %cond3A_61 = arith.cmpi ne, %convert_element_type3A_59, %cond3A_60 : i32
    scf.if %cond3A_61 {
      "tpu.region"() ({
        %run_scoped3A_114 = tpu.sem_alloc : memref<!tpu.dma_semaphore, #tpu.memory_space<semaphore_mem>>
        %dma_start3A = arith.constant 125 : i32
        %dma_start3A_115 = arith.constant 0 : i32
        %dma_start3A_116 = tpu.memref_slice %arg15[%dma_start3A, %dma_start3A_115] : memref<625x16xf32, #tpu.memory_space<vmem>> -> memref<125x16xf32, #tpu.memory_space<vmem>>
        %dma_start3A_117 = arith.constant 0 : i32
        %dma_start3A_118 = tpu.memref_slice %arg6[%add3A_48, %dma_start3A_117] : memref<10000x16xf32, #tpu.memory_space<hbm>> -> memref<125x16xf32, #tpu.memory_space<hbm>>
        %dma_start3A_119 = arith.constant 0 : i32
        %dma_start3A_120 = tpu.memref_slice %arg6[%add3A_48, %dma_start3A_119] : memref<10000x16xf32, #tpu.memory_space<hbm>> -> memref<125x16xf32, #tpu.memory_space<hbm>>
        %dma_start3A_121 = arith.constant 125 : i32
        %dma_start3A_122 = arith.constant 0 : i32
        %dma_start3A_123 = tpu.memref_slice %arg15[%dma_start3A_121, %dma_start3A_122] : memref<625x16xf32, #tpu.memory_space<vmem>> -> memref<125x16xf32, #tpu.memory_space<vmem>>
        tpu.enqueue_dma source(%dma_start3A_123 : memref<125x16xf32, #tpu.memory_space<vmem>>) target(%dma_start3A_120 : memref<125x16xf32, #tpu.memory_space<hbm>>) target_semaphore(%run_scoped3A_114 : memref<!tpu.dma_semaphore, #tpu.memory_space<semaphore_mem>>)
        %dma_wait3A = arith.constant 125 : i32
        %dma_wait3A_124 = arith.constant 0 : i32
        %dma_wait3A_125 = tpu.memref_slice %arg15[%dma_wait3A, %dma_wait3A_124] : memref<625x16xf32, #tpu.memory_space<vmem>> -> memref<125x16xf32, #tpu.memory_space<vmem>>
        %dma_wait3A_126 = arith.constant 0 : i32
        %dma_wait3A_127 = tpu.memref_slice %arg6[%add3A_48, %dma_wait3A_126] : memref<10000x16xf32, #tpu.memory_space<hbm>> -> memref<125x16xf32, #tpu.memory_space<hbm>>
        %dma_wait3A_128 = arith.constant 0 : i32
        %dma_wait3A_129 = tpu.memref_slice %arg6[%add3A_48, %dma_wait3A_128] : memref<10000x16xf32, #tpu.memory_space<hbm>> -> memref<125x16xf32, #tpu.memory_space<hbm>>
        %dma_wait3A_130 = arith.constant 125 : i32
        %dma_wait3A_131 = arith.constant 0 : i32
        %dma_wait3A_132 = tpu.memref_slice %arg15[%dma_wait3A_130, %dma_wait3A_131] : memref<625x16xf32, #tpu.memory_space<vmem>> -> memref<125x16xf32, #tpu.memory_space<vmem>>
        tpu.wait_dma2 semaphore(%run_scoped3A_114 : memref<!tpu.dma_semaphore, #tpu.memory_space<semaphore_mem>>) src(%dma_wait3A_132 : memref<125x16xf32, #tpu.memory_space<vmem>>) dst(%dma_wait3A_129 : memref<125x16xf32, #tpu.memory_space<hbm>>)
        tpu.yield
      }) : () -> ()
    } else {
    }
    %add3A_62 = arith.constant 250 : i32
    %add3A_63 = arith.addi %mul3A_0, %add3A_62 : i32
    "tpu.region"() ({
      %run_scoped3A_114 = tpu.sem_alloc : memref<!tpu.dma_semaphore, #tpu.memory_space<semaphore_mem>>
      %dma_start3A = arith.constant 0 : i32
      %dma_start3A_115 = arith.constant 0 : i32
      %dma_start3A_116 = tpu.memref_slice %arg11[%dma_start3A, %dma_start3A_115] : memref<128x64xf32, #tpu.memory_space<vmem>> -> memref<125x64xf32, #tpu.memory_space<vmem>>
      %dma_start3A_117 = arith.constant 0 : i32
      %dma_start3A_118 = tpu.memref_slice %arg7[%add3A_63, %dma_start3A_117] : memref<10008x64xf32, #tpu.memory_space<vmem_shared>> -> memref<125x64xf32, #tpu.memory_space<vmem_shared>>
      %dma_start3A_119 = arith.constant 0 : i32
      %dma_start3A_120 = arith.constant 0 : i32
      %dma_start3A_121 = tpu.memref_slice %arg11[%dma_start3A_119, %dma_start3A_120] : memref<128x64xf32, #tpu.memory_space<vmem>> -> memref<125x64xf32, #tpu.memory_space<vmem>>
      %dma_start3A_122 = arith.constant 0 : i32
      %dma_start3A_123 = tpu.memref_slice %arg7[%add3A_63, %dma_start3A_122] : memref<10008x64xf32, #tpu.memory_space<vmem_shared>> -> memref<125x64xf32, #tpu.memory_space<vmem_shared>>
      tpu.enqueue_dma source(%dma_start3A_123 : memref<125x64xf32, #tpu.memory_space<vmem_shared>>) target(%dma_start3A_121 : memref<125x64xf32, #tpu.memory_space<vmem>>) target_semaphore(%run_scoped3A_114 : memref<!tpu.dma_semaphore, #tpu.memory_space<semaphore_mem>>)
      %dma_wait3A = arith.constant 0 : i32
      %dma_wait3A_124 = arith.constant 0 : i32
      %dma_wait3A_125 = tpu.memref_slice %arg11[%dma_wait3A, %dma_wait3A_124] : memref<128x64xf32, #tpu.memory_space<vmem>> -> memref<125x64xf32, #tpu.memory_space<vmem>>
      %dma_wait3A_126 = arith.constant 0 : i32
      %dma_wait3A_127 = tpu.memref_slice %arg7[%add3A_63, %dma_wait3A_126] : memref<10008x64xf32, #tpu.memory_space<vmem_shared>> -> memref<125x64xf32, #tpu.memory_space<vmem_shared>>
      %dma_wait3A_128 = arith.constant 0 : i32
      %dma_wait3A_129 = arith.constant 0 : i32
      %dma_wait3A_130 = tpu.memref_slice %arg11[%dma_wait3A_128, %dma_wait3A_129] : memref<128x64xf32, #tpu.memory_space<vmem>> -> memref<125x64xf32, #tpu.memory_space<vmem>>
      %dma_wait3A_131 = arith.constant 0 : i32
      %dma_wait3A_132 = tpu.memref_slice %arg7[%add3A_63, %dma_wait3A_131] : memref<10008x64xf32, #tpu.memory_space<vmem_shared>> -> memref<125x64xf32, #tpu.memory_space<vmem_shared>>
      tpu.wait_dma2 semaphore(%run_scoped3A_114 : memref<!tpu.dma_semaphore, #tpu.memory_space<semaphore_mem>>) src(%dma_wait3A_132 : memref<125x64xf32, #tpu.memory_space<vmem_shared>>) dst(%dma_wait3A_130 : memref<125x64xf32, #tpu.memory_space<vmem>>)
      tpu.yield
    }) : () -> ()
    "tpu.region"() ({
      %run_scoped3A_114 = tpu.sem_alloc : memref<!tpu.dma_semaphore, #tpu.memory_space<semaphore_mem>>
      %dma_start3A = arith.constant 0 : i32
      %dma_start3A_115 = tpu.memref_slice %arg2[%arg0, %add3A_63, %dma_start3A] : memref<2x10000x64xf32, #tpu.memory_space<hbm>> -> memref<1x125x64xf32, #tpu.memory_space<hbm>>
      %dma_start3A_116 = tpu.memref_squeeze %dma_start3A_115 : memref<1x125x64xf32, #tpu.memory_space<hbm>> -> memref<125x64xf32, #tpu.memory_space<hbm>>
      %dma_start3A_117 = arith.constant 0 : i32
      %dma_start3A_118 = tpu.memref_slice %arg2[%arg0, %add3A_63, %dma_start3A_117] : memref<2x10000x64xf32, #tpu.memory_space<hbm>> -> memref<1x125x64xf32, #tpu.memory_space<hbm>>
      %dma_start3A_119 = tpu.memref_squeeze %dma_start3A_118 : memref<1x125x64xf32, #tpu.memory_space<hbm>> -> memref<125x64xf32, #tpu.memory_space<hbm>>
      tpu.enqueue_dma source(%dma_start3A_119 : memref<125x64xf32, #tpu.memory_space<hbm>>) target(%arg14 : memref<125x64xf32, #tpu.memory_space<vmem>>) target_semaphore(%run_scoped3A_114 : memref<!tpu.dma_semaphore, #tpu.memory_space<semaphore_mem>>)
      %dma_wait3A = arith.constant 0 : i32
      %dma_wait3A_120 = tpu.memref_slice %arg2[%arg0, %add3A_63, %dma_wait3A] : memref<2x10000x64xf32, #tpu.memory_space<hbm>> -> memref<1x125x64xf32, #tpu.memory_space<hbm>>
      %dma_wait3A_121 = tpu.memref_squeeze %dma_wait3A_120 : memref<1x125x64xf32, #tpu.memory_space<hbm>> -> memref<125x64xf32, #tpu.memory_space<hbm>>
      %dma_wait3A_122 = arith.constant 0 : i32
      %dma_wait3A_123 = tpu.memref_slice %arg2[%arg0, %add3A_63, %dma_wait3A_122] : memref<2x10000x64xf32, #tpu.memory_space<hbm>> -> memref<1x125x64xf32, #tpu.memory_space<hbm>>
      %dma_wait3A_124 = tpu.memref_squeeze %dma_wait3A_123 : memref<1x125x64xf32, #tpu.memory_space<hbm>> -> memref<125x64xf32, #tpu.memory_space<hbm>>
      tpu.wait_dma2 semaphore(%run_scoped3A_114 : memref<!tpu.dma_semaphore, #tpu.memory_space<semaphore_mem>>) src(%dma_wait3A_124 : memref<125x64xf32, #tpu.memory_space<hbm>>) dst(%arg14 : memref<125x64xf32, #tpu.memory_space<vmem>>)
      tpu.yield
    }) : () -> ()
    %scan3A_64 = arith.constant 0 : i32
    %scan3A_65 = arith.constant 0 : i32
    %scan3A_66 = arith.constant 125 : i32
    %scan3A_67 = arith.addi %scan3A_65, %scan3A_66 : i32
    %scan3A_68 = arith.constant 1 : i32
    %scan3A_69 = scf.for %scan3A_114 = %scan3A_65 to %scan3A_67 step %scan3A_68 iter_args(%scan3A_115 = %scan3A_64) -> (i32)  : i32 {
      %get3A = arith.index_cast %scan3A_114 : i32 to index
      %get3A_116 = arith.constant 0 : index
      %get3A_117 = tpu.vector_load %arg11[%get3A, %get3A_116] {strides = array<i32>} : memref<128x64xf32, #tpu.memory_space<vmem>>, vector<1x16xf32>,
      %get3A_118 = vector.shape_cast %get3A_117 : vector<1x16xf32> to vector<16xf32>
      %max3A = arith.constant 1.000000e+00 : f32
      %max3A_119 = vector.broadcast %max3A : f32 to vector<16xf32>
      %max3A_120 = arith.maximumf %get3A_118, %max3A_119 : vector<16xf32>
      %bitcast_convert_type3A = tpu.bitcast %max3A_120 : vector<16xf32> -> vector<16xi32>
      %shift_right_logical3A = arith.constant 1 : i32
      %shift_right_logical3A_121 = vector.broadcast %shift_right_logical3A : i32 to vector<16xi32>
      %shift_right_logical3A_122 = arith.shrui %bitcast_convert_type3A, %shift_right_logical3A_121 : vector<16xi32>
      %sub3A = arith.constant 1597463007 : i32
      %sub3A_123 = vector.broadcast %sub3A : i32 to vector<16xi32>
      %sub3A_124 = arith.subi %sub3A_123, %shift_right_logical3A_122 : vector<16xi32>
      %bitcast_convert_type3A_125 = tpu.bitcast %sub3A_124 : vector<16xi32> -> vector<16xf32>
      %mul3A_126 = arith.constant 5.000000e-01 : f32
      %mul3A_127 = vector.broadcast %mul3A_126 : f32 to vector<16xf32>
      %mul3A_128 = arith.mulf %mul3A_127, %max3A_120 : vector<16xf32>
      %mul3A_129 = arith.mulf %mul3A_128, %bitcast_convert_type3A_125 : vector<16xf32>
      %mul3A_130 = arith.mulf %mul3A_129, %bitcast_convert_type3A_125 : vector<16xf32>
      %sub3A_131 = arith.constant 1.500000e+00 : f32
      %sub3A_132 = vector.broadcast %sub3A_131 : f32 to vector<16xf32>
      %sub3A_133 = arith.subf %sub3A_132, %mul3A_130 : vector<16xf32>
      %mul3A_134 = arith.mulf %bitcast_convert_type3A_125, %sub3A_133 : vector<16xf32>
      %mul3A_135 = arith.constant 5.000000e-01 : f32
      %mul3A_136 = vector.broadcast %mul3A_135 : f32 to vector<16xf32>
      %mul3A_137 = arith.mulf %mul3A_136, %max3A_120 : vector<16xf32>
      %mul3A_138 = arith.mulf %mul3A_137, %mul3A_134 : vector<16xf32>
      %mul3A_139 = arith.mulf %mul3A_138, %mul3A_134 : vector<16xf32>
      %sub3A_140 = arith.constant 1.500000e+00 : f32
      %sub3A_141 = vector.broadcast %sub3A_140 : f32 to vector<16xf32>
      %sub3A_142 = arith.subf %sub3A_141, %mul3A_139 : vector<16xf32>
      %mul3A_143 = arith.mulf %mul3A_134, %sub3A_142 : vector<16xf32>
      %mul3A_144 = arith.constant 5.000000e-01 : f32
      %mul3A_145 = vector.broadcast %mul3A_144 : f32 to vector<16xf32>
      %mul3A_146 = arith.mulf %mul3A_145, %max3A_120 : vector<16xf32>
      %mul3A_147 = arith.mulf %mul3A_146, %mul3A_143 : vector<16xf32>
      %mul3A_148 = arith.mulf %mul3A_147, %mul3A_143 : vector<16xf32>
      %sub3A_149 = arith.constant 1.500000e+00 : f32
      %sub3A_150 = vector.broadcast %sub3A_149 : f32 to vector<16xf32>
      %sub3A_151 = arith.subf %sub3A_150, %mul3A_148 : vector<16xf32>
      %mul3A_152 = arith.mulf %mul3A_143, %sub3A_151 : vector<16xf32>
      %div3A = arith.constant 1.000000e+00 : f32
      %div3A_153 = vector.broadcast %div3A : f32 to vector<16xf32>
      %div3A_154 = arith.divf %div3A_153, %max3A_120 : vector<16xf32>
      %add3A_155 = arith.constant 250 : i32
      %add3A_156 = arith.addi %add3A_155, %scan3A_114 : i32
      %swap3A = arith.index_cast %add3A_156 : i32 to index
      %swap3A_157 = arith.constant 0 : index
      %swap3A_158 = tpu.vector_load %arg15[%swap3A, %swap3A_157] {strides = array<i32>} : memref<625x16xf32, #tpu.memory_space<vmem>>, vector<1x16xf32>,
      %swap3A_159 = vector.shape_cast %swap3A_158 : vector<1x16xf32> to vector<16xf32>
      %swap3A_160 = vector.shape_cast %div3A_154 : vector<16xf32> to vector<1x16xf32>
      tpu.vector_store %arg15[%swap3A, %swap3A_157], %swap3A_160 {strides = array<i32>} : memref<625x16xf32, #tpu.memory_space<vmem>>, vector<1x16xf32>,
      %get3A_161 = arith.index_cast %scan3A_114 : i32 to index
      %get3A_162 = arith.constant 0 : index
      %get3A_163 = tpu.vector_load %arg14[%get3A_161, %get3A_162] {strides = array<i32>} : memref<125x64xf32, #tpu.memory_space<vmem>>, vector<1x16xf32>,
      %get3A_164 = vector.shape_cast %get3A_163 : vector<1x16xf32> to vector<16xf32>
      %mul3A_165 = arith.mulf %get3A_164, %mul3A_152 : vector<16xf32>
      %swap3A_166 = arith.index_cast %scan3A_114 : i32 to index
      %swap3A_167 = arith.constant 0 : index
      %swap3A_168 = tpu.vector_load %arg14[%swap3A_166, %swap3A_167] {strides = array<i32>} : memref<125x64xf32, #tpu.memory_space<vmem>>, vector<1x16xf32>,
      %swap3A_169 = vector.shape_cast %swap3A_168 : vector<1x16xf32> to vector<16xf32>
      %swap3A_170 = vector.shape_cast %mul3A_165 : vector<16xf32> to vector<1x16xf32>
      tpu.vector_store %arg14[%swap3A_166, %swap3A_167], %swap3A_170 {strides = array<i32>} : memref<125x64xf32, #tpu.memory_space<vmem>>, vector<1x16xf32>,
      %swap3A_171 = arith.index_cast %scan3A_114 : i32 to index
      %swap3A_172 = arith.constant 0 : index
      %swap3A_173 = tpu.vector_load %arg11[%swap3A_171, %swap3A_172] {strides = array<i32>} : memref<128x64xf32, #tpu.memory_space<vmem>>, vector<1x16xf32>,
      %swap3A_174 = vector.shape_cast %swap3A_173 : vector<1x16xf32> to vector<16xf32>
      %swap3A_175 = vector.shape_cast %broadcast_in_dim3A_1 : vector<16xf32> to vector<1x16xf32>
      tpu.vector_store %arg11[%swap3A_171, %swap3A_172], %swap3A_175 {strides = array<i32>} : memref<128x64xf32, #tpu.memory_space<vmem>>, vector<1x16xf32>,
      %get3A_176 = arith.index_cast %scan3A_114 : i32 to index
      %get3A_177 = arith.constant 16 : index
      %get3A_178 = tpu.vector_load %arg14[%get3A_176, %get3A_177] {strides = array<i32>} : memref<125x64xf32, #tpu.memory_space<vmem>>, vector<1x16xf32>,
      %get3A_179 = vector.shape_cast %get3A_178 : vector<1x16xf32> to vector<16xf32>
      %mul3A_180 = arith.mulf %get3A_179, %mul3A_152 : vector<16xf32>
      %swap3A_181 = arith.index_cast %scan3A_114 : i32 to index
      %swap3A_182 = arith.constant 16 : index
      %swap3A_183 = tpu.vector_load %arg14[%swap3A_181, %swap3A_182] {strides = array<i32>} : memref<125x64xf32, #tpu.memory_space<vmem>>, vector<1x16xf32>,
      %swap3A_184 = vector.shape_cast %swap3A_183 : vector<1x16xf32> to vector<16xf32>
      %swap3A_185 = vector.shape_cast %mul3A_180 : vector<16xf32> to vector<1x16xf32>
      tpu.vector_store %arg14[%swap3A_181, %swap3A_182], %swap3A_185 {strides = array<i32>} : memref<125x64xf32, #tpu.memory_space<vmem>>, vector<1x16xf32>,
      %swap3A_186 = arith.index_cast %scan3A_114 : i32 to index
      %swap3A_187 = arith.constant 16 : index
      %swap3A_188 = tpu.vector_load %arg11[%swap3A_186, %swap3A_187] {strides = array<i32>} : memref<128x64xf32, #tpu.memory_space<vmem>>, vector<1x16xf32>,
      %swap3A_189 = vector.shape_cast %swap3A_188 : vector<1x16xf32> to vector<16xf32>
      %swap3A_190 = vector.shape_cast %broadcast_in_dim3A_1 : vector<16xf32> to vector<1x16xf32>
      tpu.vector_store %arg11[%swap3A_186, %swap3A_187], %swap3A_190 {strides = array<i32>} : memref<128x64xf32, #tpu.memory_space<vmem>>, vector<1x16xf32>,
      %get3A_191 = arith.index_cast %scan3A_114 : i32 to index
      %get3A_192 = arith.constant 32 : index
      %get3A_193 = tpu.vector_load %arg14[%get3A_191, %get3A_192] {strides = array<i32>} : memref<125x64xf32, #tpu.memory_space<vmem>>, vector<1x16xf32>,
      %get3A_194 = vector.shape_cast %get3A_193 : vector<1x16xf32> to vector<16xf32>
      %mul3A_195 = arith.mulf %get3A_194, %mul3A_152 : vector<16xf32>
      %swap3A_196 = arith.index_cast %scan3A_114 : i32 to index
      %swap3A_197 = arith.constant 32 : index
      %swap3A_198 = tpu.vector_load %arg14[%swap3A_196, %swap3A_197] {strides = array<i32>} : memref<125x64xf32, #tpu.memory_space<vmem>>, vector<1x16xf32>,
      %swap3A_199 = vector.shape_cast %swap3A_198 : vector<1x16xf32> to vector<16xf32>
      %swap3A_200 = vector.shape_cast %mul3A_195 : vector<16xf32> to vector<1x16xf32>
      tpu.vector_store %arg14[%swap3A_196, %swap3A_197], %swap3A_200 {strides = array<i32>} : memref<125x64xf32, #tpu.memory_space<vmem>>, vector<1x16xf32>,
      %swap3A_201 = arith.index_cast %scan3A_114 : i32 to index
      %swap3A_202 = arith.constant 32 : index
      %swap3A_203 = tpu.vector_load %arg11[%swap3A_201, %swap3A_202] {strides = array<i32>} : memref<128x64xf32, #tpu.memory_space<vmem>>, vector<1x16xf32>,
      %swap3A_204 = vector.shape_cast %swap3A_203 : vector<1x16xf32> to vector<16xf32>
      %swap3A_205 = vector.shape_cast %broadcast_in_dim3A_1 : vector<16xf32> to vector<1x16xf32>
      tpu.vector_store %arg11[%swap3A_201, %swap3A_202], %swap3A_205 {strides = array<i32>} : memref<128x64xf32, #tpu.memory_space<vmem>>, vector<1x16xf32>,
      %get3A_206 = arith.index_cast %scan3A_114 : i32 to index
      %get3A_207 = arith.constant 48 : index
      %get3A_208 = tpu.vector_load %arg14[%get3A_206, %get3A_207] {strides = array<i32>} : memref<125x64xf32, #tpu.memory_space<vmem>>, vector<1x16xf32>,
      %get3A_209 = vector.shape_cast %get3A_208 : vector<1x16xf32> to vector<16xf32>
      %mul3A_210 = arith.mulf %get3A_209, %mul3A_152 : vector<16xf32>
      %swap3A_211 = arith.index_cast %scan3A_114 : i32 to index
      %swap3A_212 = arith.constant 48 : index
      %swap3A_213 = tpu.vector_load %arg14[%swap3A_211, %swap3A_212] {strides = array<i32>} : memref<125x64xf32, #tpu.memory_space<vmem>>, vector<1x16xf32>,
      %swap3A_214 = vector.shape_cast %swap3A_213 : vector<1x16xf32> to vector<16xf32>
      %swap3A_215 = vector.shape_cast %mul3A_210 : vector<16xf32> to vector<1x16xf32>
      tpu.vector_store %arg14[%swap3A_211, %swap3A_212], %swap3A_215 {strides = array<i32>} : memref<125x64xf32, #tpu.memory_space<vmem>>, vector<1x16xf32>,
      %swap3A_216 = arith.index_cast %scan3A_114 : i32 to index
      %swap3A_217 = arith.constant 48 : index
      %swap3A_218 = tpu.vector_load %arg11[%swap3A_216, %swap3A_217] {strides = array<i32>} : memref<128x64xf32, #tpu.memory_space<vmem>>, vector<1x16xf32>,
      %swap3A_219 = vector.shape_cast %swap3A_218 : vector<1x16xf32> to vector<16xf32>
      %swap3A_220 = vector.shape_cast %broadcast_in_dim3A_1 : vector<16xf32> to vector<1x16xf32>
      tpu.vector_store %arg11[%swap3A_216, %swap3A_217], %swap3A_220 {strides = array<i32>} : memref<128x64xf32, #tpu.memory_space<vmem>>, vector<1x16xf32>,
      %scan3A_221 = arith.constant 0 : i32
      scf.yield %scan3A_221 : i32
    }
    %scan3A_70 = arith.constant 125 : i32
    "tpu.region"() ({
      %run_scoped3A_114 = tpu.sem_alloc : memref<!tpu.dma_semaphore, #tpu.memory_space<semaphore_mem>>
      %dma_start3A = arith.constant 0 : i32
      %dma_start3A_115 = arith.constant 0 : i32
      %dma_start3A_116 = tpu.memref_slice %arg11[%dma_start3A, %dma_start3A_115] : memref<128x64xf32, #tpu.memory_space<vmem>> -> memref<125x64xf32, #tpu.memory_space<vmem>>
      %dma_start3A_117 = arith.constant 0 : i32
      %dma_start3A_118 = tpu.memref_slice %arg7[%add3A_63, %dma_start3A_117] : memref<10008x64xf32, #tpu.memory_space<vmem_shared>> -> memref<125x64xf32, #tpu.memory_space<vmem_shared>>
      %dma_start3A_119 = arith.constant 0 : i32
      %dma_start3A_120 = tpu.memref_slice %arg7[%add3A_63, %dma_start3A_119] : memref<10008x64xf32, #tpu.memory_space<vmem_shared>> -> memref<125x64xf32, #tpu.memory_space<vmem_shared>>
      %dma_start3A_121 = arith.constant 0 : i32
      %dma_start3A_122 = arith.constant 0 : i32
      %dma_start3A_123 = tpu.memref_slice %arg11[%dma_start3A_121, %dma_start3A_122] : memref<128x64xf32, #tpu.memory_space<vmem>> -> memref<125x64xf32, #tpu.memory_space<vmem>>
      tpu.enqueue_dma source(%dma_start3A_123 : memref<125x64xf32, #tpu.memory_space<vmem>>) target(%dma_start3A_120 : memref<125x64xf32, #tpu.memory_space<vmem_shared>>) target_semaphore(%run_scoped3A_114 : memref<!tpu.dma_semaphore, #tpu.memory_space<semaphore_mem>>)
      %dma_wait3A = arith.constant 0 : i32
      %dma_wait3A_124 = arith.constant 0 : i32
      %dma_wait3A_125 = tpu.memref_slice %arg11[%dma_wait3A, %dma_wait3A_124] : memref<128x64xf32, #tpu.memory_space<vmem>> -> memref<125x64xf32, #tpu.memory_space<vmem>>
      %dma_wait3A_126 = arith.constant 0 : i32
      %dma_wait3A_127 = tpu.memref_slice %arg7[%add3A_63, %dma_wait3A_126] : memref<10008x64xf32, #tpu.memory_space<vmem_shared>> -> memref<125x64xf32, #tpu.memory_space<vmem_shared>>
      %dma_wait3A_128 = arith.constant 0 : i32
      %dma_wait3A_129 = tpu.memref_slice %arg7[%add3A_63, %dma_wait3A_128] : memref<10008x64xf32, #tpu.memory_space<vmem_shared>> -> memref<125x64xf32, #tpu.memory_space<vmem_shared>>
      %dma_wait3A_130 = arith.constant 0 : i32
      %dma_wait3A_131 = arith.constant 0 : i32
      %dma_wait3A_132 = tpu.memref_slice %arg11[%dma_wait3A_130, %dma_wait3A_131] : memref<128x64xf32, #tpu.memory_space<vmem>> -> memref<125x64xf32, #tpu.memory_space<vmem>>
      tpu.wait_dma2 semaphore(%run_scoped3A_114 : memref<!tpu.dma_semaphore, #tpu.memory_space<semaphore_mem>>) src(%dma_wait3A_132 : memref<125x64xf32, #tpu.memory_space<vmem>>) dst(%dma_wait3A_129 : memref<125x64xf32, #tpu.memory_space<vmem_shared>>)
      tpu.yield
    }) : () -> ()
    "tpu.region"() ({
      %run_scoped3A_114 = tpu.sem_alloc : memref<!tpu.dma_semaphore, #tpu.memory_space<semaphore_mem>>
      %dma_start3A = arith.constant 0 : i32
      %dma_start3A_115 = tpu.memref_slice %arg8[%add3A_63, %dma_start3A] : memref<10000x64xf32, #tpu.memory_space<vmem_shared>> -> memref<125x64xf32, #tpu.memory_space<vmem_shared>>
      %dma_start3A_116 = arith.constant 0 : i32
      %dma_start3A_117 = tpu.memref_slice %arg8[%add3A_63, %dma_start3A_116] : memref<10000x64xf32, #tpu.memory_space<vmem_shared>> -> memref<125x64xf32, #tpu.memory_space<vmem_shared>>
      tpu.enqueue_dma source(%arg14 : memref<125x64xf32, #tpu.memory_space<vmem>>) target(%dma_start3A_117 : memref<125x64xf32, #tpu.memory_space<vmem_shared>>) target_semaphore(%run_scoped3A_114 : memref<!tpu.dma_semaphore, #tpu.memory_space<semaphore_mem>>)
      %dma_wait3A = arith.constant 0 : i32
      %dma_wait3A_118 = tpu.memref_slice %arg8[%add3A_63, %dma_wait3A] : memref<10000x64xf32, #tpu.memory_space<vmem_shared>> -> memref<125x64xf32, #tpu.memory_space<vmem_shared>>
      %dma_wait3A_119 = arith.constant 0 : i32
      %dma_wait3A_120 = tpu.memref_slice %arg8[%add3A_63, %dma_wait3A_119] : memref<10000x64xf32, #tpu.memory_space<vmem_shared>> -> memref<125x64xf32, #tpu.memory_space<vmem_shared>>
      tpu.wait_dma2 semaphore(%run_scoped3A_114 : memref<!tpu.dma_semaphore, #tpu.memory_space<semaphore_mem>>) src(%arg14 : memref<125x64xf32, #tpu.memory_space<vmem>>) dst(%dma_wait3A_120 : memref<125x64xf32, #tpu.memory_space<vmem_shared>>)
      tpu.yield
    }) : () -> ()
    %run_scoped3A_71 = arith.constant 0 : i32
    "tpu.region"() ({
      %run_scoped3A_114 = tpu.sem_alloc : memref<!tpu.dma_semaphore, #tpu.memory_space<semaphore_mem>>
      %dma_start3A = arith.constant 0 : i32
      %dma_start3A_115 = tpu.memref_slice %arg5[%run_scoped3A_71, %arg0, %add3A_63, %dma_start3A] : memref<9x2x10000x64xf32, #tpu.memory_space<hbm>> -> memref<1x1x125x64xf32, #tpu.memory_space<hbm>>
      %dma_start3A_116 = tpu.memref_squeeze %dma_start3A_115 : memref<1x1x125x64xf32, #tpu.memory_space<hbm>> -> memref<125x64xf32, #tpu.memory_space<hbm>>
      %dma_start3A_117 = arith.constant 0 : i32
      %dma_start3A_118 = tpu.memref_slice %arg5[%run_scoped3A_71, %arg0, %add3A_63, %dma_start3A_117] : memref<9x2x10000x64xf32, #tpu.memory_space<hbm>> -> memref<1x1x125x64xf32, #tpu.memory_space<hbm>>
      %dma_start3A_119 = tpu.memref_squeeze %dma_start3A_118 : memref<1x1x125x64xf32, #tpu.memory_space<hbm>> -> memref<125x64xf32, #tpu.memory_space<hbm>>
      tpu.enqueue_dma source(%arg14 : memref<125x64xf32, #tpu.memory_space<vmem>>) target(%dma_start3A_119 : memref<125x64xf32, #tpu.memory_space<hbm>>) target_semaphore(%run_scoped3A_114 : memref<!tpu.dma_semaphore, #tpu.memory_space<semaphore_mem>>)
      %dma_wait3A = arith.constant 0 : i32
      %dma_wait3A_120 = tpu.memref_slice %arg5[%run_scoped3A_71, %arg0, %add3A_63, %dma_wait3A] : memref<9x2x10000x64xf32, #tpu.memory_space<hbm>> -> memref<1x1x125x64xf32, #tpu.memory_space<hbm>>
      %dma_wait3A_121 = tpu.memref_squeeze %dma_wait3A_120 : memref<1x1x125x64xf32, #tpu.memory_space<hbm>> -> memref<125x64xf32, #tpu.memory_space<hbm>>
      %dma_wait3A_122 = arith.constant 0 : i32
      %dma_wait3A_123 = tpu.memref_slice %arg5[%run_scoped3A_71, %arg0, %add3A_63, %dma_wait3A_122] : memref<9x2x10000x64xf32, #tpu.memory_space<hbm>> -> memref<1x1x125x64xf32, #tpu.memory_space<hbm>>
      %dma_wait3A_124 = tpu.memref_squeeze %dma_wait3A_123 : memref<1x1x125x64xf32, #tpu.memory_space<hbm>> -> memref<125x64xf32, #tpu.memory_space<hbm>>
      tpu.wait_dma2 semaphore(%run_scoped3A_114 : memref<!tpu.dma_semaphore, #tpu.memory_space<semaphore_mem>>) src(%arg14 : memref<125x64xf32, #tpu.memory_space<vmem>>) dst(%dma_wait3A_124 : memref<125x64xf32, #tpu.memory_space<hbm>>)
      tpu.yield
    }) : () -> ()
    %eq3A_72 = arith.constant 0 : i32
    %eq3A_73 = arith.cmpi eq, %arg0, %eq3A_72 : i32
    %convert_element_type3A_74 = arith.extui %eq3A_73 : i1 to i32
    %cond3A_75 = arith.constant 0 : i32
    %cond3A_76 = arith.cmpi ne, %convert_element_type3A_74, %cond3A_75 : i32
    scf.if %cond3A_76 {
      "tpu.region"() ({
        %run_scoped3A_114 = tpu.sem_alloc : memref<!tpu.dma_semaphore, #tpu.memory_space<semaphore_mem>>
        %dma_start3A = arith.constant 250 : i32
        %dma_start3A_115 = arith.constant 0 : i32
        %dma_start3A_116 = tpu.memref_slice %arg15[%dma_start3A, %dma_start3A_115] : memref<625x16xf32, #tpu.memory_space<vmem>> -> memref<125x16xf32, #tpu.memory_space<vmem>>
        %dma_start3A_117 = arith.constant 0 : i32
        %dma_start3A_118 = tpu.memref_slice %arg6[%add3A_63, %dma_start3A_117] : memref<10000x16xf32, #tpu.memory_space<hbm>> -> memref<125x16xf32, #tpu.memory_space<hbm>>
        %dma_start3A_119 = arith.constant 0 : i32
        %dma_start3A_120 = tpu.memref_slice %arg6[%add3A_63, %dma_start3A_119] : memref<10000x16xf32, #tpu.memory_space<hbm>> -> memref<125x16xf32, #tpu.memory_space<hbm>>
        %dma_start3A_121 = arith.constant 250 : i32
        %dma_start3A_122 = arith.constant 0 : i32
        %dma_start3A_123 = tpu.memref_slice %arg15[%dma_start3A_121, %dma_start3A_122] : memref<625x16xf32, #tpu.memory_space<vmem>> -> memref<125x16xf32, #tpu.memory_space<vmem>>
        tpu.enqueue_dma source(%dma_start3A_123 : memref<125x16xf32, #tpu.memory_space<vmem>>) target(%dma_start3A_120 : memref<125x16xf32, #tpu.memory_space<hbm>>) target_semaphore(%run_scoped3A_114 : memref<!tpu.dma_semaphore, #tpu.memory_space<semaphore_mem>>)
        %dma_wait3A = arith.constant 250 : i32
        %dma_wait3A_124 = arith.constant 0 : i32
        %dma_wait3A_125 = tpu.memref_slice %arg15[%dma_wait3A, %dma_wait3A_124] : memref<625x16xf32, #tpu.memory_space<vmem>> -> memref<125x16xf32, #tpu.memory_space<vmem>>
        %dma_wait3A_126 = arith.constant 0 : i32
        %dma_wait3A_127 = tpu.memref_slice %arg6[%add3A_63, %dma_wait3A_126] : memref<10000x16xf32, #tpu.memory_space<hbm>> -> memref<125x16xf32, #tpu.memory_space<hbm>>
        %dma_wait3A_128 = arith.constant 0 : i32
        %dma_wait3A_129 = tpu.memref_slice %arg6[%add3A_63, %dma_wait3A_128] : memref<10000x16xf32, #tpu.memory_space<hbm>> -> memref<125x16xf32, #tpu.memory_space<hbm>>
        %dma_wait3A_130 = arith.constant 250 : i32
        %dma_wait3A_131 = arith.constant 0 : i32
        %dma_wait3A_132 = tpu.memref_slice %arg15[%dma_wait3A_130, %dma_wait3A_131] : memref<625x16xf32, #tpu.memory_space<vmem>> -> memref<125x16xf32, #tpu.memory_space<vmem>>
        tpu.wait_dma2 semaphore(%run_scoped3A_114 : memref<!tpu.dma_semaphore, #tpu.memory_space<semaphore_mem>>) src(%dma_wait3A_132 : memref<125x16xf32, #tpu.memory_space<vmem>>) dst(%dma_wait3A_129 : memref<125x16xf32, #tpu.memory_space<hbm>>)
        tpu.yield
      }) : () -> ()
    } else {
    }
    %add3A_77 = arith.constant 375 : i32
    %add3A_78 = arith.addi %mul3A_0, %add3A_77 : i32
    "tpu.region"() ({
      %run_scoped3A_114 = tpu.sem_alloc : memref<!tpu.dma_semaphore, #tpu.memory_space<semaphore_mem>>
      %dma_start3A = arith.constant 0 : i32
      %dma_start3A_115 = arith.constant 0 : i32
      %dma_start3A_116 = tpu.memref_slice %arg11[%dma_start3A, %dma_start3A_115] : memref<128x64xf32, #tpu.memory_space<vmem>> -> memref<125x64xf32, #tpu.memory_space<vmem>>
      %dma_start3A_117 = arith.constant 0 : i32
      %dma_start3A_118 = tpu.memref_slice %arg7[%add3A_78, %dma_start3A_117] : memref<10008x64xf32, #tpu.memory_space<vmem_shared>> -> memref<125x64xf32, #tpu.memory_space<vmem_shared>>
      %dma_start3A_119 = arith.constant 0 : i32
      %dma_start3A_120 = arith.constant 0 : i32
      %dma_start3A_121 = tpu.memref_slice %arg11[%dma_start3A_119, %dma_start3A_120] : memref<128x64xf32, #tpu.memory_space<vmem>> -> memref<125x64xf32, #tpu.memory_space<vmem>>
      %dma_start3A_122 = arith.constant 0 : i32
      %dma_start3A_123 = tpu.memref_slice %arg7[%add3A_78, %dma_start3A_122] : memref<10008x64xf32, #tpu.memory_space<vmem_shared>> -> memref<125x64xf32, #tpu.memory_space<vmem_shared>>
      tpu.enqueue_dma source(%dma_start3A_123 : memref<125x64xf32, #tpu.memory_space<vmem_shared>>) target(%dma_start3A_121 : memref<125x64xf32, #tpu.memory_space<vmem>>) target_semaphore(%run_scoped3A_114 : memref<!tpu.dma_semaphore, #tpu.memory_space<semaphore_mem>>)
      %dma_wait3A = arith.constant 0 : i32
      %dma_wait3A_124 = arith.constant 0 : i32
      %dma_wait3A_125 = tpu.memref_slice %arg11[%dma_wait3A, %dma_wait3A_124] : memref<128x64xf32, #tpu.memory_space<vmem>> -> memref<125x64xf32, #tpu.memory_space<vmem>>
      %dma_wait3A_126 = arith.constant 0 : i32
      %dma_wait3A_127 = tpu.memref_slice %arg7[%add3A_78, %dma_wait3A_126] : memref<10008x64xf32, #tpu.memory_space<vmem_shared>> -> memref<125x64xf32, #tpu.memory_space<vmem_shared>>
      %dma_wait3A_128 = arith.constant 0 : i32
      %dma_wait3A_129 = arith.constant 0 : i32
      %dma_wait3A_130 = tpu.memref_slice %arg11[%dma_wait3A_128, %dma_wait3A_129] : memref<128x64xf32, #tpu.memory_space<vmem>> -> memref<125x64xf32, #tpu.memory_space<vmem>>
      %dma_wait3A_131 = arith.constant 0 : i32
      %dma_wait3A_132 = tpu.memref_slice %arg7[%add3A_78, %dma_wait3A_131] : memref<10008x64xf32, #tpu.memory_space<vmem_shared>> -> memref<125x64xf32, #tpu.memory_space<vmem_shared>>
      tpu.wait_dma2 semaphore(%run_scoped3A_114 : memref<!tpu.dma_semaphore, #tpu.memory_space<semaphore_mem>>) src(%dma_wait3A_132 : memref<125x64xf32, #tpu.memory_space<vmem_shared>>) dst(%dma_wait3A_130 : memref<125x64xf32, #tpu.memory_space<vmem>>)
      tpu.yield
    }) : () -> ()
    "tpu.region"() ({
      %run_scoped3A_114 = tpu.sem_alloc : memref<!tpu.dma_semaphore, #tpu.memory_space<semaphore_mem>>
      %dma_start3A = arith.constant 0 : i32
      %dma_start3A_115 = tpu.memref_slice %arg2[%arg0, %add3A_78, %dma_start3A] : memref<2x10000x64xf32, #tpu.memory_space<hbm>> -> memref<1x125x64xf32, #tpu.memory_space<hbm>>
      %dma_start3A_116 = tpu.memref_squeeze %dma_start3A_115 : memref<1x125x64xf32, #tpu.memory_space<hbm>> -> memref<125x64xf32, #tpu.memory_space<hbm>>
      %dma_start3A_117 = arith.constant 0 : i32
      %dma_start3A_118 = tpu.memref_slice %arg2[%arg0, %add3A_78, %dma_start3A_117] : memref<2x10000x64xf32, #tpu.memory_space<hbm>> -> memref<1x125x64xf32, #tpu.memory_space<hbm>>
      %dma_start3A_119 = tpu.memref_squeeze %dma_start3A_118 : memref<1x125x64xf32, #tpu.memory_space<hbm>> -> memref<125x64xf32, #tpu.memory_space<hbm>>
      tpu.enqueue_dma source(%dma_start3A_119 : memref<125x64xf32, #tpu.memory_space<hbm>>) target(%arg14 : memref<125x64xf32, #tpu.memory_space<vmem>>) target_semaphore(%run_scoped3A_114 : memref<!tpu.dma_semaphore, #tpu.memory_space<semaphore_mem>>)
      %dma_wait3A = arith.constant 0 : i32
      %dma_wait3A_120 = tpu.memref_slice %arg2[%arg0, %add3A_78, %dma_wait3A] : memref<2x10000x64xf32, #tpu.memory_space<hbm>> -> memref<1x125x64xf32, #tpu.memory_space<hbm>>
      %dma_wait3A_121 = tpu.memref_squeeze %dma_wait3A_120 : memref<1x125x64xf32, #tpu.memory_space<hbm>> -> memref<125x64xf32, #tpu.memory_space<hbm>>
      %dma_wait3A_122 = arith.constant 0 : i32
      %dma_wait3A_123 = tpu.memref_slice %arg2[%arg0, %add3A_78, %dma_wait3A_122] : memref<2x10000x64xf32, #tpu.memory_space<hbm>> -> memref<1x125x64xf32, #tpu.memory_space<hbm>>
      %dma_wait3A_124 = tpu.memref_squeeze %dma_wait3A_123 : memref<1x125x64xf32, #tpu.memory_space<hbm>> -> memref<125x64xf32, #tpu.memory_space<hbm>>
      tpu.wait_dma2 semaphore(%run_scoped3A_114 : memref<!tpu.dma_semaphore, #tpu.memory_space<semaphore_mem>>) src(%dma_wait3A_124 : memref<125x64xf32, #tpu.memory_space<hbm>>) dst(%arg14 : memref<125x64xf32, #tpu.memory_space<vmem>>)
      tpu.yield
    }) : () -> ()
    %scan3A_79 = arith.constant 0 : i32
    %scan3A_80 = arith.constant 0 : i32
    %scan3A_81 = arith.constant 125 : i32
    %scan3A_82 = arith.addi %scan3A_80, %scan3A_81 : i32
    %scan3A_83 = arith.constant 1 : i32
    %scan3A_84 = scf.for %scan3A_114 = %scan3A_80 to %scan3A_82 step %scan3A_83 iter_args(%scan3A_115 = %scan3A_79) -> (i32)  : i32 {
      %get3A = arith.index_cast %scan3A_114 : i32 to index
      %get3A_116 = arith.constant 0 : index
      %get3A_117 = tpu.vector_load %arg11[%get3A, %get3A_116] {strides = array<i32>} : memref<128x64xf32, #tpu.memory_space<vmem>>, vector<1x16xf32>,
      %get3A_118 = vector.shape_cast %get3A_117 : vector<1x16xf32> to vector<16xf32>
      %max3A = arith.constant 1.000000e+00 : f32
      %max3A_119 = vector.broadcast %max3A : f32 to vector<16xf32>
      %max3A_120 = arith.maximumf %get3A_118, %max3A_119 : vector<16xf32>
      %bitcast_convert_type3A = tpu.bitcast %max3A_120 : vector<16xf32> -> vector<16xi32>
      %shift_right_logical3A = arith.constant 1 : i32
      %shift_right_logical3A_121 = vector.broadcast %shift_right_logical3A : i32 to vector<16xi32>
      %shift_right_logical3A_122 = arith.shrui %bitcast_convert_type3A, %shift_right_logical3A_121 : vector<16xi32>
      %sub3A = arith.constant 1597463007 : i32
      %sub3A_123 = vector.broadcast %sub3A : i32 to vector<16xi32>
      %sub3A_124 = arith.subi %sub3A_123, %shift_right_logical3A_122 : vector<16xi32>
      %bitcast_convert_type3A_125 = tpu.bitcast %sub3A_124 : vector<16xi32> -> vector<16xf32>
      %mul3A_126 = arith.constant 5.000000e-01 : f32
      %mul3A_127 = vector.broadcast %mul3A_126 : f32 to vector<16xf32>
      %mul3A_128 = arith.mulf %mul3A_127, %max3A_120 : vector<16xf32>
      %mul3A_129 = arith.mulf %mul3A_128, %bitcast_convert_type3A_125 : vector<16xf32>
      %mul3A_130 = arith.mulf %mul3A_129, %bitcast_convert_type3A_125 : vector<16xf32>
      %sub3A_131 = arith.constant 1.500000e+00 : f32
      %sub3A_132 = vector.broadcast %sub3A_131 : f32 to vector<16xf32>
      %sub3A_133 = arith.subf %sub3A_132, %mul3A_130 : vector<16xf32>
      %mul3A_134 = arith.mulf %bitcast_convert_type3A_125, %sub3A_133 : vector<16xf32>
      %mul3A_135 = arith.constant 5.000000e-01 : f32
      %mul3A_136 = vector.broadcast %mul3A_135 : f32 to vector<16xf32>
      %mul3A_137 = arith.mulf %mul3A_136, %max3A_120 : vector<16xf32>
      %mul3A_138 = arith.mulf %mul3A_137, %mul3A_134 : vector<16xf32>
      %mul3A_139 = arith.mulf %mul3A_138, %mul3A_134 : vector<16xf32>
      %sub3A_140 = arith.constant 1.500000e+00 : f32
      %sub3A_141 = vector.broadcast %sub3A_140 : f32 to vector<16xf32>
      %sub3A_142 = arith.subf %sub3A_141, %mul3A_139 : vector<16xf32>
      %mul3A_143 = arith.mulf %mul3A_134, %sub3A_142 : vector<16xf32>
      %mul3A_144 = arith.constant 5.000000e-01 : f32
      %mul3A_145 = vector.broadcast %mul3A_144 : f32 to vector<16xf32>
      %mul3A_146 = arith.mulf %mul3A_145, %max3A_120 : vector<16xf32>
      %mul3A_147 = arith.mulf %mul3A_146, %mul3A_143 : vector<16xf32>
      %mul3A_148 = arith.mulf %mul3A_147, %mul3A_143 : vector<16xf32>
      %sub3A_149 = arith.constant 1.500000e+00 : f32
      %sub3A_150 = vector.broadcast %sub3A_149 : f32 to vector<16xf32>
      %sub3A_151 = arith.subf %sub3A_150, %mul3A_148 : vector<16xf32>
      %mul3A_152 = arith.mulf %mul3A_143, %sub3A_151 : vector<16xf32>
      %div3A = arith.constant 1.000000e+00 : f32
      %div3A_153 = vector.broadcast %div3A : f32 to vector<16xf32>
      %div3A_154 = arith.divf %div3A_153, %max3A_120 : vector<16xf32>
      %add3A_155 = arith.constant 375 : i32
      %add3A_156 = arith.addi %add3A_155, %scan3A_114 : i32
      %swap3A = arith.index_cast %add3A_156 : i32 to index
      %swap3A_157 = arith.constant 0 : index
      %swap3A_158 = tpu.vector_load %arg15[%swap3A, %swap3A_157] {strides = array<i32>} : memref<625x16xf32, #tpu.memory_space<vmem>>, vector<1x16xf32>,
      %swap3A_159 = vector.shape_cast %swap3A_158 : vector<1x16xf32> to vector<16xf32>
      %swap3A_160 = vector.shape_cast %div3A_154 : vector<16xf32> to vector<1x16xf32>
      tpu.vector_store %arg15[%swap3A, %swap3A_157], %swap3A_160 {strides = array<i32>} : memref<625x16xf32, #tpu.memory_space<vmem>>, vector<1x16xf32>,
      %get3A_161 = arith.index_cast %scan3A_114 : i32 to index
      %get3A_162 = arith.constant 0 : index
      %get3A_163 = tpu.vector_load %arg14[%get3A_161, %get3A_162] {strides = array<i32>} : memref<125x64xf32, #tpu.memory_space<vmem>>, vector<1x16xf32>,
      %get3A_164 = vector.shape_cast %get3A_163 : vector<1x16xf32> to vector<16xf32>
      %mul3A_165 = arith.mulf %get3A_164, %mul3A_152 : vector<16xf32>
      %swap3A_166 = arith.index_cast %scan3A_114 : i32 to index
      %swap3A_167 = arith.constant 0 : index
      %swap3A_168 = tpu.vector_load %arg14[%swap3A_166, %swap3A_167] {strides = array<i32>} : memref<125x64xf32, #tpu.memory_space<vmem>>, vector<1x16xf32>,
      %swap3A_169 = vector.shape_cast %swap3A_168 : vector<1x16xf32> to vector<16xf32>
      %swap3A_170 = vector.shape_cast %mul3A_165 : vector<16xf32> to vector<1x16xf32>
      tpu.vector_store %arg14[%swap3A_166, %swap3A_167], %swap3A_170 {strides = array<i32>} : memref<125x64xf32, #tpu.memory_space<vmem>>, vector<1x16xf32>,
      %swap3A_171 = arith.index_cast %scan3A_114 : i32 to index
      %swap3A_172 = arith.constant 0 : index
      %swap3A_173 = tpu.vector_load %arg11[%swap3A_171, %swap3A_172] {strides = array<i32>} : memref<128x64xf32, #tpu.memory_space<vmem>>, vector<1x16xf32>,
      %swap3A_174 = vector.shape_cast %swap3A_173 : vector<1x16xf32> to vector<16xf32>
      %swap3A_175 = vector.shape_cast %broadcast_in_dim3A_1 : vector<16xf32> to vector<1x16xf32>
      tpu.vector_store %arg11[%swap3A_171, %swap3A_172], %swap3A_175 {strides = array<i32>} : memref<128x64xf32, #tpu.memory_space<vmem>>, vector<1x16xf32>,
      %get3A_176 = arith.index_cast %scan3A_114 : i32 to index
      %get3A_177 = arith.constant 16 : index
      %get3A_178 = tpu.vector_load %arg14[%get3A_176, %get3A_177] {strides = array<i32>} : memref<125x64xf32, #tpu.memory_space<vmem>>, vector<1x16xf32>,
      %get3A_179 = vector.shape_cast %get3A_178 : vector<1x16xf32> to vector<16xf32>
      %mul3A_180 = arith.mulf %get3A_179, %mul3A_152 : vector<16xf32>
      %swap3A_181 = arith.index_cast %scan3A_114 : i32 to index
      %swap3A_182 = arith.constant 16 : index
      %swap3A_183 = tpu.vector_load %arg14[%swap3A_181, %swap3A_182] {strides = array<i32>} : memref<125x64xf32, #tpu.memory_space<vmem>>, vector<1x16xf32>,
      %swap3A_184 = vector.shape_cast %swap3A_183 : vector<1x16xf32> to vector<16xf32>
      %swap3A_185 = vector.shape_cast %mul3A_180 : vector<16xf32> to vector<1x16xf32>
      tpu.vector_store %arg14[%swap3A_181, %swap3A_182], %swap3A_185 {strides = array<i32>} : memref<125x64xf32, #tpu.memory_space<vmem>>, vector<1x16xf32>,
      %swap3A_186 = arith.index_cast %scan3A_114 : i32 to index
      %swap3A_187 = arith.constant 16 : index
      %swap3A_188 = tpu.vector_load %arg11[%swap3A_186, %swap3A_187] {strides = array<i32>} : memref<128x64xf32, #tpu.memory_space<vmem>>, vector<1x16xf32>,
      %swap3A_189 = vector.shape_cast %swap3A_188 : vector<1x16xf32> to vector<16xf32>
      %swap3A_190 = vector.shape_cast %broadcast_in_dim3A_1 : vector<16xf32> to vector<1x16xf32>
      tpu.vector_store %arg11[%swap3A_186, %swap3A_187], %swap3A_190 {strides = array<i32>} : memref<128x64xf32, #tpu.memory_space<vmem>>, vector<1x16xf32>,
      %get3A_191 = arith.index_cast %scan3A_114 : i32 to index
      %get3A_192 = arith.constant 32 : index
      %get3A_193 = tpu.vector_load %arg14[%get3A_191, %get3A_192] {strides = array<i32>} : memref<125x64xf32, #tpu.memory_space<vmem>>, vector<1x16xf32>,
      %get3A_194 = vector.shape_cast %get3A_193 : vector<1x16xf32> to vector<16xf32>
      %mul3A_195 = arith.mulf %get3A_194, %mul3A_152 : vector<16xf32>
      %swap3A_196 = arith.index_cast %scan3A_114 : i32 to index
      %swap3A_197 = arith.constant 32 : index
      %swap3A_198 = tpu.vector_load %arg14[%swap3A_196, %swap3A_197] {strides = array<i32>} : memref<125x64xf32, #tpu.memory_space<vmem>>, vector<1x16xf32>,
      %swap3A_199 = vector.shape_cast %swap3A_198 : vector<1x16xf32> to vector<16xf32>
      %swap3A_200 = vector.shape_cast %mul3A_195 : vector<16xf32> to vector<1x16xf32>
      tpu.vector_store %arg14[%swap3A_196, %swap3A_197], %swap3A_200 {strides = array<i32>} : memref<125x64xf32, #tpu.memory_space<vmem>>, vector<1x16xf32>,
      %swap3A_201 = arith.index_cast %scan3A_114 : i32 to index
      %swap3A_202 = arith.constant 32 : index
      %swap3A_203 = tpu.vector_load %arg11[%swap3A_201, %swap3A_202] {strides = array<i32>} : memref<128x64xf32, #tpu.memory_space<vmem>>, vector<1x16xf32>,
      %swap3A_204 = vector.shape_cast %swap3A_203 : vector<1x16xf32> to vector<16xf32>
      %swap3A_205 = vector.shape_cast %broadcast_in_dim3A_1 : vector<16xf32> to vector<1x16xf32>
      tpu.vector_store %arg11[%swap3A_201, %swap3A_202], %swap3A_205 {strides = array<i32>} : memref<128x64xf32, #tpu.memory_space<vmem>>, vector<1x16xf32>,
      %get3A_206 = arith.index_cast %scan3A_114 : i32 to index
      %get3A_207 = arith.constant 48 : index
      %get3A_208 = tpu.vector_load %arg14[%get3A_206, %get3A_207] {strides = array<i32>} : memref<125x64xf32, #tpu.memory_space<vmem>>, vector<1x16xf32>,
      %get3A_209 = vector.shape_cast %get3A_208 : vector<1x16xf32> to vector<16xf32>
      %mul3A_210 = arith.mulf %get3A_209, %mul3A_152 : vector<16xf32>
      %swap3A_211 = arith.index_cast %scan3A_114 : i32 to index
      %swap3A_212 = arith.constant 48 : index
      %swap3A_213 = tpu.vector_load %arg14[%swap3A_211, %swap3A_212] {strides = array<i32>} : memref<125x64xf32, #tpu.memory_space<vmem>>, vector<1x16xf32>,
      %swap3A_214 = vector.shape_cast %swap3A_213 : vector<1x16xf32> to vector<16xf32>
      %swap3A_215 = vector.shape_cast %mul3A_210 : vector<16xf32> to vector<1x16xf32>
      tpu.vector_store %arg14[%swap3A_211, %swap3A_212], %swap3A_215 {strides = array<i32>} : memref<125x64xf32, #tpu.memory_space<vmem>>, vector<1x16xf32>,
      %swap3A_216 = arith.index_cast %scan3A_114 : i32 to index
      %swap3A_217 = arith.constant 48 : index
      %swap3A_218 = tpu.vector_load %arg11[%swap3A_216, %swap3A_217] {strides = array<i32>} : memref<128x64xf32, #tpu.memory_space<vmem>>, vector<1x16xf32>,
      %swap3A_219 = vector.shape_cast %swap3A_218 : vector<1x16xf32> to vector<16xf32>
      %swap3A_220 = vector.shape_cast %broadcast_in_dim3A_1 : vector<16xf32> to vector<1x16xf32>
      tpu.vector_store %arg11[%swap3A_216, %swap3A_217], %swap3A_220 {strides = array<i32>} : memref<128x64xf32, #tpu.memory_space<vmem>>, vector<1x16xf32>,
      %scan3A_221 = arith.constant 0 : i32
      scf.yield %scan3A_221 : i32
    }
    %scan3A_85 = arith.constant 125 : i32
    "tpu.region"() ({
      %run_scoped3A_114 = tpu.sem_alloc : memref<!tpu.dma_semaphore, #tpu.memory_space<semaphore_mem>>
      %dma_start3A = arith.constant 0 : i32
      %dma_start3A_115 = arith.constant 0 : i32
      %dma_start3A_116 = tpu.memref_slice %arg11[%dma_start3A, %dma_start3A_115] : memref<128x64xf32, #tpu.memory_space<vmem>> -> memref<125x64xf32, #tpu.memory_space<vmem>>
      %dma_start3A_117 = arith.constant 0 : i32
      %dma_start3A_118 = tpu.memref_slice %arg7[%add3A_78, %dma_start3A_117] : memref<10008x64xf32, #tpu.memory_space<vmem_shared>> -> memref<125x64xf32, #tpu.memory_space<vmem_shared>>
      %dma_start3A_119 = arith.constant 0 : i32
      %dma_start3A_120 = tpu.memref_slice %arg7[%add3A_78, %dma_start3A_119] : memref<10008x64xf32, #tpu.memory_space<vmem_shared>> -> memref<125x64xf32, #tpu.memory_space<vmem_shared>>
      %dma_start3A_121 = arith.constant 0 : i32
      %dma_start3A_122 = arith.constant 0 : i32
      %dma_start3A_123 = tpu.memref_slice %arg11[%dma_start3A_121, %dma_start3A_122] : memref<128x64xf32, #tpu.memory_space<vmem>> -> memref<125x64xf32, #tpu.memory_space<vmem>>
      tpu.enqueue_dma source(%dma_start3A_123 : memref<125x64xf32, #tpu.memory_space<vmem>>) target(%dma_start3A_120 : memref<125x64xf32, #tpu.memory_space<vmem_shared>>) target_semaphore(%run_scoped3A_114 : memref<!tpu.dma_semaphore, #tpu.memory_space<semaphore_mem>>)
      %dma_wait3A = arith.constant 0 : i32
      %dma_wait3A_124 = arith.constant 0 : i32
      %dma_wait3A_125 = tpu.memref_slice %arg11[%dma_wait3A, %dma_wait3A_124] : memref<128x64xf32, #tpu.memory_space<vmem>> -> memref<125x64xf32, #tpu.memory_space<vmem>>
      %dma_wait3A_126 = arith.constant 0 : i32
      %dma_wait3A_127 = tpu.memref_slice %arg7[%add3A_78, %dma_wait3A_126] : memref<10008x64xf32, #tpu.memory_space<vmem_shared>> -> memref<125x64xf32, #tpu.memory_space<vmem_shared>>
      %dma_wait3A_128 = arith.constant 0 : i32
      %dma_wait3A_129 = tpu.memref_slice %arg7[%add3A_78, %dma_wait3A_128] : memref<10008x64xf32, #tpu.memory_space<vmem_shared>> -> memref<125x64xf32, #tpu.memory_space<vmem_shared>>
      %dma_wait3A_130 = arith.constant 0 : i32
      %dma_wait3A_131 = arith.constant 0 : i32
      %dma_wait3A_132 = tpu.memref_slice %arg11[%dma_wait3A_130, %dma_wait3A_131] : memref<128x64xf32, #tpu.memory_space<vmem>> -> memref<125x64xf32, #tpu.memory_space<vmem>>
      tpu.wait_dma2 semaphore(%run_scoped3A_114 : memref<!tpu.dma_semaphore, #tpu.memory_space<semaphore_mem>>) src(%dma_wait3A_132 : memref<125x64xf32, #tpu.memory_space<vmem>>) dst(%dma_wait3A_129 : memref<125x64xf32, #tpu.memory_space<vmem_shared>>)
      tpu.yield
    }) : () -> ()
    "tpu.region"() ({
      %run_scoped3A_114 = tpu.sem_alloc : memref<!tpu.dma_semaphore, #tpu.memory_space<semaphore_mem>>
      %dma_start3A = arith.constant 0 : i32
      %dma_start3A_115 = tpu.memref_slice %arg8[%add3A_78, %dma_start3A] : memref<10000x64xf32, #tpu.memory_space<vmem_shared>> -> memref<125x64xf32, #tpu.memory_space<vmem_shared>>
      %dma_start3A_116 = arith.constant 0 : i32
      %dma_start3A_117 = tpu.memref_slice %arg8[%add3A_78, %dma_start3A_116] : memref<10000x64xf32, #tpu.memory_space<vmem_shared>> -> memref<125x64xf32, #tpu.memory_space<vmem_shared>>
      tpu.enqueue_dma source(%arg14 : memref<125x64xf32, #tpu.memory_space<vmem>>) target(%dma_start3A_117 : memref<125x64xf32, #tpu.memory_space<vmem_shared>>) target_semaphore(%run_scoped3A_114 : memref<!tpu.dma_semaphore, #tpu.memory_space<semaphore_mem>>)
      %dma_wait3A = arith.constant 0 : i32
      %dma_wait3A_118 = tpu.memref_slice %arg8[%add3A_78, %dma_wait3A] : memref<10000x64xf32, #tpu.memory_space<vmem_shared>> -> memref<125x64xf32, #tpu.memory_space<vmem_shared>>
      %dma_wait3A_119 = arith.constant 0 : i32
      %dma_wait3A_120 = tpu.memref_slice %arg8[%add3A_78, %dma_wait3A_119] : memref<10000x64xf32, #tpu.memory_space<vmem_shared>> -> memref<125x64xf32, #tpu.memory_space<vmem_shared>>
      tpu.wait_dma2 semaphore(%run_scoped3A_114 : memref<!tpu.dma_semaphore, #tpu.memory_space<semaphore_mem>>) src(%arg14 : memref<125x64xf32, #tpu.memory_space<vmem>>) dst(%dma_wait3A_120 : memref<125x64xf32, #tpu.memory_space<vmem_shared>>)
      tpu.yield
    }) : () -> ()
    %run_scoped3A_86 = arith.constant 0 : i32
    "tpu.region"() ({
      %run_scoped3A_114 = tpu.sem_alloc : memref<!tpu.dma_semaphore, #tpu.memory_space<semaphore_mem>>
      %dma_start3A = arith.constant 0 : i32
      %dma_start3A_115 = tpu.memref_slice %arg5[%run_scoped3A_86, %arg0, %add3A_78, %dma_start3A] : memref<9x2x10000x64xf32, #tpu.memory_space<hbm>> -> memref<1x1x125x64xf32, #tpu.memory_space<hbm>>
      %dma_start3A_116 = tpu.memref_squeeze %dma_start3A_115 : memref<1x1x125x64xf32, #tpu.memory_space<hbm>> -> memref<125x64xf32, #tpu.memory_space<hbm>>
      %dma_start3A_117 = arith.constant 0 : i32
      %dma_start3A_118 = tpu.memref_slice %arg5[%run_scoped3A_86, %arg0, %add3A_78, %dma_start3A_117] : memref<9x2x10000x64xf32, #tpu.memory_space<hbm>> -> memref<1x1x125x64xf32, #tpu.memory_space<hbm>>
      %dma_start3A_119 = tpu.memref_squeeze %dma_start3A_118 : memref<1x1x125x64xf32, #tpu.memory_space<hbm>> -> memref<125x64xf32, #tpu.memory_space<hbm>>
      tpu.enqueue_dma source(%arg14 : memref<125x64xf32, #tpu.memory_space<vmem>>) target(%dma_start3A_119 : memref<125x64xf32, #tpu.memory_space<hbm>>) target_semaphore(%run_scoped3A_114 : memref<!tpu.dma_semaphore, #tpu.memory_space<semaphore_mem>>)
      %dma_wait3A = arith.constant 0 : i32
      %dma_wait3A_120 = tpu.memref_slice %arg5[%run_scoped3A_86, %arg0, %add3A_78, %dma_wait3A] : memref<9x2x10000x64xf32, #tpu.memory_space<hbm>> -> memref<1x1x125x64xf32, #tpu.memory_space<hbm>>
      %dma_wait3A_121 = tpu.memref_squeeze %dma_wait3A_120 : memref<1x1x125x64xf32, #tpu.memory_space<hbm>> -> memref<125x64xf32, #tpu.memory_space<hbm>>
      %dma_wait3A_122 = arith.constant 0 : i32
      %dma_wait3A_123 = tpu.memref_slice %arg5[%run_scoped3A_86, %arg0, %add3A_78, %dma_wait3A_122] : memref<9x2x10000x64xf32, #tpu.memory_space<hbm>> -> memref<1x1x125x64xf32, #tpu.memory_space<hbm>>
      %dma_wait3A_124 = tpu.memref_squeeze %dma_wait3A_123 : memref<1x1x125x64xf32, #tpu.memory_space<hbm>> -> memref<125x64xf32, #tpu.memory_space<hbm>>
      tpu.wait_dma2 semaphore(%run_scoped3A_114 : memref<!tpu.dma_semaphore, #tpu.memory_space<semaphore_mem>>) src(%arg14 : memref<125x64xf32, #tpu.memory_space<vmem>>) dst(%dma_wait3A_124 : memref<125x64xf32, #tpu.memory_space<hbm>>)
      tpu.yield
    }) : () -> ()
    %eq3A_87 = arith.constant 0 : i32
    %eq3A_88 = arith.cmpi eq, %arg0, %eq3A_87 : i32
    %convert_element_type3A_89 = arith.extui %eq3A_88 : i1 to i32
    %cond3A_90 = arith.constant 0 : i32
    %cond3A_91 = arith.cmpi ne, %convert_element_type3A_89, %cond3A_90 : i32
    scf.if %cond3A_91 {
      "tpu.region"() ({
        %run_scoped3A_114 = tpu.sem_alloc : memref<!tpu.dma_semaphore, #tpu.memory_space<semaphore_mem>>
        %dma_start3A = arith.constant 375 : i32
        %dma_start3A_115 = arith.constant 0 : i32
        %dma_start3A_116 = tpu.memref_slice %arg15[%dma_start3A, %dma_start3A_115] : memref<625x16xf32, #tpu.memory_space<vmem>> -> memref<125x16xf32, #tpu.memory_space<vmem>>
        %dma_start3A_117 = arith.constant 0 : i32
        %dma_start3A_118 = tpu.memref_slice %arg6[%add3A_78, %dma_start3A_117] : memref<10000x16xf32, #tpu.memory_space<hbm>> -> memref<125x16xf32, #tpu.memory_space<hbm>>
        %dma_start3A_119 = arith.constant 0 : i32
        %dma_start3A_120 = tpu.memref_slice %arg6[%add3A_78, %dma_start3A_119] : memref<10000x16xf32, #tpu.memory_space<hbm>> -> memref<125x16xf32, #tpu.memory_space<hbm>>
        %dma_start3A_121 = arith.constant 375 : i32
        %dma_start3A_122 = arith.constant 0 : i32
        %dma_start3A_123 = tpu.memref_slice %arg15[%dma_start3A_121, %dma_start3A_122] : memref<625x16xf32, #tpu.memory_space<vmem>> -> memref<125x16xf32, #tpu.memory_space<vmem>>
        tpu.enqueue_dma source(%dma_start3A_123 : memref<125x16xf32, #tpu.memory_space<vmem>>) target(%dma_start3A_120 : memref<125x16xf32, #tpu.memory_space<hbm>>) target_semaphore(%run_scoped3A_114 : memref<!tpu.dma_semaphore, #tpu.memory_space<semaphore_mem>>)
        %dma_wait3A = arith.constant 375 : i32
        %dma_wait3A_124 = arith.constant 0 : i32
        %dma_wait3A_125 = tpu.memref_slice %arg15[%dma_wait3A, %dma_wait3A_124] : memref<625x16xf32, #tpu.memory_space<vmem>> -> memref<125x16xf32, #tpu.memory_space<vmem>>
        %dma_wait3A_126 = arith.constant 0 : i32
        %dma_wait3A_127 = tpu.memref_slice %arg6[%add3A_78, %dma_wait3A_126] : memref<10000x16xf32, #tpu.memory_space<hbm>> -> memref<125x16xf32, #tpu.memory_space<hbm>>
        %dma_wait3A_128 = arith.constant 0 : i32
        %dma_wait3A_129 = tpu.memref_slice %arg6[%add3A_78, %dma_wait3A_128] : memref<10000x16xf32, #tpu.memory_space<hbm>> -> memref<125x16xf32, #tpu.memory_space<hbm>>
        %dma_wait3A_130 = arith.constant 375 : i32
        %dma_wait3A_131 = arith.constant 0 : i32
        %dma_wait3A_132 = tpu.memref_slice %arg15[%dma_wait3A_130, %dma_wait3A_131] : memref<625x16xf32, #tpu.memory_space<vmem>> -> memref<125x16xf32, #tpu.memory_space<vmem>>
        tpu.wait_dma2 semaphore(%run_scoped3A_114 : memref<!tpu.dma_semaphore, #tpu.memory_space<semaphore_mem>>) src(%dma_wait3A_132 : memref<125x16xf32, #tpu.memory_space<vmem>>) dst(%dma_wait3A_129 : memref<125x16xf32, #tpu.memory_space<hbm>>)
        tpu.yield
      }) : () -> ()
    } else {
    }
    %add3A_92 = arith.constant 500 : i32
    %add3A_93 = arith.addi %mul3A_0, %add3A_92 : i32
    "tpu.region"() ({
      %run_scoped3A_114 = tpu.sem_alloc : memref<!tpu.dma_semaphore, #tpu.memory_space<semaphore_mem>>
      %dma_start3A = arith.constant 0 : i32
      %dma_start3A_115 = arith.constant 0 : i32
      %dma_start3A_116 = tpu.memref_slice %arg11[%dma_start3A, %dma_start3A_115] : memref<128x64xf32, #tpu.memory_space<vmem>> -> memref<125x64xf32, #tpu.memory_space<vmem>>
      %dma_start3A_117 = arith.constant 0 : i32
      %dma_start3A_118 = tpu.memref_slice %arg7[%add3A_93, %dma_start3A_117] : memref<10008x64xf32, #tpu.memory_space<vmem_shared>> -> memref<125x64xf32, #tpu.memory_space<vmem_shared>>
      %dma_start3A_119 = arith.constant 0 : i32
      %dma_start3A_120 = arith.constant 0 : i32
      %dma_start3A_121 = tpu.memref_slice %arg11[%dma_start3A_119, %dma_start3A_120] : memref<128x64xf32, #tpu.memory_space<vmem>> -> memref<125x64xf32, #tpu.memory_space<vmem>>
      %dma_start3A_122 = arith.constant 0 : i32
      %dma_start3A_123 = tpu.memref_slice %arg7[%add3A_93, %dma_start3A_122] : memref<10008x64xf32, #tpu.memory_space<vmem_shared>> -> memref<125x64xf32, #tpu.memory_space<vmem_shared>>
      tpu.enqueue_dma source(%dma_start3A_123 : memref<125x64xf32, #tpu.memory_space<vmem_shared>>) target(%dma_start3A_121 : memref<125x64xf32, #tpu.memory_space<vmem>>) target_semaphore(%run_scoped3A_114 : memref<!tpu.dma_semaphore, #tpu.memory_space<semaphore_mem>>)
      %dma_wait3A = arith.constant 0 : i32
      %dma_wait3A_124 = arith.constant 0 : i32
      %dma_wait3A_125 = tpu.memref_slice %arg11[%dma_wait3A, %dma_wait3A_124] : memref<128x64xf32, #tpu.memory_space<vmem>> -> memref<125x64xf32, #tpu.memory_space<vmem>>
      %dma_wait3A_126 = arith.constant 0 : i32
      %dma_wait3A_127 = tpu.memref_slice %arg7[%add3A_93, %dma_wait3A_126] : memref<10008x64xf32, #tpu.memory_space<vmem_shared>> -> memref<125x64xf32, #tpu.memory_space<vmem_shared>>
      %dma_wait3A_128 = arith.constant 0 : i32
      %dma_wait3A_129 = arith.constant 0 : i32
      %dma_wait3A_130 = tpu.memref_slice %arg11[%dma_wait3A_128, %dma_wait3A_129] : memref<128x64xf32, #tpu.memory_space<vmem>> -> memref<125x64xf32, #tpu.memory_space<vmem>>
      %dma_wait3A_131 = arith.constant 0 : i32
      %dma_wait3A_132 = tpu.memref_slice %arg7[%add3A_93, %dma_wait3A_131] : memref<10008x64xf32, #tpu.memory_space<vmem_shared>> -> memref<125x64xf32, #tpu.memory_space<vmem_shared>>
      tpu.wait_dma2 semaphore(%run_scoped3A_114 : memref<!tpu.dma_semaphore, #tpu.memory_space<semaphore_mem>>) src(%dma_wait3A_132 : memref<125x64xf32, #tpu.memory_space<vmem_shared>>) dst(%dma_wait3A_130 : memref<125x64xf32, #tpu.memory_space<vmem>>)
      tpu.yield
    }) : () -> ()
    "tpu.region"() ({
      %run_scoped3A_114 = tpu.sem_alloc : memref<!tpu.dma_semaphore, #tpu.memory_space<semaphore_mem>>
      %dma_start3A = arith.constant 0 : i32
      %dma_start3A_115 = tpu.memref_slice %arg2[%arg0, %add3A_93, %dma_start3A] : memref<2x10000x64xf32, #tpu.memory_space<hbm>> -> memref<1x125x64xf32, #tpu.memory_space<hbm>>
      %dma_start3A_116 = tpu.memref_squeeze %dma_start3A_115 : memref<1x125x64xf32, #tpu.memory_space<hbm>> -> memref<125x64xf32, #tpu.memory_space<hbm>>
      %dma_start3A_117 = arith.constant 0 : i32
      %dma_start3A_118 = tpu.memref_slice %arg2[%arg0, %add3A_93, %dma_start3A_117] : memref<2x10000x64xf32, #tpu.memory_space<hbm>> -> memref<1x125x64xf32, #tpu.memory_space<hbm>>
      %dma_start3A_119 = tpu.memref_squeeze %dma_start3A_118 : memref<1x125x64xf32, #tpu.memory_space<hbm>> -> memref<125x64xf32, #tpu.memory_space<hbm>>
      tpu.enqueue_dma source(%dma_start3A_119 : memref<125x64xf32, #tpu.memory_space<hbm>>) target(%arg14 : memref<125x64xf32, #tpu.memory_space<vmem>>) target_semaphore(%run_scoped3A_114 : memref<!tpu.dma_semaphore, #tpu.memory_space<semaphore_mem>>)
      %dma_wait3A = arith.constant 0 : i32
      %dma_wait3A_120 = tpu.memref_slice %arg2[%arg0, %add3A_93, %dma_wait3A] : memref<2x10000x64xf32, #tpu.memory_space<hbm>> -> memref<1x125x64xf32, #tpu.memory_space<hbm>>
      %dma_wait3A_121 = tpu.memref_squeeze %dma_wait3A_120 : memref<1x125x64xf32, #tpu.memory_space<hbm>> -> memref<125x64xf32, #tpu.memory_space<hbm>>
      %dma_wait3A_122 = arith.constant 0 : i32
      %dma_wait3A_123 = tpu.memref_slice %arg2[%arg0, %add3A_93, %dma_wait3A_122] : memref<2x10000x64xf32, #tpu.memory_space<hbm>> -> memref<1x125x64xf32, #tpu.memory_space<hbm>>
      %dma_wait3A_124 = tpu.memref_squeeze %dma_wait3A_123 : memref<1x125x64xf32, #tpu.memory_space<hbm>> -> memref<125x64xf32, #tpu.memory_space<hbm>>
      tpu.wait_dma2 semaphore(%run_scoped3A_114 : memref<!tpu.dma_semaphore, #tpu.memory_space<semaphore_mem>>) src(%dma_wait3A_124 : memref<125x64xf32, #tpu.memory_space<hbm>>) dst(%arg14 : memref<125x64xf32, #tpu.memory_space<vmem>>)
      tpu.yield
    }) : () -> ()
    %scan3A_94 = arith.constant 0 : i32
    %scan3A_95 = arith.constant 0 : i32
    %scan3A_96 = arith.constant 125 : i32
    %scan3A_97 = arith.addi %scan3A_95, %scan3A_96 : i32
    %scan3A_98 = arith.constant 1 : i32
    %scan3A_99 = scf.for %scan3A_114 = %scan3A_95 to %scan3A_97 step %scan3A_98 iter_args(%scan3A_115 = %scan3A_94) -> (i32)  : i32 {
      %get3A = arith.index_cast %scan3A_114 : i32 to index
      %get3A_116 = arith.constant 0 : index
      %get3A_117 = tpu.vector_load %arg11[%get3A, %get3A_116] {strides = array<i32>} : memref<128x64xf32, #tpu.memory_space<vmem>>, vector<1x16xf32>,
      %get3A_118 = vector.shape_cast %get3A_117 : vector<1x16xf32> to vector<16xf32>
      %max3A = arith.constant 1.000000e+00 : f32
      %max3A_119 = vector.broadcast %max3A : f32 to vector<16xf32>
      %max3A_120 = arith.maximumf %get3A_118, %max3A_119 : vector<16xf32>
      %bitcast_convert_type3A = tpu.bitcast %max3A_120 : vector<16xf32> -> vector<16xi32>
      %shift_right_logical3A = arith.constant 1 : i32
      %shift_right_logical3A_121 = vector.broadcast %shift_right_logical3A : i32 to vector<16xi32>
      %shift_right_logical3A_122 = arith.shrui %bitcast_convert_type3A, %shift_right_logical3A_121 : vector<16xi32>
      %sub3A = arith.constant 1597463007 : i32
      %sub3A_123 = vector.broadcast %sub3A : i32 to vector<16xi32>
      %sub3A_124 = arith.subi %sub3A_123, %shift_right_logical3A_122 : vector<16xi32>
      %bitcast_convert_type3A_125 = tpu.bitcast %sub3A_124 : vector<16xi32> -> vector<16xf32>
      %mul3A_126 = arith.constant 5.000000e-01 : f32
      %mul3A_127 = vector.broadcast %mul3A_126 : f32 to vector<16xf32>
      %mul3A_128 = arith.mulf %mul3A_127, %max3A_120 : vector<16xf32>
      %mul3A_129 = arith.mulf %mul3A_128, %bitcast_convert_type3A_125 : vector<16xf32>
      %mul3A_130 = arith.mulf %mul3A_129, %bitcast_convert_type3A_125 : vector<16xf32>
      %sub3A_131 = arith.constant 1.500000e+00 : f32
      %sub3A_132 = vector.broadcast %sub3A_131 : f32 to vector<16xf32>
      %sub3A_133 = arith.subf %sub3A_132, %mul3A_130 : vector<16xf32>
      %mul3A_134 = arith.mulf %bitcast_convert_type3A_125, %sub3A_133 : vector<16xf32>
      %mul3A_135 = arith.constant 5.000000e-01 : f32
      %mul3A_136 = vector.broadcast %mul3A_135 : f32 to vector<16xf32>
      %mul3A_137 = arith.mulf %mul3A_136, %max3A_120 : vector<16xf32>
      %mul3A_138 = arith.mulf %mul3A_137, %mul3A_134 : vector<16xf32>
      %mul3A_139 = arith.mulf %mul3A_138, %mul3A_134 : vector<16xf32>
      %sub3A_140 = arith.constant 1.500000e+00 : f32
      %sub3A_141 = vector.broadcast %sub3A_140 : f32 to vector<16xf32>
      %sub3A_142 = arith.subf %sub3A_141, %mul3A_139 : vector<16xf32>
      %mul3A_143 = arith.mulf %mul3A_134, %sub3A_142 : vector<16xf32>
      %mul3A_144 = arith.constant 5.000000e-01 : f32
      %mul3A_145 = vector.broadcast %mul3A_144 : f32 to vector<16xf32>
      %mul3A_146 = arith.mulf %mul3A_145, %max3A_120 : vector<16xf32>
      %mul3A_147 = arith.mulf %mul3A_146, %mul3A_143 : vector<16xf32>
      %mul3A_148 = arith.mulf %mul3A_147, %mul3A_143 : vector<16xf32>
      %sub3A_149 = arith.constant 1.500000e+00 : f32
      %sub3A_150 = vector.broadcast %sub3A_149 : f32 to vector<16xf32>
      %sub3A_151 = arith.subf %sub3A_150, %mul3A_148 : vector<16xf32>
      %mul3A_152 = arith.mulf %mul3A_143, %sub3A_151 : vector<16xf32>
      %div3A = arith.constant 1.000000e+00 : f32
      %div3A_153 = vector.broadcast %div3A : f32 to vector<16xf32>
      %div3A_154 = arith.divf %div3A_153, %max3A_120 : vector<16xf32>
      %add3A_155 = arith.constant 500 : i32
      %add3A_156 = arith.addi %add3A_155, %scan3A_114 : i32
      %swap3A = arith.index_cast %add3A_156 : i32 to index
      %swap3A_157 = arith.constant 0 : index
      %swap3A_158 = tpu.vector_load %arg15[%swap3A, %swap3A_157] {strides = array<i32>} : memref<625x16xf32, #tpu.memory_space<vmem>>, vector<1x16xf32>,
      %swap3A_159 = vector.shape_cast %swap3A_158 : vector<1x16xf32> to vector<16xf32>
      %swap3A_160 = vector.shape_cast %div3A_154 : vector<16xf32> to vector<1x16xf32>
      tpu.vector_store %arg15[%swap3A, %swap3A_157], %swap3A_160 {strides = array<i32>} : memref<625x16xf32, #tpu.memory_space<vmem>>, vector<1x16xf32>,
      %get3A_161 = arith.index_cast %scan3A_114 : i32 to index
      %get3A_162 = arith.constant 0 : index
      %get3A_163 = tpu.vector_load %arg14[%get3A_161, %get3A_162] {strides = array<i32>} : memref<125x64xf32, #tpu.memory_space<vmem>>, vector<1x16xf32>,
      %get3A_164 = vector.shape_cast %get3A_163 : vector<1x16xf32> to vector<16xf32>
      %mul3A_165 = arith.mulf %get3A_164, %mul3A_152 : vector<16xf32>
      %swap3A_166 = arith.index_cast %scan3A_114 : i32 to index
      %swap3A_167 = arith.constant 0 : index
      %swap3A_168 = tpu.vector_load %arg14[%swap3A_166, %swap3A_167] {strides = array<i32>} : memref<125x64xf32, #tpu.memory_space<vmem>>, vector<1x16xf32>,
      %swap3A_169 = vector.shape_cast %swap3A_168 : vector<1x16xf32> to vector<16xf32>
      %swap3A_170 = vector.shape_cast %mul3A_165 : vector<16xf32> to vector<1x16xf32>
      tpu.vector_store %arg14[%swap3A_166, %swap3A_167], %swap3A_170 {strides = array<i32>} : memref<125x64xf32, #tpu.memory_space<vmem>>, vector<1x16xf32>,
      %swap3A_171 = arith.index_cast %scan3A_114 : i32 to index
      %swap3A_172 = arith.constant 0 : index
      %swap3A_173 = tpu.vector_load %arg11[%swap3A_171, %swap3A_172] {strides = array<i32>} : memref<128x64xf32, #tpu.memory_space<vmem>>, vector<1x16xf32>,
      %swap3A_174 = vector.shape_cast %swap3A_173 : vector<1x16xf32> to vector<16xf32>
      %swap3A_175 = vector.shape_cast %broadcast_in_dim3A_1 : vector<16xf32> to vector<1x16xf32>
      tpu.vector_store %arg11[%swap3A_171, %swap3A_172], %swap3A_175 {strides = array<i32>} : memref<128x64xf32, #tpu.memory_space<vmem>>, vector<1x16xf32>,
      %get3A_176 = arith.index_cast %scan3A_114 : i32 to index
      %get3A_177 = arith.constant 16 : index
      %get3A_178 = tpu.vector_load %arg14[%get3A_176, %get3A_177] {strides = array<i32>} : memref<125x64xf32, #tpu.memory_space<vmem>>, vector<1x16xf32>,
      %get3A_179 = vector.shape_cast %get3A_178 : vector<1x16xf32> to vector<16xf32>
      %mul3A_180 = arith.mulf %get3A_179, %mul3A_152 : vector<16xf32>
      %swap3A_181 = arith.index_cast %scan3A_114 : i32 to index
      %swap3A_182 = arith.constant 16 : index
      %swap3A_183 = tpu.vector_load %arg14[%swap3A_181, %swap3A_182] {strides = array<i32>} : memref<125x64xf32, #tpu.memory_space<vmem>>, vector<1x16xf32>,
      %swap3A_184 = vector.shape_cast %swap3A_183 : vector<1x16xf32> to vector<16xf32>
      %swap3A_185 = vector.shape_cast %mul3A_180 : vector<16xf32> to vector<1x16xf32>
      tpu.vector_store %arg14[%swap3A_181, %swap3A_182], %swap3A_185 {strides = array<i32>} : memref<125x64xf32, #tpu.memory_space<vmem>>, vector<1x16xf32>,
      %swap3A_186 = arith.index_cast %scan3A_114 : i32 to index
      %swap3A_187 = arith.constant 16 : index
      %swap3A_188 = tpu.vector_load %arg11[%swap3A_186, %swap3A_187] {strides = array<i32>} : memref<128x64xf32, #tpu.memory_space<vmem>>, vector<1x16xf32>,
      %swap3A_189 = vector.shape_cast %swap3A_188 : vector<1x16xf32> to vector<16xf32>
      %swap3A_190 = vector.shape_cast %broadcast_in_dim3A_1 : vector<16xf32> to vector<1x16xf32>
      tpu.vector_store %arg11[%swap3A_186, %swap3A_187], %swap3A_190 {strides = array<i32>} : memref<128x64xf32, #tpu.memory_space<vmem>>, vector<1x16xf32>,
      %get3A_191 = arith.index_cast %scan3A_114 : i32 to index
      %get3A_192 = arith.constant 32 : index
      %get3A_193 = tpu.vector_load %arg14[%get3A_191, %get3A_192] {strides = array<i32>} : memref<125x64xf32, #tpu.memory_space<vmem>>, vector<1x16xf32>,
      %get3A_194 = vector.shape_cast %get3A_193 : vector<1x16xf32> to vector<16xf32>
      %mul3A_195 = arith.mulf %get3A_194, %mul3A_152 : vector<16xf32>
      %swap3A_196 = arith.index_cast %scan3A_114 : i32 to index
      %swap3A_197 = arith.constant 32 : index
      %swap3A_198 = tpu.vector_load %arg14[%swap3A_196, %swap3A_197] {strides = array<i32>} : memref<125x64xf32, #tpu.memory_space<vmem>>, vector<1x16xf32>,
      %swap3A_199 = vector.shape_cast %swap3A_198 : vector<1x16xf32> to vector<16xf32>
      %swap3A_200 = vector.shape_cast %mul3A_195 : vector<16xf32> to vector<1x16xf32>
      tpu.vector_store %arg14[%swap3A_196, %swap3A_197], %swap3A_200 {strides = array<i32>} : memref<125x64xf32, #tpu.memory_space<vmem>>, vector<1x16xf32>,
      %swap3A_201 = arith.index_cast %scan3A_114 : i32 to index
      %swap3A_202 = arith.constant 32 : index
      %swap3A_203 = tpu.vector_load %arg11[%swap3A_201, %swap3A_202] {strides = array<i32>} : memref<128x64xf32, #tpu.memory_space<vmem>>, vector<1x16xf32>,
      %swap3A_204 = vector.shape_cast %swap3A_203 : vector<1x16xf32> to vector<16xf32>
      %swap3A_205 = vector.shape_cast %broadcast_in_dim3A_1 : vector<16xf32> to vector<1x16xf32>
      tpu.vector_store %arg11[%swap3A_201, %swap3A_202], %swap3A_205 {strides = array<i32>} : memref<128x64xf32, #tpu.memory_space<vmem>>, vector<1x16xf32>,
      %get3A_206 = arith.index_cast %scan3A_114 : i32 to index
      %get3A_207 = arith.constant 48 : index
      %get3A_208 = tpu.vector_load %arg14[%get3A_206, %get3A_207] {strides = array<i32>} : memref<125x64xf32, #tpu.memory_space<vmem>>, vector<1x16xf32>,
      %get3A_209 = vector.shape_cast %get3A_208 : vector<1x16xf32> to vector<16xf32>
      %mul3A_210 = arith.mulf %get3A_209, %mul3A_152 : vector<16xf32>
      %swap3A_211 = arith.index_cast %scan3A_114 : i32 to index
      %swap3A_212 = arith.constant 48 : index
      %swap3A_213 = tpu.vector_load %arg14[%swap3A_211, %swap3A_212] {strides = array<i32>} : memref<125x64xf32, #tpu.memory_space<vmem>>, vector<1x16xf32>,
      %swap3A_214 = vector.shape_cast %swap3A_213 : vector<1x16xf32> to vector<16xf32>
      %swap3A_215 = vector.shape_cast %mul3A_210 : vector<16xf32> to vector<1x16xf32>
      tpu.vector_store %arg14[%swap3A_211, %swap3A_212], %swap3A_215 {strides = array<i32>} : memref<125x64xf32, #tpu.memory_space<vmem>>, vector<1x16xf32>,
      %swap3A_216 = arith.index_cast %scan3A_114 : i32 to index
      %swap3A_217 = arith.constant 48 : index
      %swap3A_218 = tpu.vector_load %arg11[%swap3A_216, %swap3A_217] {strides = array<i32>} : memref<128x64xf32, #tpu.memory_space<vmem>>, vector<1x16xf32>,
      %swap3A_219 = vector.shape_cast %swap3A_218 : vector<1x16xf32> to vector<16xf32>
      %swap3A_220 = vector.shape_cast %broadcast_in_dim3A_1 : vector<16xf32> to vector<1x16xf32>
      tpu.vector_store %arg11[%swap3A_216, %swap3A_217], %swap3A_220 {strides = array<i32>} : memref<128x64xf32, #tpu.memory_space<vmem>>, vector<1x16xf32>,
      %scan3A_221 = arith.constant 0 : i32
      scf.yield %scan3A_221 : i32
    }
    %scan3A_100 = arith.constant 125 : i32
    "tpu.region"() ({
      %run_scoped3A_114 = tpu.sem_alloc : memref<!tpu.dma_semaphore, #tpu.memory_space<semaphore_mem>>
      %dma_start3A = arith.constant 0 : i32
      %dma_start3A_115 = arith.constant 0 : i32
      %dma_start3A_116 = tpu.memref_slice %arg11[%dma_start3A, %dma_start3A_115] : memref<128x64xf32, #tpu.memory_space<vmem>> -> memref<125x64xf32, #tpu.memory_space<vmem>>
      %dma_start3A_117 = arith.constant 0 : i32
      %dma_start3A_118 = tpu.memref_slice %arg7[%add3A_93, %dma_start3A_117] : memref<10008x64xf32, #tpu.memory_space<vmem_shared>> -> memref<125x64xf32, #tpu.memory_space<vmem_shared>>
      %dma_start3A_119 = arith.constant 0 : i32
      %dma_start3A_120 = tpu.memref_slice %arg7[%add3A_93, %dma_start3A_119] : memref<10008x64xf32, #tpu.memory_space<vmem_shared>> -> memref<125x64xf32, #tpu.memory_space<vmem_shared>>
      %dma_start3A_121 = arith.constant 0 : i32
      %dma_start3A_122 = arith.constant 0 : i32
      %dma_start3A_123 = tpu.memref_slice %arg11[%dma_start3A_121, %dma_start3A_122] : memref<128x64xf32, #tpu.memory_space<vmem>> -> memref<125x64xf32, #tpu.memory_space<vmem>>
      tpu.enqueue_dma source(%dma_start3A_123 : memref<125x64xf32, #tpu.memory_space<vmem>>) target(%dma_start3A_120 : memref<125x64xf32, #tpu.memory_space<vmem_shared>>) target_semaphore(%run_scoped3A_114 : memref<!tpu.dma_semaphore, #tpu.memory_space<semaphore_mem>>)
      %dma_wait3A = arith.constant 0 : i32
      %dma_wait3A_124 = arith.constant 0 : i32
      %dma_wait3A_125 = tpu.memref_slice %arg11[%dma_wait3A, %dma_wait3A_124] : memref<128x64xf32, #tpu.memory_space<vmem>> -> memref<125x64xf32, #tpu.memory_space<vmem>>
      %dma_wait3A_126 = arith.constant 0 : i32
      %dma_wait3A_127 = tpu.memref_slice %arg7[%add3A_93, %dma_wait3A_126] : memref<10008x64xf32, #tpu.memory_space<vmem_shared>> -> memref<125x64xf32, #tpu.memory_space<vmem_shared>>
      %dma_wait3A_128 = arith.constant 0 : i32
      %dma_wait3A_129 = tpu.memref_slice %arg7[%add3A_93, %dma_wait3A_128] : memref<10008x64xf32, #tpu.memory_space<vmem_shared>> -> memref<125x64xf32, #tpu.memory_space<vmem_shared>>
      %dma_wait3A_130 = arith.constant 0 : i32
      %dma_wait3A_131 = arith.constant 0 : i32
      %dma_wait3A_132 = tpu.memref_slice %arg11[%dma_wait3A_130, %dma_wait3A_131] : memref<128x64xf32, #tpu.memory_space<vmem>> -> memref<125x64xf32, #tpu.memory_space<vmem>>
      tpu.wait_dma2 semaphore(%run_scoped3A_114 : memref<!tpu.dma_semaphore, #tpu.memory_space<semaphore_mem>>) src(%dma_wait3A_132 : memref<125x64xf32, #tpu.memory_space<vmem>>) dst(%dma_wait3A_129 : memref<125x64xf32, #tpu.memory_space<vmem_shared>>)
      tpu.yield
    }) : () -> ()
    "tpu.region"() ({
      %run_scoped3A_114 = tpu.sem_alloc : memref<!tpu.dma_semaphore, #tpu.memory_space<semaphore_mem>>
      %dma_start3A = arith.constant 0 : i32
      %dma_start3A_115 = tpu.memref_slice %arg8[%add3A_93, %dma_start3A] : memref<10000x64xf32, #tpu.memory_space<vmem_shared>> -> memref<125x64xf32, #tpu.memory_space<vmem_shared>>
      %dma_start3A_116 = arith.constant 0 : i32
      %dma_start3A_117 = tpu.memref_slice %arg8[%add3A_93, %dma_start3A_116] : memref<10000x64xf32, #tpu.memory_space<vmem_shared>> -> memref<125x64xf32, #tpu.memory_space<vmem_shared>>
      tpu.enqueue_dma source(%arg14 : memref<125x64xf32, #tpu.memory_space<vmem>>) target(%dma_start3A_117 : memref<125x64xf32, #tpu.memory_space<vmem_shared>>) target_semaphore(%run_scoped3A_114 : memref<!tpu.dma_semaphore, #tpu.memory_space<semaphore_mem>>)
      %dma_wait3A = arith.constant 0 : i32
      %dma_wait3A_118 = tpu.memref_slice %arg8[%add3A_93, %dma_wait3A] : memref<10000x64xf32, #tpu.memory_space<vmem_shared>> -> memref<125x64xf32, #tpu.memory_space<vmem_shared>>
      %dma_wait3A_119 = arith.constant 0 : i32
      %dma_wait3A_120 = tpu.memref_slice %arg8[%add3A_93, %dma_wait3A_119] : memref<10000x64xf32, #tpu.memory_space<vmem_shared>> -> memref<125x64xf32, #tpu.memory_space<vmem_shared>>
      tpu.wait_dma2 semaphore(%run_scoped3A_114 : memref<!tpu.dma_semaphore, #tpu.memory_space<semaphore_mem>>) src(%arg14 : memref<125x64xf32, #tpu.memory_space<vmem>>) dst(%dma_wait3A_120 : memref<125x64xf32, #tpu.memory_space<vmem_shared>>)
      tpu.yield
    }) : () -> ()
    %run_scoped3A_101 = arith.constant 0 : i32
    "tpu.region"() ({
      %run_scoped3A_114 = tpu.sem_alloc : memref<!tpu.dma_semaphore, #tpu.memory_space<semaphore_mem>>
      %dma_start3A = arith.constant 0 : i32
      %dma_start3A_115 = tpu.memref_slice %arg5[%run_scoped3A_101, %arg0, %add3A_93, %dma_start3A] : memref<9x2x10000x64xf32, #tpu.memory_space<hbm>> -> memref<1x1x125x64xf32, #tpu.memory_space<hbm>>
      %dma_start3A_116 = tpu.memref_squeeze %dma_start3A_115 : memref<1x1x125x64xf32, #tpu.memory_space<hbm>> -> memref<125x64xf32, #tpu.memory_space<hbm>>
      %dma_start3A_117 = arith.constant 0 : i32
      %dma_start3A_118 = tpu.memref_slice %arg5[%run_scoped3A_101, %arg0, %add3A_93, %dma_start3A_117] : memref<9x2x10000x64xf32, #tpu.memory_space<hbm>> -> memref<1x1x125x64xf32, #tpu.memory_space<hbm>>
      %dma_start3A_119 = tpu.memref_squeeze %dma_start3A_118 : memref<1x1x125x64xf32, #tpu.memory_space<hbm>> -> memref<125x64xf32, #tpu.memory_space<hbm>>
      tpu.enqueue_dma source(%arg14 : memref<125x64xf32, #tpu.memory_space<vmem>>) target(%dma_start3A_119 : memref<125x64xf32, #tpu.memory_space<hbm>>) target_semaphore(%run_scoped3A_114 : memref<!tpu.dma_semaphore, #tpu.memory_space<semaphore_mem>>)
      %dma_wait3A = arith.constant 0 : i32
      %dma_wait3A_120 = tpu.memref_slice %arg5[%run_scoped3A_101, %arg0, %add3A_93, %dma_wait3A] : memref<9x2x10000x64xf32, #tpu.memory_space<hbm>> -> memref<1x1x125x64xf32, #tpu.memory_space<hbm>>
      %dma_wait3A_121 = tpu.memref_squeeze %dma_wait3A_120 : memref<1x1x125x64xf32, #tpu.memory_space<hbm>> -> memref<125x64xf32, #tpu.memory_space<hbm>>
      %dma_wait3A_122 = arith.constant 0 : i32
      %dma_wait3A_123 = tpu.memref_slice %arg5[%run_scoped3A_101, %arg0, %add3A_93, %dma_wait3A_122] : memref<9x2x10000x64xf32, #tpu.memory_space<hbm>> -> memref<1x1x125x64xf32, #tpu.memory_space<hbm>>
      %dma_wait3A_124 = tpu.memref_squeeze %dma_wait3A_123 : memref<1x1x125x64xf32, #tpu.memory_space<hbm>> -> memref<125x64xf32, #tpu.memory_space<hbm>>
      tpu.wait_dma2 semaphore(%run_scoped3A_114 : memref<!tpu.dma_semaphore, #tpu.memory_space<semaphore_mem>>) src(%arg14 : memref<125x64xf32, #tpu.memory_space<vmem>>) dst(%dma_wait3A_124 : memref<125x64xf32, #tpu.memory_space<hbm>>)
      tpu.yield
    }) : () -> ()
    %eq3A_102 = arith.constant 0 : i32
    %eq3A_103 = arith.cmpi eq, %arg0, %eq3A_102 : i32
    %convert_element_type3A_104 = arith.extui %eq3A_103 : i1 to i32
    %cond3A_105 = arith.constant 0 : i32
    %cond3A_106 = arith.cmpi ne, %convert_element_type3A_104, %cond3A_105 : i32
    scf.if %cond3A_106 {
      "tpu.region"() ({
        %run_scoped3A_114 = tpu.sem_alloc : memref<!tpu.dma_semaphore, #tpu.memory_space<semaphore_mem>>
        %dma_start3A = arith.constant 500 : i32
        %dma_start3A_115 = arith.constant 0 : i32
        %dma_start3A_116 = tpu.memref_slice %arg15[%dma_start3A, %dma_start3A_115] : memref<625x16xf32, #tpu.memory_space<vmem>> -> memref<125x16xf32, #tpu.memory_space<vmem>>
        %dma_start3A_117 = arith.constant 0 : i32
        %dma_start3A_118 = tpu.memref_slice %arg6[%add3A_93, %dma_start3A_117] : memref<10000x16xf32, #tpu.memory_space<hbm>> -> memref<125x16xf32, #tpu.memory_space<hbm>>
        %dma_start3A_119 = arith.constant 0 : i32
        %dma_start3A_120 = tpu.memref_slice %arg6[%add3A_93, %dma_start3A_119] : memref<10000x16xf32, #tpu.memory_space<hbm>> -> memref<125x16xf32, #tpu.memory_space<hbm>>
        %dma_start3A_121 = arith.constant 500 : i32
        %dma_start3A_122 = arith.constant 0 : i32
        %dma_start3A_123 = tpu.memref_slice %arg15[%dma_start3A_121, %dma_start3A_122] : memref<625x16xf32, #tpu.memory_space<vmem>> -> memref<125x16xf32, #tpu.memory_space<vmem>>
        tpu.enqueue_dma source(%dma_start3A_123 : memref<125x16xf32, #tpu.memory_space<vmem>>) target(%dma_start3A_120 : memref<125x16xf32, #tpu.memory_space<hbm>>) target_semaphore(%run_scoped3A_114 : memref<!tpu.dma_semaphore, #tpu.memory_space<semaphore_mem>>)
        %dma_wait3A = arith.constant 500 : i32
        %dma_wait3A_124 = arith.constant 0 : i32
        %dma_wait3A_125 = tpu.memref_slice %arg15[%dma_wait3A, %dma_wait3A_124] : memref<625x16xf32, #tpu.memory_space<vmem>> -> memref<125x16xf32, #tpu.memory_space<vmem>>
        %dma_wait3A_126 = arith.constant 0 : i32
        %dma_wait3A_127 = tpu.memref_slice %arg6[%add3A_93, %dma_wait3A_126] : memref<10000x16xf32, #tpu.memory_space<hbm>> -> memref<125x16xf32, #tpu.memory_space<hbm>>
        %dma_wait3A_128 = arith.constant 0 : i32
        %dma_wait3A_129 = tpu.memref_slice %arg6[%add3A_93, %dma_wait3A_128] : memref<10000x16xf32, #tpu.memory_space<hbm>> -> memref<125x16xf32, #tpu.memory_space<hbm>>
        %dma_wait3A_130 = arith.constant 500 : i32
        %dma_wait3A_131 = arith.constant 0 : i32
        %dma_wait3A_132 = tpu.memref_slice %arg15[%dma_wait3A_130, %dma_wait3A_131] : memref<625x16xf32, #tpu.memory_space<vmem>> -> memref<125x16xf32, #tpu.memory_space<vmem>>
        tpu.wait_dma2 semaphore(%run_scoped3A_114 : memref<!tpu.dma_semaphore, #tpu.memory_space<semaphore_mem>>) src(%dma_wait3A_132 : memref<125x16xf32, #tpu.memory_space<vmem>>) dst(%dma_wait3A_129 : memref<125x16xf32, #tpu.memory_space<hbm>>)
        tpu.yield
      }) : () -> ()
    } else {
    }
    %barrier3A_107 = arith.constant 0 : index
    tpu.barrier barrier_id(%barrier3A_107)
    %scan3A_108 = arith.constant 0 : i32
    %scan3A_109 = arith.constant 0 : i32
    %scan3A_110 = arith.constant 8 : i32
    %scan3A_111 = arith.addi %scan3A_109, %scan3A_110 : i32
    %scan3A_112 = arith.constant 1 : i32
    scf.for %scan3A_114 = %scan3A_109 to %scan3A_111 step %scan3A_112  : i32 {
      %scan3A_115 = arith.constant 0 : i32
      %scan3A_116 = arith.constant 0 : i32
      %scan3A_117 = arith.constant 10 : i32
      %scan3A_118 = arith.addi %scan3A_116, %scan3A_117 : i32
      %scan3A_119 = arith.constant 1 : i32
      %scan3A_120 = scf.for %scan3A_186 = %scan3A_116 to %scan3A_118 step %scan3A_119 iter_args(%scan3A_187 = %scan3A_115) -> (i32)  : i32 {
        %mul3A_188 = arith.constant 16 : i32
        %mul3A_189 = arith.muli %scan3A_186, %mul3A_188 : i32
        "tpu.region"() ({
          %run_scoped3A_639 = tpu.sem_alloc : memref<!tpu.dma_semaphore, #tpu.memory_space<semaphore_mem>>
          %dma_start3A_640 = arith.constant 0 : i32
          %dma_start3A_641 = tpu.memref_slice %arg3[%arg1, %mul3A_189, %dma_start3A_640] : memref<16x160x128xi32, #tpu.memory_space<hbm>> -> memref<1x16x128xi32, #tpu.memory_space<hbm>>
          %dma_start3A_642 = tpu.memref_squeeze %dma_start3A_641 : memref<1x16x128xi32, #tpu.memory_space<hbm>> -> memref<16x128xi32, #tpu.memory_space<hbm>>
          %dma_start3A_643 = arith.constant 0 : i32
          %dma_start3A_644 = tpu.memref_slice %arg3[%arg1, %mul3A_189, %dma_start3A_643] : memref<16x160x128xi32, #tpu.memory_space<hbm>> -> memref<1x16x128xi32, #tpu.memory_space<hbm>>
          %dma_start3A_645 = tpu.memref_squeeze %dma_start3A_644 : memref<1x16x128xi32, #tpu.memory_space<hbm>> -> memref<16x128xi32, #tpu.memory_space<hbm>>
          tpu.enqueue_dma source(%dma_start3A_645 : memref<16x128xi32, #tpu.memory_space<hbm>>) target(%arg9 : memref<16x128xi32, #tpu.memory_space<vmem>>) target_semaphore(%run_scoped3A_639 : memref<!tpu.dma_semaphore, #tpu.memory_space<semaphore_mem>>)
          %dma_wait3A_646 = arith.constant 0 : i32
          %dma_wait3A_647 = tpu.memref_slice %arg3[%arg1, %mul3A_189, %dma_wait3A_646] : memref<16x160x128xi32, #tpu.memory_space<hbm>> -> memref<1x16x128xi32, #tpu.memory_space<hbm>>
          %dma_wait3A_648 = tpu.memref_squeeze %dma_wait3A_647 : memref<1x16x128xi32, #tpu.memory_space<hbm>> -> memref<16x128xi32, #tpu.memory_space<hbm>>
          %dma_wait3A_649 = arith.constant 0 : i32
          %dma_wait3A_650 = tpu.memref_slice %arg3[%arg1, %mul3A_189, %dma_wait3A_649] : memref<16x160x128xi32, #tpu.memory_space<hbm>> -> memref<1x16x128xi32, #tpu.memory_space<hbm>>
          %dma_wait3A_651 = tpu.memref_squeeze %dma_wait3A_650 : memref<1x16x128xi32, #tpu.memory_space<hbm>> -> memref<16x128xi32, #tpu.memory_space<hbm>>
          tpu.wait_dma2 semaphore(%run_scoped3A_639 : memref<!tpu.dma_semaphore, #tpu.memory_space<semaphore_mem>>) src(%dma_wait3A_651 : memref<16x128xi32, #tpu.memory_space<hbm>>) dst(%arg9 : memref<16x128xi32, #tpu.memory_space<vmem>>)
          tpu.yield
        }) : () -> ()
        %mul3A_190 = arith.constant 16 : i32
        %mul3A_191 = arith.muli %scan3A_186, %mul3A_190 : i32
        "tpu.region"() ({
          %run_scoped3A_639 = tpu.sem_alloc : memref<!tpu.dma_semaphore, #tpu.memory_space<semaphore_mem>>
          %dma_start3A_640 = arith.constant 0 : i32
          %dma_start3A_641 = tpu.memref_slice %arg4[%arg1, %mul3A_191, %dma_start3A_640] : memref<16x160x128xi32, #tpu.memory_space<hbm>> -> memref<1x16x128xi32, #tpu.memory_space<hbm>>
          %dma_start3A_642 = tpu.memref_squeeze %dma_start3A_641 : memref<1x16x128xi32, #tpu.memory_space<hbm>> -> memref<16x128xi32, #tpu.memory_space<hbm>>
          %dma_start3A_643 = arith.constant 0 : i32
          %dma_start3A_644 = tpu.memref_slice %arg4[%arg1, %mul3A_191, %dma_start3A_643] : memref<16x160x128xi32, #tpu.memory_space<hbm>> -> memref<1x16x128xi32, #tpu.memory_space<hbm>>
          %dma_start3A_645 = tpu.memref_squeeze %dma_start3A_644 : memref<1x16x128xi32, #tpu.memory_space<hbm>> -> memref<16x128xi32, #tpu.memory_space<hbm>>
          tpu.enqueue_dma source(%dma_start3A_645 : memref<16x128xi32, #tpu.memory_space<hbm>>) target(%arg10 : memref<16x128xi32, #tpu.memory_space<vmem>>) target_semaphore(%run_scoped3A_639 : memref<!tpu.dma_semaphore, #tpu.memory_space<semaphore_mem>>)
          %dma_wait3A_646 = arith.constant 0 : i32
          %dma_wait3A_647 = tpu.memref_slice %arg4[%arg1, %mul3A_191, %dma_wait3A_646] : memref<16x160x128xi32, #tpu.memory_space<hbm>> -> memref<1x16x128xi32, #tpu.memory_space<hbm>>
          %dma_wait3A_648 = tpu.memref_squeeze %dma_wait3A_647 : memref<1x16x128xi32, #tpu.memory_space<hbm>> -> memref<16x128xi32, #tpu.memory_space<hbm>>
          %dma_wait3A_649 = arith.constant 0 : i32
          %dma_wait3A_650 = tpu.memref_slice %arg4[%arg1, %mul3A_191, %dma_wait3A_649] : memref<16x160x128xi32, #tpu.memory_space<hbm>> -> memref<1x16x128xi32, #tpu.memory_space<hbm>>
          %dma_wait3A_651 = tpu.memref_squeeze %dma_wait3A_650 : memref<1x16x128xi32, #tpu.memory_space<hbm>> -> memref<16x128xi32, #tpu.memory_space<hbm>>
          tpu.wait_dma2 semaphore(%run_scoped3A_639 : memref<!tpu.dma_semaphore, #tpu.memory_space<semaphore_mem>>) src(%dma_wait3A_651 : memref<16x128xi32, #tpu.memory_space<hbm>>) dst(%arg10 : memref<16x128xi32, #tpu.memory_space<vmem>>)
          tpu.yield
        }) : () -> ()
        %dma_start3A = arith.constant 0 : i32
        %dma_start3A_192 = arith.constant 0 : i32
        %dma_start3A_193 = tpu.memref_slice %arg9[%dma_start3A, %dma_start3A_192] : memref<16x128xi32, #tpu.memory_space<vmem>> -> memref<1x128xi32, #tpu.memory_space<vmem>>
        %dma_start3A_194 = tpu.memref_squeeze %dma_start3A_193 : memref<1x128xi32, #tpu.memory_space<vmem>> -> memref<128xi32, #tpu.memory_space<vmem>>
        %dma_start3A_195 = arith.constant 0 : i32
        %dma_start3A_196 = arith.constant 0 : i32
        %dma_start3A_197 = tpu.memref_slice %arg8[%dma_start3A_195, %dma_start3A_196] : memref<10000x64xf32, #tpu.memory_space<vmem_shared>> -> memref<10000x64xf32, #tpu.memory_space<vmem_shared>>
        tpu.enqueue_indirect_dma source(%dma_start3A_197 : memref<10000x64xf32, #tpu.memory_space<vmem_shared>>) target(%arg11 : memref<128x64xf32, #tpu.memory_space<vmem>>) offsets(%dma_start3A_194 : memref<128xi32, #tpu.memory_space<vmem>>) semaphore(%arg16 : memref<!tpu.dma_semaphore, #tpu.memory_space<semaphore_mem>>)
        %dma_start3A_198 = arith.constant 1 : i32
        %dma_start3A_199 = arith.constant 0 : i32
        %dma_start3A_200 = tpu.memref_slice %arg9[%dma_start3A_198, %dma_start3A_199] : memref<16x128xi32, #tpu.memory_space<vmem>> -> memref<1x128xi32, #tpu.memory_space<vmem>>
        %dma_start3A_201 = tpu.memref_squeeze %dma_start3A_200 : memref<1x128xi32, #tpu.memory_space<vmem>> -> memref<128xi32, #tpu.memory_space<vmem>>
        %dma_start3A_202 = arith.constant 0 : i32
        %dma_start3A_203 = arith.constant 0 : i32
        %dma_start3A_204 = tpu.memref_slice %arg8[%dma_start3A_202, %dma_start3A_203] : memref<10000x64xf32, #tpu.memory_space<vmem_shared>> -> memref<10000x64xf32, #tpu.memory_space<vmem_shared>>
        tpu.enqueue_indirect_dma source(%dma_start3A_204 : memref<10000x64xf32, #tpu.memory_space<vmem_shared>>) target(%arg12 : memref<128x64xf32, #tpu.memory_space<vmem>>) offsets(%dma_start3A_201 : memref<128xi32, #tpu.memory_space<vmem>>) semaphore(%arg17 : memref<!tpu.dma_semaphore, #tpu.memory_space<semaphore_mem>>)
        %dma_start3A_205 = arith.constant 2 : i32
        %dma_start3A_206 = arith.constant 0 : i32
        %dma_start3A_207 = tpu.memref_slice %arg9[%dma_start3A_205, %dma_start3A_206] : memref<16x128xi32, #tpu.memory_space<vmem>> -> memref<1x128xi32, #tpu.memory_space<vmem>>
        %dma_start3A_208 = tpu.memref_squeeze %dma_start3A_207 : memref<1x128xi32, #tpu.memory_space<vmem>> -> memref<128xi32, #tpu.memory_space<vmem>>
        %dma_start3A_209 = arith.constant 0 : i32
        %dma_start3A_210 = arith.constant 0 : i32
        %dma_start3A_211 = tpu.memref_slice %arg8[%dma_start3A_209, %dma_start3A_210] : memref<10000x64xf32, #tpu.memory_space<vmem_shared>> -> memref<10000x64xf32, #tpu.memory_space<vmem_shared>>
        tpu.enqueue_indirect_dma source(%dma_start3A_211 : memref<10000x64xf32, #tpu.memory_space<vmem_shared>>) target(%arg13 : memref<128x64xf32, #tpu.memory_space<vmem>>) offsets(%dma_start3A_208 : memref<128xi32, #tpu.memory_space<vmem>>) semaphore(%arg18 : memref<!tpu.dma_semaphore, #tpu.memory_space<semaphore_mem>>)
        %dma_wait3A = arith.constant 0 : i32
        %dma_wait3A_212 = arith.constant 0 : i32
        %dma_wait3A_213 = tpu.memref_slice %arg9[%dma_wait3A, %dma_wait3A_212] : memref<16x128xi32, #tpu.memory_space<vmem>> -> memref<1x128xi32, #tpu.memory_space<vmem>>
        %dma_wait3A_214 = tpu.memref_squeeze %dma_wait3A_213 : memref<1x128xi32, #tpu.memory_space<vmem>> -> memref<128xi32, #tpu.memory_space<vmem>>
        %dma_wait3A_215 = arith.constant 0 : i32
        %dma_wait3A_216 = arith.constant 0 : i32
        %dma_wait3A_217 = tpu.memref_slice %arg8[%dma_wait3A_215, %dma_wait3A_216] : memref<10000x64xf32, #tpu.memory_space<vmem_shared>> -> memref<10000x64xf32, #tpu.memory_space<vmem_shared>>
        tpu.wait_indirect_dma semaphore(%arg16 : memref<!tpu.dma_semaphore, #tpu.memory_space<semaphore_mem>>) src(%dma_wait3A_217 : memref<10000x64xf32, #tpu.memory_space<vmem_shared>>) dst(%arg11 : memref<128x64xf32, #tpu.memory_space<vmem>>)
        %dma_start3A_218 = arith.constant 0 : i32
        %dma_start3A_219 = arith.constant 0 : i32
        %dma_start3A_220 = tpu.memref_slice %arg10[%dma_start3A_218, %dma_start3A_219] : memref<16x128xi32, #tpu.memory_space<vmem>> -> memref<1x128xi32, #tpu.memory_space<vmem>>
        %dma_start3A_221 = tpu.memref_squeeze %dma_start3A_220 : memref<1x128xi32, #tpu.memory_space<vmem>> -> memref<128xi32, #tpu.memory_space<vmem>>
        %dma_start3A_222 = arith.constant 0 : i32
        %dma_start3A_223 = arith.constant 0 : i32
        %dma_start3A_224 = tpu.memref_slice %arg7[%dma_start3A_222, %dma_start3A_223] : memref<10008x64xf32, #tpu.memory_space<vmem_shared>> -> memref<10008x64xf32, #tpu.memory_space<vmem_shared>>
        tpu.enqueue_indirect_dma source(%arg11 : memref<128x64xf32, #tpu.memory_space<vmem>>) target(%dma_start3A_224 : memref<10008x64xf32, #tpu.memory_space<vmem_shared>>) offsets(%dma_start3A_221 : memref<128xi32, #tpu.memory_space<vmem>>) semaphore(%arg19 : memref<!tpu.dma_semaphore, #tpu.memory_space<semaphore_mem>>) {add = true}
        %dma_wait3A_225 = arith.constant 0 : i32
        %dma_wait3A_226 = arith.constant 0 : i32
        %dma_wait3A_227 = tpu.memref_slice %arg10[%dma_wait3A_225, %dma_wait3A_226] : memref<16x128xi32, #tpu.memory_space<vmem>> -> memref<1x128xi32, #tpu.memory_space<vmem>>
        %dma_wait3A_228 = tpu.memref_squeeze %dma_wait3A_227 : memref<1x128xi32, #tpu.memory_space<vmem>> -> memref<128xi32, #tpu.memory_space<vmem>>
        %dma_wait3A_229 = arith.constant 0 : i32
        %dma_wait3A_230 = arith.constant 0 : i32
        %dma_wait3A_231 = tpu.memref_slice %arg7[%dma_wait3A_229, %dma_wait3A_230] : memref<10008x64xf32, #tpu.memory_space<vmem_shared>> -> memref<10008x64xf32, #tpu.memory_space<vmem_shared>>
        tpu.wait_indirect_dma semaphore(%arg19 : memref<!tpu.dma_semaphore, #tpu.memory_space<semaphore_mem>>) src(%arg11 : memref<128x64xf32, #tpu.memory_space<vmem>>) dst(%dma_wait3A_231 : memref<10008x64xf32, #tpu.memory_space<vmem_shared>>)
        %dma_start3A_232 = arith.constant 3 : i32
        %dma_start3A_233 = arith.constant 0 : i32
        %dma_start3A_234 = tpu.memref_slice %arg9[%dma_start3A_232, %dma_start3A_233] : memref<16x128xi32, #tpu.memory_space<vmem>> -> memref<1x128xi32, #tpu.memory_space<vmem>>
        %dma_start3A_235 = tpu.memref_squeeze %dma_start3A_234 : memref<1x128xi32, #tpu.memory_space<vmem>> -> memref<128xi32, #tpu.memory_space<vmem>>
        %dma_start3A_236 = arith.constant 0 : i32
        %dma_start3A_237 = arith.constant 0 : i32
        %dma_start3A_238 = tpu.memref_slice %arg8[%dma_start3A_236, %dma_start3A_237] : memref<10000x64xf32, #tpu.memory_space<vmem_shared>> -> memref<10000x64xf32, #tpu.memory_space<vmem_shared>>
        tpu.enqueue_indirect_dma source(%dma_start3A_238 : memref<10000x64xf32, #tpu.memory_space<vmem_shared>>) target(%arg11 : memref<128x64xf32, #tpu.memory_space<vmem>>) offsets(%dma_start3A_235 : memref<128xi32, #tpu.memory_space<vmem>>) semaphore(%arg16 : memref<!tpu.dma_semaphore, #tpu.memory_space<semaphore_mem>>)
        %dma_wait3A_239 = arith.constant 1 : i32
        %dma_wait3A_240 = arith.constant 0 : i32
        %dma_wait3A_241 = tpu.memref_slice %arg9[%dma_wait3A_239, %dma_wait3A_240] : memref<16x128xi32, #tpu.memory_space<vmem>> -> memref<1x128xi32, #tpu.memory_space<vmem>>
        %dma_wait3A_242 = tpu.memref_squeeze %dma_wait3A_241 : memref<1x128xi32, #tpu.memory_space<vmem>> -> memref<128xi32, #tpu.memory_space<vmem>>
        %dma_wait3A_243 = arith.constant 0 : i32
        %dma_wait3A_244 = arith.constant 0 : i32
        %dma_wait3A_245 = tpu.memref_slice %arg8[%dma_wait3A_243, %dma_wait3A_244] : memref<10000x64xf32, #tpu.memory_space<vmem_shared>> -> memref<10000x64xf32, #tpu.memory_space<vmem_shared>>
        tpu.wait_indirect_dma semaphore(%arg17 : memref<!tpu.dma_semaphore, #tpu.memory_space<semaphore_mem>>) src(%dma_wait3A_245 : memref<10000x64xf32, #tpu.memory_space<vmem_shared>>) dst(%arg12 : memref<128x64xf32, #tpu.memory_space<vmem>>)
        %dma_start3A_246 = arith.constant 1 : i32
        %dma_start3A_247 = arith.constant 0 : i32
        %dma_start3A_248 = tpu.memref_slice %arg10[%dma_start3A_246, %dma_start3A_247] : memref<16x128xi32, #tpu.memory_space<vmem>> -> memref<1x128xi32, #tpu.memory_space<vmem>>
        %dma_start3A_249 = tpu.memref_squeeze %dma_start3A_248 : memref<1x128xi32, #tpu.memory_space<vmem>> -> memref<128xi32, #tpu.memory_space<vmem>>
        %dma_start3A_250 = arith.constant 0 : i32
        %dma_start3A_251 = arith.constant 0 : i32
        %dma_start3A_252 = tpu.memref_slice %arg7[%dma_start3A_250, %dma_start3A_251] : memref<10008x64xf32, #tpu.memory_space<vmem_shared>> -> memref<10008x64xf32, #tpu.memory_space<vmem_shared>>
        tpu.enqueue_indirect_dma source(%arg12 : memref<128x64xf32, #tpu.memory_space<vmem>>) target(%dma_start3A_252 : memref<10008x64xf32, #tpu.memory_space<vmem_shared>>) offsets(%dma_start3A_249 : memref<128xi32, #tpu.memory_space<vmem>>) semaphore(%arg20 : memref<!tpu.dma_semaphore, #tpu.memory_space<semaphore_mem>>) {add = true}
        %dma_wait3A_253 = arith.constant 1 : i32
        %dma_wait3A_254 = arith.constant 0 : i32
        %dma_wait3A_255 = tpu.memref_slice %arg10[%dma_wait3A_253, %dma_wait3A_254] : memref<16x128xi32, #tpu.memory_space<vmem>> -> memref<1x128xi32, #tpu.memory_space<vmem>>
        %dma_wait3A_256 = tpu.memref_squeeze %dma_wait3A_255 : memref<1x128xi32, #tpu.memory_space<vmem>> -> memref<128xi32, #tpu.memory_space<vmem>>
        %dma_wait3A_257 = arith.constant 0 : i32
        %dma_wait3A_258 = arith.constant 0 : i32
        %dma_wait3A_259 = tpu.memref_slice %arg7[%dma_wait3A_257, %dma_wait3A_258] : memref<10008x64xf32, #tpu.memory_space<vmem_shared>> -> memref<10008x64xf32, #tpu.memory_space<vmem_shared>>
        tpu.wait_indirect_dma semaphore(%arg20 : memref<!tpu.dma_semaphore, #tpu.memory_space<semaphore_mem>>) src(%arg12 : memref<128x64xf32, #tpu.memory_space<vmem>>) dst(%dma_wait3A_259 : memref<10008x64xf32, #tpu.memory_space<vmem_shared>>)
        %dma_start3A_260 = arith.constant 4 : i32
        %dma_start3A_261 = arith.constant 0 : i32
        %dma_start3A_262 = tpu.memref_slice %arg9[%dma_start3A_260, %dma_start3A_261] : memref<16x128xi32, #tpu.memory_space<vmem>> -> memref<1x128xi32, #tpu.memory_space<vmem>>
        %dma_start3A_263 = tpu.memref_squeeze %dma_start3A_262 : memref<1x128xi32, #tpu.memory_space<vmem>> -> memref<128xi32, #tpu.memory_space<vmem>>
        %dma_start3A_264 = arith.constant 0 : i32
        %dma_start3A_265 = arith.constant 0 : i32
        %dma_start3A_266 = tpu.memref_slice %arg8[%dma_start3A_264, %dma_start3A_265] : memref<10000x64xf32, #tpu.memory_space<vmem_shared>> -> memref<10000x64xf32, #tpu.memory_space<vmem_shared>>
        tpu.enqueue_indirect_dma source(%dma_start3A_266 : memref<10000x64xf32, #tpu.memory_space<vmem_shared>>) target(%arg12 : memref<128x64xf32, #tpu.memory_space<vmem>>) offsets(%dma_start3A_263 : memref<128xi32, #tpu.memory_space<vmem>>) semaphore(%arg17 : memref<!tpu.dma_semaphore, #tpu.memory_space<semaphore_mem>>)
        %dma_wait3A_267 = arith.constant 2 : i32
        %dma_wait3A_268 = arith.constant 0 : i32
        %dma_wait3A_269 = tpu.memref_slice %arg9[%dma_wait3A_267, %dma_wait3A_268] : memref<16x128xi32, #tpu.memory_space<vmem>> -> memref<1x128xi32, #tpu.memory_space<vmem>>
        %dma_wait3A_270 = tpu.memref_squeeze %dma_wait3A_269 : memref<1x128xi32, #tpu.memory_space<vmem>> -> memref<128xi32, #tpu.memory_space<vmem>>
        %dma_wait3A_271 = arith.constant 0 : i32
        %dma_wait3A_272 = arith.constant 0 : i32
        %dma_wait3A_273 = tpu.memref_slice %arg8[%dma_wait3A_271, %dma_wait3A_272] : memref<10000x64xf32, #tpu.memory_space<vmem_shared>> -> memref<10000x64xf32, #tpu.memory_space<vmem_shared>>
        tpu.wait_indirect_dma semaphore(%arg18 : memref<!tpu.dma_semaphore, #tpu.memory_space<semaphore_mem>>) src(%dma_wait3A_273 : memref<10000x64xf32, #tpu.memory_space<vmem_shared>>) dst(%arg13 : memref<128x64xf32, #tpu.memory_space<vmem>>)
        %dma_start3A_274 = arith.constant 2 : i32
        %dma_start3A_275 = arith.constant 0 : i32
        %dma_start3A_276 = tpu.memref_slice %arg10[%dma_start3A_274, %dma_start3A_275] : memref<16x128xi32, #tpu.memory_space<vmem>> -> memref<1x128xi32, #tpu.memory_space<vmem>>
        %dma_start3A_277 = tpu.memref_squeeze %dma_start3A_276 : memref<1x128xi32, #tpu.memory_space<vmem>> -> memref<128xi32, #tpu.memory_space<vmem>>
        %dma_start3A_278 = arith.constant 0 : i32
        %dma_start3A_279 = arith.constant 0 : i32
        %dma_start3A_280 = tpu.memref_slice %arg7[%dma_start3A_278, %dma_start3A_279] : memref<10008x64xf32, #tpu.memory_space<vmem_shared>> -> memref<10008x64xf32, #tpu.memory_space<vmem_shared>>
        tpu.enqueue_indirect_dma source(%arg13 : memref<128x64xf32, #tpu.memory_space<vmem>>) target(%dma_start3A_280 : memref<10008x64xf32, #tpu.memory_space<vmem_shared>>) offsets(%dma_start3A_277 : memref<128xi32, #tpu.memory_space<vmem>>) semaphore(%arg21 : memref<!tpu.dma_semaphore, #tpu.memory_space<semaphore_mem>>) {add = true}
        %dma_wait3A_281 = arith.constant 2 : i32
        %dma_wait3A_282 = arith.constant 0 : i32
        %dma_wait3A_283 = tpu.memref_slice %arg10[%dma_wait3A_281, %dma_wait3A_282] : memref<16x128xi32, #tpu.memory_space<vmem>> -> memref<1x128xi32, #tpu.memory_space<vmem>>
        %dma_wait3A_284 = tpu.memref_squeeze %dma_wait3A_283 : memref<1x128xi32, #tpu.memory_space<vmem>> -> memref<128xi32, #tpu.memory_space<vmem>>
        %dma_wait3A_285 = arith.constant 0 : i32
        %dma_wait3A_286 = arith.constant 0 : i32
        %dma_wait3A_287 = tpu.memref_slice %arg7[%dma_wait3A_285, %dma_wait3A_286] : memref<10008x64xf32, #tpu.memory_space<vmem_shared>> -> memref<10008x64xf32, #tpu.memory_space<vmem_shared>>
        tpu.wait_indirect_dma semaphore(%arg21 : memref<!tpu.dma_semaphore, #tpu.memory_space<semaphore_mem>>) src(%arg13 : memref<128x64xf32, #tpu.memory_space<vmem>>) dst(%dma_wait3A_287 : memref<10008x64xf32, #tpu.memory_space<vmem_shared>>)
        %dma_start3A_288 = arith.constant 5 : i32
        %dma_start3A_289 = arith.constant 0 : i32
        %dma_start3A_290 = tpu.memref_slice %arg9[%dma_start3A_288, %dma_start3A_289] : memref<16x128xi32, #tpu.memory_space<vmem>> -> memref<1x128xi32, #tpu.memory_space<vmem>>
        %dma_start3A_291 = tpu.memref_squeeze %dma_start3A_290 : memref<1x128xi32, #tpu.memory_space<vmem>> -> memref<128xi32, #tpu.memory_space<vmem>>
        %dma_start3A_292 = arith.constant 0 : i32
        %dma_start3A_293 = arith.constant 0 : i32
        %dma_start3A_294 = tpu.memref_slice %arg8[%dma_start3A_292, %dma_start3A_293] : memref<10000x64xf32, #tpu.memory_space<vmem_shared>> -> memref<10000x64xf32, #tpu.memory_space<vmem_shared>>
        tpu.enqueue_indirect_dma source(%dma_start3A_294 : memref<10000x64xf32, #tpu.memory_space<vmem_shared>>) target(%arg13 : memref<128x64xf32, #tpu.memory_space<vmem>>) offsets(%dma_start3A_291 : memref<128xi32, #tpu.memory_space<vmem>>) semaphore(%arg18 : memref<!tpu.dma_semaphore, #tpu.memory_space<semaphore_mem>>)
        %dma_wait3A_295 = arith.constant 3 : i32
        %dma_wait3A_296 = arith.constant 0 : i32
        %dma_wait3A_297 = tpu.memref_slice %arg9[%dma_wait3A_295, %dma_wait3A_296] : memref<16x128xi32, #tpu.memory_space<vmem>> -> memref<1x128xi32, #tpu.memory_space<vmem>>
        %dma_wait3A_298 = tpu.memref_squeeze %dma_wait3A_297 : memref<1x128xi32, #tpu.memory_space<vmem>> -> memref<128xi32, #tpu.memory_space<vmem>>
        %dma_wait3A_299 = arith.constant 0 : i32
        %dma_wait3A_300 = arith.constant 0 : i32
        %dma_wait3A_301 = tpu.memref_slice %arg8[%dma_wait3A_299, %dma_wait3A_300] : memref<10000x64xf32, #tpu.memory_space<vmem_shared>> -> memref<10000x64xf32, #tpu.memory_space<vmem_shared>>
        tpu.wait_indirect_dma semaphore(%arg16 : memref<!tpu.dma_semaphore, #tpu.memory_space<semaphore_mem>>) src(%dma_wait3A_301 : memref<10000x64xf32, #tpu.memory_space<vmem_shared>>) dst(%arg11 : memref<128x64xf32, #tpu.memory_space<vmem>>)
        %dma_start3A_302 = arith.constant 3 : i32
        %dma_start3A_303 = arith.constant 0 : i32
        %dma_start3A_304 = tpu.memref_slice %arg10[%dma_start3A_302, %dma_start3A_303] : memref<16x128xi32, #tpu.memory_space<vmem>> -> memref<1x128xi32, #tpu.memory_space<vmem>>
        %dma_start3A_305 = tpu.memref_squeeze %dma_start3A_304 : memref<1x128xi32, #tpu.memory_space<vmem>> -> memref<128xi32, #tpu.memory_space<vmem>>
        %dma_start3A_306 = arith.constant 0 : i32
        %dma_start3A_307 = arith.constant 0 : i32
        %dma_start3A_308 = tpu.memref_slice %arg7[%dma_start3A_306, %dma_start3A_307] : memref<10008x64xf32, #tpu.memory_space<vmem_shared>> -> memref<10008x64xf32, #tpu.memory_space<vmem_shared>>
        tpu.enqueue_indirect_dma source(%arg11 : memref<128x64xf32, #tpu.memory_space<vmem>>) target(%dma_start3A_308 : memref<10008x64xf32, #tpu.memory_space<vmem_shared>>) offsets(%dma_start3A_305 : memref<128xi32, #tpu.memory_space<vmem>>) semaphore(%arg19 : memref<!tpu.dma_semaphore, #tpu.memory_space<semaphore_mem>>) {add = true}
        %dma_wait3A_309 = arith.constant 3 : i32
        %dma_wait3A_310 = arith.constant 0 : i32
        %dma_wait3A_311 = tpu.memref_slice %arg10[%dma_wait3A_309, %dma_wait3A_310] : memref<16x128xi32, #tpu.memory_space<vmem>> -> memref<1x128xi32, #tpu.memory_space<vmem>>
        %dma_wait3A_312 = tpu.memref_squeeze %dma_wait3A_311 : memref<1x128xi32, #tpu.memory_space<vmem>> -> memref<128xi32, #tpu.memory_space<vmem>>
        %dma_wait3A_313 = arith.constant 0 : i32
        %dma_wait3A_314 = arith.constant 0 : i32
        %dma_wait3A_315 = tpu.memref_slice %arg7[%dma_wait3A_313, %dma_wait3A_314] : memref<10008x64xf32, #tpu.memory_space<vmem_shared>> -> memref<10008x64xf32, #tpu.memory_space<vmem_shared>>
        tpu.wait_indirect_dma semaphore(%arg19 : memref<!tpu.dma_semaphore, #tpu.memory_space<semaphore_mem>>) src(%arg11 : memref<128x64xf32, #tpu.memory_space<vmem>>) dst(%dma_wait3A_315 : memref<10008x64xf32, #tpu.memory_space<vmem_shared>>)
        %dma_start3A_316 = arith.constant 6 : i32
        %dma_start3A_317 = arith.constant 0 : i32
        %dma_start3A_318 = tpu.memref_slice %arg9[%dma_start3A_316, %dma_start3A_317] : memref<16x128xi32, #tpu.memory_space<vmem>> -> memref<1x128xi32, #tpu.memory_space<vmem>>
        %dma_start3A_319 = tpu.memref_squeeze %dma_start3A_318 : memref<1x128xi32, #tpu.memory_space<vmem>> -> memref<128xi32, #tpu.memory_space<vmem>>
        %dma_start3A_320 = arith.constant 0 : i32
        %dma_start3A_321 = arith.constant 0 : i32
        %dma_start3A_322 = tpu.memref_slice %arg8[%dma_start3A_320, %dma_start3A_321] : memref<10000x64xf32, #tpu.memory_space<vmem_shared>> -> memref<10000x64xf32, #tpu.memory_space<vmem_shared>>
        tpu.enqueue_indirect_dma source(%dma_start3A_322 : memref<10000x64xf32, #tpu.memory_space<vmem_shared>>) target(%arg11 : memref<128x64xf32, #tpu.memory_space<vmem>>) offsets(%dma_start3A_319 : memref<128xi32, #tpu.memory_space<vmem>>) semaphore(%arg16 : memref<!tpu.dma_semaphore, #tpu.memory_space<semaphore_mem>>)
        %dma_wait3A_323 = arith.constant 4 : i32
        %dma_wait3A_324 = arith.constant 0 : i32
        %dma_wait3A_325 = tpu.memref_slice %arg9[%dma_wait3A_323, %dma_wait3A_324] : memref<16x128xi32, #tpu.memory_space<vmem>> -> memref<1x128xi32, #tpu.memory_space<vmem>>
        %dma_wait3A_326 = tpu.memref_squeeze %dma_wait3A_325 : memref<1x128xi32, #tpu.memory_space<vmem>> -> memref<128xi32, #tpu.memory_space<vmem>>
        %dma_wait3A_327 = arith.constant 0 : i32
        %dma_wait3A_328 = arith.constant 0 : i32
        %dma_wait3A_329 = tpu.memref_slice %arg8[%dma_wait3A_327, %dma_wait3A_328] : memref<10000x64xf32, #tpu.memory_space<vmem_shared>> -> memref<10000x64xf32, #tpu.memory_space<vmem_shared>>
        tpu.wait_indirect_dma semaphore(%arg17 : memref<!tpu.dma_semaphore, #tpu.memory_space<semaphore_mem>>) src(%dma_wait3A_329 : memref<10000x64xf32, #tpu.memory_space<vmem_shared>>) dst(%arg12 : memref<128x64xf32, #tpu.memory_space<vmem>>)
        %dma_start3A_330 = arith.constant 4 : i32
        %dma_start3A_331 = arith.constant 0 : i32
        %dma_start3A_332 = tpu.memref_slice %arg10[%dma_start3A_330, %dma_start3A_331] : memref<16x128xi32, #tpu.memory_space<vmem>> -> memref<1x128xi32, #tpu.memory_space<vmem>>
        %dma_start3A_333 = tpu.memref_squeeze %dma_start3A_332 : memref<1x128xi32, #tpu.memory_space<vmem>> -> memref<128xi32, #tpu.memory_space<vmem>>
        %dma_start3A_334 = arith.constant 0 : i32
        %dma_start3A_335 = arith.constant 0 : i32
        %dma_start3A_336 = tpu.memref_slice %arg7[%dma_start3A_334, %dma_start3A_335] : memref<10008x64xf32, #tpu.memory_space<vmem_shared>> -> memref<10008x64xf32, #tpu.memory_space<vmem_shared>>
        tpu.enqueue_indirect_dma source(%arg12 : memref<128x64xf32, #tpu.memory_space<vmem>>) target(%dma_start3A_336 : memref<10008x64xf32, #tpu.memory_space<vmem_shared>>) offsets(%dma_start3A_333 : memref<128xi32, #tpu.memory_space<vmem>>) semaphore(%arg20 : memref<!tpu.dma_semaphore, #tpu.memory_space<semaphore_mem>>) {add = true}
        %dma_wait3A_337 = arith.constant 4 : i32
        %dma_wait3A_338 = arith.constant 0 : i32
        %dma_wait3A_339 = tpu.memref_slice %arg10[%dma_wait3A_337, %dma_wait3A_338] : memref<16x128xi32, #tpu.memory_space<vmem>> -> memref<1x128xi32, #tpu.memory_space<vmem>>
        %dma_wait3A_340 = tpu.memref_squeeze %dma_wait3A_339 : memref<1x128xi32, #tpu.memory_space<vmem>> -> memref<128xi32, #tpu.memory_space<vmem>>
        %dma_wait3A_341 = arith.constant 0 : i32
        %dma_wait3A_342 = arith.constant 0 : i32
        %dma_wait3A_343 = tpu.memref_slice %arg7[%dma_wait3A_341, %dma_wait3A_342] : memref<10008x64xf32, #tpu.memory_space<vmem_shared>> -> memref<10008x64xf32, #tpu.memory_space<vmem_shared>>
        tpu.wait_indirect_dma semaphore(%arg20 : memref<!tpu.dma_semaphore, #tpu.memory_space<semaphore_mem>>) src(%arg12 : memref<128x64xf32, #tpu.memory_space<vmem>>) dst(%dma_wait3A_343 : memref<10008x64xf32, #tpu.memory_space<vmem_shared>>)
        %dma_start3A_344 = arith.constant 7 : i32
        %dma_start3A_345 = arith.constant 0 : i32
        %dma_start3A_346 = tpu.memref_slice %arg9[%dma_start3A_344, %dma_start3A_345] : memref<16x128xi32, #tpu.memory_space<vmem>> -> memref<1x128xi32, #tpu.memory_space<vmem>>
        %dma_start3A_347 = tpu.memref_squeeze %dma_start3A_346 : memref<1x128xi32, #tpu.memory_space<vmem>> -> memref<128xi32, #tpu.memory_space<vmem>>
        %dma_start3A_348 = arith.constant 0 : i32
        %dma_start3A_349 = arith.constant 0 : i32
        %dma_start3A_350 = tpu.memref_slice %arg8[%dma_start3A_348, %dma_start3A_349] : memref<10000x64xf32, #tpu.memory_space<vmem_shared>> -> memref<10000x64xf32, #tpu.memory_space<vmem_shared>>
        tpu.enqueue_indirect_dma source(%dma_start3A_350 : memref<10000x64xf32, #tpu.memory_space<vmem_shared>>) target(%arg12 : memref<128x64xf32, #tpu.memory_space<vmem>>) offsets(%dma_start3A_347 : memref<128xi32, #tpu.memory_space<vmem>>) semaphore(%arg17 : memref<!tpu.dma_semaphore, #tpu.memory_space<semaphore_mem>>)
        %dma_wait3A_351 = arith.constant 5 : i32
        %dma_wait3A_352 = arith.constant 0 : i32
        %dma_wait3A_353 = tpu.memref_slice %arg9[%dma_wait3A_351, %dma_wait3A_352] : memref<16x128xi32, #tpu.memory_space<vmem>> -> memref<1x128xi32, #tpu.memory_space<vmem>>
        %dma_wait3A_354 = tpu.memref_squeeze %dma_wait3A_353 : memref<1x128xi32, #tpu.memory_space<vmem>> -> memref<128xi32, #tpu.memory_space<vmem>>
        %dma_wait3A_355 = arith.constant 0 : i32
        %dma_wait3A_356 = arith.constant 0 : i32
        %dma_wait3A_357 = tpu.memref_slice %arg8[%dma_wait3A_355, %dma_wait3A_356] : memref<10000x64xf32, #tpu.memory_space<vmem_shared>> -> memref<10000x64xf32, #tpu.memory_space<vmem_shared>>
        tpu.wait_indirect_dma semaphore(%arg18 : memref<!tpu.dma_semaphore, #tpu.memory_space<semaphore_mem>>) src(%dma_wait3A_357 : memref<10000x64xf32, #tpu.memory_space<vmem_shared>>) dst(%arg13 : memref<128x64xf32, #tpu.memory_space<vmem>>)
        %dma_start3A_358 = arith.constant 5 : i32
        %dma_start3A_359 = arith.constant 0 : i32
        %dma_start3A_360 = tpu.memref_slice %arg10[%dma_start3A_358, %dma_start3A_359] : memref<16x128xi32, #tpu.memory_space<vmem>> -> memref<1x128xi32, #tpu.memory_space<vmem>>
        %dma_start3A_361 = tpu.memref_squeeze %dma_start3A_360 : memref<1x128xi32, #tpu.memory_space<vmem>> -> memref<128xi32, #tpu.memory_space<vmem>>
        %dma_start3A_362 = arith.constant 0 : i32
        %dma_start3A_363 = arith.constant 0 : i32
        %dma_start3A_364 = tpu.memref_slice %arg7[%dma_start3A_362, %dma_start3A_363] : memref<10008x64xf32, #tpu.memory_space<vmem_shared>> -> memref<10008x64xf32, #tpu.memory_space<vmem_shared>>
        tpu.enqueue_indirect_dma source(%arg13 : memref<128x64xf32, #tpu.memory_space<vmem>>) target(%dma_start3A_364 : memref<10008x64xf32, #tpu.memory_space<vmem_shared>>) offsets(%dma_start3A_361 : memref<128xi32, #tpu.memory_space<vmem>>) semaphore(%arg21 : memref<!tpu.dma_semaphore, #tpu.memory_space<semaphore_mem>>) {add = true}
        %dma_wait3A_365 = arith.constant 5 : i32
        %dma_wait3A_366 = arith.constant 0 : i32
        %dma_wait3A_367 = tpu.memref_slice %arg10[%dma_wait3A_365, %dma_wait3A_366] : memref<16x128xi32, #tpu.memory_space<vmem>> -> memref<1x128xi32, #tpu.memory_space<vmem>>
        %dma_wait3A_368 = tpu.memref_squeeze %dma_wait3A_367 : memref<1x128xi32, #tpu.memory_space<vmem>> -> memref<128xi32, #tpu.memory_space<vmem>>
        %dma_wait3A_369 = arith.constant 0 : i32
        %dma_wait3A_370 = arith.constant 0 : i32
        %dma_wait3A_371 = tpu.memref_slice %arg7[%dma_wait3A_369, %dma_wait3A_370] : memref<10008x64xf32, #tpu.memory_space<vmem_shared>> -> memref<10008x64xf32, #tpu.memory_space<vmem_shared>>
        tpu.wait_indirect_dma semaphore(%arg21 : memref<!tpu.dma_semaphore, #tpu.memory_space<semaphore_mem>>) src(%arg13 : memref<128x64xf32, #tpu.memory_space<vmem>>) dst(%dma_wait3A_371 : memref<10008x64xf32, #tpu.memory_space<vmem_shared>>)
        %dma_start3A_372 = arith.constant 8 : i32
        %dma_start3A_373 = arith.constant 0 : i32
        %dma_start3A_374 = tpu.memref_slice %arg9[%dma_start3A_372, %dma_start3A_373] : memref<16x128xi32, #tpu.memory_space<vmem>> -> memref<1x128xi32, #tpu.memory_space<vmem>>
        %dma_start3A_375 = tpu.memref_squeeze %dma_start3A_374 : memref<1x128xi32, #tpu.memory_space<vmem>> -> memref<128xi32, #tpu.memory_space<vmem>>
        %dma_start3A_376 = arith.constant 0 : i32
        %dma_start3A_377 = arith.constant 0 : i32
        %dma_start3A_378 = tpu.memref_slice %arg8[%dma_start3A_376, %dma_start3A_377] : memref<10000x64xf32, #tpu.memory_space<vmem_shared>> -> memref<10000x64xf32, #tpu.memory_space<vmem_shared>>
        tpu.enqueue_indirect_dma source(%dma_start3A_378 : memref<10000x64xf32, #tpu.memory_space<vmem_shared>>) target(%arg13 : memref<128x64xf32, #tpu.memory_space<vmem>>) offsets(%dma_start3A_375 : memref<128xi32, #tpu.memory_space<vmem>>) semaphore(%arg18 : memref<!tpu.dma_semaphore, #tpu.memory_space<semaphore_mem>>)
        %dma_wait3A_379 = arith.constant 6 : i32
        %dma_wait3A_380 = arith.constant 0 : i32
        %dma_wait3A_381 = tpu.memref_slice %arg9[%dma_wait3A_379, %dma_wait3A_380] : memref<16x128xi32, #tpu.memory_space<vmem>> -> memref<1x128xi32, #tpu.memory_space<vmem>>
        %dma_wait3A_382 = tpu.memref_squeeze %dma_wait3A_381 : memref<1x128xi32, #tpu.memory_space<vmem>> -> memref<128xi32, #tpu.memory_space<vmem>>
        %dma_wait3A_383 = arith.constant 0 : i32
        %dma_wait3A_384 = arith.constant 0 : i32
        %dma_wait3A_385 = tpu.memref_slice %arg8[%dma_wait3A_383, %dma_wait3A_384] : memref<10000x64xf32, #tpu.memory_space<vmem_shared>> -> memref<10000x64xf32, #tpu.memory_space<vmem_shared>>
        tpu.wait_indirect_dma semaphore(%arg16 : memref<!tpu.dma_semaphore, #tpu.memory_space<semaphore_mem>>) src(%dma_wait3A_385 : memref<10000x64xf32, #tpu.memory_space<vmem_shared>>) dst(%arg11 : memref<128x64xf32, #tpu.memory_space<vmem>>)
        %dma_start3A_386 = arith.constant 6 : i32
        %dma_start3A_387 = arith.constant 0 : i32
        %dma_start3A_388 = tpu.memref_slice %arg10[%dma_start3A_386, %dma_start3A_387] : memref<16x128xi32, #tpu.memory_space<vmem>> -> memref<1x128xi32, #tpu.memory_space<vmem>>
        %dma_start3A_389 = tpu.memref_squeeze %dma_start3A_388 : memref<1x128xi32, #tpu.memory_space<vmem>> -> memref<128xi32, #tpu.memory_space<vmem>>
        %dma_start3A_390 = arith.constant 0 : i32
        %dma_start3A_391 = arith.constant 0 : i32
        %dma_start3A_392 = tpu.memref_slice %arg7[%dma_start3A_390, %dma_start3A_391] : memref<10008x64xf32, #tpu.memory_space<vmem_shared>> -> memref<10008x64xf32, #tpu.memory_space<vmem_shared>>
        tpu.enqueue_indirect_dma source(%arg11 : memref<128x64xf32, #tpu.memory_space<vmem>>) target(%dma_start3A_392 : memref<10008x64xf32, #tpu.memory_space<vmem_shared>>) offsets(%dma_start3A_389 : memref<128xi32, #tpu.memory_space<vmem>>) semaphore(%arg19 : memref<!tpu.dma_semaphore, #tpu.memory_space<semaphore_mem>>) {add = true}
        %dma_wait3A_393 = arith.constant 6 : i32
        %dma_wait3A_394 = arith.constant 0 : i32
        %dma_wait3A_395 = tpu.memref_slice %arg10[%dma_wait3A_393, %dma_wait3A_394] : memref<16x128xi32, #tpu.memory_space<vmem>> -> memref<1x128xi32, #tpu.memory_space<vmem>>
        %dma_wait3A_396 = tpu.memref_squeeze %dma_wait3A_395 : memref<1x128xi32, #tpu.memory_space<vmem>> -> memref<128xi32, #tpu.memory_space<vmem>>
        %dma_wait3A_397 = arith.constant 0 : i32
        %dma_wait3A_398 = arith.constant 0 : i32
        %dma_wait3A_399 = tpu.memref_slice %arg7[%dma_wait3A_397, %dma_wait3A_398] : memref<10008x64xf32, #tpu.memory_space<vmem_shared>> -> memref<10008x64xf32, #tpu.memory_space<vmem_shared>>
        tpu.wait_indirect_dma semaphore(%arg19 : memref<!tpu.dma_semaphore, #tpu.memory_space<semaphore_mem>>) src(%arg11 : memref<128x64xf32, #tpu.memory_space<vmem>>) dst(%dma_wait3A_399 : memref<10008x64xf32, #tpu.memory_space<vmem_shared>>)
        %dma_start3A_400 = arith.constant 9 : i32
        %dma_start3A_401 = arith.constant 0 : i32
        %dma_start3A_402 = tpu.memref_slice %arg9[%dma_start3A_400, %dma_start3A_401] : memref<16x128xi32, #tpu.memory_space<vmem>> -> memref<1x128xi32, #tpu.memory_space<vmem>>
        %dma_start3A_403 = tpu.memref_squeeze %dma_start3A_402 : memref<1x128xi32, #tpu.memory_space<vmem>> -> memref<128xi32, #tpu.memory_space<vmem>>
        %dma_start3A_404 = arith.constant 0 : i32
        %dma_start3A_405 = arith.constant 0 : i32
        %dma_start3A_406 = tpu.memref_slice %arg8[%dma_start3A_404, %dma_start3A_405] : memref<10000x64xf32, #tpu.memory_space<vmem_shared>> -> memref<10000x64xf32, #tpu.memory_space<vmem_shared>>
        tpu.enqueue_indirect_dma source(%dma_start3A_406 : memref<10000x64xf32, #tpu.memory_space<vmem_shared>>) target(%arg11 : memref<128x64xf32, #tpu.memory_space<vmem>>) offsets(%dma_start3A_403 : memref<128xi32, #tpu.memory_space<vmem>>) semaphore(%arg16 : memref<!tpu.dma_semaphore, #tpu.memory_space<semaphore_mem>>)
        %dma_wait3A_407 = arith.constant 7 : i32
        %dma_wait3A_408 = arith.constant 0 : i32
        %dma_wait3A_409 = tpu.memref_slice %arg9[%dma_wait3A_407, %dma_wait3A_408] : memref<16x128xi32, #tpu.memory_space<vmem>> -> memref<1x128xi32, #tpu.memory_space<vmem>>
        %dma_wait3A_410 = tpu.memref_squeeze %dma_wait3A_409 : memref<1x128xi32, #tpu.memory_space<vmem>> -> memref<128xi32, #tpu.memory_space<vmem>>
        %dma_wait3A_411 = arith.constant 0 : i32
        %dma_wait3A_412 = arith.constant 0 : i32
        %dma_wait3A_413 = tpu.memref_slice %arg8[%dma_wait3A_411, %dma_wait3A_412] : memref<10000x64xf32, #tpu.memory_space<vmem_shared>> -> memref<10000x64xf32, #tpu.memory_space<vmem_shared>>
        tpu.wait_indirect_dma semaphore(%arg17 : memref<!tpu.dma_semaphore, #tpu.memory_space<semaphore_mem>>) src(%dma_wait3A_413 : memref<10000x64xf32, #tpu.memory_space<vmem_shared>>) dst(%arg12 : memref<128x64xf32, #tpu.memory_space<vmem>>)
        %dma_start3A_414 = arith.constant 7 : i32
        %dma_start3A_415 = arith.constant 0 : i32
        %dma_start3A_416 = tpu.memref_slice %arg10[%dma_start3A_414, %dma_start3A_415] : memref<16x128xi32, #tpu.memory_space<vmem>> -> memref<1x128xi32, #tpu.memory_space<vmem>>
        %dma_start3A_417 = tpu.memref_squeeze %dma_start3A_416 : memref<1x128xi32, #tpu.memory_space<vmem>> -> memref<128xi32, #tpu.memory_space<vmem>>
        %dma_start3A_418 = arith.constant 0 : i32
        %dma_start3A_419 = arith.constant 0 : i32
        %dma_start3A_420 = tpu.memref_slice %arg7[%dma_start3A_418, %dma_start3A_419] : memref<10008x64xf32, #tpu.memory_space<vmem_shared>> -> memref<10008x64xf32, #tpu.memory_space<vmem_shared>>
        tpu.enqueue_indirect_dma source(%arg12 : memref<128x64xf32, #tpu.memory_space<vmem>>) target(%dma_start3A_420 : memref<10008x64xf32, #tpu.memory_space<vmem_shared>>) offsets(%dma_start3A_417 : memref<128xi32, #tpu.memory_space<vmem>>) semaphore(%arg20 : memref<!tpu.dma_semaphore, #tpu.memory_space<semaphore_mem>>) {add = true}
        %dma_wait3A_421 = arith.constant 7 : i32
        %dma_wait3A_422 = arith.constant 0 : i32
        %dma_wait3A_423 = tpu.memref_slice %arg10[%dma_wait3A_421, %dma_wait3A_422] : memref<16x128xi32, #tpu.memory_space<vmem>> -> memref<1x128xi32, #tpu.memory_space<vmem>>
        %dma_wait3A_424 = tpu.memref_squeeze %dma_wait3A_423 : memref<1x128xi32, #tpu.memory_space<vmem>> -> memref<128xi32, #tpu.memory_space<vmem>>
        %dma_wait3A_425 = arith.constant 0 : i32
        %dma_wait3A_426 = arith.constant 0 : i32
        %dma_wait3A_427 = tpu.memref_slice %arg7[%dma_wait3A_425, %dma_wait3A_426] : memref<10008x64xf32, #tpu.memory_space<vmem_shared>> -> memref<10008x64xf32, #tpu.memory_space<vmem_shared>>
        tpu.wait_indirect_dma semaphore(%arg20 : memref<!tpu.dma_semaphore, #tpu.memory_space<semaphore_mem>>) src(%arg12 : memref<128x64xf32, #tpu.memory_space<vmem>>) dst(%dma_wait3A_427 : memref<10008x64xf32, #tpu.memory_space<vmem_shared>>)
        %dma_start3A_428 = arith.constant 10 : i32
        %dma_start3A_429 = arith.constant 0 : i32
        %dma_start3A_430 = tpu.memref_slice %arg9[%dma_start3A_428, %dma_start3A_429] : memref<16x128xi32, #tpu.memory_space<vmem>> -> memref<1x128xi32, #tpu.memory_space<vmem>>
        %dma_start3A_431 = tpu.memref_squeeze %dma_start3A_430 : memref<1x128xi32, #tpu.memory_space<vmem>> -> memref<128xi32, #tpu.memory_space<vmem>>
        %dma_start3A_432 = arith.constant 0 : i32
        %dma_start3A_433 = arith.constant 0 : i32
        %dma_start3A_434 = tpu.memref_slice %arg8[%dma_start3A_432, %dma_start3A_433] : memref<10000x64xf32, #tpu.memory_space<vmem_shared>> -> memref<10000x64xf32, #tpu.memory_space<vmem_shared>>
        tpu.enqueue_indirect_dma source(%dma_start3A_434 : memref<10000x64xf32, #tpu.memory_space<vmem_shared>>) target(%arg12 : memref<128x64xf32, #tpu.memory_space<vmem>>) offsets(%dma_start3A_431 : memref<128xi32, #tpu.memory_space<vmem>>) semaphore(%arg17 : memref<!tpu.dma_semaphore, #tpu.memory_space<semaphore_mem>>)
        %dma_wait3A_435 = arith.constant 8 : i32
        %dma_wait3A_436 = arith.constant 0 : i32
        %dma_wait3A_437 = tpu.memref_slice %arg9[%dma_wait3A_435, %dma_wait3A_436] : memref<16x128xi32, #tpu.memory_space<vmem>> -> memref<1x128xi32, #tpu.memory_space<vmem>>
        %dma_wait3A_438 = tpu.memref_squeeze %dma_wait3A_437 : memref<1x128xi32, #tpu.memory_space<vmem>> -> memref<128xi32, #tpu.memory_space<vmem>>
        %dma_wait3A_439 = arith.constant 0 : i32
        %dma_wait3A_440 = arith.constant 0 : i32
        %dma_wait3A_441 = tpu.memref_slice %arg8[%dma_wait3A_439, %dma_wait3A_440] : memref<10000x64xf32, #tpu.memory_space<vmem_shared>> -> memref<10000x64xf32, #tpu.memory_space<vmem_shared>>
        tpu.wait_indirect_dma semaphore(%arg18 : memref<!tpu.dma_semaphore, #tpu.memory_space<semaphore_mem>>) src(%dma_wait3A_441 : memref<10000x64xf32, #tpu.memory_space<vmem_shared>>) dst(%arg13 : memref<128x64xf32, #tpu.memory_space<vmem>>)
        %dma_start3A_442 = arith.constant 8 : i32
        %dma_start3A_443 = arith.constant 0 : i32
        %dma_start3A_444 = tpu.memref_slice %arg10[%dma_start3A_442, %dma_start3A_443] : memref<16x128xi32, #tpu.memory_space<vmem>> -> memref<1x128xi32, #tpu.memory_space<vmem>>
        %dma_start3A_445 = tpu.memref_squeeze %dma_start3A_444 : memref<1x128xi32, #tpu.memory_space<vmem>> -> memref<128xi32, #tpu.memory_space<vmem>>
        %dma_start3A_446 = arith.constant 0 : i32
        %dma_start3A_447 = arith.constant 0 : i32
        %dma_start3A_448 = tpu.memref_slice %arg7[%dma_start3A_446, %dma_start3A_447] : memref<10008x64xf32, #tpu.memory_space<vmem_shared>> -> memref<10008x64xf32, #tpu.memory_space<vmem_shared>>
        tpu.enqueue_indirect_dma source(%arg13 : memref<128x64xf32, #tpu.memory_space<vmem>>) target(%dma_start3A_448 : memref<10008x64xf32, #tpu.memory_space<vmem_shared>>) offsets(%dma_start3A_445 : memref<128xi32, #tpu.memory_space<vmem>>) semaphore(%arg21 : memref<!tpu.dma_semaphore, #tpu.memory_space<semaphore_mem>>) {add = true}
        %dma_wait3A_449 = arith.constant 8 : i32
        %dma_wait3A_450 = arith.constant 0 : i32
        %dma_wait3A_451 = tpu.memref_slice %arg10[%dma_wait3A_449, %dma_wait3A_450] : memref<16x128xi32, #tpu.memory_space<vmem>> -> memref<1x128xi32, #tpu.memory_space<vmem>>
        %dma_wait3A_452 = tpu.memref_squeeze %dma_wait3A_451 : memref<1x128xi32, #tpu.memory_space<vmem>> -> memref<128xi32, #tpu.memory_space<vmem>>
        %dma_wait3A_453 = arith.constant 0 : i32
        %dma_wait3A_454 = arith.constant 0 : i32
        %dma_wait3A_455 = tpu.memref_slice %arg7[%dma_wait3A_453, %dma_wait3A_454] : memref<10008x64xf32, #tpu.memory_space<vmem_shared>> -> memref<10008x64xf32, #tpu.memory_space<vmem_shared>>
        tpu.wait_indirect_dma semaphore(%arg21 : memref<!tpu.dma_semaphore, #tpu.memory_space<semaphore_mem>>) src(%arg13 : memref<128x64xf32, #tpu.memory_space<vmem>>) dst(%dma_wait3A_455 : memref<10008x64xf32, #tpu.memory_space<vmem_shared>>)
        %dma_start3A_456 = arith.constant 11 : i32
        %dma_start3A_457 = arith.constant 0 : i32
        %dma_start3A_458 = tpu.memref_slice %arg9[%dma_start3A_456, %dma_start3A_457] : memref<16x128xi32, #tpu.memory_space<vmem>> -> memref<1x128xi32, #tpu.memory_space<vmem>>
        %dma_start3A_459 = tpu.memref_squeeze %dma_start3A_458 : memref<1x128xi32, #tpu.memory_space<vmem>> -> memref<128xi32, #tpu.memory_space<vmem>>
        %dma_start3A_460 = arith.constant 0 : i32
        %dma_start3A_461 = arith.constant 0 : i32
        %dma_start3A_462 = tpu.memref_slice %arg8[%dma_start3A_460, %dma_start3A_461] : memref<10000x64xf32, #tpu.memory_space<vmem_shared>> -> memref<10000x64xf32, #tpu.memory_space<vmem_shared>>
        tpu.enqueue_indirect_dma source(%dma_start3A_462 : memref<10000x64xf32, #tpu.memory_space<vmem_shared>>) target(%arg13 : memref<128x64xf32, #tpu.memory_space<vmem>>) offsets(%dma_start3A_459 : memref<128xi32, #tpu.memory_space<vmem>>) semaphore(%arg18 : memref<!tpu.dma_semaphore, #tpu.memory_space<semaphore_mem>>)
        %dma_wait3A_463 = arith.constant 9 : i32
        %dma_wait3A_464 = arith.constant 0 : i32
        %dma_wait3A_465 = tpu.memref_slice %arg9[%dma_wait3A_463, %dma_wait3A_464] : memref<16x128xi32, #tpu.memory_space<vmem>> -> memref<1x128xi32, #tpu.memory_space<vmem>>
        %dma_wait3A_466 = tpu.memref_squeeze %dma_wait3A_465 : memref<1x128xi32, #tpu.memory_space<vmem>> -> memref<128xi32, #tpu.memory_space<vmem>>
        %dma_wait3A_467 = arith.constant 0 : i32
        %dma_wait3A_468 = arith.constant 0 : i32
        %dma_wait3A_469 = tpu.memref_slice %arg8[%dma_wait3A_467, %dma_wait3A_468] : memref<10000x64xf32, #tpu.memory_space<vmem_shared>> -> memref<10000x64xf32, #tpu.memory_space<vmem_shared>>
        tpu.wait_indirect_dma semaphore(%arg16 : memref<!tpu.dma_semaphore, #tpu.memory_space<semaphore_mem>>) src(%dma_wait3A_469 : memref<10000x64xf32, #tpu.memory_space<vmem_shared>>) dst(%arg11 : memref<128x64xf32, #tpu.memory_space<vmem>>)
        %dma_start3A_470 = arith.constant 9 : i32
        %dma_start3A_471 = arith.constant 0 : i32
        %dma_start3A_472 = tpu.memref_slice %arg10[%dma_start3A_470, %dma_start3A_471] : memref<16x128xi32, #tpu.memory_space<vmem>> -> memref<1x128xi32, #tpu.memory_space<vmem>>
        %dma_start3A_473 = tpu.memref_squeeze %dma_start3A_472 : memref<1x128xi32, #tpu.memory_space<vmem>> -> memref<128xi32, #tpu.memory_space<vmem>>
        %dma_start3A_474 = arith.constant 0 : i32
        %dma_start3A_475 = arith.constant 0 : i32
        %dma_start3A_476 = tpu.memref_slice %arg7[%dma_start3A_474, %dma_start3A_475] : memref<10008x64xf32, #tpu.memory_space<vmem_shared>> -> memref<10008x64xf32, #tpu.memory_space<vmem_shared>>
        tpu.enqueue_indirect_dma source(%arg11 : memref<128x64xf32, #tpu.memory_space<vmem>>) target(%dma_start3A_476 : memref<10008x64xf32, #tpu.memory_space<vmem_shared>>) offsets(%dma_start3A_473 : memref<128xi32, #tpu.memory_space<vmem>>) semaphore(%arg19 : memref<!tpu.dma_semaphore, #tpu.memory_space<semaphore_mem>>) {add = true}
        %dma_wait3A_477 = arith.constant 9 : i32
        %dma_wait3A_478 = arith.constant 0 : i32
        %dma_wait3A_479 = tpu.memref_slice %arg10[%dma_wait3A_477, %dma_wait3A_478] : memref<16x128xi32, #tpu.memory_space<vmem>> -> memref<1x128xi32, #tpu.memory_space<vmem>>
        %dma_wait3A_480 = tpu.memref_squeeze %dma_wait3A_479 : memref<1x128xi32, #tpu.memory_space<vmem>> -> memref<128xi32, #tpu.memory_space<vmem>>
        %dma_wait3A_481 = arith.constant 0 : i32
        %dma_wait3A_482 = arith.constant 0 : i32
        %dma_wait3A_483 = tpu.memref_slice %arg7[%dma_wait3A_481, %dma_wait3A_482] : memref<10008x64xf32, #tpu.memory_space<vmem_shared>> -> memref<10008x64xf32, #tpu.memory_space<vmem_shared>>
        tpu.wait_indirect_dma semaphore(%arg19 : memref<!tpu.dma_semaphore, #tpu.memory_space<semaphore_mem>>) src(%arg11 : memref<128x64xf32, #tpu.memory_space<vmem>>) dst(%dma_wait3A_483 : memref<10008x64xf32, #tpu.memory_space<vmem_shared>>)
        %dma_start3A_484 = arith.constant 12 : i32
        %dma_start3A_485 = arith.constant 0 : i32
        %dma_start3A_486 = tpu.memref_slice %arg9[%dma_start3A_484, %dma_start3A_485] : memref<16x128xi32, #tpu.memory_space<vmem>> -> memref<1x128xi32, #tpu.memory_space<vmem>>
        %dma_start3A_487 = tpu.memref_squeeze %dma_start3A_486 : memref<1x128xi32, #tpu.memory_space<vmem>> -> memref<128xi32, #tpu.memory_space<vmem>>
        %dma_start3A_488 = arith.constant 0 : i32
        %dma_start3A_489 = arith.constant 0 : i32
        %dma_start3A_490 = tpu.memref_slice %arg8[%dma_start3A_488, %dma_start3A_489] : memref<10000x64xf32, #tpu.memory_space<vmem_shared>> -> memref<10000x64xf32, #tpu.memory_space<vmem_shared>>
        tpu.enqueue_indirect_dma source(%dma_start3A_490 : memref<10000x64xf32, #tpu.memory_space<vmem_shared>>) target(%arg11 : memref<128x64xf32, #tpu.memory_space<vmem>>) offsets(%dma_start3A_487 : memref<128xi32, #tpu.memory_space<vmem>>) semaphore(%arg16 : memref<!tpu.dma_semaphore, #tpu.memory_space<semaphore_mem>>)
        %dma_wait3A_491 = arith.constant 10 : i32
        %dma_wait3A_492 = arith.constant 0 : i32
        %dma_wait3A_493 = tpu.memref_slice %arg9[%dma_wait3A_491, %dma_wait3A_492] : memref<16x128xi32, #tpu.memory_space<vmem>> -> memref<1x128xi32, #tpu.memory_space<vmem>>
        %dma_wait3A_494 = tpu.memref_squeeze %dma_wait3A_493 : memref<1x128xi32, #tpu.memory_space<vmem>> -> memref<128xi32, #tpu.memory_space<vmem>>
        %dma_wait3A_495 = arith.constant 0 : i32
        %dma_wait3A_496 = arith.constant 0 : i32
        %dma_wait3A_497 = tpu.memref_slice %arg8[%dma_wait3A_495, %dma_wait3A_496] : memref<10000x64xf32, #tpu.memory_space<vmem_shared>> -> memref<10000x64xf32, #tpu.memory_space<vmem_shared>>
        tpu.wait_indirect_dma semaphore(%arg17 : memref<!tpu.dma_semaphore, #tpu.memory_space<semaphore_mem>>) src(%dma_wait3A_497 : memref<10000x64xf32, #tpu.memory_space<vmem_shared>>) dst(%arg12 : memref<128x64xf32, #tpu.memory_space<vmem>>)
        %dma_start3A_498 = arith.constant 10 : i32
        %dma_start3A_499 = arith.constant 0 : i32
        %dma_start3A_500 = tpu.memref_slice %arg10[%dma_start3A_498, %dma_start3A_499] : memref<16x128xi32, #tpu.memory_space<vmem>> -> memref<1x128xi32, #tpu.memory_space<vmem>>
        %dma_start3A_501 = tpu.memref_squeeze %dma_start3A_500 : memref<1x128xi32, #tpu.memory_space<vmem>> -> memref<128xi32, #tpu.memory_space<vmem>>
        %dma_start3A_502 = arith.constant 0 : i32
        %dma_start3A_503 = arith.constant 0 : i32
        %dma_start3A_504 = tpu.memref_slice %arg7[%dma_start3A_502, %dma_start3A_503] : memref<10008x64xf32, #tpu.memory_space<vmem_shared>> -> memref<10008x64xf32, #tpu.memory_space<vmem_shared>>
        tpu.enqueue_indirect_dma source(%arg12 : memref<128x64xf32, #tpu.memory_space<vmem>>) target(%dma_start3A_504 : memref<10008x64xf32, #tpu.memory_space<vmem_shared>>) offsets(%dma_start3A_501 : memref<128xi32, #tpu.memory_space<vmem>>) semaphore(%arg20 : memref<!tpu.dma_semaphore, #tpu.memory_space<semaphore_mem>>) {add = true}
        %dma_wait3A_505 = arith.constant 10 : i32
        %dma_wait3A_506 = arith.constant 0 : i32
        %dma_wait3A_507 = tpu.memref_slice %arg10[%dma_wait3A_505, %dma_wait3A_506] : memref<16x128xi32, #tpu.memory_space<vmem>> -> memref<1x128xi32, #tpu.memory_space<vmem>>
        %dma_wait3A_508 = tpu.memref_squeeze %dma_wait3A_507 : memref<1x128xi32, #tpu.memory_space<vmem>> -> memref<128xi32, #tpu.memory_space<vmem>>
        %dma_wait3A_509 = arith.constant 0 : i32
        %dma_wait3A_510 = arith.constant 0 : i32
        %dma_wait3A_511 = tpu.memref_slice %arg7[%dma_wait3A_509, %dma_wait3A_510] : memref<10008x64xf32, #tpu.memory_space<vmem_shared>> -> memref<10008x64xf32, #tpu.memory_space<vmem_shared>>
        tpu.wait_indirect_dma semaphore(%arg20 : memref<!tpu.dma_semaphore, #tpu.memory_space<semaphore_mem>>) src(%arg12 : memref<128x64xf32, #tpu.memory_space<vmem>>) dst(%dma_wait3A_511 : memref<10008x64xf32, #tpu.memory_space<vmem_shared>>)
        %dma_start3A_512 = arith.constant 13 : i32
        %dma_start3A_513 = arith.constant 0 : i32
        %dma_start3A_514 = tpu.memref_slice %arg9[%dma_start3A_512, %dma_start3A_513] : memref<16x128xi32, #tpu.memory_space<vmem>> -> memref<1x128xi32, #tpu.memory_space<vmem>>
        %dma_start3A_515 = tpu.memref_squeeze %dma_start3A_514 : memref<1x128xi32, #tpu.memory_space<vmem>> -> memref<128xi32, #tpu.memory_space<vmem>>
        %dma_start3A_516 = arith.constant 0 : i32
        %dma_start3A_517 = arith.constant 0 : i32
        %dma_start3A_518 = tpu.memref_slice %arg8[%dma_start3A_516, %dma_start3A_517] : memref<10000x64xf32, #tpu.memory_space<vmem_shared>> -> memref<10000x64xf32, #tpu.memory_space<vmem_shared>>
        tpu.enqueue_indirect_dma source(%dma_start3A_518 : memref<10000x64xf32, #tpu.memory_space<vmem_shared>>) target(%arg12 : memref<128x64xf32, #tpu.memory_space<vmem>>) offsets(%dma_start3A_515 : memref<128xi32, #tpu.memory_space<vmem>>) semaphore(%arg17 : memref<!tpu.dma_semaphore, #tpu.memory_space<semaphore_mem>>)
        %dma_wait3A_519 = arith.constant 11 : i32
        %dma_wait3A_520 = arith.constant 0 : i32
        %dma_wait3A_521 = tpu.memref_slice %arg9[%dma_wait3A_519, %dma_wait3A_520] : memref<16x128xi32, #tpu.memory_space<vmem>> -> memref<1x128xi32, #tpu.memory_space<vmem>>
        %dma_wait3A_522 = tpu.memref_squeeze %dma_wait3A_521 : memref<1x128xi32, #tpu.memory_space<vmem>> -> memref<128xi32, #tpu.memory_space<vmem>>
        %dma_wait3A_523 = arith.constant 0 : i32
        %dma_wait3A_524 = arith.constant 0 : i32
        %dma_wait3A_525 = tpu.memref_slice %arg8[%dma_wait3A_523, %dma_wait3A_524] : memref<10000x64xf32, #tpu.memory_space<vmem_shared>> -> memref<10000x64xf32, #tpu.memory_space<vmem_shared>>
        tpu.wait_indirect_dma semaphore(%arg18 : memref<!tpu.dma_semaphore, #tpu.memory_space<semaphore_mem>>) src(%dma_wait3A_525 : memref<10000x64xf32, #tpu.memory_space<vmem_shared>>) dst(%arg13 : memref<128x64xf32, #tpu.memory_space<vmem>>)
        %dma_start3A_526 = arith.constant 11 : i32
        %dma_start3A_527 = arith.constant 0 : i32
        %dma_start3A_528 = tpu.memref_slice %arg10[%dma_start3A_526, %dma_start3A_527] : memref<16x128xi32, #tpu.memory_space<vmem>> -> memref<1x128xi32, #tpu.memory_space<vmem>>
        %dma_start3A_529 = tpu.memref_squeeze %dma_start3A_528 : memref<1x128xi32, #tpu.memory_space<vmem>> -> memref<128xi32, #tpu.memory_space<vmem>>
        %dma_start3A_530 = arith.constant 0 : i32
        %dma_start3A_531 = arith.constant 0 : i32
        %dma_start3A_532 = tpu.memref_slice %arg7[%dma_start3A_530, %dma_start3A_531] : memref<10008x64xf32, #tpu.memory_space<vmem_shared>> -> memref<10008x64xf32, #tpu.memory_space<vmem_shared>>
        tpu.enqueue_indirect_dma source(%arg13 : memref<128x64xf32, #tpu.memory_space<vmem>>) target(%dma_start3A_532 : memref<10008x64xf32, #tpu.memory_space<vmem_shared>>) offsets(%dma_start3A_529 : memref<128xi32, #tpu.memory_space<vmem>>) semaphore(%arg21 : memref<!tpu.dma_semaphore, #tpu.memory_space<semaphore_mem>>) {add = true}
        %dma_wait3A_533 = arith.constant 11 : i32
        %dma_wait3A_534 = arith.constant 0 : i32
        %dma_wait3A_535 = tpu.memref_slice %arg10[%dma_wait3A_533, %dma_wait3A_534] : memref<16x128xi32, #tpu.memory_space<vmem>> -> memref<1x128xi32, #tpu.memory_space<vmem>>
        %dma_wait3A_536 = tpu.memref_squeeze %dma_wait3A_535 : memref<1x128xi32, #tpu.memory_space<vmem>> -> memref<128xi32, #tpu.memory_space<vmem>>
        %dma_wait3A_537 = arith.constant 0 : i32
        %dma_wait3A_538 = arith.constant 0 : i32
        %dma_wait3A_539 = tpu.memref_slice %arg7[%dma_wait3A_537, %dma_wait3A_538] : memref<10008x64xf32, #tpu.memory_space<vmem_shared>> -> memref<10008x64xf32, #tpu.memory_space<vmem_shared>>
        tpu.wait_indirect_dma semaphore(%arg21 : memref<!tpu.dma_semaphore, #tpu.memory_space<semaphore_mem>>) src(%arg13 : memref<128x64xf32, #tpu.memory_space<vmem>>) dst(%dma_wait3A_539 : memref<10008x64xf32, #tpu.memory_space<vmem_shared>>)
        %dma_start3A_540 = arith.constant 14 : i32
        %dma_start3A_541 = arith.constant 0 : i32
        %dma_start3A_542 = tpu.memref_slice %arg9[%dma_start3A_540, %dma_start3A_541] : memref<16x128xi32, #tpu.memory_space<vmem>> -> memref<1x128xi32, #tpu.memory_space<vmem>>
        %dma_start3A_543 = tpu.memref_squeeze %dma_start3A_542 : memref<1x128xi32, #tpu.memory_space<vmem>> -> memref<128xi32, #tpu.memory_space<vmem>>
        %dma_start3A_544 = arith.constant 0 : i32
        %dma_start3A_545 = arith.constant 0 : i32
        %dma_start3A_546 = tpu.memref_slice %arg8[%dma_start3A_544, %dma_start3A_545] : memref<10000x64xf32, #tpu.memory_space<vmem_shared>> -> memref<10000x64xf32, #tpu.memory_space<vmem_shared>>
        tpu.enqueue_indirect_dma source(%dma_start3A_546 : memref<10000x64xf32, #tpu.memory_space<vmem_shared>>) target(%arg13 : memref<128x64xf32, #tpu.memory_space<vmem>>) offsets(%dma_start3A_543 : memref<128xi32, #tpu.memory_space<vmem>>) semaphore(%arg18 : memref<!tpu.dma_semaphore, #tpu.memory_space<semaphore_mem>>)
        %dma_wait3A_547 = arith.constant 12 : i32
        %dma_wait3A_548 = arith.constant 0 : i32
        %dma_wait3A_549 = tpu.memref_slice %arg9[%dma_wait3A_547, %dma_wait3A_548] : memref<16x128xi32, #tpu.memory_space<vmem>> -> memref<1x128xi32, #tpu.memory_space<vmem>>
        %dma_wait3A_550 = tpu.memref_squeeze %dma_wait3A_549 : memref<1x128xi32, #tpu.memory_space<vmem>> -> memref<128xi32, #tpu.memory_space<vmem>>
        %dma_wait3A_551 = arith.constant 0 : i32
        %dma_wait3A_552 = arith.constant 0 : i32
        %dma_wait3A_553 = tpu.memref_slice %arg8[%dma_wait3A_551, %dma_wait3A_552] : memref<10000x64xf32, #tpu.memory_space<vmem_shared>> -> memref<10000x64xf32, #tpu.memory_space<vmem_shared>>
        tpu.wait_indirect_dma semaphore(%arg16 : memref<!tpu.dma_semaphore, #tpu.memory_space<semaphore_mem>>) src(%dma_wait3A_553 : memref<10000x64xf32, #tpu.memory_space<vmem_shared>>) dst(%arg11 : memref<128x64xf32, #tpu.memory_space<vmem>>)
        %dma_start3A_554 = arith.constant 12 : i32
        %dma_start3A_555 = arith.constant 0 : i32
        %dma_start3A_556 = tpu.memref_slice %arg10[%dma_start3A_554, %dma_start3A_555] : memref<16x128xi32, #tpu.memory_space<vmem>> -> memref<1x128xi32, #tpu.memory_space<vmem>>
        %dma_start3A_557 = tpu.memref_squeeze %dma_start3A_556 : memref<1x128xi32, #tpu.memory_space<vmem>> -> memref<128xi32, #tpu.memory_space<vmem>>
        %dma_start3A_558 = arith.constant 0 : i32
        %dma_start3A_559 = arith.constant 0 : i32
        %dma_start3A_560 = tpu.memref_slice %arg7[%dma_start3A_558, %dma_start3A_559] : memref<10008x64xf32, #tpu.memory_space<vmem_shared>> -> memref<10008x64xf32, #tpu.memory_space<vmem_shared>>
        tpu.enqueue_indirect_dma source(%arg11 : memref<128x64xf32, #tpu.memory_space<vmem>>) target(%dma_start3A_560 : memref<10008x64xf32, #tpu.memory_space<vmem_shared>>) offsets(%dma_start3A_557 : memref<128xi32, #tpu.memory_space<vmem>>) semaphore(%arg19 : memref<!tpu.dma_semaphore, #tpu.memory_space<semaphore_mem>>) {add = true}
        %dma_wait3A_561 = arith.constant 12 : i32
        %dma_wait3A_562 = arith.constant 0 : i32
        %dma_wait3A_563 = tpu.memref_slice %arg10[%dma_wait3A_561, %dma_wait3A_562] : memref<16x128xi32, #tpu.memory_space<vmem>> -> memref<1x128xi32, #tpu.memory_space<vmem>>
        %dma_wait3A_564 = tpu.memref_squeeze %dma_wait3A_563 : memref<1x128xi32, #tpu.memory_space<vmem>> -> memref<128xi32, #tpu.memory_space<vmem>>
        %dma_wait3A_565 = arith.constant 0 : i32
        %dma_wait3A_566 = arith.constant 0 : i32
        %dma_wait3A_567 = tpu.memref_slice %arg7[%dma_wait3A_565, %dma_wait3A_566] : memref<10008x64xf32, #tpu.memory_space<vmem_shared>> -> memref<10008x64xf32, #tpu.memory_space<vmem_shared>>
        tpu.wait_indirect_dma semaphore(%arg19 : memref<!tpu.dma_semaphore, #tpu.memory_space<semaphore_mem>>) src(%arg11 : memref<128x64xf32, #tpu.memory_space<vmem>>) dst(%dma_wait3A_567 : memref<10008x64xf32, #tpu.memory_space<vmem_shared>>)
        %dma_start3A_568 = arith.constant 15 : i32
        %dma_start3A_569 = arith.constant 0 : i32
        %dma_start3A_570 = tpu.memref_slice %arg9[%dma_start3A_568, %dma_start3A_569] : memref<16x128xi32, #tpu.memory_space<vmem>> -> memref<1x128xi32, #tpu.memory_space<vmem>>
        %dma_start3A_571 = tpu.memref_squeeze %dma_start3A_570 : memref<1x128xi32, #tpu.memory_space<vmem>> -> memref<128xi32, #tpu.memory_space<vmem>>
        %dma_start3A_572 = arith.constant 0 : i32
        %dma_start3A_573 = arith.constant 0 : i32
        %dma_start3A_574 = tpu.memref_slice %arg8[%dma_start3A_572, %dma_start3A_573] : memref<10000x64xf32, #tpu.memory_space<vmem_shared>> -> memref<10000x64xf32, #tpu.memory_space<vmem_shared>>
        tpu.enqueue_indirect_dma source(%dma_start3A_574 : memref<10000x64xf32, #tpu.memory_space<vmem_shared>>) target(%arg11 : memref<128x64xf32, #tpu.memory_space<vmem>>) offsets(%dma_start3A_571 : memref<128xi32, #tpu.memory_space<vmem>>) semaphore(%arg16 : memref<!tpu.dma_semaphore, #tpu.memory_space<semaphore_mem>>)
        %dma_wait3A_575 = arith.constant 13 : i32
        %dma_wait3A_576 = arith.constant 0 : i32
        %dma_wait3A_577 = tpu.memref_slice %arg9[%dma_wait3A_575, %dma_wait3A_576] : memref<16x128xi32, #tpu.memory_space<vmem>> -> memref<1x128xi32, #tpu.memory_space<vmem>>
        %dma_wait3A_578 = tpu.memref_squeeze %dma_wait3A_577 : memref<1x128xi32, #tpu.memory_space<vmem>> -> memref<128xi32, #tpu.memory_space<vmem>>
        %dma_wait3A_579 = arith.constant 0 : i32
        %dma_wait3A_580 = arith.constant 0 : i32
        %dma_wait3A_581 = tpu.memref_slice %arg8[%dma_wait3A_579, %dma_wait3A_580] : memref<10000x64xf32, #tpu.memory_space<vmem_shared>> -> memref<10000x64xf32, #tpu.memory_space<vmem_shared>>
        tpu.wait_indirect_dma semaphore(%arg17 : memref<!tpu.dma_semaphore, #tpu.memory_space<semaphore_mem>>) src(%dma_wait3A_581 : memref<10000x64xf32, #tpu.memory_space<vmem_shared>>) dst(%arg12 : memref<128x64xf32, #tpu.memory_space<vmem>>)
        %dma_start3A_582 = arith.constant 13 : i32
        %dma_start3A_583 = arith.constant 0 : i32
        %dma_start3A_584 = tpu.memref_slice %arg10[%dma_start3A_582, %dma_start3A_583] : memref<16x128xi32, #tpu.memory_space<vmem>> -> memref<1x128xi32, #tpu.memory_space<vmem>>
        %dma_start3A_585 = tpu.memref_squeeze %dma_start3A_584 : memref<1x128xi32, #tpu.memory_space<vmem>> -> memref<128xi32, #tpu.memory_space<vmem>>
        %dma_start3A_586 = arith.constant 0 : i32
        %dma_start3A_587 = arith.constant 0 : i32
        %dma_start3A_588 = tpu.memref_slice %arg7[%dma_start3A_586, %dma_start3A_587] : memref<10008x64xf32, #tpu.memory_space<vmem_shared>> -> memref<10008x64xf32, #tpu.memory_space<vmem_shared>>
        tpu.enqueue_indirect_dma source(%arg12 : memref<128x64xf32, #tpu.memory_space<vmem>>) target(%dma_start3A_588 : memref<10008x64xf32, #tpu.memory_space<vmem_shared>>) offsets(%dma_start3A_585 : memref<128xi32, #tpu.memory_space<vmem>>) semaphore(%arg20 : memref<!tpu.dma_semaphore, #tpu.memory_space<semaphore_mem>>) {add = true}
        %dma_wait3A_589 = arith.constant 14 : i32
        %dma_wait3A_590 = arith.constant 0 : i32
        %dma_wait3A_591 = tpu.memref_slice %arg9[%dma_wait3A_589, %dma_wait3A_590] : memref<16x128xi32, #tpu.memory_space<vmem>> -> memref<1x128xi32, #tpu.memory_space<vmem>>
        %dma_wait3A_592 = tpu.memref_squeeze %dma_wait3A_591 : memref<1x128xi32, #tpu.memory_space<vmem>> -> memref<128xi32, #tpu.memory_space<vmem>>
        %dma_wait3A_593 = arith.constant 0 : i32
        %dma_wait3A_594 = arith.constant 0 : i32
        %dma_wait3A_595 = tpu.memref_slice %arg8[%dma_wait3A_593, %dma_wait3A_594] : memref<10000x64xf32, #tpu.memory_space<vmem_shared>> -> memref<10000x64xf32, #tpu.memory_space<vmem_shared>>
        tpu.wait_indirect_dma semaphore(%arg18 : memref<!tpu.dma_semaphore, #tpu.memory_space<semaphore_mem>>) src(%dma_wait3A_595 : memref<10000x64xf32, #tpu.memory_space<vmem_shared>>) dst(%arg13 : memref<128x64xf32, #tpu.memory_space<vmem>>)
        %dma_start3A_596 = arith.constant 14 : i32
        %dma_start3A_597 = arith.constant 0 : i32
        %dma_start3A_598 = tpu.memref_slice %arg10[%dma_start3A_596, %dma_start3A_597] : memref<16x128xi32, #tpu.memory_space<vmem>> -> memref<1x128xi32, #tpu.memory_space<vmem>>
        %dma_start3A_599 = tpu.memref_squeeze %dma_start3A_598 : memref<1x128xi32, #tpu.memory_space<vmem>> -> memref<128xi32, #tpu.memory_space<vmem>>
        %dma_start3A_600 = arith.constant 0 : i32
        %dma_start3A_601 = arith.constant 0 : i32
        %dma_start3A_602 = tpu.memref_slice %arg7[%dma_start3A_600, %dma_start3A_601] : memref<10008x64xf32, #tpu.memory_space<vmem_shared>> -> memref<10008x64xf32, #tpu.memory_space<vmem_shared>>
        tpu.enqueue_indirect_dma source(%arg13 : memref<128x64xf32, #tpu.memory_space<vmem>>) target(%dma_start3A_602 : memref<10008x64xf32, #tpu.memory_space<vmem_shared>>) offsets(%dma_start3A_599 : memref<128xi32, #tpu.memory_space<vmem>>) semaphore(%arg21 : memref<!tpu.dma_semaphore, #tpu.memory_space<semaphore_mem>>) {add = true}
        %dma_wait3A_603 = arith.constant 15 : i32
        %dma_wait3A_604 = arith.constant 0 : i32
        %dma_wait3A_605 = tpu.memref_slice %arg9[%dma_wait3A_603, %dma_wait3A_604] : memref<16x128xi32, #tpu.memory_space<vmem>> -> memref<1x128xi32, #tpu.memory_space<vmem>>
        %dma_wait3A_606 = tpu.memref_squeeze %dma_wait3A_605 : memref<1x128xi32, #tpu.memory_space<vmem>> -> memref<128xi32, #tpu.memory_space<vmem>>
        %dma_wait3A_607 = arith.constant 0 : i32
        %dma_wait3A_608 = arith.constant 0 : i32
        %dma_wait3A_609 = tpu.memref_slice %arg8[%dma_wait3A_607, %dma_wait3A_608] : memref<10000x64xf32, #tpu.memory_space<vmem_shared>> -> memref<10000x64xf32, #tpu.memory_space<vmem_shared>>
        tpu.wait_indirect_dma semaphore(%arg16 : memref<!tpu.dma_semaphore, #tpu.memory_space<semaphore_mem>>) src(%dma_wait3A_609 : memref<10000x64xf32, #tpu.memory_space<vmem_shared>>) dst(%arg11 : memref<128x64xf32, #tpu.memory_space<vmem>>)
        %dma_start3A_610 = arith.constant 15 : i32
        %dma_start3A_611 = arith.constant 0 : i32
        %dma_start3A_612 = tpu.memref_slice %arg10[%dma_start3A_610, %dma_start3A_611] : memref<16x128xi32, #tpu.memory_space<vmem>> -> memref<1x128xi32, #tpu.memory_space<vmem>>
        %dma_start3A_613 = tpu.memref_squeeze %dma_start3A_612 : memref<1x128xi32, #tpu.memory_space<vmem>> -> memref<128xi32, #tpu.memory_space<vmem>>
        %dma_start3A_614 = arith.constant 0 : i32
        %dma_start3A_615 = arith.constant 0 : i32
        %dma_start3A_616 = tpu.memref_slice %arg7[%dma_start3A_614, %dma_start3A_615] : memref<10008x64xf32, #tpu.memory_space<vmem_shared>> -> memref<10008x64xf32, #tpu.memory_space<vmem_shared>>
        tpu.enqueue_indirect_dma source(%arg11 : memref<128x64xf32, #tpu.memory_space<vmem>>) target(%dma_start3A_616 : memref<10008x64xf32, #tpu.memory_space<vmem_shared>>) offsets(%dma_start3A_613 : memref<128xi32, #tpu.memory_space<vmem>>) semaphore(%arg19 : memref<!tpu.dma_semaphore, #tpu.memory_space<semaphore_mem>>) {add = true}
        %dma_wait3A_617 = arith.constant 15 : i32
        %dma_wait3A_618 = arith.constant 0 : i32
        %dma_wait3A_619 = tpu.memref_slice %arg10[%dma_wait3A_617, %dma_wait3A_618] : memref<16x128xi32, #tpu.memory_space<vmem>> -> memref<1x128xi32, #tpu.memory_space<vmem>>
        %dma_wait3A_620 = tpu.memref_squeeze %dma_wait3A_619 : memref<1x128xi32, #tpu.memory_space<vmem>> -> memref<128xi32, #tpu.memory_space<vmem>>
        %dma_wait3A_621 = arith.constant 0 : i32
        %dma_wait3A_622 = arith.constant 0 : i32
        %dma_wait3A_623 = tpu.memref_slice %arg7[%dma_wait3A_621, %dma_wait3A_622] : memref<10008x64xf32, #tpu.memory_space<vmem_shared>> -> memref<10008x64xf32, #tpu.memory_space<vmem_shared>>
        tpu.wait_indirect_dma semaphore(%arg19 : memref<!tpu.dma_semaphore, #tpu.memory_space<semaphore_mem>>) src(%arg11 : memref<128x64xf32, #tpu.memory_space<vmem>>) dst(%dma_wait3A_623 : memref<10008x64xf32, #tpu.memory_space<vmem_shared>>)
        %dma_wait3A_624 = arith.constant 13 : i32
        %dma_wait3A_625 = arith.constant 0 : i32
        %dma_wait3A_626 = tpu.memref_slice %arg10[%dma_wait3A_624, %dma_wait3A_625] : memref<16x128xi32, #tpu.memory_space<vmem>> -> memref<1x128xi32, #tpu.memory_space<vmem>>
        %dma_wait3A_627 = tpu.memref_squeeze %dma_wait3A_626 : memref<1x128xi32, #tpu.memory_space<vmem>> -> memref<128xi32, #tpu.memory_space<vmem>>
        %dma_wait3A_628 = arith.constant 0 : i32
        %dma_wait3A_629 = arith.constant 0 : i32
        %dma_wait3A_630 = tpu.memref_slice %arg7[%dma_wait3A_628, %dma_wait3A_629] : memref<10008x64xf32, #tpu.memory_space<vmem_shared>> -> memref<10008x64xf32, #tpu.memory_space<vmem_shared>>
        tpu.wait_indirect_dma semaphore(%arg20 : memref<!tpu.dma_semaphore, #tpu.memory_space<semaphore_mem>>) src(%arg12 : memref<128x64xf32, #tpu.memory_space<vmem>>) dst(%dma_wait3A_630 : memref<10008x64xf32, #tpu.memory_space<vmem_shared>>)
        %dma_wait3A_631 = arith.constant 14 : i32
        %dma_wait3A_632 = arith.constant 0 : i32
        %dma_wait3A_633 = tpu.memref_slice %arg10[%dma_wait3A_631, %dma_wait3A_632] : memref<16x128xi32, #tpu.memory_space<vmem>> -> memref<1x128xi32, #tpu.memory_space<vmem>>
        %dma_wait3A_634 = tpu.memref_squeeze %dma_wait3A_633 : memref<1x128xi32, #tpu.memory_space<vmem>> -> memref<128xi32, #tpu.memory_space<vmem>>
        %dma_wait3A_635 = arith.constant 0 : i32
        %dma_wait3A_636 = arith.constant 0 : i32
        %dma_wait3A_637 = tpu.memref_slice %arg7[%dma_wait3A_635, %dma_wait3A_636] : memref<10008x64xf32, #tpu.memory_space<vmem_shared>> -> memref<10008x64xf32, #tpu.memory_space<vmem_shared>>
        tpu.wait_indirect_dma semaphore(%arg21 : memref<!tpu.dma_semaphore, #tpu.memory_space<semaphore_mem>>) src(%arg13 : memref<128x64xf32, #tpu.memory_space<vmem>>) dst(%dma_wait3A_637 : memref<10008x64xf32, #tpu.memory_space<vmem_shared>>)
        %scan3A_638 = arith.constant 0 : i32
        scf.yield %scan3A_638 : i32
      }
      %scan3A_121 = arith.constant 10 : i32
      %barrier3A_122 = arith.constant 0 : index
      tpu.barrier barrier_id(%barrier3A_122)
      %scan3A_123 = arith.constant 0 : i32
      %scan3A_124 = arith.constant 0 : i32
      %scan3A_125 = arith.constant 128 : i32
      %scan3A_126 = arith.addi %scan3A_124, %scan3A_125 : i32
      %scan3A_127 = arith.constant 1 : i32
      %scan3A_128 = scf.for %scan3A_186 = %scan3A_124 to %scan3A_126 step %scan3A_127 iter_args(%scan3A_187 = %scan3A_123) -> (i32)  : i32 {
        %swap3A = arith.index_cast %scan3A_186 : i32 to index
        %swap3A_188 = arith.constant 0 : index
        %swap3A_189 = tpu.vector_load %arg11[%swap3A, %swap3A_188] {strides = array<i32>} : memref<128x64xf32, #tpu.memory_space<vmem>>, vector<1x16xf32>,
        %swap3A_190 = vector.shape_cast %swap3A_189 : vector<1x16xf32> to vector<16xf32>
        %swap3A_191 = vector.shape_cast %broadcast_in_dim3A_1 : vector<16xf32> to vector<1x16xf32>
        tpu.vector_store %arg11[%swap3A, %swap3A_188], %swap3A_191 {strides = array<i32>} : memref<128x64xf32, #tpu.memory_space<vmem>>, vector<1x16xf32>,
        %swap3A_192 = arith.index_cast %scan3A_186 : i32 to index
        %swap3A_193 = arith.constant 16 : index
        %swap3A_194 = tpu.vector_load %arg11[%swap3A_192, %swap3A_193] {strides = array<i32>} : memref<128x64xf32, #tpu.memory_space<vmem>>, vector<1x16xf32>,
        %swap3A_195 = vector.shape_cast %swap3A_194 : vector<1x16xf32> to vector<16xf32>
        %swap3A_196 = vector.shape_cast %broadcast_in_dim3A_1 : vector<16xf32> to vector<1x16xf32>
        tpu.vector_store %arg11[%swap3A_192, %swap3A_193], %swap3A_196 {strides = array<i32>} : memref<128x64xf32, #tpu.memory_space<vmem>>, vector<1x16xf32>,
        %swap3A_197 = arith.index_cast %scan3A_186 : i32 to index
        %swap3A_198 = arith.constant 32 : index
        %swap3A_199 = tpu.vector_load %arg11[%swap3A_197, %swap3A_198] {strides = array<i32>} : memref<128x64xf32, #tpu.memory_space<vmem>>, vector<1x16xf32>,
        %swap3A_200 = vector.shape_cast %swap3A_199 : vector<1x16xf32> to vector<16xf32>
        %swap3A_201 = vector.shape_cast %broadcast_in_dim3A_1 : vector<16xf32> to vector<1x16xf32>
        tpu.vector_store %arg11[%swap3A_197, %swap3A_198], %swap3A_201 {strides = array<i32>} : memref<128x64xf32, #tpu.memory_space<vmem>>, vector<1x16xf32>,
        %swap3A_202 = arith.index_cast %scan3A_186 : i32 to index
        %swap3A_203 = arith.constant 48 : index
        %swap3A_204 = tpu.vector_load %arg11[%swap3A_202, %swap3A_203] {strides = array<i32>} : memref<128x64xf32, #tpu.memory_space<vmem>>, vector<1x16xf32>,
        %swap3A_205 = vector.shape_cast %swap3A_204 : vector<1x16xf32> to vector<16xf32>
        %swap3A_206 = vector.shape_cast %broadcast_in_dim3A_1 : vector<16xf32> to vector<1x16xf32>
        tpu.vector_store %arg11[%swap3A_202, %swap3A_203], %swap3A_206 {strides = array<i32>} : memref<128x64xf32, #tpu.memory_space<vmem>>, vector<1x16xf32>,
        %scan3A_207 = arith.constant 0 : i32
        scf.yield %scan3A_207 : i32
      }
      %scan3A_129 = arith.constant 128 : i32
      %add3A_130 = arith.constant 0 : i32
      %add3A_131 = arith.addi %mul3A_0, %add3A_130 : i32
      "tpu.region"() ({
        %run_scoped3A_186 = tpu.sem_alloc : memref<!tpu.dma_semaphore, #tpu.memory_space<semaphore_mem>>
        %dma_start3A = arith.constant 0 : i32
        %dma_start3A_187 = tpu.memref_slice %arg7[%add3A_131, %dma_start3A] : memref<10008x64xf32, #tpu.memory_space<vmem_shared>> -> memref<125x64xf32, #tpu.memory_space<vmem_shared>>
        %dma_start3A_188 = arith.constant 0 : i32
        %dma_start3A_189 = tpu.memref_slice %arg7[%add3A_131, %dma_start3A_188] : memref<10008x64xf32, #tpu.memory_space<vmem_shared>> -> memref<125x64xf32, #tpu.memory_space<vmem_shared>>
        tpu.enqueue_dma source(%dma_start3A_189 : memref<125x64xf32, #tpu.memory_space<vmem_shared>>) target(%arg14 : memref<125x64xf32, #tpu.memory_space<vmem>>) target_semaphore(%run_scoped3A_186 : memref<!tpu.dma_semaphore, #tpu.memory_space<semaphore_mem>>)
        %dma_wait3A = arith.constant 0 : i32
        %dma_wait3A_190 = tpu.memref_slice %arg7[%add3A_131, %dma_wait3A] : memref<10008x64xf32, #tpu.memory_space<vmem_shared>> -> memref<125x64xf32, #tpu.memory_space<vmem_shared>>
        %dma_wait3A_191 = arith.constant 0 : i32
        %dma_wait3A_192 = tpu.memref_slice %arg7[%add3A_131, %dma_wait3A_191] : memref<10008x64xf32, #tpu.memory_space<vmem_shared>> -> memref<125x64xf32, #tpu.memory_space<vmem_shared>>
        tpu.wait_dma2 semaphore(%run_scoped3A_186 : memref<!tpu.dma_semaphore, #tpu.memory_space<semaphore_mem>>) src(%dma_wait3A_192 : memref<125x64xf32, #tpu.memory_space<vmem_shared>>) dst(%arg14 : memref<125x64xf32, #tpu.memory_space<vmem>>)
        tpu.yield
      }) : () -> ()
      "tpu.region"() ({
        %run_scoped3A_186 = tpu.sem_alloc : memref<!tpu.dma_semaphore, #tpu.memory_space<semaphore_mem>>
        %dma_start3A = arith.constant 0 : i32
        %dma_start3A_187 = arith.constant 0 : i32
        %dma_start3A_188 = tpu.memref_slice %arg11[%dma_start3A, %dma_start3A_187] : memref<128x64xf32, #tpu.memory_space<vmem>> -> memref<125x64xf32, #tpu.memory_space<vmem>>
        %dma_start3A_189 = arith.constant 0 : i32
        %dma_start3A_190 = tpu.memref_slice %arg7[%add3A_131, %dma_start3A_189] : memref<10008x64xf32, #tpu.memory_space<vmem_shared>> -> memref<125x64xf32, #tpu.memory_space<vmem_shared>>
        %dma_start3A_191 = arith.constant 0 : i32
        %dma_start3A_192 = tpu.memref_slice %arg7[%add3A_131, %dma_start3A_191] : memref<10008x64xf32, #tpu.memory_space<vmem_shared>> -> memref<125x64xf32, #tpu.memory_space<vmem_shared>>
        %dma_start3A_193 = arith.constant 0 : i32
        %dma_start3A_194 = arith.constant 0 : i32
        %dma_start3A_195 = tpu.memref_slice %arg11[%dma_start3A_193, %dma_start3A_194] : memref<128x64xf32, #tpu.memory_space<vmem>> -> memref<125x64xf32, #tpu.memory_space<vmem>>
        tpu.enqueue_dma source(%dma_start3A_195 : memref<125x64xf32, #tpu.memory_space<vmem>>) target(%dma_start3A_192 : memref<125x64xf32, #tpu.memory_space<vmem_shared>>) target_semaphore(%run_scoped3A_186 : memref<!tpu.dma_semaphore, #tpu.memory_space<semaphore_mem>>)
        %dma_wait3A = arith.constant 0 : i32
        %dma_wait3A_196 = arith.constant 0 : i32
        %dma_wait3A_197 = tpu.memref_slice %arg11[%dma_wait3A, %dma_wait3A_196] : memref<128x64xf32, #tpu.memory_space<vmem>> -> memref<125x64xf32, #tpu.memory_space<vmem>>
        %dma_wait3A_198 = arith.constant 0 : i32
        %dma_wait3A_199 = tpu.memref_slice %arg7[%add3A_131, %dma_wait3A_198] : memref<10008x64xf32, #tpu.memory_space<vmem_shared>> -> memref<125x64xf32, #tpu.memory_space<vmem_shared>>
        %dma_wait3A_200 = arith.constant 0 : i32
        %dma_wait3A_201 = tpu.memref_slice %arg7[%add3A_131, %dma_wait3A_200] : memref<10008x64xf32, #tpu.memory_space<vmem_shared>> -> memref<125x64xf32, #tpu.memory_space<vmem_shared>>
        %dma_wait3A_202 = arith.constant 0 : i32
        %dma_wait3A_203 = arith.constant 0 : i32
        %dma_wait3A_204 = tpu.memref_slice %arg11[%dma_wait3A_202, %dma_wait3A_203] : memref<128x64xf32, #tpu.memory_space<vmem>> -> memref<125x64xf32, #tpu.memory_space<vmem>>
        tpu.wait_dma2 semaphore(%run_scoped3A_186 : memref<!tpu.dma_semaphore, #tpu.memory_space<semaphore_mem>>) src(%dma_wait3A_204 : memref<125x64xf32, #tpu.memory_space<vmem>>) dst(%dma_wait3A_201 : memref<125x64xf32, #tpu.memory_space<vmem_shared>>)
        tpu.yield
      }) : () -> ()
      %scan3A_132 = arith.constant 0 : i32
      %scan3A_133 = arith.constant 0 : i32
      %scan3A_134 = arith.constant 125 : i32
      %scan3A_135 = arith.addi %scan3A_133, %scan3A_134 : i32
      %scan3A_136 = arith.constant 1 : i32
      %scan3A_137 = scf.for %scan3A_186 = %scan3A_133 to %scan3A_135 step %scan3A_136 iter_args(%scan3A_187 = %scan3A_132) -> (i32)  : i32 {
        %add3A_188 = arith.constant 0 : i32
        %add3A_189 = arith.addi %add3A_188, %scan3A_186 : i32
        %get3A = arith.index_cast %add3A_189 : i32 to index
        %get3A_190 = arith.constant 0 : index
        %get3A_191 = tpu.vector_load %arg15[%get3A, %get3A_190] {strides = array<i32>} : memref<625x16xf32, #tpu.memory_space<vmem>>, vector<1x16xf32>,
        %get3A_192 = vector.shape_cast %get3A_191 : vector<1x16xf32> to vector<16xf32>
        %get3A_193 = arith.index_cast %scan3A_186 : i32 to index
        %get3A_194 = arith.constant 0 : index
        %get3A_195 = tpu.vector_load %arg14[%get3A_193, %get3A_194] {strides = array<i32>} : memref<125x64xf32, #tpu.memory_space<vmem>>, vector<1x16xf32>,
        %get3A_196 = vector.shape_cast %get3A_195 : vector<1x16xf32> to vector<16xf32>
        %mul3A_197 = arith.mulf %get3A_196, %get3A_192 : vector<16xf32>
        %swap3A = arith.index_cast %scan3A_186 : i32 to index
        %swap3A_198 = arith.constant 0 : index
        %swap3A_199 = tpu.vector_load %arg14[%swap3A, %swap3A_198] {strides = array<i32>} : memref<125x64xf32, #tpu.memory_space<vmem>>, vector<1x16xf32>,
        %swap3A_200 = vector.shape_cast %swap3A_199 : vector<1x16xf32> to vector<16xf32>
        %swap3A_201 = vector.shape_cast %mul3A_197 : vector<16xf32> to vector<1x16xf32>
        tpu.vector_store %arg14[%swap3A, %swap3A_198], %swap3A_201 {strides = array<i32>} : memref<125x64xf32, #tpu.memory_space<vmem>>, vector<1x16xf32>,
        %get3A_202 = arith.index_cast %scan3A_186 : i32 to index
        %get3A_203 = arith.constant 16 : index
        %get3A_204 = tpu.vector_load %arg14[%get3A_202, %get3A_203] {strides = array<i32>} : memref<125x64xf32, #tpu.memory_space<vmem>>, vector<1x16xf32>,
        %get3A_205 = vector.shape_cast %get3A_204 : vector<1x16xf32> to vector<16xf32>
        %mul3A_206 = arith.mulf %get3A_205, %get3A_192 : vector<16xf32>
        %swap3A_207 = arith.index_cast %scan3A_186 : i32 to index
        %swap3A_208 = arith.constant 16 : index
        %swap3A_209 = tpu.vector_load %arg14[%swap3A_207, %swap3A_208] {strides = array<i32>} : memref<125x64xf32, #tpu.memory_space<vmem>>, vector<1x16xf32>,
        %swap3A_210 = vector.shape_cast %swap3A_209 : vector<1x16xf32> to vector<16xf32>
        %swap3A_211 = vector.shape_cast %mul3A_206 : vector<16xf32> to vector<1x16xf32>
        tpu.vector_store %arg14[%swap3A_207, %swap3A_208], %swap3A_211 {strides = array<i32>} : memref<125x64xf32, #tpu.memory_space<vmem>>, vector<1x16xf32>,
        %get3A_212 = arith.index_cast %scan3A_186 : i32 to index
        %get3A_213 = arith.constant 32 : index
        %get3A_214 = tpu.vector_load %arg14[%get3A_212, %get3A_213] {strides = array<i32>} : memref<125x64xf32, #tpu.memory_space<vmem>>, vector<1x16xf32>,
        %get3A_215 = vector.shape_cast %get3A_214 : vector<1x16xf32> to vector<16xf32>
        %mul3A_216 = arith.mulf %get3A_215, %get3A_192 : vector<16xf32>
        %swap3A_217 = arith.index_cast %scan3A_186 : i32 to index
        %swap3A_218 = arith.constant 32 : index
        %swap3A_219 = tpu.vector_load %arg14[%swap3A_217, %swap3A_218] {strides = array<i32>} : memref<125x64xf32, #tpu.memory_space<vmem>>, vector<1x16xf32>,
        %swap3A_220 = vector.shape_cast %swap3A_219 : vector<1x16xf32> to vector<16xf32>
        %swap3A_221 = vector.shape_cast %mul3A_216 : vector<16xf32> to vector<1x16xf32>
        tpu.vector_store %arg14[%swap3A_217, %swap3A_218], %swap3A_221 {strides = array<i32>} : memref<125x64xf32, #tpu.memory_space<vmem>>, vector<1x16xf32>,
        %get3A_222 = arith.index_cast %scan3A_186 : i32 to index
        %get3A_223 = arith.constant 48 : index
        %get3A_224 = tpu.vector_load %arg14[%get3A_222, %get3A_223] {strides = array<i32>} : memref<125x64xf32, #tpu.memory_space<vmem>>, vector<1x16xf32>,
        %get3A_225 = vector.shape_cast %get3A_224 : vector<1x16xf32> to vector<16xf32>
        %mul3A_226 = arith.mulf %get3A_225, %get3A_192 : vector<16xf32>
        %swap3A_227 = arith.index_cast %scan3A_186 : i32 to index
        %swap3A_228 = arith.constant 48 : index
        %swap3A_229 = tpu.vector_load %arg14[%swap3A_227, %swap3A_228] {strides = array<i32>} : memref<125x64xf32, #tpu.memory_space<vmem>>, vector<1x16xf32>,
        %swap3A_230 = vector.shape_cast %swap3A_229 : vector<1x16xf32> to vector<16xf32>
        %swap3A_231 = vector.shape_cast %mul3A_226 : vector<16xf32> to vector<1x16xf32>
        tpu.vector_store %arg14[%swap3A_227, %swap3A_228], %swap3A_231 {strides = array<i32>} : memref<125x64xf32, #tpu.memory_space<vmem>>, vector<1x16xf32>,
        %scan3A_232 = arith.constant 0 : i32
        scf.yield %scan3A_232 : i32
      }
      %scan3A_138 = arith.constant 125 : i32
      "tpu.region"() ({
        %run_scoped3A_186 = tpu.sem_alloc : memref<!tpu.dma_semaphore, #tpu.memory_space<semaphore_mem>>
        %dma_start3A = arith.constant 0 : i32
        %dma_start3A_187 = tpu.memref_slice %arg8[%add3A_131, %dma_start3A] : memref<10000x64xf32, #tpu.memory_space<vmem_shared>> -> memref<125x64xf32, #tpu.memory_space<vmem_shared>>
        %dma_start3A_188 = arith.constant 0 : i32
        %dma_start3A_189 = tpu.memref_slice %arg8[%add3A_131, %dma_start3A_188] : memref<10000x64xf32, #tpu.memory_space<vmem_shared>> -> memref<125x64xf32, #tpu.memory_space<vmem_shared>>
        tpu.enqueue_dma source(%arg14 : memref<125x64xf32, #tpu.memory_space<vmem>>) target(%dma_start3A_189 : memref<125x64xf32, #tpu.memory_space<vmem_shared>>) target_semaphore(%run_scoped3A_186 : memref<!tpu.dma_semaphore, #tpu.memory_space<semaphore_mem>>)
        %dma_wait3A = arith.constant 0 : i32
        %dma_wait3A_190 = tpu.memref_slice %arg8[%add3A_131, %dma_wait3A] : memref<10000x64xf32, #tpu.memory_space<vmem_shared>> -> memref<125x64xf32, #tpu.memory_space<vmem_shared>>
        %dma_wait3A_191 = arith.constant 0 : i32
        %dma_wait3A_192 = tpu.memref_slice %arg8[%add3A_131, %dma_wait3A_191] : memref<10000x64xf32, #tpu.memory_space<vmem_shared>> -> memref<125x64xf32, #tpu.memory_space<vmem_shared>>
        tpu.wait_dma2 semaphore(%run_scoped3A_186 : memref<!tpu.dma_semaphore, #tpu.memory_space<semaphore_mem>>) src(%arg14 : memref<125x64xf32, #tpu.memory_space<vmem>>) dst(%dma_wait3A_192 : memref<125x64xf32, #tpu.memory_space<vmem_shared>>)
        tpu.yield
      }) : () -> ()
      %add3A_139 = arith.constant 1 : i32
      %add3A_140 = arith.addi %scan3A_114, %add3A_139 : i32
      "tpu.region"() ({
        %run_scoped3A_186 = tpu.sem_alloc : memref<!tpu.dma_semaphore, #tpu.memory_space<semaphore_mem>>
        %dma_start3A = arith.constant 0 : i32
        %dma_start3A_187 = tpu.memref_slice %arg5[%add3A_140, %arg0, %add3A_131, %dma_start3A] : memref<9x2x10000x64xf32, #tpu.memory_space<hbm>> -> memref<1x1x125x64xf32, #tpu.memory_space<hbm>>
        %dma_start3A_188 = tpu.memref_squeeze %dma_start3A_187 : memref<1x1x125x64xf32, #tpu.memory_space<hbm>> -> memref<125x64xf32, #tpu.memory_space<hbm>>
        %dma_start3A_189 = arith.constant 0 : i32
        %dma_start3A_190 = tpu.memref_slice %arg5[%add3A_140, %arg0, %add3A_131, %dma_start3A_189] : memref<9x2x10000x64xf32, #tpu.memory_space<hbm>> -> memref<1x1x125x64xf32, #tpu.memory_space<hbm>>
        %dma_start3A_191 = tpu.memref_squeeze %dma_start3A_190 : memref<1x1x125x64xf32, #tpu.memory_space<hbm>> -> memref<125x64xf32, #tpu.memory_space<hbm>>
        tpu.enqueue_dma source(%arg14 : memref<125x64xf32, #tpu.memory_space<vmem>>) target(%dma_start3A_191 : memref<125x64xf32, #tpu.memory_space<hbm>>) target_semaphore(%run_scoped3A_186 : memref<!tpu.dma_semaphore, #tpu.memory_space<semaphore_mem>>)
        %dma_wait3A = arith.constant 0 : i32
        %dma_wait3A_192 = tpu.memref_slice %arg5[%add3A_140, %arg0, %add3A_131, %dma_wait3A] : memref<9x2x10000x64xf32, #tpu.memory_space<hbm>> -> memref<1x1x125x64xf32, #tpu.memory_space<hbm>>
        %dma_wait3A_193 = tpu.memref_squeeze %dma_wait3A_192 : memref<1x1x125x64xf32, #tpu.memory_space<hbm>> -> memref<125x64xf32, #tpu.memory_space<hbm>>
        %dma_wait3A_194 = arith.constant 0 : i32
        %dma_wait3A_195 = tpu.memref_slice %arg5[%add3A_140, %arg0, %add3A_131, %dma_wait3A_194] : memref<9x2x10000x64xf32, #tpu.memory_space<hbm>> -> memref<1x1x125x64xf32, #tpu.memory_space<hbm>>
        %dma_wait3A_196 = tpu.memref_squeeze %dma_wait3A_195 : memref<1x1x125x64xf32, #tpu.memory_space<hbm>> -> memref<125x64xf32, #tpu.memory_space<hbm>>
        tpu.wait_dma2 semaphore(%run_scoped3A_186 : memref<!tpu.dma_semaphore, #tpu.memory_space<semaphore_mem>>) src(%arg14 : memref<125x64xf32, #tpu.memory_space<vmem>>) dst(%dma_wait3A_196 : memref<125x64xf32, #tpu.memory_space<hbm>>)
        tpu.yield
      }) : () -> ()
      %add3A_141 = arith.constant 125 : i32
      %add3A_142 = arith.addi %mul3A_0, %add3A_141 : i32
      "tpu.region"() ({
        %run_scoped3A_186 = tpu.sem_alloc : memref<!tpu.dma_semaphore, #tpu.memory_space<semaphore_mem>>
        %dma_start3A = arith.constant 0 : i32
        %dma_start3A_187 = tpu.memref_slice %arg7[%add3A_142, %dma_start3A] : memref<10008x64xf32, #tpu.memory_space<vmem_shared>> -> memref<125x64xf32, #tpu.memory_space<vmem_shared>>
        %dma_start3A_188 = arith.constant 0 : i32
        %dma_start3A_189 = tpu.memref_slice %arg7[%add3A_142, %dma_start3A_188] : memref<10008x64xf32, #tpu.memory_space<vmem_shared>> -> memref<125x64xf32, #tpu.memory_space<vmem_shared>>
        tpu.enqueue_dma source(%dma_start3A_189 : memref<125x64xf32, #tpu.memory_space<vmem_shared>>) target(%arg14 : memref<125x64xf32, #tpu.memory_space<vmem>>) target_semaphore(%run_scoped3A_186 : memref<!tpu.dma_semaphore, #tpu.memory_space<semaphore_mem>>)
        %dma_wait3A = arith.constant 0 : i32
        %dma_wait3A_190 = tpu.memref_slice %arg7[%add3A_142, %dma_wait3A] : memref<10008x64xf32, #tpu.memory_space<vmem_shared>> -> memref<125x64xf32, #tpu.memory_space<vmem_shared>>
        %dma_wait3A_191 = arith.constant 0 : i32
        %dma_wait3A_192 = tpu.memref_slice %arg7[%add3A_142, %dma_wait3A_191] : memref<10008x64xf32, #tpu.memory_space<vmem_shared>> -> memref<125x64xf32, #tpu.memory_space<vmem_shared>>
        tpu.wait_dma2 semaphore(%run_scoped3A_186 : memref<!tpu.dma_semaphore, #tpu.memory_space<semaphore_mem>>) src(%dma_wait3A_192 : memref<125x64xf32, #tpu.memory_space<vmem_shared>>) dst(%arg14 : memref<125x64xf32, #tpu.memory_space<vmem>>)
        tpu.yield
      }) : () -> ()
      "tpu.region"() ({
        %run_scoped3A_186 = tpu.sem_alloc : memref<!tpu.dma_semaphore, #tpu.memory_space<semaphore_mem>>
        %dma_start3A = arith.constant 0 : i32
        %dma_start3A_187 = arith.constant 0 : i32
        %dma_start3A_188 = tpu.memref_slice %arg11[%dma_start3A, %dma_start3A_187] : memref<128x64xf32, #tpu.memory_space<vmem>> -> memref<125x64xf32, #tpu.memory_space<vmem>>
        %dma_start3A_189 = arith.constant 0 : i32
        %dma_start3A_190 = tpu.memref_slice %arg7[%add3A_142, %dma_start3A_189] : memref<10008x64xf32, #tpu.memory_space<vmem_shared>> -> memref<125x64xf32, #tpu.memory_space<vmem_shared>>
        %dma_start3A_191 = arith.constant 0 : i32
        %dma_start3A_192 = tpu.memref_slice %arg7[%add3A_142, %dma_start3A_191] : memref<10008x64xf32, #tpu.memory_space<vmem_shared>> -> memref<125x64xf32, #tpu.memory_space<vmem_shared>>
        %dma_start3A_193 = arith.constant 0 : i32
        %dma_start3A_194 = arith.constant 0 : i32
        %dma_start3A_195 = tpu.memref_slice %arg11[%dma_start3A_193, %dma_start3A_194] : memref<128x64xf32, #tpu.memory_space<vmem>> -> memref<125x64xf32, #tpu.memory_space<vmem>>
        tpu.enqueue_dma source(%dma_start3A_195 : memref<125x64xf32, #tpu.memory_space<vmem>>) target(%dma_start3A_192 : memref<125x64xf32, #tpu.memory_space<vmem_shared>>) target_semaphore(%run_scoped3A_186 : memref<!tpu.dma_semaphore, #tpu.memory_space<semaphore_mem>>)
        %dma_wait3A = arith.constant 0 : i32
        %dma_wait3A_196 = arith.constant 0 : i32
        %dma_wait3A_197 = tpu.memref_slice %arg11[%dma_wait3A, %dma_wait3A_196] : memref<128x64xf32, #tpu.memory_space<vmem>> -> memref<125x64xf32, #tpu.memory_space<vmem>>
        %dma_wait3A_198 = arith.constant 0 : i32
        %dma_wait3A_199 = tpu.memref_slice %arg7[%add3A_142, %dma_wait3A_198] : memref<10008x64xf32, #tpu.memory_space<vmem_shared>> -> memref<125x64xf32, #tpu.memory_space<vmem_shared>>
        %dma_wait3A_200 = arith.constant 0 : i32
        %dma_wait3A_201 = tpu.memref_slice %arg7[%add3A_142, %dma_wait3A_200] : memref<10008x64xf32, #tpu.memory_space<vmem_shared>> -> memref<125x64xf32, #tpu.memory_space<vmem_shared>>
        %dma_wait3A_202 = arith.constant 0 : i32
        %dma_wait3A_203 = arith.constant 0 : i32
        %dma_wait3A_204 = tpu.memref_slice %arg11[%dma_wait3A_202, %dma_wait3A_203] : memref<128x64xf32, #tpu.memory_space<vmem>> -> memref<125x64xf32, #tpu.memory_space<vmem>>
        tpu.wait_dma2 semaphore(%run_scoped3A_186 : memref<!tpu.dma_semaphore, #tpu.memory_space<semaphore_mem>>) src(%dma_wait3A_204 : memref<125x64xf32, #tpu.memory_space<vmem>>) dst(%dma_wait3A_201 : memref<125x64xf32, #tpu.memory_space<vmem_shared>>)
        tpu.yield
      }) : () -> ()
      %scan3A_143 = arith.constant 0 : i32
      %scan3A_144 = arith.constant 0 : i32
      %scan3A_145 = arith.constant 125 : i32
      %scan3A_146 = arith.addi %scan3A_144, %scan3A_145 : i32
      %scan3A_147 = arith.constant 1 : i32
      %scan3A_148 = scf.for %scan3A_186 = %scan3A_144 to %scan3A_146 step %scan3A_147 iter_args(%scan3A_187 = %scan3A_143) -> (i32)  : i32 {
        %add3A_188 = arith.constant 125 : i32
        %add3A_189 = arith.addi %add3A_188, %scan3A_186 : i32
        %get3A = arith.index_cast %add3A_189 : i32 to index
        %get3A_190 = arith.constant 0 : index
        %get3A_191 = tpu.vector_load %arg15[%get3A, %get3A_190] {strides = array<i32>} : memref<625x16xf32, #tpu.memory_space<vmem>>, vector<1x16xf32>,
        %get3A_192 = vector.shape_cast %get3A_191 : vector<1x16xf32> to vector<16xf32>
        %get3A_193 = arith.index_cast %scan3A_186 : i32 to index
        %get3A_194 = arith.constant 0 : index
        %get3A_195 = tpu.vector_load %arg14[%get3A_193, %get3A_194] {strides = array<i32>} : memref<125x64xf32, #tpu.memory_space<vmem>>, vector<1x16xf32>,
        %get3A_196 = vector.shape_cast %get3A_195 : vector<1x16xf32> to vector<16xf32>
        %mul3A_197 = arith.mulf %get3A_196, %get3A_192 : vector<16xf32>
        %swap3A = arith.index_cast %scan3A_186 : i32 to index
        %swap3A_198 = arith.constant 0 : index
        %swap3A_199 = tpu.vector_load %arg14[%swap3A, %swap3A_198] {strides = array<i32>} : memref<125x64xf32, #tpu.memory_space<vmem>>, vector<1x16xf32>,
        %swap3A_200 = vector.shape_cast %swap3A_199 : vector<1x16xf32> to vector<16xf32>
        %swap3A_201 = vector.shape_cast %mul3A_197 : vector<16xf32> to vector<1x16xf32>
        tpu.vector_store %arg14[%swap3A, %swap3A_198], %swap3A_201 {strides = array<i32>} : memref<125x64xf32, #tpu.memory_space<vmem>>, vector<1x16xf32>,
        %get3A_202 = arith.index_cast %scan3A_186 : i32 to index
        %get3A_203 = arith.constant 16 : index
        %get3A_204 = tpu.vector_load %arg14[%get3A_202, %get3A_203] {strides = array<i32>} : memref<125x64xf32, #tpu.memory_space<vmem>>, vector<1x16xf32>,
        %get3A_205 = vector.shape_cast %get3A_204 : vector<1x16xf32> to vector<16xf32>
        %mul3A_206 = arith.mulf %get3A_205, %get3A_192 : vector<16xf32>
        %swap3A_207 = arith.index_cast %scan3A_186 : i32 to index
        %swap3A_208 = arith.constant 16 : index
        %swap3A_209 = tpu.vector_load %arg14[%swap3A_207, %swap3A_208] {strides = array<i32>} : memref<125x64xf32, #tpu.memory_space<vmem>>, vector<1x16xf32>,
        %swap3A_210 = vector.shape_cast %swap3A_209 : vector<1x16xf32> to vector<16xf32>
        %swap3A_211 = vector.shape_cast %mul3A_206 : vector<16xf32> to vector<1x16xf32>
        tpu.vector_store %arg14[%swap3A_207, %swap3A_208], %swap3A_211 {strides = array<i32>} : memref<125x64xf32, #tpu.memory_space<vmem>>, vector<1x16xf32>,
        %get3A_212 = arith.index_cast %scan3A_186 : i32 to index
        %get3A_213 = arith.constant 32 : index
        %get3A_214 = tpu.vector_load %arg14[%get3A_212, %get3A_213] {strides = array<i32>} : memref<125x64xf32, #tpu.memory_space<vmem>>, vector<1x16xf32>,
        %get3A_215 = vector.shape_cast %get3A_214 : vector<1x16xf32> to vector<16xf32>
        %mul3A_216 = arith.mulf %get3A_215, %get3A_192 : vector<16xf32>
        %swap3A_217 = arith.index_cast %scan3A_186 : i32 to index
        %swap3A_218 = arith.constant 32 : index
        %swap3A_219 = tpu.vector_load %arg14[%swap3A_217, %swap3A_218] {strides = array<i32>} : memref<125x64xf32, #tpu.memory_space<vmem>>, vector<1x16xf32>,
        %swap3A_220 = vector.shape_cast %swap3A_219 : vector<1x16xf32> to vector<16xf32>
        %swap3A_221 = vector.shape_cast %mul3A_216 : vector<16xf32> to vector<1x16xf32>
        tpu.vector_store %arg14[%swap3A_217, %swap3A_218], %swap3A_221 {strides = array<i32>} : memref<125x64xf32, #tpu.memory_space<vmem>>, vector<1x16xf32>,
        %get3A_222 = arith.index_cast %scan3A_186 : i32 to index
        %get3A_223 = arith.constant 48 : index
        %get3A_224 = tpu.vector_load %arg14[%get3A_222, %get3A_223] {strides = array<i32>} : memref<125x64xf32, #tpu.memory_space<vmem>>, vector<1x16xf32>,
        %get3A_225 = vector.shape_cast %get3A_224 : vector<1x16xf32> to vector<16xf32>
        %mul3A_226 = arith.mulf %get3A_225, %get3A_192 : vector<16xf32>
        %swap3A_227 = arith.index_cast %scan3A_186 : i32 to index
        %swap3A_228 = arith.constant 48 : index
        %swap3A_229 = tpu.vector_load %arg14[%swap3A_227, %swap3A_228] {strides = array<i32>} : memref<125x64xf32, #tpu.memory_space<vmem>>, vector<1x16xf32>,
        %swap3A_230 = vector.shape_cast %swap3A_229 : vector<1x16xf32> to vector<16xf32>
        %swap3A_231 = vector.shape_cast %mul3A_226 : vector<16xf32> to vector<1x16xf32>
        tpu.vector_store %arg14[%swap3A_227, %swap3A_228], %swap3A_231 {strides = array<i32>} : memref<125x64xf32, #tpu.memory_space<vmem>>, vector<1x16xf32>,
        %scan3A_232 = arith.constant 0 : i32
        scf.yield %scan3A_232 : i32
      }
      %scan3A_149 = arith.constant 125 : i32
      "tpu.region"() ({
        %run_scoped3A_186 = tpu.sem_alloc : memref<!tpu.dma_semaphore, #tpu.memory_space<semaphore_mem>>
        %dma_start3A = arith.constant 0 : i32
        %dma_start3A_187 = tpu.memref_slice %arg8[%add3A_142, %dma_start3A] : memref<10000x64xf32, #tpu.memory_space<vmem_shared>> -> memref<125x64xf32, #tpu.memory_space<vmem_shared>>
        %dma_start3A_188 = arith.constant 0 : i32
        %dma_start3A_189 = tpu.memref_slice %arg8[%add3A_142, %dma_start3A_188] : memref<10000x64xf32, #tpu.memory_space<vmem_shared>> -> memref<125x64xf32, #tpu.memory_space<vmem_shared>>
        tpu.enqueue_dma source(%arg14 : memref<125x64xf32, #tpu.memory_space<vmem>>) target(%dma_start3A_189 : memref<125x64xf32, #tpu.memory_space<vmem_shared>>) target_semaphore(%run_scoped3A_186 : memref<!tpu.dma_semaphore, #tpu.memory_space<semaphore_mem>>)
        %dma_wait3A = arith.constant 0 : i32
        %dma_wait3A_190 = tpu.memref_slice %arg8[%add3A_142, %dma_wait3A] : memref<10000x64xf32, #tpu.memory_space<vmem_shared>> -> memref<125x64xf32, #tpu.memory_space<vmem_shared>>
        %dma_wait3A_191 = arith.constant 0 : i32
        %dma_wait3A_192 = tpu.memref_slice %arg8[%add3A_142, %dma_wait3A_191] : memref<10000x64xf32, #tpu.memory_space<vmem_shared>> -> memref<125x64xf32, #tpu.memory_space<vmem_shared>>
        tpu.wait_dma2 semaphore(%run_scoped3A_186 : memref<!tpu.dma_semaphore, #tpu.memory_space<semaphore_mem>>) src(%arg14 : memref<125x64xf32, #tpu.memory_space<vmem>>) dst(%dma_wait3A_192 : memref<125x64xf32, #tpu.memory_space<vmem_shared>>)
        tpu.yield
      }) : () -> ()
      %add3A_150 = arith.constant 1 : i32
      %add3A_151 = arith.addi %scan3A_114, %add3A_150 : i32
      "tpu.region"() ({
        %run_scoped3A_186 = tpu.sem_alloc : memref<!tpu.dma_semaphore, #tpu.memory_space<semaphore_mem>>
        %dma_start3A = arith.constant 0 : i32
        %dma_start3A_187 = tpu.memref_slice %arg5[%add3A_151, %arg0, %add3A_142, %dma_start3A] : memref<9x2x10000x64xf32, #tpu.memory_space<hbm>> -> memref<1x1x125x64xf32, #tpu.memory_space<hbm>>
        %dma_start3A_188 = tpu.memref_squeeze %dma_start3A_187 : memref<1x1x125x64xf32, #tpu.memory_space<hbm>> -> memref<125x64xf32, #tpu.memory_space<hbm>>
        %dma_start3A_189 = arith.constant 0 : i32
        %dma_start3A_190 = tpu.memref_slice %arg5[%add3A_151, %arg0, %add3A_142, %dma_start3A_189] : memref<9x2x10000x64xf32, #tpu.memory_space<hbm>> -> memref<1x1x125x64xf32, #tpu.memory_space<hbm>>
        %dma_start3A_191 = tpu.memref_squeeze %dma_start3A_190 : memref<1x1x125x64xf32, #tpu.memory_space<hbm>> -> memref<125x64xf32, #tpu.memory_space<hbm>>
        tpu.enqueue_dma source(%arg14 : memref<125x64xf32, #tpu.memory_space<vmem>>) target(%dma_start3A_191 : memref<125x64xf32, #tpu.memory_space<hbm>>) target_semaphore(%run_scoped3A_186 : memref<!tpu.dma_semaphore, #tpu.memory_space<semaphore_mem>>)
        %dma_wait3A = arith.constant 0 : i32
        %dma_wait3A_192 = tpu.memref_slice %arg5[%add3A_151, %arg0, %add3A_142, %dma_wait3A] : memref<9x2x10000x64xf32, #tpu.memory_space<hbm>> -> memref<1x1x125x64xf32, #tpu.memory_space<hbm>>
        %dma_wait3A_193 = tpu.memref_squeeze %dma_wait3A_192 : memref<1x1x125x64xf32, #tpu.memory_space<hbm>> -> memref<125x64xf32, #tpu.memory_space<hbm>>
        %dma_wait3A_194 = arith.constant 0 : i32
        %dma_wait3A_195 = tpu.memref_slice %arg5[%add3A_151, %arg0, %add3A_142, %dma_wait3A_194] : memref<9x2x10000x64xf32, #tpu.memory_space<hbm>> -> memref<1x1x125x64xf32, #tpu.memory_space<hbm>>
        %dma_wait3A_196 = tpu.memref_squeeze %dma_wait3A_195 : memref<1x1x125x64xf32, #tpu.memory_space<hbm>> -> memref<125x64xf32, #tpu.memory_space<hbm>>
        tpu.wait_dma2 semaphore(%run_scoped3A_186 : memref<!tpu.dma_semaphore, #tpu.memory_space<semaphore_mem>>) src(%arg14 : memref<125x64xf32, #tpu.memory_space<vmem>>) dst(%dma_wait3A_196 : memref<125x64xf32, #tpu.memory_space<hbm>>)
        tpu.yield
      }) : () -> ()
      %add3A_152 = arith.constant 250 : i32
      %add3A_153 = arith.addi %mul3A_0, %add3A_152 : i32
      "tpu.region"() ({
        %run_scoped3A_186 = tpu.sem_alloc : memref<!tpu.dma_semaphore, #tpu.memory_space<semaphore_mem>>
        %dma_start3A = arith.constant 0 : i32
        %dma_start3A_187 = tpu.memref_slice %arg7[%add3A_153, %dma_start3A] : memref<10008x64xf32, #tpu.memory_space<vmem_shared>> -> memref<125x64xf32, #tpu.memory_space<vmem_shared>>
        %dma_start3A_188 = arith.constant 0 : i32
        %dma_start3A_189 = tpu.memref_slice %arg7[%add3A_153, %dma_start3A_188] : memref<10008x64xf32, #tpu.memory_space<vmem_shared>> -> memref<125x64xf32, #tpu.memory_space<vmem_shared>>
        tpu.enqueue_dma source(%dma_start3A_189 : memref<125x64xf32, #tpu.memory_space<vmem_shared>>) target(%arg14 : memref<125x64xf32, #tpu.memory_space<vmem>>) target_semaphore(%run_scoped3A_186 : memref<!tpu.dma_semaphore, #tpu.memory_space<semaphore_mem>>)
        %dma_wait3A = arith.constant 0 : i32
        %dma_wait3A_190 = tpu.memref_slice %arg7[%add3A_153, %dma_wait3A] : memref<10008x64xf32, #tpu.memory_space<vmem_shared>> -> memref<125x64xf32, #tpu.memory_space<vmem_shared>>
        %dma_wait3A_191 = arith.constant 0 : i32
        %dma_wait3A_192 = tpu.memref_slice %arg7[%add3A_153, %dma_wait3A_191] : memref<10008x64xf32, #tpu.memory_space<vmem_shared>> -> memref<125x64xf32, #tpu.memory_space<vmem_shared>>
        tpu.wait_dma2 semaphore(%run_scoped3A_186 : memref<!tpu.dma_semaphore, #tpu.memory_space<semaphore_mem>>) src(%dma_wait3A_192 : memref<125x64xf32, #tpu.memory_space<vmem_shared>>) dst(%arg14 : memref<125x64xf32, #tpu.memory_space<vmem>>)
        tpu.yield
      }) : () -> ()
      "tpu.region"() ({
        %run_scoped3A_186 = tpu.sem_alloc : memref<!tpu.dma_semaphore, #tpu.memory_space<semaphore_mem>>
        %dma_start3A = arith.constant 0 : i32
        %dma_start3A_187 = arith.constant 0 : i32
        %dma_start3A_188 = tpu.memref_slice %arg11[%dma_start3A, %dma_start3A_187] : memref<128x64xf32, #tpu.memory_space<vmem>> -> memref<125x64xf32, #tpu.memory_space<vmem>>
        %dma_start3A_189 = arith.constant 0 : i32
        %dma_start3A_190 = tpu.memref_slice %arg7[%add3A_153, %dma_start3A_189] : memref<10008x64xf32, #tpu.memory_space<vmem_shared>> -> memref<125x64xf32, #tpu.memory_space<vmem_shared>>
        %dma_start3A_191 = arith.constant 0 : i32
        %dma_start3A_192 = tpu.memref_slice %arg7[%add3A_153, %dma_start3A_191] : memref<10008x64xf32, #tpu.memory_space<vmem_shared>> -> memref<125x64xf32, #tpu.memory_space<vmem_shared>>
        %dma_start3A_193 = arith.constant 0 : i32
        %dma_start3A_194 = arith.constant 0 : i32
        %dma_start3A_195 = tpu.memref_slice %arg11[%dma_start3A_193, %dma_start3A_194] : memref<128x64xf32, #tpu.memory_space<vmem>> -> memref<125x64xf32, #tpu.memory_space<vmem>>
        tpu.enqueue_dma source(%dma_start3A_195 : memref<125x64xf32, #tpu.memory_space<vmem>>) target(%dma_start3A_192 : memref<125x64xf32, #tpu.memory_space<vmem_shared>>) target_semaphore(%run_scoped3A_186 : memref<!tpu.dma_semaphore, #tpu.memory_space<semaphore_mem>>)
        %dma_wait3A = arith.constant 0 : i32
        %dma_wait3A_196 = arith.constant 0 : i32
        %dma_wait3A_197 = tpu.memref_slice %arg11[%dma_wait3A, %dma_wait3A_196] : memref<128x64xf32, #tpu.memory_space<vmem>> -> memref<125x64xf32, #tpu.memory_space<vmem>>
        %dma_wait3A_198 = arith.constant 0 : i32
        %dma_wait3A_199 = tpu.memref_slice %arg7[%add3A_153, %dma_wait3A_198] : memref<10008x64xf32, #tpu.memory_space<vmem_shared>> -> memref<125x64xf32, #tpu.memory_space<vmem_shared>>
        %dma_wait3A_200 = arith.constant 0 : i32
        %dma_wait3A_201 = tpu.memref_slice %arg7[%add3A_153, %dma_wait3A_200] : memref<10008x64xf32, #tpu.memory_space<vmem_shared>> -> memref<125x64xf32, #tpu.memory_space<vmem_shared>>
        %dma_wait3A_202 = arith.constant 0 : i32
        %dma_wait3A_203 = arith.constant 0 : i32
        %dma_wait3A_204 = tpu.memref_slice %arg11[%dma_wait3A_202, %dma_wait3A_203] : memref<128x64xf32, #tpu.memory_space<vmem>> -> memref<125x64xf32, #tpu.memory_space<vmem>>
        tpu.wait_dma2 semaphore(%run_scoped3A_186 : memref<!tpu.dma_semaphore, #tpu.memory_space<semaphore_mem>>) src(%dma_wait3A_204 : memref<125x64xf32, #tpu.memory_space<vmem>>) dst(%dma_wait3A_201 : memref<125x64xf32, #tpu.memory_space<vmem_shared>>)
        tpu.yield
      }) : () -> ()
      %scan3A_154 = arith.constant 0 : i32
      %scan3A_155 = arith.constant 0 : i32
      %scan3A_156 = arith.constant 125 : i32
      %scan3A_157 = arith.addi %scan3A_155, %scan3A_156 : i32
      %scan3A_158 = arith.constant 1 : i32
      %scan3A_159 = scf.for %scan3A_186 = %scan3A_155 to %scan3A_157 step %scan3A_158 iter_args(%scan3A_187 = %scan3A_154) -> (i32)  : i32 {
        %add3A_188 = arith.constant 250 : i32
        %add3A_189 = arith.addi %add3A_188, %scan3A_186 : i32
        %get3A = arith.index_cast %add3A_189 : i32 to index
        %get3A_190 = arith.constant 0 : index
        %get3A_191 = tpu.vector_load %arg15[%get3A, %get3A_190] {strides = array<i32>} : memref<625x16xf32, #tpu.memory_space<vmem>>, vector<1x16xf32>,
        %get3A_192 = vector.shape_cast %get3A_191 : vector<1x16xf32> to vector<16xf32>
        %get3A_193 = arith.index_cast %scan3A_186 : i32 to index
        %get3A_194 = arith.constant 0 : index
        %get3A_195 = tpu.vector_load %arg14[%get3A_193, %get3A_194] {strides = array<i32>} : memref<125x64xf32, #tpu.memory_space<vmem>>, vector<1x16xf32>,
        %get3A_196 = vector.shape_cast %get3A_195 : vector<1x16xf32> to vector<16xf32>
        %mul3A_197 = arith.mulf %get3A_196, %get3A_192 : vector<16xf32>
        %swap3A = arith.index_cast %scan3A_186 : i32 to index
        %swap3A_198 = arith.constant 0 : index
        %swap3A_199 = tpu.vector_load %arg14[%swap3A, %swap3A_198] {strides = array<i32>} : memref<125x64xf32, #tpu.memory_space<vmem>>, vector<1x16xf32>,
        %swap3A_200 = vector.shape_cast %swap3A_199 : vector<1x16xf32> to vector<16xf32>
        %swap3A_201 = vector.shape_cast %mul3A_197 : vector<16xf32> to vector<1x16xf32>
        tpu.vector_store %arg14[%swap3A, %swap3A_198], %swap3A_201 {strides = array<i32>} : memref<125x64xf32, #tpu.memory_space<vmem>>, vector<1x16xf32>,
        %get3A_202 = arith.index_cast %scan3A_186 : i32 to index
        %get3A_203 = arith.constant 16 : index
        %get3A_204 = tpu.vector_load %arg14[%get3A_202, %get3A_203] {strides = array<i32>} : memref<125x64xf32, #tpu.memory_space<vmem>>, vector<1x16xf32>,
        %get3A_205 = vector.shape_cast %get3A_204 : vector<1x16xf32> to vector<16xf32>
        %mul3A_206 = arith.mulf %get3A_205, %get3A_192 : vector<16xf32>
        %swap3A_207 = arith.index_cast %scan3A_186 : i32 to index
        %swap3A_208 = arith.constant 16 : index
        %swap3A_209 = tpu.vector_load %arg14[%swap3A_207, %swap3A_208] {strides = array<i32>} : memref<125x64xf32, #tpu.memory_space<vmem>>, vector<1x16xf32>,
        %swap3A_210 = vector.shape_cast %swap3A_209 : vector<1x16xf32> to vector<16xf32>
        %swap3A_211 = vector.shape_cast %mul3A_206 : vector<16xf32> to vector<1x16xf32>
        tpu.vector_store %arg14[%swap3A_207, %swap3A_208], %swap3A_211 {strides = array<i32>} : memref<125x64xf32, #tpu.memory_space<vmem>>, vector<1x16xf32>,
        %get3A_212 = arith.index_cast %scan3A_186 : i32 to index
        %get3A_213 = arith.constant 32 : index
        %get3A_214 = tpu.vector_load %arg14[%get3A_212, %get3A_213] {strides = array<i32>} : memref<125x64xf32, #tpu.memory_space<vmem>>, vector<1x16xf32>,
        %get3A_215 = vector.shape_cast %get3A_214 : vector<1x16xf32> to vector<16xf32>
        %mul3A_216 = arith.mulf %get3A_215, %get3A_192 : vector<16xf32>
        %swap3A_217 = arith.index_cast %scan3A_186 : i32 to index
        %swap3A_218 = arith.constant 32 : index
        %swap3A_219 = tpu.vector_load %arg14[%swap3A_217, %swap3A_218] {strides = array<i32>} : memref<125x64xf32, #tpu.memory_space<vmem>>, vector<1x16xf32>,
        %swap3A_220 = vector.shape_cast %swap3A_219 : vector<1x16xf32> to vector<16xf32>
        %swap3A_221 = vector.shape_cast %mul3A_216 : vector<16xf32> to vector<1x16xf32>
        tpu.vector_store %arg14[%swap3A_217, %swap3A_218], %swap3A_221 {strides = array<i32>} : memref<125x64xf32, #tpu.memory_space<vmem>>, vector<1x16xf32>,
        %get3A_222 = arith.index_cast %scan3A_186 : i32 to index
        %get3A_223 = arith.constant 48 : index
        %get3A_224 = tpu.vector_load %arg14[%get3A_222, %get3A_223] {strides = array<i32>} : memref<125x64xf32, #tpu.memory_space<vmem>>, vector<1x16xf32>,
        %get3A_225 = vector.shape_cast %get3A_224 : vector<1x16xf32> to vector<16xf32>
        %mul3A_226 = arith.mulf %get3A_225, %get3A_192 : vector<16xf32>
        %swap3A_227 = arith.index_cast %scan3A_186 : i32 to index
        %swap3A_228 = arith.constant 48 : index
        %swap3A_229 = tpu.vector_load %arg14[%swap3A_227, %swap3A_228] {strides = array<i32>} : memref<125x64xf32, #tpu.memory_space<vmem>>, vector<1x16xf32>,
        %swap3A_230 = vector.shape_cast %swap3A_229 : vector<1x16xf32> to vector<16xf32>
        %swap3A_231 = vector.shape_cast %mul3A_226 : vector<16xf32> to vector<1x16xf32>
        tpu.vector_store %arg14[%swap3A_227, %swap3A_228], %swap3A_231 {strides = array<i32>} : memref<125x64xf32, #tpu.memory_space<vmem>>, vector<1x16xf32>,
        %scan3A_232 = arith.constant 0 : i32
        scf.yield %scan3A_232 : i32
      }
      %scan3A_160 = arith.constant 125 : i32
      "tpu.region"() ({
        %run_scoped3A_186 = tpu.sem_alloc : memref<!tpu.dma_semaphore, #tpu.memory_space<semaphore_mem>>
        %dma_start3A = arith.constant 0 : i32
        %dma_start3A_187 = tpu.memref_slice %arg8[%add3A_153, %dma_start3A] : memref<10000x64xf32, #tpu.memory_space<vmem_shared>> -> memref<125x64xf32, #tpu.memory_space<vmem_shared>>
        %dma_start3A_188 = arith.constant 0 : i32
        %dma_start3A_189 = tpu.memref_slice %arg8[%add3A_153, %dma_start3A_188] : memref<10000x64xf32, #tpu.memory_space<vmem_shared>> -> memref<125x64xf32, #tpu.memory_space<vmem_shared>>
        tpu.enqueue_dma source(%arg14 : memref<125x64xf32, #tpu.memory_space<vmem>>) target(%dma_start3A_189 : memref<125x64xf32, #tpu.memory_space<vmem_shared>>) target_semaphore(%run_scoped3A_186 : memref<!tpu.dma_semaphore, #tpu.memory_space<semaphore_mem>>)
        %dma_wait3A = arith.constant 0 : i32
        %dma_wait3A_190 = tpu.memref_slice %arg8[%add3A_153, %dma_wait3A] : memref<10000x64xf32, #tpu.memory_space<vmem_shared>> -> memref<125x64xf32, #tpu.memory_space<vmem_shared>>
        %dma_wait3A_191 = arith.constant 0 : i32
        %dma_wait3A_192 = tpu.memref_slice %arg8[%add3A_153, %dma_wait3A_191] : memref<10000x64xf32, #tpu.memory_space<vmem_shared>> -> memref<125x64xf32, #tpu.memory_space<vmem_shared>>
        tpu.wait_dma2 semaphore(%run_scoped3A_186 : memref<!tpu.dma_semaphore, #tpu.memory_space<semaphore_mem>>) src(%arg14 : memref<125x64xf32, #tpu.memory_space<vmem>>) dst(%dma_wait3A_192 : memref<125x64xf32, #tpu.memory_space<vmem_shared>>)
        tpu.yield
      }) : () -> ()
      %add3A_161 = arith.constant 1 : i32
      %add3A_162 = arith.addi %scan3A_114, %add3A_161 : i32
      "tpu.region"() ({
        %run_scoped3A_186 = tpu.sem_alloc : memref<!tpu.dma_semaphore, #tpu.memory_space<semaphore_mem>>
        %dma_start3A = arith.constant 0 : i32
        %dma_start3A_187 = tpu.memref_slice %arg5[%add3A_162, %arg0, %add3A_153, %dma_start3A] : memref<9x2x10000x64xf32, #tpu.memory_space<hbm>> -> memref<1x1x125x64xf32, #tpu.memory_space<hbm>>
        %dma_start3A_188 = tpu.memref_squeeze %dma_start3A_187 : memref<1x1x125x64xf32, #tpu.memory_space<hbm>> -> memref<125x64xf32, #tpu.memory_space<hbm>>
        %dma_start3A_189 = arith.constant 0 : i32
        %dma_start3A_190 = tpu.memref_slice %arg5[%add3A_162, %arg0, %add3A_153, %dma_start3A_189] : memref<9x2x10000x64xf32, #tpu.memory_space<hbm>> -> memref<1x1x125x64xf32, #tpu.memory_space<hbm>>
        %dma_start3A_191 = tpu.memref_squeeze %dma_start3A_190 : memref<1x1x125x64xf32, #tpu.memory_space<hbm>> -> memref<125x64xf32, #tpu.memory_space<hbm>>
        tpu.enqueue_dma source(%arg14 : memref<125x64xf32, #tpu.memory_space<vmem>>) target(%dma_start3A_191 : memref<125x64xf32, #tpu.memory_space<hbm>>) target_semaphore(%run_scoped3A_186 : memref<!tpu.dma_semaphore, #tpu.memory_space<semaphore_mem>>)
        %dma_wait3A = arith.constant 0 : i32
        %dma_wait3A_192 = tpu.memref_slice %arg5[%add3A_162, %arg0, %add3A_153, %dma_wait3A] : memref<9x2x10000x64xf32, #tpu.memory_space<hbm>> -> memref<1x1x125x64xf32, #tpu.memory_space<hbm>>
        %dma_wait3A_193 = tpu.memref_squeeze %dma_wait3A_192 : memref<1x1x125x64xf32, #tpu.memory_space<hbm>> -> memref<125x64xf32, #tpu.memory_space<hbm>>
        %dma_wait3A_194 = arith.constant 0 : i32
        %dma_wait3A_195 = tpu.memref_slice %arg5[%add3A_162, %arg0, %add3A_153, %dma_wait3A_194] : memref<9x2x10000x64xf32, #tpu.memory_space<hbm>> -> memref<1x1x125x64xf32, #tpu.memory_space<hbm>>
        %dma_wait3A_196 = tpu.memref_squeeze %dma_wait3A_195 : memref<1x1x125x64xf32, #tpu.memory_space<hbm>> -> memref<125x64xf32, #tpu.memory_space<hbm>>
        tpu.wait_dma2 semaphore(%run_scoped3A_186 : memref<!tpu.dma_semaphore, #tpu.memory_space<semaphore_mem>>) src(%arg14 : memref<125x64xf32, #tpu.memory_space<vmem>>) dst(%dma_wait3A_196 : memref<125x64xf32, #tpu.memory_space<hbm>>)
        tpu.yield
      }) : () -> ()
      %add3A_163 = arith.constant 375 : i32
      %add3A_164 = arith.addi %mul3A_0, %add3A_163 : i32
      "tpu.region"() ({
        %run_scoped3A_186 = tpu.sem_alloc : memref<!tpu.dma_semaphore, #tpu.memory_space<semaphore_mem>>
        %dma_start3A = arith.constant 0 : i32
        %dma_start3A_187 = tpu.memref_slice %arg7[%add3A_164, %dma_start3A] : memref<10008x64xf32, #tpu.memory_space<vmem_shared>> -> memref<125x64xf32, #tpu.memory_space<vmem_shared>>
        %dma_start3A_188 = arith.constant 0 : i32
        %dma_start3A_189 = tpu.memref_slice %arg7[%add3A_164, %dma_start3A_188] : memref<10008x64xf32, #tpu.memory_space<vmem_shared>> -> memref<125x64xf32, #tpu.memory_space<vmem_shared>>
        tpu.enqueue_dma source(%dma_start3A_189 : memref<125x64xf32, #tpu.memory_space<vmem_shared>>) target(%arg14 : memref<125x64xf32, #tpu.memory_space<vmem>>) target_semaphore(%run_scoped3A_186 : memref<!tpu.dma_semaphore, #tpu.memory_space<semaphore_mem>>)
        %dma_wait3A = arith.constant 0 : i32
        %dma_wait3A_190 = tpu.memref_slice %arg7[%add3A_164, %dma_wait3A] : memref<10008x64xf32, #tpu.memory_space<vmem_shared>> -> memref<125x64xf32, #tpu.memory_space<vmem_shared>>
        %dma_wait3A_191 = arith.constant 0 : i32
        %dma_wait3A_192 = tpu.memref_slice %arg7[%add3A_164, %dma_wait3A_191] : memref<10008x64xf32, #tpu.memory_space<vmem_shared>> -> memref<125x64xf32, #tpu.memory_space<vmem_shared>>
        tpu.wait_dma2 semaphore(%run_scoped3A_186 : memref<!tpu.dma_semaphore, #tpu.memory_space<semaphore_mem>>) src(%dma_wait3A_192 : memref<125x64xf32, #tpu.memory_space<vmem_shared>>) dst(%arg14 : memref<125x64xf32, #tpu.memory_space<vmem>>)
        tpu.yield
      }) : () -> ()
      "tpu.region"() ({
        %run_scoped3A_186 = tpu.sem_alloc : memref<!tpu.dma_semaphore, #tpu.memory_space<semaphore_mem>>
        %dma_start3A = arith.constant 0 : i32
        %dma_start3A_187 = arith.constant 0 : i32
        %dma_start3A_188 = tpu.memref_slice %arg11[%dma_start3A, %dma_start3A_187] : memref<128x64xf32, #tpu.memory_space<vmem>> -> memref<125x64xf32, #tpu.memory_space<vmem>>
        %dma_start3A_189 = arith.constant 0 : i32
        %dma_start3A_190 = tpu.memref_slice %arg7[%add3A_164, %dma_start3A_189] : memref<10008x64xf32, #tpu.memory_space<vmem_shared>> -> memref<125x64xf32, #tpu.memory_space<vmem_shared>>
        %dma_start3A_191 = arith.constant 0 : i32
        %dma_start3A_192 = tpu.memref_slice %arg7[%add3A_164, %dma_start3A_191] : memref<10008x64xf32, #tpu.memory_space<vmem_shared>> -> memref<125x64xf32, #tpu.memory_space<vmem_shared>>
        %dma_start3A_193 = arith.constant 0 : i32
        %dma_start3A_194 = arith.constant 0 : i32
        %dma_start3A_195 = tpu.memref_slice %arg11[%dma_start3A_193, %dma_start3A_194] : memref<128x64xf32, #tpu.memory_space<vmem>> -> memref<125x64xf32, #tpu.memory_space<vmem>>
        tpu.enqueue_dma source(%dma_start3A_195 : memref<125x64xf32, #tpu.memory_space<vmem>>) target(%dma_start3A_192 : memref<125x64xf32, #tpu.memory_space<vmem_shared>>) target_semaphore(%run_scoped3A_186 : memref<!tpu.dma_semaphore, #tpu.memory_space<semaphore_mem>>)
        %dma_wait3A = arith.constant 0 : i32
        %dma_wait3A_196 = arith.constant 0 : i32
        %dma_wait3A_197 = tpu.memref_slice %arg11[%dma_wait3A, %dma_wait3A_196] : memref<128x64xf32, #tpu.memory_space<vmem>> -> memref<125x64xf32, #tpu.memory_space<vmem>>
        %dma_wait3A_198 = arith.constant 0 : i32
        %dma_wait3A_199 = tpu.memref_slice %arg7[%add3A_164, %dma_wait3A_198] : memref<10008x64xf32, #tpu.memory_space<vmem_shared>> -> memref<125x64xf32, #tpu.memory_space<vmem_shared>>
        %dma_wait3A_200 = arith.constant 0 : i32
        %dma_wait3A_201 = tpu.memref_slice %arg7[%add3A_164, %dma_wait3A_200] : memref<10008x64xf32, #tpu.memory_space<vmem_shared>> -> memref<125x64xf32, #tpu.memory_space<vmem_shared>>
        %dma_wait3A_202 = arith.constant 0 : i32
        %dma_wait3A_203 = arith.constant 0 : i32
        %dma_wait3A_204 = tpu.memref_slice %arg11[%dma_wait3A_202, %dma_wait3A_203] : memref<128x64xf32, #tpu.memory_space<vmem>> -> memref<125x64xf32, #tpu.memory_space<vmem>>
        tpu.wait_dma2 semaphore(%run_scoped3A_186 : memref<!tpu.dma_semaphore, #tpu.memory_space<semaphore_mem>>) src(%dma_wait3A_204 : memref<125x64xf32, #tpu.memory_space<vmem>>) dst(%dma_wait3A_201 : memref<125x64xf32, #tpu.memory_space<vmem_shared>>)
        tpu.yield
      }) : () -> ()
      %scan3A_165 = arith.constant 0 : i32
      %scan3A_166 = arith.constant 0 : i32
      %scan3A_167 = arith.constant 125 : i32
      %scan3A_168 = arith.addi %scan3A_166, %scan3A_167 : i32
      %scan3A_169 = arith.constant 1 : i32
      %scan3A_170 = scf.for %scan3A_186 = %scan3A_166 to %scan3A_168 step %scan3A_169 iter_args(%scan3A_187 = %scan3A_165) -> (i32)  : i32 {
        %add3A_188 = arith.constant 375 : i32
        %add3A_189 = arith.addi %add3A_188, %scan3A_186 : i32
        %get3A = arith.index_cast %add3A_189 : i32 to index
        %get3A_190 = arith.constant 0 : index
        %get3A_191 = tpu.vector_load %arg15[%get3A, %get3A_190] {strides = array<i32>} : memref<625x16xf32, #tpu.memory_space<vmem>>, vector<1x16xf32>,
        %get3A_192 = vector.shape_cast %get3A_191 : vector<1x16xf32> to vector<16xf32>
        %get3A_193 = arith.index_cast %scan3A_186 : i32 to index
        %get3A_194 = arith.constant 0 : index
        %get3A_195 = tpu.vector_load %arg14[%get3A_193, %get3A_194] {strides = array<i32>} : memref<125x64xf32, #tpu.memory_space<vmem>>, vector<1x16xf32>,
        %get3A_196 = vector.shape_cast %get3A_195 : vector<1x16xf32> to vector<16xf32>
        %mul3A_197 = arith.mulf %get3A_196, %get3A_192 : vector<16xf32>
        %swap3A = arith.index_cast %scan3A_186 : i32 to index
        %swap3A_198 = arith.constant 0 : index
        %swap3A_199 = tpu.vector_load %arg14[%swap3A, %swap3A_198] {strides = array<i32>} : memref<125x64xf32, #tpu.memory_space<vmem>>, vector<1x16xf32>,
        %swap3A_200 = vector.shape_cast %swap3A_199 : vector<1x16xf32> to vector<16xf32>
        %swap3A_201 = vector.shape_cast %mul3A_197 : vector<16xf32> to vector<1x16xf32>
        tpu.vector_store %arg14[%swap3A, %swap3A_198], %swap3A_201 {strides = array<i32>} : memref<125x64xf32, #tpu.memory_space<vmem>>, vector<1x16xf32>,
        %get3A_202 = arith.index_cast %scan3A_186 : i32 to index
        %get3A_203 = arith.constant 16 : index
        %get3A_204 = tpu.vector_load %arg14[%get3A_202, %get3A_203] {strides = array<i32>} : memref<125x64xf32, #tpu.memory_space<vmem>>, vector<1x16xf32>,
        %get3A_205 = vector.shape_cast %get3A_204 : vector<1x16xf32> to vector<16xf32>
        %mul3A_206 = arith.mulf %get3A_205, %get3A_192 : vector<16xf32>
        %swap3A_207 = arith.index_cast %scan3A_186 : i32 to index
        %swap3A_208 = arith.constant 16 : index
        %swap3A_209 = tpu.vector_load %arg14[%swap3A_207, %swap3A_208] {strides = array<i32>} : memref<125x64xf32, #tpu.memory_space<vmem>>, vector<1x16xf32>,
        %swap3A_210 = vector.shape_cast %swap3A_209 : vector<1x16xf32> to vector<16xf32>
        %swap3A_211 = vector.shape_cast %mul3A_206 : vector<16xf32> to vector<1x16xf32>
        tpu.vector_store %arg14[%swap3A_207, %swap3A_208], %swap3A_211 {strides = array<i32>} : memref<125x64xf32, #tpu.memory_space<vmem>>, vector<1x16xf32>,
        %get3A_212 = arith.index_cast %scan3A_186 : i32 to index
        %get3A_213 = arith.constant 32 : index
        %get3A_214 = tpu.vector_load %arg14[%get3A_212, %get3A_213] {strides = array<i32>} : memref<125x64xf32, #tpu.memory_space<vmem>>, vector<1x16xf32>,
        %get3A_215 = vector.shape_cast %get3A_214 : vector<1x16xf32> to vector<16xf32>
        %mul3A_216 = arith.mulf %get3A_215, %get3A_192 : vector<16xf32>
        %swap3A_217 = arith.index_cast %scan3A_186 : i32 to index
        %swap3A_218 = arith.constant 32 : index
        %swap3A_219 = tpu.vector_load %arg14[%swap3A_217, %swap3A_218] {strides = array<i32>} : memref<125x64xf32, #tpu.memory_space<vmem>>, vector<1x16xf32>,
        %swap3A_220 = vector.shape_cast %swap3A_219 : vector<1x16xf32> to vector<16xf32>
        %swap3A_221 = vector.shape_cast %mul3A_216 : vector<16xf32> to vector<1x16xf32>
        tpu.vector_store %arg14[%swap3A_217, %swap3A_218], %swap3A_221 {strides = array<i32>} : memref<125x64xf32, #tpu.memory_space<vmem>>, vector<1x16xf32>,
        %get3A_222 = arith.index_cast %scan3A_186 : i32 to index
        %get3A_223 = arith.constant 48 : index
        %get3A_224 = tpu.vector_load %arg14[%get3A_222, %get3A_223] {strides = array<i32>} : memref<125x64xf32, #tpu.memory_space<vmem>>, vector<1x16xf32>,
        %get3A_225 = vector.shape_cast %get3A_224 : vector<1x16xf32> to vector<16xf32>
        %mul3A_226 = arith.mulf %get3A_225, %get3A_192 : vector<16xf32>
        %swap3A_227 = arith.index_cast %scan3A_186 : i32 to index
        %swap3A_228 = arith.constant 48 : index
        %swap3A_229 = tpu.vector_load %arg14[%swap3A_227, %swap3A_228] {strides = array<i32>} : memref<125x64xf32, #tpu.memory_space<vmem>>, vector<1x16xf32>,
        %swap3A_230 = vector.shape_cast %swap3A_229 : vector<1x16xf32> to vector<16xf32>
        %swap3A_231 = vector.shape_cast %mul3A_226 : vector<16xf32> to vector<1x16xf32>
        tpu.vector_store %arg14[%swap3A_227, %swap3A_228], %swap3A_231 {strides = array<i32>} : memref<125x64xf32, #tpu.memory_space<vmem>>, vector<1x16xf32>,
        %scan3A_232 = arith.constant 0 : i32
        scf.yield %scan3A_232 : i32
      }
      %scan3A_171 = arith.constant 125 : i32
      "tpu.region"() ({
        %run_scoped3A_186 = tpu.sem_alloc : memref<!tpu.dma_semaphore, #tpu.memory_space<semaphore_mem>>
        %dma_start3A = arith.constant 0 : i32
        %dma_start3A_187 = tpu.memref_slice %arg8[%add3A_164, %dma_start3A] : memref<10000x64xf32, #tpu.memory_space<vmem_shared>> -> memref<125x64xf32, #tpu.memory_space<vmem_shared>>
        %dma_start3A_188 = arith.constant 0 : i32
        %dma_start3A_189 = tpu.memref_slice %arg8[%add3A_164, %dma_start3A_188] : memref<10000x64xf32, #tpu.memory_space<vmem_shared>> -> memref<125x64xf32, #tpu.memory_space<vmem_shared>>
        tpu.enqueue_dma source(%arg14 : memref<125x64xf32, #tpu.memory_space<vmem>>) target(%dma_start3A_189 : memref<125x64xf32, #tpu.memory_space<vmem_shared>>) target_semaphore(%run_scoped3A_186 : memref<!tpu.dma_semaphore, #tpu.memory_space<semaphore_mem>>)
        %dma_wait3A = arith.constant 0 : i32
        %dma_wait3A_190 = tpu.memref_slice %arg8[%add3A_164, %dma_wait3A] : memref<10000x64xf32, #tpu.memory_space<vmem_shared>> -> memref<125x64xf32, #tpu.memory_space<vmem_shared>>
        %dma_wait3A_191 = arith.constant 0 : i32
        %dma_wait3A_192 = tpu.memref_slice %arg8[%add3A_164, %dma_wait3A_191] : memref<10000x64xf32, #tpu.memory_space<vmem_shared>> -> memref<125x64xf32, #tpu.memory_space<vmem_shared>>
        tpu.wait_dma2 semaphore(%run_scoped3A_186 : memref<!tpu.dma_semaphore, #tpu.memory_space<semaphore_mem>>) src(%arg14 : memref<125x64xf32, #tpu.memory_space<vmem>>) dst(%dma_wait3A_192 : memref<125x64xf32, #tpu.memory_space<vmem_shared>>)
        tpu.yield
      }) : () -> ()
      %add3A_172 = arith.constant 1 : i32
      %add3A_173 = arith.addi %scan3A_114, %add3A_172 : i32
      "tpu.region"() ({
        %run_scoped3A_186 = tpu.sem_alloc : memref<!tpu.dma_semaphore, #tpu.memory_space<semaphore_mem>>
        %dma_start3A = arith.constant 0 : i32
        %dma_start3A_187 = tpu.memref_slice %arg5[%add3A_173, %arg0, %add3A_164, %dma_start3A] : memref<9x2x10000x64xf32, #tpu.memory_space<hbm>> -> memref<1x1x125x64xf32, #tpu.memory_space<hbm>>
        %dma_start3A_188 = tpu.memref_squeeze %dma_start3A_187 : memref<1x1x125x64xf32, #tpu.memory_space<hbm>> -> memref<125x64xf32, #tpu.memory_space<hbm>>
        %dma_start3A_189 = arith.constant 0 : i32
        %dma_start3A_190 = tpu.memref_slice %arg5[%add3A_173, %arg0, %add3A_164, %dma_start3A_189] : memref<9x2x10000x64xf32, #tpu.memory_space<hbm>> -> memref<1x1x125x64xf32, #tpu.memory_space<hbm>>
        %dma_start3A_191 = tpu.memref_squeeze %dma_start3A_190 : memref<1x1x125x64xf32, #tpu.memory_space<hbm>> -> memref<125x64xf32, #tpu.memory_space<hbm>>
        tpu.enqueue_dma source(%arg14 : memref<125x64xf32, #tpu.memory_space<vmem>>) target(%dma_start3A_191 : memref<125x64xf32, #tpu.memory_space<hbm>>) target_semaphore(%run_scoped3A_186 : memref<!tpu.dma_semaphore, #tpu.memory_space<semaphore_mem>>)
        %dma_wait3A = arith.constant 0 : i32
        %dma_wait3A_192 = tpu.memref_slice %arg5[%add3A_173, %arg0, %add3A_164, %dma_wait3A] : memref<9x2x10000x64xf32, #tpu.memory_space<hbm>> -> memref<1x1x125x64xf32, #tpu.memory_space<hbm>>
        %dma_wait3A_193 = tpu.memref_squeeze %dma_wait3A_192 : memref<1x1x125x64xf32, #tpu.memory_space<hbm>> -> memref<125x64xf32, #tpu.memory_space<hbm>>
        %dma_wait3A_194 = arith.constant 0 : i32
        %dma_wait3A_195 = tpu.memref_slice %arg5[%add3A_173, %arg0, %add3A_164, %dma_wait3A_194] : memref<9x2x10000x64xf32, #tpu.memory_space<hbm>> -> memref<1x1x125x64xf32, #tpu.memory_space<hbm>>
        %dma_wait3A_196 = tpu.memref_squeeze %dma_wait3A_195 : memref<1x1x125x64xf32, #tpu.memory_space<hbm>> -> memref<125x64xf32, #tpu.memory_space<hbm>>
        tpu.wait_dma2 semaphore(%run_scoped3A_186 : memref<!tpu.dma_semaphore, #tpu.memory_space<semaphore_mem>>) src(%arg14 : memref<125x64xf32, #tpu.memory_space<vmem>>) dst(%dma_wait3A_196 : memref<125x64xf32, #tpu.memory_space<hbm>>)
        tpu.yield
      }) : () -> ()
      %add3A_174 = arith.constant 500 : i32
      %add3A_175 = arith.addi %mul3A_0, %add3A_174 : i32
      "tpu.region"() ({
        %run_scoped3A_186 = tpu.sem_alloc : memref<!tpu.dma_semaphore, #tpu.memory_space<semaphore_mem>>
        %dma_start3A = arith.constant 0 : i32
        %dma_start3A_187 = tpu.memref_slice %arg7[%add3A_175, %dma_start3A] : memref<10008x64xf32, #tpu.memory_space<vmem_shared>> -> memref<125x64xf32, #tpu.memory_space<vmem_shared>>
        %dma_start3A_188 = arith.constant 0 : i32
        %dma_start3A_189 = tpu.memref_slice %arg7[%add3A_175, %dma_start3A_188] : memref<10008x64xf32, #tpu.memory_space<vmem_shared>> -> memref<125x64xf32, #tpu.memory_space<vmem_shared>>
        tpu.enqueue_dma source(%dma_start3A_189 : memref<125x64xf32, #tpu.memory_space<vmem_shared>>) target(%arg14 : memref<125x64xf32, #tpu.memory_space<vmem>>) target_semaphore(%run_scoped3A_186 : memref<!tpu.dma_semaphore, #tpu.memory_space<semaphore_mem>>)
        %dma_wait3A = arith.constant 0 : i32
        %dma_wait3A_190 = tpu.memref_slice %arg7[%add3A_175, %dma_wait3A] : memref<10008x64xf32, #tpu.memory_space<vmem_shared>> -> memref<125x64xf32, #tpu.memory_space<vmem_shared>>
        %dma_wait3A_191 = arith.constant 0 : i32
        %dma_wait3A_192 = tpu.memref_slice %arg7[%add3A_175, %dma_wait3A_191] : memref<10008x64xf32, #tpu.memory_space<vmem_shared>> -> memref<125x64xf32, #tpu.memory_space<vmem_shared>>
        tpu.wait_dma2 semaphore(%run_scoped3A_186 : memref<!tpu.dma_semaphore, #tpu.memory_space<semaphore_mem>>) src(%dma_wait3A_192 : memref<125x64xf32, #tpu.memory_space<vmem_shared>>) dst(%arg14 : memref<125x64xf32, #tpu.memory_space<vmem>>)
        tpu.yield
      }) : () -> ()
      "tpu.region"() ({
        %run_scoped3A_186 = tpu.sem_alloc : memref<!tpu.dma_semaphore, #tpu.memory_space<semaphore_mem>>
        %dma_start3A = arith.constant 0 : i32
        %dma_start3A_187 = arith.constant 0 : i32
        %dma_start3A_188 = tpu.memref_slice %arg11[%dma_start3A, %dma_start3A_187] : memref<128x64xf32, #tpu.memory_space<vmem>> -> memref<125x64xf32, #tpu.memory_space<vmem>>
        %dma_start3A_189 = arith.constant 0 : i32
        %dma_start3A_190 = tpu.memref_slice %arg7[%add3A_175, %dma_start3A_189] : memref<10008x64xf32, #tpu.memory_space<vmem_shared>> -> memref<125x64xf32, #tpu.memory_space<vmem_shared>>
        %dma_start3A_191 = arith.constant 0 : i32
        %dma_start3A_192 = tpu.memref_slice %arg7[%add3A_175, %dma_start3A_191] : memref<10008x64xf32, #tpu.memory_space<vmem_shared>> -> memref<125x64xf32, #tpu.memory_space<vmem_shared>>
        %dma_start3A_193 = arith.constant 0 : i32
        %dma_start3A_194 = arith.constant 0 : i32
        %dma_start3A_195 = tpu.memref_slice %arg11[%dma_start3A_193, %dma_start3A_194] : memref<128x64xf32, #tpu.memory_space<vmem>> -> memref<125x64xf32, #tpu.memory_space<vmem>>
        tpu.enqueue_dma source(%dma_start3A_195 : memref<125x64xf32, #tpu.memory_space<vmem>>) target(%dma_start3A_192 : memref<125x64xf32, #tpu.memory_space<vmem_shared>>) target_semaphore(%run_scoped3A_186 : memref<!tpu.dma_semaphore, #tpu.memory_space<semaphore_mem>>)
        %dma_wait3A = arith.constant 0 : i32
        %dma_wait3A_196 = arith.constant 0 : i32
        %dma_wait3A_197 = tpu.memref_slice %arg11[%dma_wait3A, %dma_wait3A_196] : memref<128x64xf32, #tpu.memory_space<vmem>> -> memref<125x64xf32, #tpu.memory_space<vmem>>
        %dma_wait3A_198 = arith.constant 0 : i32
        %dma_wait3A_199 = tpu.memref_slice %arg7[%add3A_175, %dma_wait3A_198] : memref<10008x64xf32, #tpu.memory_space<vmem_shared>> -> memref<125x64xf32, #tpu.memory_space<vmem_shared>>
        %dma_wait3A_200 = arith.constant 0 : i32
        %dma_wait3A_201 = tpu.memref_slice %arg7[%add3A_175, %dma_wait3A_200] : memref<10008x64xf32, #tpu.memory_space<vmem_shared>> -> memref<125x64xf32, #tpu.memory_space<vmem_shared>>
        %dma_wait3A_202 = arith.constant 0 : i32
        %dma_wait3A_203 = arith.constant 0 : i32
        %dma_wait3A_204 = tpu.memref_slice %arg11[%dma_wait3A_202, %dma_wait3A_203] : memref<128x64xf32, #tpu.memory_space<vmem>> -> memref<125x64xf32, #tpu.memory_space<vmem>>
        tpu.wait_dma2 semaphore(%run_scoped3A_186 : memref<!tpu.dma_semaphore, #tpu.memory_space<semaphore_mem>>) src(%dma_wait3A_204 : memref<125x64xf32, #tpu.memory_space<vmem>>) dst(%dma_wait3A_201 : memref<125x64xf32, #tpu.memory_space<vmem_shared>>)
        tpu.yield
      }) : () -> ()
      %scan3A_176 = arith.constant 0 : i32
      %scan3A_177 = arith.constant 0 : i32
      %scan3A_178 = arith.constant 125 : i32
      %scan3A_179 = arith.addi %scan3A_177, %scan3A_178 : i32
      %scan3A_180 = arith.constant 1 : i32
      %scan3A_181 = scf.for %scan3A_186 = %scan3A_177 to %scan3A_179 step %scan3A_180 iter_args(%scan3A_187 = %scan3A_176) -> (i32)  : i32 {
        %add3A_188 = arith.constant 500 : i32
        %add3A_189 = arith.addi %add3A_188, %scan3A_186 : i32
        %get3A = arith.index_cast %add3A_189 : i32 to index
        %get3A_190 = arith.constant 0 : index
        %get3A_191 = tpu.vector_load %arg15[%get3A, %get3A_190] {strides = array<i32>} : memref<625x16xf32, #tpu.memory_space<vmem>>, vector<1x16xf32>,
        %get3A_192 = vector.shape_cast %get3A_191 : vector<1x16xf32> to vector<16xf32>
        %get3A_193 = arith.index_cast %scan3A_186 : i32 to index
        %get3A_194 = arith.constant 0 : index
        %get3A_195 = tpu.vector_load %arg14[%get3A_193, %get3A_194] {strides = array<i32>} : memref<125x64xf32, #tpu.memory_space<vmem>>, vector<1x16xf32>,
        %get3A_196 = vector.shape_cast %get3A_195 : vector<1x16xf32> to vector<16xf32>
        %mul3A_197 = arith.mulf %get3A_196, %get3A_192 : vector<16xf32>
        %swap3A = arith.index_cast %scan3A_186 : i32 to index
        %swap3A_198 = arith.constant 0 : index
        %swap3A_199 = tpu.vector_load %arg14[%swap3A, %swap3A_198] {strides = array<i32>} : memref<125x64xf32, #tpu.memory_space<vmem>>, vector<1x16xf32>,
        %swap3A_200 = vector.shape_cast %swap3A_199 : vector<1x16xf32> to vector<16xf32>
        %swap3A_201 = vector.shape_cast %mul3A_197 : vector<16xf32> to vector<1x16xf32>
        tpu.vector_store %arg14[%swap3A, %swap3A_198], %swap3A_201 {strides = array<i32>} : memref<125x64xf32, #tpu.memory_space<vmem>>, vector<1x16xf32>,
        %get3A_202 = arith.index_cast %scan3A_186 : i32 to index
        %get3A_203 = arith.constant 16 : index
        %get3A_204 = tpu.vector_load %arg14[%get3A_202, %get3A_203] {strides = array<i32>} : memref<125x64xf32, #tpu.memory_space<vmem>>, vector<1x16xf32>,
        %get3A_205 = vector.shape_cast %get3A_204 : vector<1x16xf32> to vector<16xf32>
        %mul3A_206 = arith.mulf %get3A_205, %get3A_192 : vector<16xf32>
        %swap3A_207 = arith.index_cast %scan3A_186 : i32 to index
        %swap3A_208 = arith.constant 16 : index
        %swap3A_209 = tpu.vector_load %arg14[%swap3A_207, %swap3A_208] {strides = array<i32>} : memref<125x64xf32, #tpu.memory_space<vmem>>, vector<1x16xf32>,
        %swap3A_210 = vector.shape_cast %swap3A_209 : vector<1x16xf32> to vector<16xf32>
        %swap3A_211 = vector.shape_cast %mul3A_206 : vector<16xf32> to vector<1x16xf32>
        tpu.vector_store %arg14[%swap3A_207, %swap3A_208], %swap3A_211 {strides = array<i32>} : memref<125x64xf32, #tpu.memory_space<vmem>>, vector<1x16xf32>,
        %get3A_212 = arith.index_cast %scan3A_186 : i32 to index
        %get3A_213 = arith.constant 32 : index
        %get3A_214 = tpu.vector_load %arg14[%get3A_212, %get3A_213] {strides = array<i32>} : memref<125x64xf32, #tpu.memory_space<vmem>>, vector<1x16xf32>,
        %get3A_215 = vector.shape_cast %get3A_214 : vector<1x16xf32> to vector<16xf32>
        %mul3A_216 = arith.mulf %get3A_215, %get3A_192 : vector<16xf32>
        %swap3A_217 = arith.index_cast %scan3A_186 : i32 to index
        %swap3A_218 = arith.constant 32 : index
        %swap3A_219 = tpu.vector_load %arg14[%swap3A_217, %swap3A_218] {strides = array<i32>} : memref<125x64xf32, #tpu.memory_space<vmem>>, vector<1x16xf32>,
        %swap3A_220 = vector.shape_cast %swap3A_219 : vector<1x16xf32> to vector<16xf32>
        %swap3A_221 = vector.shape_cast %mul3A_216 : vector<16xf32> to vector<1x16xf32>
        tpu.vector_store %arg14[%swap3A_217, %swap3A_218], %swap3A_221 {strides = array<i32>} : memref<125x64xf32, #tpu.memory_space<vmem>>, vector<1x16xf32>,
        %get3A_222 = arith.index_cast %scan3A_186 : i32 to index
        %get3A_223 = arith.constant 48 : index
        %get3A_224 = tpu.vector_load %arg14[%get3A_222, %get3A_223] {strides = array<i32>} : memref<125x64xf32, #tpu.memory_space<vmem>>, vector<1x16xf32>,
        %get3A_225 = vector.shape_cast %get3A_224 : vector<1x16xf32> to vector<16xf32>
        %mul3A_226 = arith.mulf %get3A_225, %get3A_192 : vector<16xf32>
        %swap3A_227 = arith.index_cast %scan3A_186 : i32 to index
        %swap3A_228 = arith.constant 48 : index
        %swap3A_229 = tpu.vector_load %arg14[%swap3A_227, %swap3A_228] {strides = array<i32>} : memref<125x64xf32, #tpu.memory_space<vmem>>, vector<1x16xf32>,
        %swap3A_230 = vector.shape_cast %swap3A_229 : vector<1x16xf32> to vector<16xf32>
        %swap3A_231 = vector.shape_cast %mul3A_226 : vector<16xf32> to vector<1x16xf32>
        tpu.vector_store %arg14[%swap3A_227, %swap3A_228], %swap3A_231 {strides = array<i32>} : memref<125x64xf32, #tpu.memory_space<vmem>>, vector<1x16xf32>,
        %scan3A_232 = arith.constant 0 : i32
        scf.yield %scan3A_232 : i32
      }
      %scan3A_182 = arith.constant 125 : i32
      "tpu.region"() ({
        %run_scoped3A_186 = tpu.sem_alloc : memref<!tpu.dma_semaphore, #tpu.memory_space<semaphore_mem>>
        %dma_start3A = arith.constant 0 : i32
        %dma_start3A_187 = tpu.memref_slice %arg8[%add3A_175, %dma_start3A] : memref<10000x64xf32, #tpu.memory_space<vmem_shared>> -> memref<125x64xf32, #tpu.memory_space<vmem_shared>>
        %dma_start3A_188 = arith.constant 0 : i32
        %dma_start3A_189 = tpu.memref_slice %arg8[%add3A_175, %dma_start3A_188] : memref<10000x64xf32, #tpu.memory_space<vmem_shared>> -> memref<125x64xf32, #tpu.memory_space<vmem_shared>>
        tpu.enqueue_dma source(%arg14 : memref<125x64xf32, #tpu.memory_space<vmem>>) target(%dma_start3A_189 : memref<125x64xf32, #tpu.memory_space<vmem_shared>>) target_semaphore(%run_scoped3A_186 : memref<!tpu.dma_semaphore, #tpu.memory_space<semaphore_mem>>)
        %dma_wait3A = arith.constant 0 : i32
        %dma_wait3A_190 = tpu.memref_slice %arg8[%add3A_175, %dma_wait3A] : memref<10000x64xf32, #tpu.memory_space<vmem_shared>> -> memref<125x64xf32, #tpu.memory_space<vmem_shared>>
        %dma_wait3A_191 = arith.constant 0 : i32
        %dma_wait3A_192 = tpu.memref_slice %arg8[%add3A_175, %dma_wait3A_191] : memref<10000x64xf32, #tpu.memory_space<vmem_shared>> -> memref<125x64xf32, #tpu.memory_space<vmem_shared>>
        tpu.wait_dma2 semaphore(%run_scoped3A_186 : memref<!tpu.dma_semaphore, #tpu.memory_space<semaphore_mem>>) src(%arg14 : memref<125x64xf32, #tpu.memory_space<vmem>>) dst(%dma_wait3A_192 : memref<125x64xf32, #tpu.memory_space<vmem_shared>>)
        tpu.yield
      }) : () -> ()
      %add3A_183 = arith.constant 1 : i32
      %add3A_184 = arith.addi %scan3A_114, %add3A_183 : i32
      "tpu.region"() ({
        %run_scoped3A_186 = tpu.sem_alloc : memref<!tpu.dma_semaphore, #tpu.memory_space<semaphore_mem>>
        %dma_start3A = arith.constant 0 : i32
        %dma_start3A_187 = tpu.memref_slice %arg5[%add3A_184, %arg0, %add3A_175, %dma_start3A] : memref<9x2x10000x64xf32, #tpu.memory_space<hbm>> -> memref<1x1x125x64xf32, #tpu.memory_space<hbm>>
        %dma_start3A_188 = tpu.memref_squeeze %dma_start3A_187 : memref<1x1x125x64xf32, #tpu.memory_space<hbm>> -> memref<125x64xf32, #tpu.memory_space<hbm>>
        %dma_start3A_189 = arith.constant 0 : i32
        %dma_start3A_190 = tpu.memref_slice %arg5[%add3A_184, %arg0, %add3A_175, %dma_start3A_189] : memref<9x2x10000x64xf32, #tpu.memory_space<hbm>> -> memref<1x1x125x64xf32, #tpu.memory_space<hbm>>
        %dma_start3A_191 = tpu.memref_squeeze %dma_start3A_190 : memref<1x1x125x64xf32, #tpu.memory_space<hbm>> -> memref<125x64xf32, #tpu.memory_space<hbm>>
        tpu.enqueue_dma source(%arg14 : memref<125x64xf32, #tpu.memory_space<vmem>>) target(%dma_start3A_191 : memref<125x64xf32, #tpu.memory_space<hbm>>) target_semaphore(%run_scoped3A_186 : memref<!tpu.dma_semaphore, #tpu.memory_space<semaphore_mem>>)
        %dma_wait3A = arith.constant 0 : i32
        %dma_wait3A_192 = tpu.memref_slice %arg5[%add3A_184, %arg0, %add3A_175, %dma_wait3A] : memref<9x2x10000x64xf32, #tpu.memory_space<hbm>> -> memref<1x1x125x64xf32, #tpu.memory_space<hbm>>
        %dma_wait3A_193 = tpu.memref_squeeze %dma_wait3A_192 : memref<1x1x125x64xf32, #tpu.memory_space<hbm>> -> memref<125x64xf32, #tpu.memory_space<hbm>>
        %dma_wait3A_194 = arith.constant 0 : i32
        %dma_wait3A_195 = tpu.memref_slice %arg5[%add3A_184, %arg0, %add3A_175, %dma_wait3A_194] : memref<9x2x10000x64xf32, #tpu.memory_space<hbm>> -> memref<1x1x125x64xf32, #tpu.memory_space<hbm>>
        %dma_wait3A_196 = tpu.memref_squeeze %dma_wait3A_195 : memref<1x1x125x64xf32, #tpu.memory_space<hbm>> -> memref<125x64xf32, #tpu.memory_space<hbm>>
        tpu.wait_dma2 semaphore(%run_scoped3A_186 : memref<!tpu.dma_semaphore, #tpu.memory_space<semaphore_mem>>) src(%arg14 : memref<125x64xf32, #tpu.memory_space<vmem>>) dst(%dma_wait3A_196 : memref<125x64xf32, #tpu.memory_space<hbm>>)
        tpu.yield
      }) : () -> ()
      %barrier3A_185 = arith.constant 0 : index
      tpu.barrier barrier_id(%barrier3A_185)
    }
    %scan3A_113 = arith.constant 8 : i32
    return
  }
}

</mosaic_0001>

<sc_bundles>
// kernel: _grand_sc.3.cloned.1.call-start
scs
__scs_entry_jumppad:
0x0: {  	(pc) =	sbr.rel $0x88, $3  }
0x1: {  	(tag) =	ssettag $0x0;
	lr =	simm.s32 $0x1  }
0x2: {  	[smem:$0x3F9E] =	sst lr;
	_ =	strace $0xD0000000  }
0x3: {  	_ = 	snop  }
0x4: {  	_ = 	snop  }
0x5: {  	_ = 	snop  }
0x6: {  	_ = 	snop  }
0x7: {  	_ = 	snop  }
__scs_overlays_trampoline_lowered:
0x8: {  	[smem:$0x3FAD] =	sst s0  }
0x9: {  	[smem:$0x3FAE] =	sst s1  }
0xa: {  	[smem:$0x3FAF] =	sst s2  }
0xb: {  	[smem:$0x3FB0] =	sst s3  }
0xc: {  	[smem:$0x3FB1] =	sst s4  }
0xd: {  	[smem:$0x3FB2] =	sst s5  }
0xe: {  	[smem:$0x3FB3] =	sst s6  }
0xf: {  	[smem:$0x3FB4] =	sst s7  }
0x10: {  	[smem:$0x3FB5] =	sst s8  }
0x11: {  	[smem:$0x3FB6] =	sst s9;
	s0 =	simm.s32 @!p0 $0x0  }
0x12: {  	s1 =	sld [smem:$0x3F9C];
	s0 =	simm.s32 @p0 $0x1  }
0x13: {  	[smem:$0x3FB7] =	sst s0;
	s0 =	simm.s32 @!p1 $0x0  }
0x14: {  	s2 =	sld [smem:$0x3F9B];
	s0 =	simm.s32 @p1 $0x1  }
0x15: {  	[smem:$0x3FB8] =	sst s0;
	s0 =	simm.s32 @!p2 $0x0  }
0x16: {  	s3 =	sld [smem:$0x3FDB];
	s0 =	simm.s32 @p2 $0x1  }
0x17: {  	s4 =	simm.s32 $0x1BF5;
	[smem:$0x3FBA] =	sst s0  }
0x18: {  	s0 =	sld [smem:$0x3F9D];
	_ =	swait.ge [sflag:s4], $0x0  }
0x19: {  	s7 =	sld [smem:$0x3F9E]  }
0x1a: {  	s8 =	sadd.s32 $0xFFFFE003, lr  }
0x1b: {  	s9 =	sadd.s32 $0xFFFFFEF7, lr;
	s5 =	simm.s32 $0xFFFFFFFF;
	p2 =	slt.u32 s8, $0xFFFFF086  }
0x1c: {  	p1 =	slt.u32 s9, $0xF7A;
	s5 =	simm.s32 @!p2 $0x0  }
0x1d: {  	s5 =	simm.s32 @p1 $0x1;
	p0 =	seq.s32 s7, s2  }
0x1e: {  	s7 =	smul.u32 @!p0 $0xF7A, s2;
	p2 =	seq.s32 @!p0 s5, $0x0  }
0x1f: {  	s9 =	smul.u32 $0xF7A, s1;
	s8 =	simm.s32 @!p0 $0x1BF5;
	p2 =	por !p2, p0  }
0x20: {  	[sflag:s8] =	ssyncset.s32 @!p0 $0xFFFFF086;
	s6 =	sadd.s32 @!p0 s3, s7;
	s7 =	simm.s32 @!p0 $0x108  }
0x21: {  	s3 =	sadd.s32 s3, s9;
	s6 =	sadd.s32 @!p0 $0x88, s6;
	s7 =	simm.s32 @p2 $0x1082  }
0x22: {  	[simem:s7], [sflag:s8] =	dma.local @!p0 [hbm:s6], $0xF7A  }
0x23: {  	s9 =	sor.u32 $0xD0000000, s2;
	s6 =	simm.s32 $0x108;
	_ =	swait.ge @!p0 [sflag:s8], $0x0  }
0x24: {  	s3 =	sadd.s32 $0x88, s3;
	s6 =	simm.s32 @!p1 $0x1082;
	[sflag:s4] =	ssyncset.s32 $0xFFFFF086  }
0x25: {  	[simem:s6], [sflag:s4] =	dma.local [hbm:s3], $0xF7A  }
0x26: {  	[smem:$0x3F9E] =	sst s1;
	(tag) =	ssettag s2;
	_ =	strace s9  }
0x27: {  	s1 =	sld [smem:$0x3FAE]  }
0x28: {  	s2 =	sld [smem:$0x3FAF]  }
0x29: {  	s4 =	sld [smem:$0x3FB1]  }
0x2a: {  	p0 =	seq.s32 s5, $0x0;
	s5 =	sld [smem:$0x3FB2]  }
0x2b: {  	s6 =	sld [smem:$0x3FB3]  }
0x2c: {  	s7 =	sld [smem:$0x3FB4]  }
0x2d: {  	s3 =	simm.s32 $0x108;
	s8 =	sld [smem:$0x3FB5]  }
0x2e: {  	s3 =	simm.s32 @!p0 $0x1082;
	s9 =	sld [smem:$0x3FB6]  }
0x2f: {  	lr =	sadd.s32 s0, s3;
	s0 =	sld [smem:$0x3FAD]  }
0x30: {  	s3 =	sld [smem:$0x3FB0]  }
0x31: {  	[smem:$0x3FB9] =	sst s10  }
0x32: {  	s10 =	sld [smem:$0x3FB7];
	_ =	sdelay $0x3  }
0x33: {  	p0 =	seq.s32 s10, $0x1;
	s10 =	sld [smem:$0x3FB9];
	_ =	sdelay $0x3  }
0x34: {  	[smem:$0x3FB9] =	sst s10  }
0x35: {  	s10 =	sld [smem:$0x3FB8];
	_ =	sdelay $0x3  }
0x36: {  	p1 =	seq.s32 s10, $0x1;
	s10 =	sld [smem:$0x3FB9];
	_ =	sdelay $0x3  }
0x37: {  	[smem:$0x3FB9] =	sst s10  }
0x38: {  	s10 =	sld [smem:$0x3FBA]  }
0x39: {  	_ = 	snop;
	(pc) =	sbr.ind lr, $3  }
0x3a: {  	_ = 	snop  }
0x3b: {  	_ = 	snop  }
0x3c: {  	p2 =	seq.s32 s10, $0x1;
	s10 =	sld [smem:$0x3FB9]  }
0x3d: {  	_ =	shalt  }
0x3e: {  	_ =	shalt  }
0x3f: {  	_ =	shalt  }
0x40: {  	_ =	shalt  }
0x41: {  	_ =	shalt  }
0x42: {  	_ =	shalt  }
0x43: {  	_ =	shalt  }
0x44: {  	_ =	shalt  }
0x45: {  	_ =	shalt  }
0x46: {  	_ =	shalt  }
0x47: {  	_ =	shalt  }
0x48: {  	_ =	shalt  }
0x49: {  	_ =	shalt  }
0x4a: {  	_ =	shalt  }
0x4b: {  	_ =	shalt  }
0x4c: {  	_ =	shalt  }
0x4d: {  	_ =	shalt  }
0x4e: {  	_ =	shalt  }
0x4f: {  	_ =	shalt  }
0x50: {  	_ =	shalt  }
0x51: {  	_ =	shalt  }
0x52: {  	_ =	shalt  }
0x53: {  	_ =	shalt  }
0x54: {  	_ =	shalt  }
0x55: {  	_ =	shalt  }
0x56: {  	_ =	shalt  }
0x57: {  	_ =	shalt  }
0x58: {  	_ =	shalt  }
0x59: {  	_ =	shalt  }
0x5a: {  	_ =	shalt  }
0x5b: {  	_ =	shalt  }
0x5c: {  	_ =	shalt  }
0x5d: {  	_ =	shalt  }
0x5e: {  	_ =	shalt  }
0x5f: {  	_ =	shalt  }
0x60: {  	_ =	shalt  }
0x61: {  	_ =	shalt  }
0x62: {  	_ =	shalt  }
0x63: {  	_ =	shalt  }
0x64: {  	_ =	shalt  }
0x65: {  	_ =	shalt  }
0x66: {  	_ =	shalt  }
0x67: {  	_ =	shalt  }
0x68: {  	_ =	shalt  }
0x69: {  	_ =	shalt  }
0x6a: {  	_ =	shalt  }
0x6b: {  	_ =	shalt  }
0x6c: {  	_ =	shalt  }
0x6d: {  	_ =	shalt  }
0x6e: {  	_ =	shalt  }
0x6f: {  	_ =	shalt  }
0x70: {  	_ =	shalt  }
0x71: {  	_ =	shalt  }
0x72: {  	_ =	shalt  }
0x73: {  	_ =	shalt  }
0x74: {  	_ =	shalt  }
0x75: {  	_ =	shalt  }
0x76: {  	_ =	shalt  }
0x77: {  	_ =	shalt  }
0x78: {  	_ =	shalt  }
0x79: {  	_ =	shalt  }
0x7a: {  	_ =	shalt  }
0x7b: {  	_ =	shalt  }
0x7c: {  	_ =	shalt  }
0x7d: {  	_ =	shalt  }
0x7e: {  	_ =	shalt  }
0x7f: {  	_ =	shalt  }
0x80: {  	_ =	shalt  }
0x81: {  	_ =	shalt  }
0x82: {  	_ =	shalt  }
0x83: {  	_ =	shalt  }
0x84: {  	_ =	shalt  }
0x85: {  	_ =	shalt  }
0x86: {  	_ =	shalt  }
0x87: {  	_ =	shalt  }
.Lfunc_end0:
.L_simem_size_0:
called_computation.1_lowered:
.L_overlay_start_0:
0x88: {  	s2 =	sld [smem:$0x3FD9]  }
0x89: {  	s3 =	sld [smem:$0x3FFE];
	_ =	sdelay $0x1  }
0x8a: {  	s1 =	srdreg.scid  }
0x8b: {  	s0 =	sand.u32 $0x1, s1  }
0x8c: {  	s14 =	sshll.u32 s0, $0xA;
	s2 =	sadd.s32 s3, s2  }
0x8d: {  	s2 =	sadd.s32 s2, s14  }
0x8e: {  	[smem:$0x3FC5] =	sst s2  }
0x8f: {  	_ = 	snop  }
0x90: {  	s2 =	sld [smem:$0x3FD0];
	_ =	sdelay $0x1  }
0x91: {  	s15 =	sld [smem:$0x3FC8]  }
0x92: {  	s5 =	simm.s32 $0xA;
	s6 =	simm.s32 $0x10;
	s4 =	sld [smem:$0x3FC7]  }
0x93: {  	[smem:s6], [sflag:s5] =	dma.local [hbm:s2], $0x1  }
0x94: {  	_ =	swait.eq [sflag:s5], $0x1  }
0x95: {  	[sflag:s5] =	ssyncset.done $0x0  }
0x96: {  	s16 =	sld [smem:$0x10];
	[sflag:s5] =	ssyncadd.s32 $0xFFFFFFFF  }
0x97: {  	s17 =	sld [smem:$0x11];
	(tm) =	ssettm $0x1  }
0x98: {  	s18 =	sld [smem:$0x3FFB];
	_ =	sdelay $0x3  }
0x99: {  	_ =	strace s18  }
0x9a: {  	s6 =	sld [smem:$0x3FFC];
	_ =	sdelay $0x3  }
0x9b: {  	_ =	strace s6  }
0x9c: {  	s6 =	sld [smem:$0x3FFD];
	_ =	sdelay $0x3  }
0x9d: {  	_ =	strace s6  }
0x9e: {  	_ =	strace $0x8FFFFFFF  }
0x9f: {  	s19 =	sld [smem:$0x3FDB];
	_ =	sdelay $0x1  }
0xa0: {  	s7 =	simm.s32 $_scs_section_size  }
0xa1: {  	s8 =	simm.s32 $_size__tile_overlayer_lowered;
	s9 =	simm.s32 $_tile_overlayer_lowered  }
0xa2: {  	s22 =	simm.s32 $0x1BFF;
	s21 =	sshll.u32 s9, $0x1;
	s6 =	sadd.s32 s7, s19  }
0xa3: {  	s10 =	simm.s32 $0x0;
	s20 =	sshll.u32 s8, $0x1;
	s8 =	sadd.s32 s21, s6  }
0xa4: {  	[timem:s10], [sflag:s22] =	dma.local [hbm:s8], s20  }
0xa5: {  	_ =	swait.ge [sflag:s22], s20  }
0xa6: {  	s7 =	ssub.s32 $0x0, s20;
	[sflag:s22] =	ssyncset.done $0x0  }
0xa7: {  	[sflag:s22] =	ssyncadd.s32 s7;
	_ =	sdelay $0x1  }
0xa8: {  	s23 =	simm.s32 $0x1B8B  }
0xa9: {  	_ =	swait.ge [sflag:s23], $0x1  }
0xaa: {  	[sflag:s23] =	ssyncset.done $0x0  }
0xab: {  	s25 =	simm.s32 $0x1B8E;
	s24 =	sld [smem:$0x3FFE];
	[sflag:s23] =	ssyncadd.s32 $0xFFFFFFFF  }
0xac: {  	s26 =	simm.s32 $execute0_lowered;
	[smem:$0x3FD2] =	sst s25  }
0xad: {  	s8 =	sshll.u32 s26, $0x1;
	_ =	strace $0x80000046;
	[dreg:$0x1] =	wrdreg $0xFFFFFFFF  }
0xae: {  	s28 =	simm.s32 $_size_execute0_lowered;
	s6 =	sadd.s32 s6, s8;
	[dreg:$0x0] =	wrdreg $0x0  }
0xaf: {  	s8 =	sshll.u32 s28, $0x1;
	[dreg:$0x2] =	wrdreg s6  }
0xb0: {  	[dreg:$0x3] =	wrdreg s8  }
0xb1: {  	[dreg:$0x4] =	wrdreg $0xC0  }
0xb2: {  	_ =	task [dreg:s10], $0x5FFFF  }
0xb3: {  	[dreg:$0x1] =	wrdreg $0xFFFFFFFF  }
0xb4: {  	[dreg:$0x0] =	wrdreg $0x60  }
0xb5: {  	[dreg:$0x2] =	wrdreg s24  }
0xb6: {  	[dreg:$0x3] =	wrdreg s15  }
0xb7: {  	[dreg:$0x4] =	wrdreg s4  }
0xb8: {  	[dreg:$0x5] =	wrdreg s16  }
0xb9: {  	[dreg:$0x6] =	wrdreg s17  }
0xba: {  	[dreg:$0x7] =	wrdreg $0x0  }
0xbb: {  	[dreg:$0x8] =	wrdreg $0x9C600  }
0xbc: {  	[dreg:$0x9] =	wrdreg $0x9  }
0xbd: {  	_ =	task.clear_ibuf [dreg:s10], $0xAFFFF;
	_ =	strace $0x90000046  }
0xbe: {  	s29 =	simm.s32 $0x9;
	_ =	strace $0x80000048  }
0xbf: {  	_ =	swait.ge [sflag:s29], $0x1  }
0xc0: {  	[sflag:s29] =	ssyncadd.s32 $0xFFFFFFFF  }
0xc1: {  	_ =	strace $0x90000048  }
0xc2: {  	_ =	sfence  }
0xc3: {  	s30 =	sld [smem:$0x0];
	_ =	sdelay $0x2  }
0xc4: {  	s31 =	sshll.u32 s1, $0xD;
	s1 =	sshrl.u32 s1, $0x2  }
0xc5: {  	s3 =	sand.u32 $0x4000, s31;
	s1 =	sadd.s32 s1, s30  }
0xc6: {  	s0 =	sor.u32 s3, s0;
	s1 =	sshll.u32 s1, $0x11  }
0xc7: {  	s0 =	sor.u32 s1, s0  }
0xc8: {  	s0 =	sadd.s32 $0x8F2B, s0  }
0xc9: {  	[sflag:s0] =	ssyncadd.remote.s32 $0x1  }
0xca: {  	_ =	sfence.sel $0xFFFF  }
0xcb: {  	[dreg:$0x0] =	wrdreg $0xFFFFFFFF;
	(pc) =	sbr.abs _section_cstart, $3  }
0xcc: {  	[dreg:$0x1] =	wrdreg $0xFFFFFFFF  }
0xcd: {  	_ =	task.clear_ibuf [dreg:s10], $0x2FFFF;
	_ =	strace $0x9FFFFFFF  }
0xce: {  	(tm) =	ssettm $0x7FFFFFFF  }
0xcf: {  	_ =	shalt  }
tec
execute0_lowered:
.L_overlay_start_1:
0x0: {  	(tag) =	ssettag $0x1  }
0x1: {  	s1 =	rddreg [dreg:$0x0]  }
0x2: {  	s7 =	rddreg [dreg:$0x1]  }
0x3: {  	s8 =	rddreg [dreg:$0x2]  }
0x4: {  	s16 =	rddreg [dreg:$0x3]  }
0x5: {  	s9 =	rddreg [dreg:$0x4]  }
0x6: {  	s2 =	rddreg [dreg:$0x5]  }
0x7: {  	s3 =	rddreg [dreg:$0x6];
	s5 =	srdreg.scid;
	s4 =	simm.s32 $0x0  }
0x8: {  	s0 =	stileid.u32;
	s28 =	simm.s32 $0x13920;
	[smem:$0x7FF] =	sst s4  }
0x9: {  	s29 =	simm.s32 $0x139A0;
	_ =	strace $0x80000047;
	[dreg:$0x9] =	wrdreg s28  }
0xa: {  	s15 =	simm.s32 $0x13B20;
	s4 =	simm.s32 $0x13A20;
	[dreg:$0xa] =	wrdreg s29  }
0xb: {  	s21 =	simm.s32 $0x13BA0;
	s22 =	simm.s32 $0x13C20;
	[dreg:$0xb] =	wrdreg s4  }
0xc: {  	s30 =	simm.s32 $0x14720;
	s31 =	simm.s32 $0x5;
	[dreg:$0xd] =	wrdreg s15  }
0xd: {  	s6 =	sand.u32 $0x1, s5;
	s17 =	smul.u32 $0x9C40, s0;
	[dreg:$0xe] =	wrdreg s21  }
0xe: {  	s10 =	smul.u32 $0x271, s0;
	[dreg:$0xf] =	wrdreg s22;
	s29 =	simm.s32 $0x13E20  }
0xf: {  	s13 =	smul.u32 $0x4E2, s0;
	s15 =	sadd.s32 $0x9C400, s2;
	[dreg:$0x13] =	wrdreg s29  }
0x10: {  	s1 =	sadd.s32 $0xE00, s1;
	s18 =	smul.u32 $0x9C400, s6;
	[smem:$0x7F0] =	sst s15  }
0x11: {  	s5 =	ssub.s32 $0x2, s6;
	s24 =	sadd.s32 s9, s13;
	[dreg:$0x19] =	wrdreg s17  }
0x12: {  	p1 =	sne.s32 s0, $0x0;
	s12 =	sshrl.u32 s5, $0x1;
	[dreg:$0x1d] =	wrdreg s24  }
0x13: {  	s25 =	sadd.s32 $0x7D, s10;
	s24 =	simm.s32 $0x13CA0;
	[dreg:$0x1a] =	wrdreg s18  }
0x14: {  	s11 =	sadd.s32 s17, s18;
	s19 =	sshll.u32 s25, $0x6;
	[dreg:$0x10] =	wrdreg s24  }
0x15: {  	s5 =	ssub.s32 s5, s12;
	s24 =	simm.s32 $0x13FA0;
	[dreg:$0x1e] =	wrdreg s19  }
0x16: {  	s11 =	sshrl.u32 s11, $0x3;
	s21 =	sadd.s32 s19, s3;
	[dreg:$0x16] =	wrdreg s24  }
0x17: {  	s12 =	smul.u32 $0xA00, s0;
	s23 =	sadd.s32 s1, s11;
	[smem:$0x7F4] =	sst s21  }
0x18: {  	p0 =	sne.s32 s6, $0x0;
	s11 =	sadd.s32 s16, s11;
	[dreg:$0x1b] =	wrdreg s23  }
0x19: {  	s0 =	smul.u32 $0x27100, s0;
	s7 =	sadd.s32 s12, s7;
	[dreg:$0x1c] =	wrdreg s11  }
0x1a: {  	s22 =	sadd.s32 s12, s8;
	s8 =	simm.s32 $0x13EA0;
	[dreg:$0x8] =	wrdreg s7  }
0x1b: {  	s13 =	sadd.s32 $0xFA, s10;
	s0 =	sshrl.u32 s0, $0x2;
	[dreg:$0x14] =	wrdreg s8  }
0x1c: {  	s11 =	sshll.u32 s25, $0x1;
	s25 =	simm.s32 $0x13D20;
	[dreg:$0x18] =	wrdreg s22  }
0x1d: {  	s15 =	simm.s32 $0x146A0;
	s0 =	sadd.s32 s0, s2;
	[dreg:$0x11] =	wrdreg s25  }
0x1e: {  	s26 =	sshll.u32 s13, $0x1;
	s11 =	sadd.s32 s9, s11;
	[smem:$0x7EF] =	sst s0  }
0x1f: {  	[dreg:$0x1f] =	wrdreg s11;
	s11 =	sadd.s32 s9, s26;
	s26 =	simm.s32 $0x13DA0  }
0x20: {  	[smem:$0x7E3] =	sst s11;
	s11 =	sadd.s32 $0x177, s10;
	s10 =	sadd.s32 $0x1F4, s10  }
0x21: {  	[dreg:$0x12] =	wrdreg s26;
	s26 =	simm.s32 $0x14020;
	s14 =	sshll.u32 s11, $0x1  }
0x22: {  	s20 =	sshll.u32 s10, $0x1;
	[dreg:$0x17] =	wrdreg s26;
	s10 =	sshll.u32 s10, $0x6  }
0x23: {  	s21 =	simm.s32 $0x143A0;
	s14 =	sadd.s32 s9, s14;
	[smem:$0x7FC] =	sst s10  }
0x24: {  	s23 =	sadd.s32 s18, s19;
	s9 =	sadd.s32 s9, s20;
	[smem:$0x7E4] =	sst s14  }
0x25: {  	s8 =	simm.s32 $0x144A0;
	s20 =	sadd.s32 s19, s2;
	[smem:$0x7E5] =	sst s9  }
0x26: {  	s0 =	simm.s32 $0x14420;
	s14 =	simm.s32 $0x13AA0;
	[smem:$0x7F3] =	sst s20  }
0x27: {  	s9 =	sshrl.u32 s23, $0x3;
	s23 =	simm.s32 $0x13F20;
	[dreg:$0xc] =	wrdreg s14  }
0x28: {  	s19 =	simm.s32 $0x14320;
	s28 =	sadd.s32 s1, s9;
	[dreg:$0x15] =	wrdreg s23  }
0x29: {  	s20 =	simm.s32 $0x7;
	s4 =	sadd.s32 s16, s9;
	[smem:$0x7E6] =	sst s28  }
0x2a: {  	s9 =	sshll.u32 s13, $0x6;
	s14 =	smax.u32 s5, $0x1;
	[smem:$0x7E7] =	sst s4  }
0x2b: {  	s25 =	sadd.s32 s18, s9;
	s28 =	sshll.u32 s11, $0x6;
	[smem:$0x7EE] =	sst s14  }
0x2c: {  	s11 =	sadd.s32 s18, s10;
	s23 =	sadd.s32 s9, s2;
	[smem:$0x7F6] =	sst s9  }
0x2d: {  	s24 =	sadd.s32 s9, s3;
	s9 =	simm.s32 $0x168A0;
	[smem:$0x7F5] =	sst s23  }
0x2e: {  	s14 =	simm.s32 $0x1;
	s7 =	sshrl.u32 s25, $0x3;
	[smem:$0x7F7] =	sst s24  }
0x2f: {  	s4 =	sadd.s32 s18, s28;
	s18 =	sadd.s32 s17, s3;
	[smem:$0x7F9] =	sst s28  }
0x30: {  	s25 =	sadd.s32 s28, s2;
	s26 =	sadd.s32 s28, s3;
	[smem:$0x7F2] =	sst s18  }
0x31: {  	s28 =	sadd.s32 s10, s2;
	s23 =	simm.s32 $0x80;
	[smem:$0x7F8] =	sst s25  }
0x32: {  	s24 =	simm.s32 $0x148A0;
	s29 =	sadd.s32 s1, s7;
	[smem:$0x7FA] =	sst s26  }
0x33: {  	s7 =	sadd.s32 s16, s7;
	s6 =	sshrl.u32 s4, $0x3;
	[smem:$0x7FB] =	sst s28  }
0x34: {  	s18 =	simm.s32 $0x142A0;
	s4 =	simm.s32 $0x14620;
	[smem:$0x7E8] =	sst s29  }
0x35: {  	s25 =	simm.s32 $0x6;
	[smem:$0x7E9] =	sst s7;
	s12 =	sadd.s32 s1, s6  }
0x36: {  	s7 =	sshrl.u32 s11, $0x3;
	s6 =	sadd.s32 s16, s6;
	[smem:$0x7EA] =	sst s12  }
0x37: {  	s29 =	sadd.s32 s10, s3;
	s10 =	simm.s32 $0x14220;
	[smem:$0x7EB] =	sst s6  }
0x38: {  	s11 =	simm.s32 $0x14520;
	s1 =	sadd.s32 s1, s7;
	[smem:$0x7FD] =	sst s29  }
0x39: {  	s13 =	sadd.s32 s16, s7;
	s16 =	sadd.s32 s17, s2;
	[smem:$0x7EC] =	sst s1  }
0x3a: {  	s6 =	simm.s32 $0x141A0;
	s12 =	simm.s32 $0x188A0;
	[smem:$0x7ED] =	sst s13  }
0x3b: {  	s17 =	simm.s32 $0x3;
	s7 =	simm.s32 $0x0;
	[smem:$0x7F1] =	sst s16  }
0x3c: {  	v0 =	vimm.f32 $1.000000000e+00;
	v1 =	vimm.f32 $0.0e+00;
	s13 =	simm.s32 $0x145A0;
	s16 =	simm.s32 $0x4;
	s1 =	simm.s32 $0x2  }
.LBB2_1:
0x3d: {  	[smem:$0x7E2] =	sst s7;
	s26 =	simm.s32 $0x0  }
.LBB2_2:
0x3e: {  	p2 =	sne.s32 s26, $0x7F00  }
.Ltmp0:
0x3f: {  	s28 =	sshra.s32 s26, $0x2;
	(pc) =	sbr.rel @p2 .LBB2_2-.Ltmp0, $4  }
0x40: {  	[tilespmem:s28+$0x148A0] =	vst v0  }
0x41: {  	[tilespmem:s28+$0x148B0] =	vst v0  }
0x42: {  	[tilespmem:s28+$0x148C0] =	vst v0  }
0x43: {  	s26 =	sadd.s32 $0x100, s26;
	[tilespmem:s28+$0x148D0] =	vst v0  }
0x44: {  	s28 =	simm.s32 $0x100;
	s26 =	simm.s32 $0x0  }
.LBB2_4:
0x45: {  	p2 =	sne.s32 s28, $0x7C00;
	[tilespmem:s26+$0x1A8D0] =	vst v1;
	s29 =	smov.u32 s28;
	s28 =	sadd.s32 $0x100, s28  }
.Ltmp1:
0x46: {  	[tilespmem:s26+$0x1A8C0] =	vst v1;
	(pc) =	sbr.rel @p2 .LBB2_4-.Ltmp1, $3  }
0x47: {  	[tilespmem:s26+$0x1A8A0] =	vst v1  }
0x48: {  	[tilespmem:s26+$0x1A8B0] =	vst v1;
	_ =	sdelay $0x1  }
0x49: {  	s26 =	sshra.s32 s29, $0x2  }
0x4a: {  	[tilespmem:s26+$0x1A8D0] =	vst v1  }
0x4b: {  	[tilespmem:s26+$0x1A8C0] =	vst v1;
	s5 =	sld [smem:$0x7EF]  }
0x4c: {  	[tilespmem:s26+$0x1A8A0] =	vst v1  }
0x4d: {  	[tilespmem:s26+$0x1A8B0] =	vst v1;
	s26 =	simm.s32 $0x1A8A0  }
0x4e: {  	[spmem:s5] =	stream.linear.scatter [tilespmem:s26], [sflag:$0x7], $0x1F40, $0x38;
	[tilespmem:$0x1EEF0] =	vst v63  }
0x4f: {  	_ =	swait.ge [sflag:s20], $0x1F40  }
0x50: {  	s28 =	sld [smem:$0x7F3]  }
0x51: {  	[sflag:s20] =	ssyncset.done $0x0  }
0x52: {  	[sflag:s20] =	ssyncadd.s32 $0xFFFFE0C0  }
0x53: {  	[spmem:s28] =	stream.linear.scatter [tilespmem:s26], [sflag:$0x7], $0x1F40, $0x38;
	[tilespmem:$0x1EEF0] =	vst v63  }
0x54: {  	_ =	swait.ge [sflag:s20], $0x1F40  }
0x55: {  	s7 =	sld [smem:$0x7F5]  }
0x56: {  	[sflag:s20] =	ssyncset.done $0x0  }
0x57: {  	[sflag:s20] =	ssyncadd.s32 $0xFFFFE0C0  }
0x58: {  	[spmem:s7] =	stream.linear.scatter [tilespmem:s26], [sflag:$0x7], $0x1F40, $0x38;
	[tilespmem:$0x1EEF0] =	vst v63  }
0x59: {  	_ =	swait.ge [sflag:s20], $0x1F40  }
0x5a: {  	s28 =	sld [smem:$0x7F8]  }
0x5b: {  	[sflag:s20] =	ssyncset.done $0x0  }
0x5c: {  	[sflag:s20] =	ssyncadd.s32 $0xFFFFE0C0  }
0x5d: {  	[spmem:s28] =	stream.linear.scatter [tilespmem:s26], [sflag:$0x7], $0x1F40, $0x38;
	[tilespmem:$0x1EEF0] =	vst v63  }
0x5e: {  	_ =	swait.ge [sflag:s20], $0x1F40  }
0x5f: {  	s7 =	sld [smem:$0x7FB]  }
0x60: {  	[sflag:s20] =	ssyncset.done $0x0  }
0x61: {  	[sflag:s20] =	ssyncadd.s32 $0xFFFFE0C0  }
0x62: {  	[spmem:s7] =	stream.linear.scatter [tilespmem:s26], [sflag:$0x7], $0x1F40, $0x38;
	[tilespmem:$0x1EEF0] =	vst v63  }
0x63: {  	_ =	swait.ge [sflag:s20], $0x1F40  }
0x64: {  	s5 =	sld [smem:$0x7F0]  }
0x65: {  	[sflag:s20] =	ssyncset.done $0x0  }
0x66: {  	s26 =	simm.s32 @!p1 $0x1A8A0;
	[sflag:s20] =	ssyncadd.s32 $0xFFFFE0C0  }
0x67: {  	[spmem:s5] =	stream.linear.scatter @!p1 [tilespmem:s26], [sflag:$0x7], $0x200, $0x38;
	[tilespmem:$0x1EEF0] =	vst v63  }
0x68: {  	s26 =	simm.s32 @!p1 $0x7  }
0x69: {  	_ =	swait.ge @!p1 [sflag:s26], $0x200  }
0x6a: {  	[sflag:s26] =	ssyncset.done @!p1 $0x0  }
0x6b: {  	s28 =	sadd.s32 $0x0, s22;
	[sflag:s26] =	ssyncadd.s32 @!p1 $0xFFFFFE00  }
0x6c: {  	s7 =	simm.s32 $0x0;
	s5 =	simm.s32 $0x140A0;
	[bflag:$0x0] =	sbarrier.arrive $0xFFFF  }
0x6d: {  	[tilespmem:s5], [sflag:$0x7] =	stream.linear.gather [hbm4b:s28+s7], $0x800, $0x38;
	[tilespmem:$0x1EEF0] =	vst v63  }
0x6e: {  	_ =	swait.ge [sflag:s20], $0x800  }
0x6f: {  	[sflag:s20] =	ssyncset.done $0x0  }
0x70: {  	[sflag:s20] =	ssyncadd.s32 $0xFFFFF800  }
0x71: {  	[spmem:s2] =	stream.indirect.scatter.add.f32 [tilespmem:s24], [sflag:$0x4], $0x40, s5, s23, $0xb8;
	[tilespmem:$0x1EEF0] =	vst v63  }
0x72: {  	s22 =	simm.s32 $0x14120  }
0x73: {  	[spmem:s2] =	stream.indirect.scatter.add.f32 [tilespmem:s24], [sflag:$0x5], $0x40, s22, s23, $0xb8;
	[tilespmem:$0x1EEF0] =	vst v63  }
0x74: {  	_ = 	snop  }
0x75: {  	[spmem:s2] =	stream.indirect.scatter.add.f32 [tilespmem:s24], [sflag:$0x4], $0x40, s6, s23, $0xb8;
	[tilespmem:$0x1EEF0] =	vst v63  }
0x76: {  	_ = 	snop  }
0x77: {  	[spmem:s2] =	stream.indirect.scatter.add.f32 [tilespmem:s24], [sflag:$0x5], $0x40, s10, s23, $0xb8;
	[tilespmem:$0x1EEF0] =	vst v63  }
0x78: {  	_ = 	snop  }
0x79: {  	[spmem:s2] =	stream.indirect.scatter.add.f32 [tilespmem:s24], [sflag:$0x4], $0x40, s18, s23, $0xb8;
	[tilespmem:$0x1EEF0] =	vst v63  }
0x7a: {  	_ = 	snop  }
0x7b: {  	[spmem:s2] =	stream.indirect.scatter.add.f32 [tilespmem:s24], [sflag:$0x5], $0x40, s19, s23, $0xb8;
	[tilespmem:$0x1EEF0] =	vst v63  }
0x7c: {  	_ = 	snop  }
0x7d: {  	[spmem:s2] =	stream.indirect.scatter.add.f32 [tilespmem:s24], [sflag:$0x4], $0x40, s21, s23, $0xb8;
	[tilespmem:$0x1EEF0] =	vst v63  }
0x7e: {  	_ = 	snop  }
0x7f: {  	[spmem:s2] =	stream.indirect.scatter.add.f32 [tilespmem:s24], [sflag:$0x5], $0x40, s0, s23, $0xb8;
	[tilespmem:$0x1EEF0] =	vst v63  }
0x80: {  	_ = 	snop  }
0x81: {  	[spmem:s2] =	stream.indirect.scatter.add.f32 [tilespmem:s24], [sflag:$0x4], $0x40, s8, s23, $0xb8;
	[tilespmem:$0x1EEF0] =	vst v63  }
0x82: {  	_ = 	snop  }
0x83: {  	[spmem:s2] =	stream.indirect.scatter.add.f32 [tilespmem:s24], [sflag:$0x5], $0x40, s11, s23, $0xb8;
	[tilespmem:$0x1EEF0] =	vst v63  }
0x84: {  	_ = 	snop  }
0x85: {  	[spmem:s2] =	stream.indirect.scatter.add.f32 [tilespmem:s24], [sflag:$0x4], $0x40, s13, s23, $0xb8;
	[tilespmem:$0x1EEF0] =	vst v63  }
0x86: {  	_ = 	snop  }
0x87: {  	[spmem:s2] =	stream.indirect.scatter.add.f32 [tilespmem:s24], [sflag:$0x5], $0x40, s4, s23, $0xb8;
	[tilespmem:$0x1EEF0] =	vst v63  }
0x88: {  	_ = 	snop  }
0x89: {  	[spmem:s2] =	stream.indirect.scatter.add.f32 [tilespmem:s24], [sflag:$0x4], $0x40, s15, s23, $0xb8;
	[tilespmem:$0x1EEF0] =	vst v63  }
0x8a: {  	_ = 	snop  }
0x8b: {  	[spmem:s2] =	stream.indirect.scatter.add.f32 [tilespmem:s24], [sflag:$0x5], $0x40, s30, s23, $0xb8;
	[tilespmem:$0x1EEF0] =	vst v63  }
0x8c: {  	s28 =	simm.s32 $0x147A0  }
0x8d: {  	[spmem:s2] =	stream.indirect.scatter.add.f32 [tilespmem:s24], [sflag:$0x4], $0x40, s28, s23, $0xb8;
	[tilespmem:$0x1EEF0] =	vst v63  }
0x8e: {  	s30 =	simm.s32 $0x14820  }
0x8f: {  	[spmem:s2] =	stream.indirect.scatter.add.f32 [tilespmem:s24], [sflag:$0x5], $0x40, s30, s23, $0xb8;
	[tilespmem:$0x1EEF0] =	vst v63  }
0x90: {  	_ =	swait.ge [sflag:s16], $0x2000  }
0x91: {  	[sflag:s16] =	ssyncset.done $0x0  }
0x92: {  	[sflag:s16] =	ssyncadd.s32 $0xFFFFE000  }
0x93: {  	_ =	swait.ge [sflag:s31], $0x2000  }
0x94: {  	[sflag:s31] =	ssyncset.done $0x0  }
0x95: {  	[sflag:s31] =	ssyncadd.s32 $0xFFFFE000  }
0x96: {  	_ =	swait.ge [sflag:s16], $0x2000  }
0x97: {  	[sflag:s16] =	ssyncset.done $0x0  }
0x98: {  	[sflag:s16] =	ssyncadd.s32 $0xFFFFE000  }
0x99: {  	_ =	swait.ge [sflag:s31], $0x2000  }
0x9a: {  	[sflag:s31] =	ssyncset.done $0x0  }
0x9b: {  	[sflag:s31] =	ssyncadd.s32 $0xFFFFE000  }
0x9c: {  	_ =	swait.ge [sflag:s16], $0x2000  }
0x9d: {  	[sflag:s16] =	ssyncset.done $0x0  }
0x9e: {  	[sflag:s16] =	ssyncadd.s32 $0xFFFFE000  }
0x9f: {  	_ =	swait.ge [sflag:s31], $0x2000  }
0xa0: {  	[sflag:s31] =	ssyncset.done $0x0  }
0xa1: {  	[sflag:s31] =	ssyncadd.s32 $0xFFFFE000  }
0xa2: {  	_ =	swait.ge [sflag:s16], $0x2000  }
0xa3: {  	[sflag:s16] =	ssyncset.done $0x0  }
0xa4: {  	[sflag:s16] =	ssyncadd.s32 $0xFFFFE000  }
0xa5: {  	_ =	swait.ge [sflag:s31], $0x2000  }
0xa6: {  	[sflag:s31] =	ssyncset.done $0x0  }
0xa7: {  	[sflag:s31] =	ssyncadd.s32 $0xFFFFE000  }
0xa8: {  	_ =	swait.ge [sflag:s16], $0x2000  }
0xa9: {  	[sflag:s16] =	ssyncset.done $0x0  }
0xaa: {  	[sflag:s16] =	ssyncadd.s32 $0xFFFFE000  }
0xab: {  	_ =	swait.ge [sflag:s31], $0x2000  }
0xac: {  	[sflag:s31] =	ssyncset.done $0x0  }
0xad: {  	[sflag:s31] =	ssyncadd.s32 $0xFFFFE000  }
0xae: {  	_ =	swait.ge [sflag:s16], $0x2000  }
0xaf: {  	[sflag:s16] =	ssyncset.done $0x0  }
0xb0: {  	[sflag:s16] =	ssyncadd.s32 $0xFFFFE000  }
0xb1: {  	_ =	swait.ge [sflag:s31], $0x2000  }
0xb2: {  	[sflag:s31] =	ssyncset.done $0x0  }
0xb3: {  	[sflag:s31] =	ssyncadd.s32 $0xFFFFE000  }
0xb4: {  	_ =	swait.ge [sflag:s16], $0x2000  }
0xb5: {  	[sflag:s16] =	ssyncset.done $0x0  }
0xb6: {  	[sflag:s16] =	ssyncadd.s32 $0xFFFFE000  }
0xb7: {  	_ =	swait.ge [sflag:s31], $0x2000  }
0xb8: {  	[sflag:s31] =	ssyncset.done $0x0  }
0xb9: {  	[sflag:s31] =	ssyncadd.s32 $0xFFFFE000  }
0xba: {  	_ =	swait.ge [sflag:s16], $0x2000  }
0xbb: {  	[sflag:s16] =	ssyncset.done $0x0  }
0xbc: {  	[sflag:s16] =	ssyncadd.s32 $0xFFFFE000  }
0xbd: {  	_ =	swait.ge [sflag:s31], $0x2000  }
0xbe: {  	s29 =	simm.s32 $0x200;
	s26 =	simm.s32 $0x100;
	[sflag:s31] =	ssyncset.done $0x0  }
.LBB2_6:
0xbf: {  	s0 =	rddreg [dreg:$0x18]  }
0xc0: {  	[sflag:s31] =	ssyncadd.s32 $0xFFFFE000;
	s30 =	sadd.s32 s26, s0  }
0xc1: {  	[tilespmem:s5], [sflag:$0x7] =	stream.linear.gather [hbm4b:s30+s7], $0x800, $0x38;
	[tilespmem:$0x1EEF0] =	vst v63  }
0xc2: {  	s22 =	rddreg [dreg:$0x18];
	_ =	swait.ge [sflag:s20], $0x800  }
0xc3: {  	[sflag:s20] =	ssyncset.done $0x0  }
0xc4: {  	s28 =	sadd.s32 $0x100, s29;
	[sflag:s20] =	ssyncadd.s32 $0xFFFFF800  }
0xc5: {  	[spmem:s2] =	stream.indirect.scatter.add.f32 [tilespmem:s24], [sflag:$0x4], $0x40, s5, s23, $0xb8;
	[tilespmem:$0x1EEF0] =	vst v63  }
0xc6: {  	p2 =	sne.s32 s29, $0x900;
	s26 =	smov.u32 s29;
	s29 =	simm.s32 $0x14120  }
0xc7: {  	[spmem:s2] =	stream.indirect.scatter.add.f32 [tilespmem:s24], [sflag:$0x5], $0x40, s29, s23, $0xb8;
	[tilespmem:$0x1EEF0] =	vst v63  }
0xc8: {  	s6 =	simm.s32 $0x141A0  }
0xc9: {  	[spmem:s2] =	stream.indirect.scatter.add.f32 [tilespmem:s24], [sflag:$0x4], $0x40, s6, s23, $0xb8;
	[tilespmem:$0x1EEF0] =	vst v63  }
0xca: {  	s10 =	simm.s32 $0x14220  }
0xcb: {  	[spmem:s2] =	stream.indirect.scatter.add.f32 [tilespmem:s24], [sflag:$0x5], $0x40, s10, s23, $0xb8;
	[tilespmem:$0x1EEF0] =	vst v63  }
0xcc: {  	s18 =	simm.s32 $0x142A0  }
0xcd: {  	[spmem:s2] =	stream.indirect.scatter.add.f32 [tilespmem:s24], [sflag:$0x4], $0x40, s18, s23, $0xb8;
	[tilespmem:$0x1EEF0] =	vst v63  }
0xce: {  	s19 =	simm.s32 $0x14320  }
0xcf: {  	[spmem:s2] =	stream.indirect.scatter.add.f32 [tilespmem:s24], [sflag:$0x5], $0x40, s19, s23, $0xb8;
	[tilespmem:$0x1EEF0] =	vst v63  }
0xd0: {  	s21 =	simm.s32 $0x143A0  }
0xd1: {  	[spmem:s2] =	stream.indirect.scatter.add.f32 [tilespmem:s24], [sflag:$0x4], $0x40, s21, s23, $0xb8;
	[tilespmem:$0x1EEF0] =	vst v63  }
0xd2: {  	s0 =	simm.s32 $0x14420  }
0xd3: {  	[spmem:s2] =	stream.indirect.scatter.add.f32 [tilespmem:s24], [sflag:$0x5], $0x40, s0, s23, $0xb8;
	[tilespmem:$0x1EEF0] =	vst v63  }
0xd4: {  	s8 =	simm.s32 $0x144A0  }
0xd5: {  	[spmem:s2] =	stream.indirect.scatter.add.f32 [tilespmem:s24], [sflag:$0x4], $0x40, s8, s23, $0xb8;
	[tilespmem:$0x1EEF0] =	vst v63  }
0xd6: {  	s11 =	simm.s32 $0x14520  }
0xd7: {  	[spmem:s2] =	stream.indirect.scatter.add.f32 [tilespmem:s24], [sflag:$0x5], $0x40, s11, s23, $0xb8;
	[tilespmem:$0x1EEF0] =	vst v63  }
0xd8: {  	s13 =	simm.s32 $0x145A0  }
0xd9: {  	[spmem:s2] =	stream.indirect.scatter.add.f32 [tilespmem:s24], [sflag:$0x4], $0x40, s13, s23, $0xb8;
	[tilespmem:$0x1EEF0] =	vst v63  }
0xda: {  	s4 =	simm.s32 $0x14620  }
0xdb: {  	[spmem:s2] =	stream.indirect.scatter.add.f32 [tilespmem:s24], [sflag:$0x5], $0x40, s4, s23, $0xb8;
	[tilespmem:$0x1EEF0] =	vst v63  }
0xdc: {  	s15 =	simm.s32 $0x146A0  }
0xdd: {  	[spmem:s2] =	stream.indirect.scatter.add.f32 [tilespmem:s24], [sflag:$0x4], $0x40, s15, s23, $0xb8;
	[tilespmem:$0x1EEF0] =	vst v63  }
0xde: {  	s30 =	simm.s32 $0x14720  }
0xdf: {  	[spmem:s2] =	stream.indirect.scatter.add.f32 [tilespmem:s24], [sflag:$0x5], $0x40, s30, s23, $0xb8;
	[tilespmem:$0x1EEF0] =	vst v63  }
0xe0: {  	s29 =	simm.s32 $0x147A0  }
0xe1: {  	[spmem:s2] =	stream.indirect.scatter.add.f32 [tilespmem:s24], [sflag:$0x4], $0x40, s29, s23, $0xb8;
	[tilespmem:$0x1EEF0] =	vst v63  }
0xe2: {  	s29 =	simm.s32 $0x14820  }
0xe3: {  	[spmem:s2] =	stream.indirect.scatter.add.f32 [tilespmem:s24], [sflag:$0x5], $0x40, s29, s23, $0xb8;
	[tilespmem:$0x1EEF0] =	vst v63  }
0xe4: {  	_ =	swait.ge [sflag:s16], $0x2000  }
0xe5: {  	[sflag:s16] =	ssyncset.done $0x0  }
0xe6: {  	[sflag:s16] =	ssyncadd.s32 $0xFFFFE000  }
0xe7: {  	_ =	swait.ge [sflag:s31], $0x2000  }
0xe8: {  	[sflag:s31] =	ssyncset.done $0x0  }
0xe9: {  	[sflag:s31] =	ssyncadd.s32 $0xFFFFE000  }
0xea: {  	_ =	swait.ge [sflag:s16], $0x2000  }
0xeb: {  	[sflag:s16] =	ssyncset.done $0x0  }
0xec: {  	[sflag:s16] =	ssyncadd.s32 $0xFFFFE000  }
0xed: {  	_ =	swait.ge [sflag:s31], $0x2000  }
0xee: {  	[sflag:s31] =	ssyncset.done $0x0  }
0xef: {  	[sflag:s31] =	ssyncadd.s32 $0xFFFFE000  }
0xf0: {  	_ =	swait.ge [sflag:s16], $0x2000  }
0xf1: {  	[sflag:s16] =	ssyncset.done $0x0  }
0xf2: {  	[sflag:s16] =	ssyncadd.s32 $0xFFFFE000  }
0xf3: {  	_ =	swait.ge [sflag:s31], $0x2000  }
0xf4: {  	[sflag:s31] =	ssyncset.done $0x0  }
0xf5: {  	[sflag:s31] =	ssyncadd.s32 $0xFFFFE000  }
0xf6: {  	_ =	swait.ge [sflag:s16], $0x2000  }
0xf7: {  	[sflag:s16] =	ssyncset.done $0x0  }
0xf8: {  	[sflag:s16] =	ssyncadd.s32 $0xFFFFE000  }
0xf9: {  	_ =	swait.ge [sflag:s31], $0x2000  }
0xfa: {  	[sflag:s31] =	ssyncset.done $0x0  }
0xfb: {  	[sflag:s31] =	ssyncadd.s32 $0xFFFFE000  }
0xfc: {  	_ =	swait.ge [sflag:s16], $0x2000  }
0xfd: {  	[sflag:s16] =	ssyncset.done $0x0  }
0xfe: {  	[sflag:s16] =	ssyncadd.s32 $0xFFFFE000  }
0xff: {  	_ =	swait.ge [sflag:s31], $0x2000  }
0x100: {  	[sflag:s31] =	ssyncset.done $0x0  }
0x101: {  	[sflag:s31] =	ssyncadd.s32 $0xFFFFE000  }
0x102: {  	_ =	swait.ge [sflag:s16], $0x2000  }
0x103: {  	[sflag:s16] =	ssyncset.done $0x0  }
0x104: {  	[sflag:s16] =	ssyncadd.s32 $0xFFFFE000  }
0x105: {  	_ =	swait.ge [sflag:s31], $0x2000  }
0x106: {  	[sflag:s31] =	ssyncset.done $0x0  }
0x107: {  	[sflag:s31] =	ssyncadd.s32 $0xFFFFE000  }
0x108: {  	_ =	swait.ge [sflag:s16], $0x2000  }
0x109: {  	[sflag:s16] =	ssyncset.done $0x0  }
0x10a: {  	[sflag:s16] =	ssyncadd.s32 $0xFFFFE000  }
0x10b: {  	_ =	swait.ge [sflag:s31], $0x2000  }
0x10c: {  	[sflag:s31] =	ssyncset.done $0x0  }
0x10d: {  	[sflag:s31] =	ssyncadd.s32 $0xFFFFE000  }
.Ltmp2:
0x10e: {  	_ =	swait.ge [sflag:s16], $0x2000;
	(pc) =	sbr.rel @p2 .LBB2_6-.Ltmp2, $4  }
0x10f: {  	[sflag:s16] =	ssyncset.done $0x0  }
0x110: {  	[sflag:s16] =	ssyncadd.s32 $0xFFFFE000  }
0x111: {  	_ =	swait.ge [sflag:s31], $0x2000  }
0x112: {  	s29 =	smov.u32 s28;
	[sflag:s31] =	ssyncset.done $0x0  }
0x113: {  	s26 =	sadd.s32 s26, s22;
	[sflag:s31] =	ssyncadd.s32 $0xFFFFE000  }
0x114: {  	[tilespmem:s5], [sflag:$0x7] =	stream.linear.gather [hbm4b:s26+s7], $0x800, $0x38;
	[tilespmem:$0x1EEF0] =	vst v63  }
0x115: {  	_ =	swait.ge [sflag:s20], $0x800  }
0x116: {  	[sflag:s20] =	ssyncset.done $0x0  }
0x117: {  	[sflag:s20] =	ssyncadd.s32 $0xFFFFF800  }
0x118: {  	[spmem:s2] =	stream.indirect.scatter.add.f32 [tilespmem:s24], [sflag:$0x4], $0x40, s5, s23, $0xb8;
	[tilespmem:$0x1EEF0] =	vst v63  }
0x119: {  	s7 =	simm.s32 $0x14120  }
0x11a: {  	[spmem:s2] =	stream.indirect.scatter.add.f32 [tilespmem:s24], [sflag:$0x5], $0x40, s7, s23, $0xb8;
	[tilespmem:$0x1EEF0] =	vst v63  }
0x11b: {  	_ = 	snop  }
0x11c: {  	[spmem:s2] =	stream.indirect.scatter.add.f32 [tilespmem:s24], [sflag:$0x4], $0x40, s6, s23, $0xb8;
	[tilespmem:$0x1EEF0] =	vst v63  }
0x11d: {  	_ = 	snop  }
0x11e: {  	[spmem:s2] =	stream.indirect.scatter.add.f32 [tilespmem:s24], [sflag:$0x5], $0x40, s10, s23, $0xb8;
	[tilespmem:$0x1EEF0] =	vst v63  }
0x11f: {  	_ = 	snop  }
0x120: {  	[spmem:s2] =	stream.indirect.scatter.add.f32 [tilespmem:s24], [sflag:$0x4], $0x40, s18, s23, $0xb8;
	[tilespmem:$0x1EEF0] =	vst v63  }
0x121: {  	_ = 	snop  }
0x122: {  	[spmem:s2] =	stream.indirect.scatter.add.f32 [tilespmem:s24], [sflag:$0x5], $0x40, s19, s23, $0xb8;
	[tilespmem:$0x1EEF0] =	vst v63  }
0x123: {  	_ = 	snop  }
0x124: {  	[spmem:s2] =	stream.indirect.scatter.add.f32 [tilespmem:s24], [sflag:$0x4], $0x40, s21, s23, $0xb8;
	[tilespmem:$0x1EEF0] =	vst v63  }
0x125: {  	_ = 	snop  }
0x126: {  	[spmem:s2] =	stream.indirect.scatter.add.f32 [tilespmem:s24], [sflag:$0x5], $0x40, s0, s23, $0xb8;
	[tilespmem:$0x1EEF0] =	vst v63  }
0x127: {  	_ = 	snop  }
0x128: {  	[spmem:s2] =	stream.indirect.scatter.add.f32 [tilespmem:s24], [sflag:$0x4], $0x40, s8, s23, $0xb8;
	[tilespmem:$0x1EEF0] =	vst v63  }
0x129: {  	_ = 	snop  }
0x12a: {  	[spmem:s2] =	stream.indirect.scatter.add.f32 [tilespmem:s24], [sflag:$0x5], $0x40, s11, s23, $0xb8;
	[tilespmem:$0x1EEF0] =	vst v63  }
0x12b: {  	_ = 	snop  }
0x12c: {  	[spmem:s2] =	stream.indirect.scatter.add.f32 [tilespmem:s24], [sflag:$0x4], $0x40, s13, s23, $0xb8;
	[tilespmem:$0x1EEF0] =	vst v63  }
0x12d: {  	_ = 	snop  }
0x12e: {  	[spmem:s2] =	stream.indirect.scatter.add.f32 [tilespmem:s24], [sflag:$0x5], $0x40, s4, s23, $0xb8;
	[tilespmem:$0x1EEF0] =	vst v63  }
0x12f: {  	_ = 	snop  }
0x130: {  	[spmem:s2] =	stream.indirect.scatter.add.f32 [tilespmem:s24], [sflag:$0x4], $0x40, s15, s23, $0xb8;
	[tilespmem:$0x1EEF0] =	vst v63  }
0x131: {  	_ = 	snop  }
0x132: {  	[spmem:s2] =	stream.indirect.scatter.add.f32 [tilespmem:s24], [sflag:$0x5], $0x40, s30, s23, $0xb8;
	[tilespmem:$0x1EEF0] =	vst v63  }
0x133: {  	s15 =	simm.s32 $0x147A0  }
0x134: {  	[spmem:s2] =	stream.indirect.scatter.add.f32 [tilespmem:s24], [sflag:$0x4], $0x40, s15, s23, $0xb8;
	[tilespmem:$0x1EEF0] =	vst v63  }
0x135: {  	s18 =	simm.s32 $0x14820  }
0x136: {  	[spmem:s2] =	stream.indirect.scatter.add.f32 [tilespmem:s24], [sflag:$0x5], $0x40, s18, s23, $0xb8;
	[tilespmem:$0x1EEF0] =	vst v63  }
0x137: {  	_ =	swait.ge [sflag:s16], $0x2000  }
0x138: {  	[sflag:s16] =	ssyncset.done $0x0  }
0x139: {  	[sflag:s16] =	ssyncadd.s32 $0xFFFFE000  }
0x13a: {  	_ =	swait.ge [sflag:s31], $0x2000  }
0x13b: {  	[sflag:s31] =	ssyncset.done $0x0  }
0x13c: {  	[sflag:s31] =	ssyncadd.s32 $0xFFFFE000  }
0x13d: {  	_ =	swait.ge [sflag:s16], $0x2000  }
0x13e: {  	[sflag:s16] =	ssyncset.done $0x0  }
0x13f: {  	[sflag:s16] =	ssyncadd.s32 $0xFFFFE000  }
0x140: {  	_ =	swait.ge [sflag:s31], $0x2000  }
0x141: {  	[sflag:s31] =	ssyncset.done $0x0  }
0x142: {  	[sflag:s31] =	ssyncadd.s32 $0xFFFFE000  }
0x143: {  	_ =	swait.ge [sflag:s16], $0x2000  }
0x144: {  	[sflag:s16] =	ssyncset.done $0x0  }
0x145: {  	[sflag:s16] =	ssyncadd.s32 $0xFFFFE000  }
0x146: {  	_ =	swait.ge [sflag:s31], $0x2000  }
0x147: {  	[sflag:s31] =	ssyncset.done $0x0  }
0x148: {  	[sflag:s31] =	ssyncadd.s32 $0xFFFFE000  }
0x149: {  	_ =	swait.ge [sflag:s16], $0x2000  }
0x14a: {  	[sflag:s16] =	ssyncset.done $0x0  }
0x14b: {  	[sflag:s16] =	ssyncadd.s32 $0xFFFFE000  }
0x14c: {  	_ =	swait.ge [sflag:s31], $0x2000  }
0x14d: {  	[sflag:s31] =	ssyncset.done $0x0  }
0x14e: {  	[sflag:s31] =	ssyncadd.s32 $0xFFFFE000  }
0x14f: {  	_ =	swait.ge [sflag:s16], $0x2000  }
0x150: {  	[sflag:s16] =	ssyncset.done $0x0  }
0x151: {  	[sflag:s16] =	ssyncadd.s32 $0xFFFFE000  }
0x152: {  	_ =	swait.ge [sflag:s31], $0x2000  }
0x153: {  	[sflag:s31] =	ssyncset.done $0x0  }
0x154: {  	[sflag:s31] =	ssyncadd.s32 $0xFFFFE000  }
0x155: {  	_ =	swait.ge [sflag:s16], $0x2000  }
0x156: {  	[sflag:s16] =	ssyncset.done $0x0  }
0x157: {  	[sflag:s16] =	ssyncadd.s32 $0xFFFFE000  }
0x158: {  	_ =	swait.ge [sflag:s31], $0x2000  }
0x159: {  	[sflag:s31] =	ssyncset.done $0x0  }
0x15a: {  	[sflag:s31] =	ssyncadd.s32 $0xFFFFE000  }
0x15b: {  	_ =	swait.ge [sflag:s16], $0x2000  }
0x15c: {  	[sflag:s16] =	ssyncset.done $0x0  }
0x15d: {  	[sflag:s16] =	ssyncadd.s32 $0xFFFFE000  }
0x15e: {  	_ =	swait.ge [sflag:s31], $0x2000  }
0x15f: {  	[sflag:s31] =	ssyncset.done $0x0  }
0x160: {  	[sflag:s31] =	ssyncadd.s32 $0xFFFFE000  }
0x161: {  	_ =	swait.ge [sflag:s16], $0x2000  }
0x162: {  	[sflag:s16] =	ssyncset.done $0x0  }
0x163: {  	[sflag:s16] =	ssyncadd.s32 $0xFFFFE000  }
0x164: {  	_ =	swait.ge [sflag:s31], $0x2000  }
0x165: {  	[sflag:s31] =	ssyncset.done $0x0  }
0x166: {  	[sflag:s31] =	ssyncadd.s32 $0xFFFFE000  }
0x167: {  	[bflag:$0x0] =	sbarrier.arrive $0xFFFF  }
0x168: {  	s19 =	sld [smem:$0x7F1];
	_ =	sdelay $0x2  }
0x169: {  	[tilespmem:s24], [sflag:$0x7] =	stream.linear.gather [spmem:s19], $0x1F40, $0x38;
	[tilespmem:$0x1EEF0] =	vst v63  }
0x16a: {  	_ =	swait.ge [sflag:s20], $0x1F40  }
0x16b: {  	s28 =	simm.s32 $0x1A8A0;
	[sflag:s20] =	ssyncset.done $0x0  }
0x16c: {  	s21 =	simm.s32 $0x0;
	s22 =	rddreg [dreg:$0x1b];
	[sflag:s20] =	ssyncadd.s32 $0xFFFFE0C0  }
0x16d: {  	[tilespmem:s28], [sflag:$0x7] =	stream.linear.gather [hbm4b:s22+s21], $0x1F40, $0x38;
	[tilespmem:$0x1EEF0] =	vst v63  }
0x16e: {  	_ =	swait.ge [sflag:s20], $0x1F40  }
0x16f: {  	[sflag:s20] =	ssyncset.done $0x0  }
0x170: {  	s28 =	simm.s32 $0x0;
	[sflag:s20] =	ssyncadd.s32 $0xFFFFE0C0  }
0x171: {  	v2 =	vld [tilespmem:s28+$0x148A0];
	_ =	sdelay $0x4  }
0x172: {  	v2 =	vmax.f32 v2, $1.000000000e+00  }
0x173: {  	v3 =	vshrl.u32 v2, $0x1;
	v4 =	vmul.f32 $5.000000000e-01, v2  }
0x174: {  	v3 =	vsub.s32 $0x5F3759DF, v3  }
0x175: {  	v5 =	vmul.f32 v3, v4  }
0x176: {  	(erf) = vrcp.f32 v2  }
0x177: {  	v2 =	vmul.f32 v3, v5;
	_ =	sdelay $0x1  }
0x178: {  	v2 =	vsub.f32 $1.500000000e+00, v2;
	_ =	sdelay $0x1  }
0x179: {  	v2 =	vmul.f32 v3, v2;
	_ =	sdelay $0x1  }
0x17a: {  	v3 =	vmul.f32 v2, v4;
	_ =	sdelay $0x1  }
0x17b: {  	s29 =	simm.s32 $0x1C7E0;
	v5 =	vpop (erf);
	v3 =	vmul.f32 v3, v2  }
0x17c: {  	[tilespmem:s29+$0x0] =	vst v5  }
0x17d: {  	s26 =	simm.s32 $0x40;
	[tilespmem:s28+$0x148A0] =	vst v1;
	v3 =	vsub.f32 $1.500000000e+00, v3  }
0x17e: {  	v5 =	vld [tilespmem:s26+$0x148A0]  }
0x17f: {  	v6 =	vmul.f32 v3, v2;
	_ =	sdelay $0x1  }
0x180: {  	v2 =	vmul.f32 v6, v4  }
0x181: {  	v8 =	vld [tilespmem:s28+$0x1A8D0]  }
0x182: {  	v9 =	vld [tilespmem:s28+$0x1A8A0];
	v5 =	vmax.f32 v5, $1.000000000e+00;
	v7 =	vmul.f32 v2, v6  }
0x183: {  	v10 =	vld [tilespmem:s28+$0x1A8B0];
	v3 =	vshrl.u32 v5, $0x1;
	v2 =	vmul.f32 $5.000000000e-01, v5  }
0x184: {  	v4 =	vld [tilespmem:s28+$0x1A8C0];
	v3 =	vsub.s32 $0x5F3759DF, v3;
	v7 =	vsub.f32 $1.500000000e+00, v7  }
0x185: {  	(erf) = vrcp.f32 v5;
	v11 =	vmul.f32 v3, v2  }
0x186: {  	v12 =	vmul.f32 v7, v6  }
0x187: {  	[tilespmem:s28+$0x148B0] =	vst v1;
	v6 =	vmul.f32 v3, v11  }
0x188: {  	[tilespmem:s28+$0x148C0] =	vst v1;
	v5 =	vmul.f32 v12, v9;
	v7 =	vmul.f32 v12, v8  }
0x189: {  	s4 =	simm.s32 $0x140A0;
	s30 =	simm.s32 $0x200;
	[tilespmem:s28+$0x148D0] =	vst v1;
	v8 =	vsub.f32 $1.500000000e+00, v6;
	v6 =	vmul.f32 v12, v10;
	v4 =	vmul.f32 v12, v4  }
.LBB2_8:
0x18a: {  	p2 =	sne.s32 s30, $0x7C00  }
0x18b: {  	v3 =	vmul.f32 v3, v8;
	[tilespmem:s28+$0x1A8D0] =	vst v7;
	s29 =	sadd.s32 $0x10, s29;
	s5 =	smov.u32 s30;
	s30 =	sadd.s32 $0x100, s30  }
0x18c: {  	[tilespmem:s28+$0x1A8A0] =	vst v5  }
0x18d: {  	v5 =	vmul.f32 v3, v2;
	[tilespmem:s28+$0x1A8B0] =	vst v6  }
0x18e: {  	v6 =	vpop (erf);
	[tilespmem:s28+$0x1A8C0] =	vst v4;
	s28 =	smov.u32 s26  }
0x18f: {  	v4 =	vmul.f32 v5, v3;
	[tilespmem:s29+$0x0] =	vst v6  }
0x190: {  	s26 =	sshra.s32 s5, $0x2;
	[tilespmem:s28+$0x148A0] =	vst v1  }
0x191: {  	v5 =	vld [tilespmem:s26+$0x148A0];
	v4 =	vsub.f32 $1.500000000e+00, v4;
	[tilespmem:s28+$0x148B0] =	vst v1  }
0x192: {  	[tilespmem:s28+$0x148C0] =	vst v1  }
0x193: {  	v4 =	vmul.f32 v4, v3;
	[tilespmem:s28+$0x148D0] =	vst v1;
	_ =	sdelay $0x1  }
0x194: {  	v3 =	vmul.f32 v4, v2  }
0x195: {  	v5 =	vmax.f32 v5, $1.000000000e+00;
	v9 =	vld [tilespmem:s28+$0x1A8C0]  }
0x196: {  	v6 =	vshrl.u32 v5, $0x1;
	v2 =	vmul.f32 $5.000000000e-01, v5;
	v7 =	vmul.f32 v3, v4;
	v10 =	vld [tilespmem:s28+$0x1A8D0]  }
0x197: {  	v3 =	vsub.s32 $0x5F3759DF, v6;
	v6 =	vld [tilespmem:s28+$0x1A8A0]  }
0x198: {  	v8 =	vmul.f32 v3, v2;
	(erf) = vrcp.f32 v5;
	v5 =	vsub.f32 $1.500000000e+00, v7;
	v11 =	vld [tilespmem:s28+$0x1A8B0]  }
.Ltmp3:
0x199: {  	(pc) =	sbr.rel @p2 .LBB2_8-.Ltmp3, $3  }
0x19a: {  	v7 =	vmul.f32 v3, v8;
	v4 =	vmul.f32 v5, v4;
	_ =	sdelay $0x1  }
0x19b: {  	v8 =	vsub.f32 $1.500000000e+00, v7;
	v5 =	vmul.f32 v4, v6;
	v7 =	vmul.f32 v4, v10  }
0x19c: {  	v6 =	vmul.f32 v4, v11;
	v4 =	vmul.f32 v4, v9  }
0x19d: {  	v3 =	vmul.f32 v3, v8;
	_ =	sdelay $0x1  }
0x19e: {  	v8 =	vmul.f32 v3, v2;
	_ =	sdelay $0x1  }
0x19f: {  	[tilespmem:s28+$0x1A8D0] =	vst v7;
	v7 =	vmul.f32 v8, v3;
	_ =	sdelay $0x1  }
0x1a0: {  	[tilespmem:s28+$0x1A8A0] =	vst v5;
	v5 =	vsub.f32 $1.500000000e+00, v7;
	_ =	sdelay $0x1  }
0x1a1: {  	v3 =	vmul.f32 v5, v3;
	_ =	sdelay $0x1  }
0x1a2: {  	[tilespmem:s28+$0x1A8B0] =	vst v6;
	v2 =	vmul.f32 v3, v2  }
0x1a3: {  	s5 =	sadd.s32 $0x10, s29;
	[tilespmem:s28+$0x1A8C0] =	vst v4;
	v6 =	vpop (erf)  }
0x1a4: {  	[tilespmem:s5+$0x0] =	vst v6;
	v2 =	vmul.f32 v2, v3  }
0x1a5: {  	v4 =	vld [tilespmem:s26+$0x1A8D0]  }
0x1a6: {  	v5 =	vld [tilespmem:s26+$0x1A8A0];
	v2 =	vsub.f32 $1.500000000e+00, v2  }
0x1a7: {  	v6 =	vld [tilespmem:s26+$0x1A8B0]  }
0x1a8: {  	[tilespmem:s26+$0x148A0] =	vst v1;
	v7 =	vld [tilespmem:s26+$0x1A8C0];
	v2 =	vmul.f32 v2, v3  }
0x1a9: {  	[tilespmem:s26+$0x148B0] =	vst v1  }
0x1aa: {  	[tilespmem:s26+$0x148C0] =	vst v1;
	v3 =	vmul.f32 v2, v4  }
0x1ab: {  	[tilespmem:s26+$0x148D0] =	vst v1;
	v4 =	vmul.f32 v2, v5  }
0x1ac: {  	v5 =	vmul.f32 v2, v6;
	[tilespmem:s26+$0x1A8D0] =	vst v3  }
0x1ad: {  	s13 =	sld [smem:$0x7F1];
	v2 =	vmul.f32 v2, v7;
	[tilespmem:s26+$0x1A8A0] =	vst v4  }
0x1ae: {  	[tilespmem:s26+$0x1A8B0] =	vst v5  }
0x1af: {  	[tilespmem:s26+$0x1A8C0] =	vst v2  }
0x1b0: {  	[spmem:s13] =	stream.linear.scatter [tilespmem:s24], [sflag:$0x7], $0x1F40, $0x38;
	[tilespmem:$0x1EEF0] =	vst v63  }
0x1b1: {  	_ =	swait.ge [sflag:s20], $0x1F40  }
0x1b2: {  	s15 =	sld [smem:$0x7F2]  }
0x1b3: {  	[sflag:s20] =	ssyncset.done $0x0  }
0x1b4: {  	s29 =	simm.s32 $0x1A8A0;
	[sflag:s20] =	ssyncadd.s32 $0xFFFFE0C0  }
0x1b5: {  	[spmem:s15] =	stream.linear.scatter [tilespmem:s29], [sflag:$0x7], $0x1F40, $0x38;
	[tilespmem:$0x1EEF0] =	vst v63  }
0x1b6: {  	_ =	swait.ge [sflag:s20], $0x1F40  }
0x1b7: {  	[sflag:s20] =	ssyncset.done $0x0  }
0x1b8: {  	s0 =	simm.s32 $0x0;
	s18 =	rddreg [dreg:$0x1c];
	[sflag:s20] =	ssyncadd.s32 $0xFFFFE0C0  }
0x1b9: {  	[hbm4b:s18+s0] =	stream.linear.scatter [tilespmem:s29], [sflag:$0x7], $0x1F40, $0x38;
	[tilespmem:$0x1EEF0] =	vst v63  }
0x1ba: {  	_ =	swait.ge [sflag:s20], $0x1F40  }
0x1bb: {  	s5 =	simm.s32 @!p0 $0x0;
	[sflag:s20] =	ssyncset.done $0x0  }
0x1bc: {  	s26 =	simm.s32 @!p0 $0x1C7E0;
	s28 =	rddreg [dreg:$0x1d];
	[sflag:s20] =	ssyncadd.s32 $0xFFFFE0C0  }
0x1bd: {  	[hbm4b:s28+s5] =	stream.linear.scatter @!p0 [tilespmem:s26], [sflag:$0x7], $0x7D0, $0x38;
	[tilespmem:$0x1EEF0] =	vst v63  }
0x1be: {  	s5 =	simm.s32 @!p0 $0x7  }
0x1bf: {  	_ =	swait.ge @!p0 [sflag:s5], $0x7D0  }
0x1c0: {  	s19 =	sld [smem:$0x7F3]  }
0x1c1: {  	[sflag:s5] =	ssyncset.done @!p0 $0x0  }
0x1c2: {  	[sflag:s5] =	ssyncadd.s32 @!p0 $0xFFFFF830  }
0x1c3: {  	[tilespmem:s24], [sflag:$0x7] =	stream.linear.gather [spmem:s19], $0x1F40, $0x38;
	[tilespmem:$0x1EEF0] =	vst v63  }
0x1c4: {  	_ =	swait.ge [sflag:s20], $0x1F40  }
0x1c5: {  	s22 =	sld [smem:$0x7E6]  }
0x1c6: {  	[sflag:s20] =	ssyncset.done $0x0  }
0x1c7: {  	s21 =	simm.s32 $0x0;
	[sflag:s20] =	ssyncadd.s32 $0xFFFFE0C0  }
0x1c8: {  	[tilespmem:s29], [sflag:$0x7] =	stream.linear.gather [hbm4b:s22+s21], $0x1F40, $0x38;
	[tilespmem:$0x1EEF0] =	vst v63  }
0x1c9: {  	_ =	swait.ge [sflag:s20], $0x1F40  }
0x1ca: {  	[sflag:s20] =	ssyncset.done $0x0  }
0x1cb: {  	s28 =	simm.s32 $0x0;
	[sflag:s20] =	ssyncadd.s32 $0xFFFFE0C0  }
0x1cc: {  	v2 =	vld [tilespmem:s28+$0x148A0];
	_ =	sdelay $0x4  }
0x1cd: {  	v2 =	vmax.f32 v2, $1.000000000e+00  }
0x1ce: {  	v3 =	vshrl.u32 v2, $0x1;
	v4 =	vmul.f32 $5.000000000e-01, v2  }
0x1cf: {  	v3 =	vsub.s32 $0x5F3759DF, v3  }
0x1d0: {  	v5 =	vmul.f32 v3, v4  }
0x1d1: {  	(erf) = vrcp.f32 v2  }
0x1d2: {  	v2 =	vmul.f32 v3, v5;
	_ =	sdelay $0x1  }
0x1d3: {  	v2 =	vsub.f32 $1.500000000e+00, v2;
	_ =	sdelay $0x1  }
0x1d4: {  	v2 =	vmul.f32 v3, v2;
	_ =	sdelay $0x1  }
0x1d5: {  	v3 =	vmul.f32 v2, v4;
	_ =	sdelay $0x1  }
0x1d6: {  	s29 =	simm.s32 $0x1CFB0;
	v5 =	vpop (erf);
	v3 =	vmul.f32 v3, v2  }
0x1d7: {  	[tilespmem:s29+$0x0] =	vst v5  }
0x1d8: {  	s26 =	simm.s32 $0x40;
	[tilespmem:s28+$0x148A0] =	vst v1;
	v3 =	vsub.f32 $1.500000000e+00, v3  }
0x1d9: {  	v5 =	vld [tilespmem:s26+$0x148A0]  }
0x1da: {  	v6 =	vmul.f32 v3, v2;
	_ =	sdelay $0x1  }
0x1db: {  	v2 =	vmul.f32 v6, v4  }
0x1dc: {  	v8 =	vld [tilespmem:s28+$0x1A8D0]  }
0x1dd: {  	v9 =	vld [tilespmem:s28+$0x1A8A0];
	v5 =	vmax.f32 v5, $1.000000000e+00;
	v7 =	vmul.f32 v2, v6  }
0x1de: {  	v10 =	vld [tilespmem:s28+$0x1A8B0];
	v3 =	vshrl.u32 v5, $0x1;
	v2 =	vmul.f32 $5.000000000e-01, v5  }
0x1df: {  	v4 =	vld [tilespmem:s28+$0x1A8C0];
	v3 =	vsub.s32 $0x5F3759DF, v3;
	v7 =	vsub.f32 $1.500000000e+00, v7  }
0x1e0: {  	(erf) = vrcp.f32 v5;
	v11 =	vmul.f32 v3, v2  }
0x1e1: {  	v12 =	vmul.f32 v7, v6  }
0x1e2: {  	[tilespmem:s28+$0x148B0] =	vst v1;
	v6 =	vmul.f32 v3, v11  }
0x1e3: {  	[tilespmem:s28+$0x148C0] =	vst v1;
	v5 =	vmul.f32 v12, v9;
	v7 =	vmul.f32 v12, v8  }
0x1e4: {  	s30 =	simm.s32 $0x200;
	s6 =	simm.s32 $0x138A0;
	[tilespmem:s28+$0x148D0] =	vst v1;
	v8 =	vsub.f32 $1.500000000e+00, v6;
	v6 =	vmul.f32 v12, v10;
	v4 =	vmul.f32 v12, v4  }
.LBB2_10:
0x1e5: {  	p2 =	sne.s32 s30, $0x7C00  }
0x1e6: {  	v3 =	vmul.f32 v3, v8;
	[tilespmem:s28+$0x1A8D0] =	vst v7;
	s29 =	sadd.s32 $0x10, s29;
	s5 =	smov.u32 s30;
	s30 =	sadd.s32 $0x100, s30  }
0x1e7: {  	[tilespmem:s28+$0x1A8A0] =	vst v5  }
0x1e8: {  	v5 =	vmul.f32 v3, v2;
	[tilespmem:s28+$0x1A8B0] =	vst v6  }
0x1e9: {  	v6 =	vpop (erf);
	[tilespmem:s28+$0x1A8C0] =	vst v4;
	s28 =	smov.u32 s26  }
0x1ea: {  	v4 =	vmul.f32 v5, v3;
	[tilespmem:s29+$0x0] =	vst v6  }
0x1eb: {  	s26 =	sshra.s32 s5, $0x2;
	[tilespmem:s28+$0x148A0] =	vst v1  }
0x1ec: {  	v5 =	vld [tilespmem:s26+$0x148A0];
	v4 =	vsub.f32 $1.500000000e+00, v4;
	[tilespmem:s28+$0x148B0] =	vst v1  }
0x1ed: {  	[tilespmem:s28+$0x148C0] =	vst v1  }
0x1ee: {  	v4 =	vmul.f32 v4, v3;
	[tilespmem:s28+$0x148D0] =	vst v1;
	_ =	sdelay $0x1  }
0x1ef: {  	v3 =	vmul.f32 v4, v2  }
0x1f0: {  	v5 =	vmax.f32 v5, $1.000000000e+00;
	v9 =	vld [tilespmem:s28+$0x1A8C0]  }
0x1f1: {  	v6 =	vshrl.u32 v5, $0x1;
	v2 =	vmul.f32 $5.000000000e-01, v5;
	v7 =	vmul.f32 v3, v4;
	v10 =	vld [tilespmem:s28+$0x1A8D0]  }
0x1f2: {  	v3 =	vsub.s32 $0x5F3759DF, v6;
	v6 =	vld [tilespmem:s28+$0x1A8A0]  }
0x1f3: {  	v8 =	vmul.f32 v3, v2;
	(erf) = vrcp.f32 v5;
	v5 =	vsub.f32 $1.500000000e+00, v7;
	v11 =	vld [tilespmem:s28+$0x1A8B0]  }
.Ltmp4:
0x1f4: {  	(pc) =	sbr.rel @p2 .LBB2_10-.Ltmp4, $3  }
0x1f5: {  	v7 =	vmul.f32 v3, v8;
	v4 =	vmul.f32 v5, v4;
	_ =	sdelay $0x1  }
0x1f6: {  	v8 =	vsub.f32 $1.500000000e+00, v7;
	v5 =	vmul.f32 v4, v6;
	v7 =	vmul.f32 v4, v10  }
0x1f7: {  	v6 =	vmul.f32 v4, v11;
	v4 =	vmul.f32 v4, v9  }
0x1f8: {  	v3 =	vmul.f32 v3, v8;
	_ =	sdelay $0x1  }
0x1f9: {  	v8 =	vmul.f32 v3, v2;
	_ =	sdelay $0x1  }
0x1fa: {  	[tilespmem:s28+$0x1A8D0] =	vst v7;
	v7 =	vmul.f32 v8, v3;
	_ =	sdelay $0x1  }
0x1fb: {  	[tilespmem:s28+$0x1A8A0] =	vst v5;
	v5 =	vsub.f32 $1.500000000e+00, v7;
	_ =	sdelay $0x1  }
0x1fc: {  	v3 =	vmul.f32 v5, v3;
	_ =	sdelay $0x1  }
0x1fd: {  	[tilespmem:s28+$0x1A8B0] =	vst v6;
	v2 =	vmul.f32 v3, v2  }
0x1fe: {  	s5 =	sadd.s32 $0x10, s29;
	[tilespmem:s28+$0x1A8C0] =	vst v4;
	v6 =	vpop (erf)  }
0x1ff: {  	[tilespmem:s5+$0x0] =	vst v6;
	v2 =	vmul.f32 v2, v3  }
0x200: {  	v4 =	vld [tilespmem:s26+$0x1A8D0]  }
0x201: {  	v5 =	vld [tilespmem:s26+$0x1A8A0];
	v2 =	vsub.f32 $1.500000000e+00, v2  }
0x202: {  	v6 =	vld [tilespmem:s26+$0x1A8B0]  }
0x203: {  	[tilespmem:s26+$0x148A0] =	vst v1;
	v7 =	vld [tilespmem:s26+$0x1A8C0];
	v2 =	vmul.f32 v2, v3  }
0x204: {  	[tilespmem:s26+$0x148B0] =	vst v1  }
0x205: {  	[tilespmem:s26+$0x148C0] =	vst v1;
	v3 =	vmul.f32 v2, v4  }
0x206: {  	[tilespmem:s26+$0x148D0] =	vst v1;
	v4 =	vmul.f32 v2, v5  }
0x207: {  	v5 =	vmul.f32 v2, v6;
	[tilespmem:s26+$0x1A8D0] =	vst v3  }
0x208: {  	s13 =	sld [smem:$0x7F3];
	v2 =	vmul.f32 v2, v7;
	[tilespmem:s26+$0x1A8A0] =	vst v4  }
0x209: {  	[tilespmem:s26+$0x1A8B0] =	vst v5  }
0x20a: {  	[tilespmem:s26+$0x1A8C0] =	vst v2  }
0x20b: {  	[spmem:s13] =	stream.linear.scatter [tilespmem:s24], [sflag:$0x7], $0x1F40, $0x38;
	[tilespmem:$0x1EEF0] =	vst v63  }
0x20c: {  	_ =	swait.ge [sflag:s20], $0x1F40  }
0x20d: {  	s15 =	sld [smem:$0x7F4]  }
0x20e: {  	[sflag:s20] =	ssyncset.done $0x0  }
0x20f: {  	s29 =	simm.s32 $0x1A8A0;
	[sflag:s20] =	ssyncadd.s32 $0xFFFFE0C0  }
0x210: {  	[spmem:s15] =	stream.linear.scatter [tilespmem:s29], [sflag:$0x7], $0x1F40, $0x38;
	[tilespmem:$0x1EEF0] =	vst v63  }
0x211: {  	_ =	swait.ge [sflag:s20], $0x1F40  }
0x212: {  	s18 =	sld [smem:$0x7E7]  }
0x213: {  	[sflag:s20] =	ssyncset.done $0x0  }
0x214: {  	[sflag:s20] =	ssyncadd.s32 $0xFFFFE0C0  }
0x215: {  	[hbm4b:s18+s0] =	stream.linear.scatter [tilespmem:s29], [sflag:$0x7], $0x1F40, $0x38;
	[tilespmem:$0x1EEF0] =	vst v63  }
0x216: {  	_ =	swait.ge [sflag:s20], $0x1F40  }
0x217: {  	s5 =	simm.s32 @!p0 $0x0;
	[sflag:s20] =	ssyncset.done $0x0  }
0x218: {  	s26 =	simm.s32 @!p0 $0x1CFB0;
	s28 =	rddreg [dreg:$0x1f];
	[sflag:s20] =	ssyncadd.s32 $0xFFFFE0C0  }
0x219: {  	[hbm4b:s28+s5] =	stream.linear.scatter @!p0 [tilespmem:s26], [sflag:$0x7], $0x7D0, $0x38;
	[tilespmem:$0x1EEF0] =	vst v63  }
0x21a: {  	s5 =	simm.s32 @!p0 $0x7  }
0x21b: {  	_ =	swait.ge @!p0 [sflag:s5], $0x7D0  }
0x21c: {  	s19 =	sld [smem:$0x7F5]  }
0x21d: {  	[sflag:s5] =	ssyncset.done @!p0 $0x0  }
0x21e: {  	[sflag:s5] =	ssyncadd.s32 @!p0 $0xFFFFF830  }
0x21f: {  	[tilespmem:s24], [sflag:$0x7] =	stream.linear.gather [spmem:s19], $0x1F40, $0x38;
	[tilespmem:$0x1EEF0] =	vst v63  }
0x220: {  	_ =	swait.ge [sflag:s20], $0x1F40  }
0x221: {  	s22 =	sld [smem:$0x7E8]  }
0x222: {  	[sflag:s20] =	ssyncset.done $0x0  }
0x223: {  	s21 =	simm.s32 $0x0;
	[sflag:s20] =	ssyncadd.s32 $0xFFFFE0C0  }
0x224: {  	[tilespmem:s29], [sflag:$0x7] =	stream.linear.gather [hbm4b:s22+s21], $0x1F40, $0x38;
	[tilespmem:$0x1EEF0] =	vst v63  }
0x225: {  	_ =	swait.ge [sflag:s20], $0x1F40  }
0x226: {  	[sflag:s20] =	ssyncset.done $0x0  }
0x227: {  	s28 =	simm.s32 $0x0;
	[sflag:s20] =	ssyncadd.s32 $0xFFFFE0C0  }
0x228: {  	v2 =	vld [tilespmem:s28+$0x148A0];
	_ =	sdelay $0x4  }
0x229: {  	v2 =	vmax.f32 v2, $1.000000000e+00  }
0x22a: {  	v3 =	vshrl.u32 v2, $0x1;
	v4 =	vmul.f32 $5.000000000e-01, v2  }
0x22b: {  	v3 =	vsub.s32 $0x5F3759DF, v3  }
0x22c: {  	v5 =	vmul.f32 v3, v4  }
0x22d: {  	(erf) = vrcp.f32 v2  }
0x22e: {  	v2 =	vmul.f32 v3, v5;
	_ =	sdelay $0x1  }
0x22f: {  	v2 =	vsub.f32 $1.500000000e+00, v2;
	_ =	sdelay $0x1  }
0x230: {  	v2 =	vmul.f32 v3, v2;
	_ =	sdelay $0x1  }
0x231: {  	v3 =	vmul.f32 v2, v4;
	_ =	sdelay $0x1  }
0x232: {  	s29 =	simm.s32 $0x1D780;
	v5 =	vpop (erf);
	v3 =	vmul.f32 v3, v2  }
0x233: {  	[tilespmem:s29+$0x0] =	vst v5  }
0x234: {  	s26 =	simm.s32 $0x40;
	[tilespmem:s28+$0x148A0] =	vst v1;
	v3 =	vsub.f32 $1.500000000e+00, v3  }
0x235: {  	v5 =	vld [tilespmem:s26+$0x148A0]  }
0x236: {  	v6 =	vmul.f32 v3, v2;
	_ =	sdelay $0x1  }
0x237: {  	v2 =	vmul.f32 v6, v4  }
0x238: {  	v8 =	vld [tilespmem:s28+$0x1A8D0]  }
0x239: {  	v9 =	vld [tilespmem:s28+$0x1A8A0];
	v5 =	vmax.f32 v5, $1.000000000e+00;
	v7 =	vmul.f32 v2, v6  }
0x23a: {  	v10 =	vld [tilespmem:s28+$0x1A8B0];
	v3 =	vshrl.u32 v5, $0x1;
	v2 =	vmul.f32 $5.000000000e-01, v5  }
0x23b: {  	v4 =	vld [tilespmem:s28+$0x1A8C0];
	v3 =	vsub.s32 $0x5F3759DF, v3;
	v7 =	vsub.f32 $1.500000000e+00, v7  }
0x23c: {  	(erf) = vrcp.f32 v5;
	v11 =	vmul.f32 v3, v2  }
0x23d: {  	v12 =	vmul.f32 v7, v6  }
0x23e: {  	[tilespmem:s28+$0x148B0] =	vst v1;
	v6 =	vmul.f32 v3, v11  }
0x23f: {  	[tilespmem:s28+$0x148C0] =	vst v1;
	v5 =	vmul.f32 v12, v9;
	v7 =	vmul.f32 v12, v8  }
0x240: {  	s30 =	simm.s32 $0x200;
	[tilespmem:s28+$0x148D0] =	vst v1;
	v8 =	vsub.f32 $1.500000000e+00, v6;
	v6 =	vmul.f32 v12, v10;
	v4 =	vmul.f32 v12, v4  }
.LBB2_12:
0x241: {  	p2 =	sne.s32 s30, $0x7C00  }
0x242: {  	v3 =	vmul.f32 v3, v8;
	[tilespmem:s28+$0x1A8D0] =	vst v7;
	s29 =	sadd.s32 $0x10, s29;
	s5 =	smov.u32 s30;
	s30 =	sadd.s32 $0x100, s30  }
0x243: {  	[tilespmem:s28+$0x1A8A0] =	vst v5  }
0x244: {  	v5 =	vmul.f32 v3, v2;
	[tilespmem:s28+$0x1A8B0] =	vst v6  }
0x245: {  	v6 =	vpop (erf);
	[tilespmem:s28+$0x1A8C0] =	vst v4;
	s28 =	smov.u32 s26  }
0x246: {  	v4 =	vmul.f32 v5, v3;
	[tilespmem:s29+$0x0] =	vst v6  }
0x247: {  	s26 =	sshra.s32 s5, $0x2;
	[tilespmem:s28+$0x148A0] =	vst v1  }
0x248: {  	v5 =	vld [tilespmem:s26+$0x148A0];
	v4 =	vsub.f32 $1.500000000e+00, v4;
	[tilespmem:s28+$0x148B0] =	vst v1  }
0x249: {  	[tilespmem:s28+$0x148C0] =	vst v1  }
0x24a: {  	v4 =	vmul.f32 v4, v3;
	[tilespmem:s28+$0x148D0] =	vst v1;
	_ =	sdelay $0x1  }
0x24b: {  	v3 =	vmul.f32 v4, v2  }
0x24c: {  	v5 =	vmax.f32 v5, $1.000000000e+00;
	v9 =	vld [tilespmem:s28+$0x1A8C0]  }
0x24d: {  	v6 =	vshrl.u32 v5, $0x1;
	v2 =	vmul.f32 $5.000000000e-01, v5;
	v7 =	vmul.f32 v3, v4;
	v10 =	vld [tilespmem:s28+$0x1A8D0]  }
0x24e: {  	v3 =	vsub.s32 $0x5F3759DF, v6;
	v6 =	vld [tilespmem:s28+$0x1A8A0]  }
0x24f: {  	v8 =	vmul.f32 v3, v2;
	(erf) = vrcp.f32 v5;
	v5 =	vsub.f32 $1.500000000e+00, v7;
	v11 =	vld [tilespmem:s28+$0x1A8B0]  }
.Ltmp5:
0x250: {  	(pc) =	sbr.rel @p2 .LBB2_12-.Ltmp5, $3  }
0x251: {  	v7 =	vmul.f32 v3, v8;
	v4 =	vmul.f32 v5, v4;
	_ =	sdelay $0x1  }
0x252: {  	v8 =	vsub.f32 $1.500000000e+00, v7;
	v5 =	vmul.f32 v4, v6;
	v7 =	vmul.f32 v4, v10  }
0x253: {  	v6 =	vmul.f32 v4, v11;
	v4 =	vmul.f32 v4, v9  }
0x254: {  	v3 =	vmul.f32 v3, v8;
	_ =	sdelay $0x1  }
0x255: {  	v8 =	vmul.f32 v3, v2;
	_ =	sdelay $0x1  }
0x256: {  	[tilespmem:s28+$0x1A8D0] =	vst v7;
	v7 =	vmul.f32 v8, v3;
	_ =	sdelay $0x1  }
0x257: {  	[tilespmem:s28+$0x1A8A0] =	vst v5;
	v5 =	vsub.f32 $1.500000000e+00, v7;
	_ =	sdelay $0x1  }
0x258: {  	v3 =	vmul.f32 v5, v3;
	_ =	sdelay $0x1  }
0x259: {  	[tilespmem:s28+$0x1A8B0] =	vst v6;
	v2 =	vmul.f32 v3, v2  }
0x25a: {  	s5 =	sadd.s32 $0x10, s29;
	[tilespmem:s28+$0x1A8C0] =	vst v4;
	v6 =	vpop (erf)  }
0x25b: {  	[tilespmem:s5+$0x0] =	vst v6;
	v2 =	vmul.f32 v2, v3  }
0x25c: {  	v4 =	vld [tilespmem:s26+$0x1A8D0]  }
0x25d: {  	v5 =	vld [tilespmem:s26+$0x1A8A0];
	v2 =	vsub.f32 $1.500000000e+00, v2  }
0x25e: {  	v6 =	vld [tilespmem:s26+$0x1A8B0]  }
0x25f: {  	[tilespmem:s26+$0x148A0] =	vst v1;
	v7 =	vld [tilespmem:s26+$0x1A8C0];
	v2 =	vmul.f32 v2, v3  }
0x260: {  	[tilespmem:s26+$0x148B0] =	vst v1  }
0x261: {  	[tilespmem:s26+$0x148C0] =	vst v1;
	v3 =	vmul.f32 v2, v4  }
0x262: {  	[tilespmem:s26+$0x148D0] =	vst v1;
	v4 =	vmul.f32 v2, v5  }
0x263: {  	v5 =	vmul.f32 v2, v6;
	[tilespmem:s26+$0x1A8D0] =	vst v3  }
0x264: {  	s13 =	sld [smem:$0x7F5];
	v2 =	vmul.f32 v2, v7;
	[tilespmem:s26+$0x1A8A0] =	vst v4  }
0x265: {  	[tilespmem:s26+$0x1A8B0] =	vst v5  }
0x266: {  	[tilespmem:s26+$0x1A8C0] =	vst v2  }
0x267: {  	[spmem:s13] =	stream.linear.scatter [tilespmem:s24], [sflag:$0x7], $0x1F40, $0x38;
	[tilespmem:$0x1EEF0] =	vst v63  }
0x268: {  	_ =	swait.ge [sflag:s20], $0x1F40  }
0x269: {  	s15 =	sld [smem:$0x7F7]  }
0x26a: {  	[sflag:s20] =	ssyncset.done $0x0  }
0x26b: {  	s29 =	simm.s32 $0x1A8A0;
	[sflag:s20] =	ssyncadd.s32 $0xFFFFE0C0  }
0x26c: {  	[spmem:s15] =	stream.linear.scatter [tilespmem:s29], [sflag:$0x7], $0x1F40, $0x38;
	[tilespmem:$0x1EEF0] =	vst v63  }
0x26d: {  	_ =	swait.ge [sflag:s20], $0x1F40  }
0x26e: {  	s18 =	sld [smem:$0x7E9]  }
0x26f: {  	[sflag:s20] =	ssyncset.done $0x0  }
0x270: {  	[sflag:s20] =	ssyncadd.s32 $0xFFFFE0C0  }
0x271: {  	[hbm4b:s18+s0] =	stream.linear.scatter [tilespmem:s29], [sflag:$0x7], $0x1F40, $0x38;
	[tilespmem:$0x1EEF0] =	vst v63  }
0x272: {  	_ =	swait.ge [sflag:s20], $0x1F40  }
0x273: {  	s28 =	sld [smem:$0x7E3]  }
0x274: {  	[sflag:s20] =	ssyncset.done $0x0  }
0x275: {  	s5 =	simm.s32 @!p0 $0x0;
	s26 =	simm.s32 @!p0 $0x1D780;
	[sflag:s20] =	ssyncadd.s32 $0xFFFFE0C0  }
0x276: {  	[hbm4b:s28+s5] =	stream.linear.scatter @!p0 [tilespmem:s26], [sflag:$0x7], $0x7D0, $0x38;
	[tilespmem:$0x1EEF0] =	vst v63  }
0x277: {  	s5 =	simm.s32 @!p0 $0x7  }
0x278: {  	_ =	swait.ge @!p0 [sflag:s5], $0x7D0  }
0x279: {  	s19 =	sld [smem:$0x7F8]  }
0x27a: {  	[sflag:s5] =	ssyncset.done @!p0 $0x0  }
0x27b: {  	[sflag:s5] =	ssyncadd.s32 @!p0 $0xFFFFF830  }
0x27c: {  	[tilespmem:s24], [sflag:$0x7] =	stream.linear.gather [spmem:s19], $0x1F40, $0x38;
	[tilespmem:$0x1EEF0] =	vst v63  }
0x27d: {  	_ =	swait.ge [sflag:s20], $0x1F40  }
0x27e: {  	s22 =	sld [smem:$0x7EA]  }
0x27f: {  	[sflag:s20] =	ssyncset.done $0x0  }
0x280: {  	s21 =	simm.s32 $0x0;
	[sflag:s20] =	ssyncadd.s32 $0xFFFFE0C0  }
0x281: {  	[tilespmem:s29], [sflag:$0x7] =	stream.linear.gather [hbm4b:s22+s21], $0x1F40, $0x38;
	[tilespmem:$0x1EEF0] =	vst v63  }
0x282: {  	_ =	swait.ge [sflag:s20], $0x1F40  }
0x283: {  	[sflag:s20] =	ssyncset.done $0x0  }
0x284: {  	s28 =	simm.s32 $0x0;
	[sflag:s20] =	ssyncadd.s32 $0xFFFFE0C0  }
0x285: {  	v2 =	vld [tilespmem:s28+$0x148A0];
	_ =	sdelay $0x4  }
0x286: {  	v2 =	vmax.f32 v2, $1.000000000e+00  }
0x287: {  	v3 =	vshrl.u32 v2, $0x1;
	v4 =	vmul.f32 $5.000000000e-01, v2  }
0x288: {  	v3 =	vsub.s32 $0x5F3759DF, v3  }
0x289: {  	v5 =	vmul.f32 v3, v4  }
0x28a: {  	(erf) = vrcp.f32 v2  }
0x28b: {  	v2 =	vmul.f32 v3, v5;
	_ =	sdelay $0x1  }
0x28c: {  	v2 =	vsub.f32 $1.500000000e+00, v2;
	_ =	sdelay $0x1  }
0x28d: {  	v2 =	vmul.f32 v3, v2;
	_ =	sdelay $0x1  }
0x28e: {  	v3 =	vmul.f32 v2, v4;
	_ =	sdelay $0x1  }
0x28f: {  	s29 =	simm.s32 $0x1DF50;
	v5 =	vpop (erf);
	v3 =	vmul.f32 v3, v2  }
0x290: {  	[tilespmem:s29+$0x0] =	vst v5  }
0x291: {  	s26 =	simm.s32 $0x40;
	[tilespmem:s28+$0x148A0] =	vst v1;
	v3 =	vsub.f32 $1.500000000e+00, v3  }
0x292: {  	v5 =	vld [tilespmem:s26+$0x148A0]  }
0x293: {  	v6 =	vmul.f32 v3, v2;
	_ =	sdelay $0x1  }
0x294: {  	v2 =	vmul.f32 v6, v4  }
0x295: {  	v8 =	vld [tilespmem:s28+$0x1A8D0]  }
0x296: {  	v9 =	vld [tilespmem:s28+$0x1A8A0];
	v5 =	vmax.f32 v5, $1.000000000e+00;
	v7 =	vmul.f32 v2, v6  }
0x297: {  	v10 =	vld [tilespmem:s28+$0x1A8B0];
	v3 =	vshrl.u32 v5, $0x1;
	v2 =	vmul.f32 $5.000000000e-01, v5  }
0x298: {  	v4 =	vld [tilespmem:s28+$0x1A8C0];
	v3 =	vsub.s32 $0x5F3759DF, v3;
	v7 =	vsub.f32 $1.500000000e+00, v7  }
0x299: {  	(erf) = vrcp.f32 v5;
	v11 =	vmul.f32 v3, v2  }
0x29a: {  	v12 =	vmul.f32 v7, v6  }
0x29b: {  	[tilespmem:s28+$0x148B0] =	vst v1;
	v6 =	vmul.f32 v3, v11  }
0x29c: {  	[tilespmem:s28+$0x148C0] =	vst v1;
	v5 =	vmul.f32 v12, v9;
	v7 =	vmul.f32 v12, v8  }
0x29d: {  	s30 =	simm.s32 $0x200;
	[tilespmem:s28+$0x148D0] =	vst v1;
	v8 =	vsub.f32 $1.500000000e+00, v6;
	v6 =	vmul.f32 v12, v10;
	v4 =	vmul.f32 v12, v4  }
.LBB2_14:
0x29e: {  	p2 =	sne.s32 s30, $0x7C00  }
0x29f: {  	v3 =	vmul.f32 v3, v8;
	[tilespmem:s28+$0x1A8D0] =	vst v7;
	s29 =	sadd.s32 $0x10, s29;
	s5 =	smov.u32 s30;
	s30 =	sadd.s32 $0x100, s30  }
0x2a0: {  	[tilespmem:s28+$0x1A8A0] =	vst v5  }
0x2a1: {  	v5 =	vmul.f32 v3, v2;
	[tilespmem:s28+$0x1A8B0] =	vst v6  }
0x2a2: {  	v6 =	vpop (erf);
	[tilespmem:s28+$0x1A8C0] =	vst v4;
	s28 =	smov.u32 s26  }
0x2a3: {  	v4 =	vmul.f32 v5, v3;
	[tilespmem:s29+$0x0] =	vst v6  }
0x2a4: {  	s26 =	sshra.s32 s5, $0x2;
	[tilespmem:s28+$0x148A0] =	vst v1  }
0x2a5: {  	v5 =	vld [tilespmem:s26+$0x148A0];
	v4 =	vsub.f32 $1.500000000e+00, v4;
	[tilespmem:s28+$0x148B0] =	vst v1  }
0x2a6: {  	[tilespmem:s28+$0x148C0] =	vst v1  }
0x2a7: {  	v4 =	vmul.f32 v4, v3;
	[tilespmem:s28+$0x148D0] =	vst v1;
	_ =	sdelay $0x1  }
0x2a8: {  	v3 =	vmul.f32 v4, v2  }
0x2a9: {  	v5 =	vmax.f32 v5, $1.000000000e+00;
	v9 =	vld [tilespmem:s28+$0x1A8C0]  }
0x2aa: {  	v6 =	vshrl.u32 v5, $0x1;
	v2 =	vmul.f32 $5.000000000e-01, v5;
	v7 =	vmul.f32 v3, v4;
	v10 =	vld [tilespmem:s28+$0x1A8D0]  }
0x2ab: {  	v3 =	vsub.s32 $0x5F3759DF, v6;
	v6 =	vld [tilespmem:s28+$0x1A8A0]  }
0x2ac: {  	v8 =	vmul.f32 v3, v2;
	(erf) = vrcp.f32 v5;
	v5 =	vsub.f32 $1.500000000e+00, v7;
	v11 =	vld [tilespmem:s28+$0x1A8B0]  }
.Ltmp6:
0x2ad: {  	(pc) =	sbr.rel @p2 .LBB2_14-.Ltmp6, $3  }
0x2ae: {  	v7 =	vmul.f32 v3, v8;
	v4 =	vmul.f32 v5, v4;
	_ =	sdelay $0x1  }
0x2af: {  	v8 =	vsub.f32 $1.500000000e+00, v7;
	v5 =	vmul.f32 v4, v6;
	v7 =	vmul.f32 v4, v10  }
0x2b0: {  	v6 =	vmul.f32 v4, v11;
	v4 =	vmul.f32 v4, v9  }
0x2b1: {  	v3 =	vmul.f32 v3, v8;
	_ =	sdelay $0x1  }
0x2b2: {  	v8 =	vmul.f32 v3, v2;
	_ =	sdelay $0x1  }
0x2b3: {  	[tilespmem:s28+$0x1A8D0] =	vst v7;
	v7 =	vmul.f32 v8, v3;
	_ =	sdelay $0x1  }
0x2b4: {  	[tilespmem:s28+$0x1A8A0] =	vst v5;
	v5 =	vsub.f32 $1.500000000e+00, v7;
	_ =	sdelay $0x1  }
0x2b5: {  	v3 =	vmul.f32 v5, v3;
	_ =	sdelay $0x1  }
0x2b6: {  	[tilespmem:s28+$0x1A8B0] =	vst v6;
	v2 =	vmul.f32 v3, v2  }
0x2b7: {  	s5 =	sadd.s32 $0x10, s29;
	[tilespmem:s28+$0x1A8C0] =	vst v4;
	v6 =	vpop (erf)  }
0x2b8: {  	[tilespmem:s5+$0x0] =	vst v6;
	v2 =	vmul.f32 v2, v3  }
0x2b9: {  	v4 =	vld [tilespmem:s26+$0x1A8D0]  }
0x2ba: {  	v5 =	vld [tilespmem:s26+$0x1A8A0];
	v2 =	vsub.f32 $1.500000000e+00, v2  }
0x2bb: {  	v6 =	vld [tilespmem:s26+$0x1A8B0]  }
0x2bc: {  	[tilespmem:s26+$0x148A0] =	vst v1;
	v7 =	vld [tilespmem:s26+$0x1A8C0];
	v2 =	vmul.f32 v2, v3  }
0x2bd: {  	[tilespmem:s26+$0x148B0] =	vst v1  }
0x2be: {  	[tilespmem:s26+$0x148C0] =	vst v1;
	v3 =	vmul.f32 v2, v4  }
0x2bf: {  	[tilespmem:s26+$0x148D0] =	vst v1;
	v4 =	vmul.f32 v2, v5  }
0x2c0: {  	v5 =	vmul.f32 v2, v6;
	[tilespmem:s26+$0x1A8D0] =	vst v3  }
0x2c1: {  	s13 =	sld [smem:$0x7F8];
	v2 =	vmul.f32 v2, v7;
	[tilespmem:s26+$0x1A8A0] =	vst v4  }
0x2c2: {  	[tilespmem:s26+$0x1A8B0] =	vst v5  }
0x2c3: {  	[tilespmem:s26+$0x1A8C0] =	vst v2  }
0x2c4: {  	[spmem:s13] =	stream.linear.scatter [tilespmem:s24], [sflag:$0x7], $0x1F40, $0x38;
	[tilespmem:$0x1EEF0] =	vst v63  }
0x2c5: {  	_ =	swait.ge [sflag:s20], $0x1F40  }
0x2c6: {  	s15 =	sld [smem:$0x7FA]  }
0x2c7: {  	[sflag:s20] =	ssyncset.done $0x0  }
0x2c8: {  	s29 =	simm.s32 $0x1A8A0;
	[sflag:s20] =	ssyncadd.s32 $0xFFFFE0C0  }
0x2c9: {  	[spmem:s15] =	stream.linear.scatter [tilespmem:s29], [sflag:$0x7], $0x1F40, $0x38;
	[tilespmem:$0x1EEF0] =	vst v63  }
0x2ca: {  	_ =	swait.ge [sflag:s20], $0x1F40  }
0x2cb: {  	s18 =	sld [smem:$0x7EB]  }
0x2cc: {  	[sflag:s20] =	ssyncset.done $0x0  }
0x2cd: {  	[sflag:s20] =	ssyncadd.s32 $0xFFFFE0C0  }
0x2ce: {  	[hbm4b:s18+s0] =	stream.linear.scatter [tilespmem:s29], [sflag:$0x7], $0x1F40, $0x38;
	[tilespmem:$0x1EEF0] =	vst v63  }
0x2cf: {  	_ =	swait.ge [sflag:s20], $0x1F40  }
0x2d0: {  	s28 =	sld [smem:$0x7E4]  }
0x2d1: {  	[sflag:s20] =	ssyncset.done $0x0  }
0x2d2: {  	s5 =	simm.s32 @!p0 $0x0;
	s26 =	simm.s32 @!p0 $0x1DF50;
	[sflag:s20] =	ssyncadd.s32 $0xFFFFE0C0  }
0x2d3: {  	[hbm4b:s28+s5] =	stream.linear.scatter @!p0 [tilespmem:s26], [sflag:$0x7], $0x7D0, $0x38;
	[tilespmem:$0x1EEF0] =	vst v63  }
0x2d4: {  	s5 =	simm.s32 @!p0 $0x7  }
0x2d5: {  	_ =	swait.ge @!p0 [sflag:s5], $0x7D0  }
0x2d6: {  	s19 =	sld [smem:$0x7FB]  }
0x2d7: {  	[sflag:s5] =	ssyncset.done @!p0 $0x0  }
0x2d8: {  	[sflag:s5] =	ssyncadd.s32 @!p0 $0xFFFFF830  }
0x2d9: {  	[tilespmem:s24], [sflag:$0x7] =	stream.linear.gather [spmem:s19], $0x1F40, $0x38;
	[tilespmem:$0x1EEF0] =	vst v63  }
0x2da: {  	_ =	swait.ge [sflag:s20], $0x1F40  }
0x2db: {  	s22 =	sld [smem:$0x7EC]  }
0x2dc: {  	[sflag:s20] =	ssyncset.done $0x0  }
0x2dd: {  	s21 =	simm.s32 $0x0;
	[sflag:s20] =	ssyncadd.s32 $0xFFFFE0C0  }
0x2de: {  	[tilespmem:s29], [sflag:$0x7] =	stream.linear.gather [hbm4b:s22+s21], $0x1F40, $0x38;
	[tilespmem:$0x1EEF0] =	vst v63  }
0x2df: {  	_ =	swait.ge [sflag:s20], $0x1F40  }
0x2e0: {  	[sflag:s20] =	ssyncset.done $0x0  }
0x2e1: {  	s28 =	simm.s32 $0x0;
	[sflag:s20] =	ssyncadd.s32 $0xFFFFE0C0  }
0x2e2: {  	v2 =	vld [tilespmem:s28+$0x148A0];
	_ =	sdelay $0x4  }
0x2e3: {  	v2 =	vmax.f32 v2, $1.000000000e+00  }
0x2e4: {  	v3 =	vshrl.u32 v2, $0x1;
	v4 =	vmul.f32 $5.000000000e-01, v2  }
0x2e5: {  	v3 =	vsub.s32 $0x5F3759DF, v3  }
0x2e6: {  	v5 =	vmul.f32 v3, v4  }
0x2e7: {  	(erf) = vrcp.f32 v2  }
0x2e8: {  	v2 =	vmul.f32 v3, v5;
	_ =	sdelay $0x1  }
0x2e9: {  	v2 =	vsub.f32 $1.500000000e+00, v2;
	_ =	sdelay $0x1  }
0x2ea: {  	v2 =	vmul.f32 v3, v2;
	_ =	sdelay $0x1  }
0x2eb: {  	v3 =	vmul.f32 v2, v4;
	_ =	sdelay $0x1  }
0x2ec: {  	s29 =	simm.s32 $0x1E720;
	v5 =	vpop (erf);
	v3 =	vmul.f32 v3, v2  }
0x2ed: {  	[tilespmem:s29+$0x0] =	vst v5  }
0x2ee: {  	s26 =	simm.s32 $0x40;
	[tilespmem:s28+$0x148A0] =	vst v1;
	v3 =	vsub.f32 $1.500000000e+00, v3  }
0x2ef: {  	v5 =	vld [tilespmem:s26+$0x148A0]  }
0x2f0: {  	v6 =	vmul.f32 v3, v2;
	_ =	sdelay $0x1  }
0x2f1: {  	v2 =	vmul.f32 v6, v4  }
0x2f2: {  	v8 =	vld [tilespmem:s28+$0x1A8D0]  }
0x2f3: {  	v9 =	vld [tilespmem:s28+$0x1A8A0];
	v5 =	vmax.f32 v5, $1.000000000e+00;
	v7 =	vmul.f32 v2, v6  }
0x2f4: {  	v10 =	vld [tilespmem:s28+$0x1A8B0];
	v3 =	vshrl.u32 v5, $0x1;
	v2 =	vmul.f32 $5.000000000e-01, v5  }
0x2f5: {  	v4 =	vld [tilespmem:s28+$0x1A8C0];
	v3 =	vsub.s32 $0x5F3759DF, v3;
	v7 =	vsub.f32 $1.500000000e+00, v7  }
0x2f6: {  	(erf) = vrcp.f32 v5;
	v11 =	vmul.f32 v3, v2  }
0x2f7: {  	v12 =	vmul.f32 v7, v6  }
0x2f8: {  	[tilespmem:s28+$0x148B0] =	vst v1;
	v6 =	vmul.f32 v3, v11  }
0x2f9: {  	[tilespmem:s28+$0x148C0] =	vst v1;
	v5 =	vmul.f32 v12, v9;
	v7 =	vmul.f32 v12, v8  }
0x2fa: {  	s30 =	simm.s32 $0x200;
	[tilespmem:s28+$0x148D0] =	vst v1;
	v8 =	vsub.f32 $1.500000000e+00, v6;
	v6 =	vmul.f32 v12, v10;
	v4 =	vmul.f32 v12, v4  }
.LBB2_16:
0x2fb: {  	p2 =	sne.s32 s30, $0x7C00  }
0x2fc: {  	v3 =	vmul.f32 v3, v8;
	[tilespmem:s28+$0x1A8D0] =	vst v7;
	s29 =	sadd.s32 $0x10, s29;
	s5 =	smov.u32 s30;
	s30 =	sadd.s32 $0x100, s30  }
0x2fd: {  	[tilespmem:s28+$0x1A8A0] =	vst v5  }
0x2fe: {  	v5 =	vmul.f32 v3, v2;
	[tilespmem:s28+$0x1A8B0] =	vst v6  }
0x2ff: {  	v6 =	vpop (erf);
	[tilespmem:s28+$0x1A8C0] =	vst v4;
	s28 =	smov.u32 s26  }
0x300: {  	v4 =	vmul.f32 v5, v3;
	[tilespmem:s29+$0x0] =	vst v6  }
0x301: {  	s26 =	sshra.s32 s5, $0x2;
	[tilespmem:s28+$0x148A0] =	vst v1  }
0x302: {  	v5 =	vld [tilespmem:s26+$0x148A0];
	v4 =	vsub.f32 $1.500000000e+00, v4;
	[tilespmem:s28+$0x148B0] =	vst v1  }
0x303: {  	[tilespmem:s28+$0x148C0] =	vst v1  }
0x304: {  	v4 =	vmul.f32 v4, v3;
	[tilespmem:s28+$0x148D0] =	vst v1;
	_ =	sdelay $0x1  }
0x305: {  	v3 =	vmul.f32 v4, v2  }
0x306: {  	v5 =	vmax.f32 v5, $1.000000000e+00;
	v9 =	vld [tilespmem:s28+$0x1A8C0]  }
0x307: {  	v6 =	vshrl.u32 v5, $0x1;
	v2 =	vmul.f32 $5.000000000e-01, v5;
	v7 =	vmul.f32 v3, v4;
	v10 =	vld [tilespmem:s28+$0x1A8D0]  }
0x308: {  	v3 =	vsub.s32 $0x5F3759DF, v6;
	v6 =	vld [tilespmem:s28+$0x1A8A0]  }
0x309: {  	v8 =	vmul.f32 v3, v2;
	(erf) = vrcp.f32 v5;
	v5 =	vsub.f32 $1.500000000e+00, v7;
	v11 =	vld [tilespmem:s28+$0x1A8B0]  }
.Ltmp7:
0x30a: {  	(pc) =	sbr.rel @p2 .LBB2_16-.Ltmp7, $3  }
0x30b: {  	v7 =	vmul.f32 v3, v8;
	v4 =	vmul.f32 v5, v4;
	_ =	sdelay $0x1  }
0x30c: {  	v8 =	vsub.f32 $1.500000000e+00, v7;
	v5 =	vmul.f32 v4, v6;
	v7 =	vmul.f32 v4, v10  }
0x30d: {  	v6 =	vmul.f32 v4, v11;
	v4 =	vmul.f32 v4, v9  }
0x30e: {  	v3 =	vmul.f32 v3, v8;
	_ =	sdelay $0x1  }
0x30f: {  	v8 =	vmul.f32 v3, v2;
	_ =	sdelay $0x1  }
0x310: {  	v57 =	vmul.f32 v8, v3;
	_ =	sdelay $0x1  }
0x311: {  	v58 =	vsub.f32 $1.500000000e+00, v57;
	_ =	sdelay $0x1  }
0x312: {  	[tilespmem:s28+$0x1A8D0] =	vst v7;
	v3 =	vmul.f32 v58, v3  }
0x313: {  	[tilespmem:s28+$0x1A8A0] =	vst v5  }
0x314: {  	[tilespmem:s28+$0x1A8B0] =	vst v6;
	v2 =	vmul.f32 v3, v2  }
0x315: {  	s5 =	sadd.s32 $0x10, s29;
	[tilespmem:s28+$0x1A8C0] =	vst v4;
	v59 =	vpop (erf)  }
0x316: {  	[tilespmem:s5+$0x0] =	vst v59;
	v2 =	vmul.f32 v2, v3  }
0x317: {  	v4 =	vld [tilespmem:s26+$0x1A8D0]  }
0x318: {  	v60 =	vld [tilespmem:s26+$0x1A8A0];
	v2 =	vsub.f32 $1.500000000e+00, v2  }
0x319: {  	v6 =	vld [tilespmem:s26+$0x1A8B0]  }
0x31a: {  	[tilespmem:s26+$0x148A0] =	vst v1;
	v61 =	vld [tilespmem:s26+$0x1A8C0];
	v2 =	vmul.f32 v2, v3  }
0x31b: {  	[tilespmem:s26+$0x148B0] =	vst v1  }
0x31c: {  	[tilespmem:s26+$0x148C0] =	vst v1;
	v3 =	vmul.f32 v2, v4  }
0x31d: {  	[tilespmem:s26+$0x148D0] =	vst v1;
	v62 =	vmul.f32 v2, v60  }
0x31e: {  	v63 =	vmul.f32 v2, v6;
	[tilespmem:s26+$0x1A8D0] =	vst v3  }
0x31f: {  	v2 =	vmul.f32 v2, v61;
	[tilespmem:s26+$0x1A8A0] =	vst v62  }
0x320: {  	[tilespmem:s26+$0x1A8B0] =	vst v63  }
0x321: {  	[tilespmem:s26+$0x1A8C0] =	vst v2;
	s26 =	sld [smem:$0x7FB];
	_ =	sdelay $0x2  }
0x322: {  	[spmem:s26] =	stream.linear.scatter [tilespmem:s24], [sflag:$0x7], $0x1F40, $0x38;
	[tilespmem:$0x1EEF0] =	vst v63  }
0x323: {  	_ =	swait.ge [sflag:s20], $0x1F40  }
0x324: {  	s28 =	sld [smem:$0x7FD]  }
0x325: {  	[sflag:s20] =	ssyncset.done $0x0  }
0x326: {  	s29 =	simm.s32 $0x1A8A0;
	[sflag:s20] =	ssyncadd.s32 $0xFFFFE0C0  }
0x327: {  	[spmem:s28] =	stream.linear.scatter [tilespmem:s29], [sflag:$0x7], $0x1F40, $0x38;
	[tilespmem:$0x1EEF0] =	vst v63  }
0x328: {  	_ =	swait.ge [sflag:s20], $0x1F40  }
0x329: {  	s30 =	sld [smem:$0x7ED]  }
0x32a: {  	[sflag:s20] =	ssyncset.done $0x0  }
0x32b: {  	[sflag:s20] =	ssyncadd.s32 $0xFFFFE0C0  }
0x32c: {  	[hbm4b:s30+s0] =	stream.linear.scatter [tilespmem:s29], [sflag:$0x7], $0x1F40, $0x38;
	[tilespmem:$0x1EEF0] =	vst v63  }
0x32d: {  	_ =	swait.ge [sflag:s20], $0x1F40  }
0x32e: {  	s28 =	sld [smem:$0x7E5]  }
0x32f: {  	[sflag:s20] =	ssyncset.done $0x0  }
0x330: {  	s5 =	simm.s32 @!p0 $0x0;
	s26 =	simm.s32 @!p0 $0x1E720;
	[sflag:s20] =	ssyncadd.s32 $0xFFFFE0C0  }
0x331: {  	[hbm4b:s28+s5] =	stream.linear.scatter @!p0 [tilespmem:s26], [sflag:$0x7], $0x7D0, $0x38;
	[tilespmem:$0x1EEF0] =	vst v63  }
0x332: {  	s5 =	simm.s32 @!p0 $0x7  }
0x333: {  	_ =	swait.ge @!p0 [sflag:s5], $0x7D0  }
0x334: {  	[sflag:s5] =	ssyncset.done @!p0 $0x0  }
0x335: {  	[sflag:s5] =	ssyncadd.s32 @!p0 $0xFFFFF830  }
0x336: {  	s7 =	simm.s32 $0x0;
	[bflag:$0x0] =	sbarrier.arrive $0xFFFF  }
.LBB2_18:
0x337: {  	s5 =	rddreg [dreg:$0x8]  }
0x338: {  	[smem:$0x7E1] =	sst s7;
	s5 =	sadd.s32 $0x0, s5  }
0x339: {  	[tilespmem:s6], [sflag:$0x7] =	stream.linear.gather [hbm4b:s5+s0], $0x800, $0x38;
	[tilespmem:$0x1EEF0] =	vst v63  }
0x33a: {  	_ =	swait.ge [sflag:s20], $0x800  }
0x33b: {  	[sflag:s20] =	ssyncset.done $0x0;
	s22 =	rddreg [dreg:$0x18]  }
0x33c: {  	[sflag:s20] =	ssyncadd.s32 $0xFFFFF800;
	s19 =	sadd.s32 $0x0, s22  }
0x33d: {  	[tilespmem:s4], [sflag:$0x7] =	stream.linear.gather [hbm4b:s19+s0], $0x800, $0x38;
	[tilespmem:$0x1EEF0] =	vst v63  }
0x33e: {  	_ =	swait.ge [sflag:s20], $0x800  }
0x33f: {  	[sflag:s20] =	ssyncset.done $0x0  }
0x340: {  	[sflag:s20] =	ssyncadd.s32 $0xFFFFF800  }
0x341: {  	[tilespmem:s24], [sflag:$0x1] =	stream.indirect.gather [spmem:s3], $0x40, s6, s23, $0xb8;
	[tilespmem:$0x1EEF0] =	vst v63  }
0x342: {  	s21 =	rddreg [dreg:$0x9]  }
0x343: {  	[tilespmem:s9], [sflag:$0x2] =	stream.indirect.gather [spmem:s3], $0x40, s21, s23, $0xb8;
	[tilespmem:$0x1EEF0] =	vst v63  }
0x344: {  	s26 =	rddreg [dreg:$0xa]  }
0x345: {  	[tilespmem:s12], [sflag:$0x3] =	stream.indirect.gather [spmem:s3], $0x40, s26, s23, $0xb8;
	[tilespmem:$0x1EEF0] =	vst v63  }
0x346: {  	_ =	swait.ge [sflag:s14], $0x2000  }
0x347: {  	[sflag:s14] =	ssyncset.done $0x0  }
0x348: {  	[sflag:s14] =	ssyncadd.s32 $0xFFFFE000  }
0x349: {  	[spmem:s2] =	stream.indirect.scatter.add.f32 [tilespmem:s24], [sflag:$0x4], $0x40, s4, s23, $0xb8;
	[tilespmem:$0x1EEF0] =	vst v63  }
0x34a: {  	_ =	swait.ge [sflag:s16], $0x2000  }
0x34b: {  	[sflag:s16] =	ssyncset.done $0x0  }
0x34c: {  	s0 =	rddreg [dreg:$0xb];
	[sflag:s16] =	ssyncadd.s32 $0xFFFFE000  }
0x34d: {  	[tilespmem:s24], [sflag:$0x1] =	stream.indirect.gather [spmem:s3], $0x40, s0, s23, $0xb8;
	[tilespmem:$0x1EEF0] =	vst v63  }
0x34e: {  	_ =	swait.ge [sflag:s1], $0x2000  }
0x34f: {  	[sflag:s1] =	ssyncset.done $0x0  }
0x350: {  	s30 =	simm.s32 $0x14120;
	[sflag:s1] =	ssyncadd.s32 $0xFFFFE000  }
0x351: {  	[spmem:s2] =	stream.indirect.scatter.add.f32 [tilespmem:s9], [sflag:$0x5], $0x40, s30, s23, $0xb8;
	[tilespmem:$0x1EEF0] =	vst v63  }
0x352: {  	_ =	swait.ge [sflag:s31], $0x2000  }
0x353: {  	[sflag:s31] =	ssyncset.done $0x0  }
0x354: {  	s4 =	rddreg [dreg:$0xc];
	[sflag:s31] =	ssyncadd.s32 $0xFFFFE000  }
0x355: {  	[tilespmem:s9], [sflag:$0x2] =	stream.indirect.gather [spmem:s3], $0x40, s4, s23, $0xb8;
	[tilespmem:$0x1EEF0] =	vst v63  }
0x356: {  	_ =	swait.ge [sflag:s17], $0x2000  }
0x357: {  	[sflag:s17] =	ssyncset.done $0x0  }
0x358: {  	s5 =	simm.s32 $0x141A0;
	[sflag:s17] =	ssyncadd.s32 $0xFFFFE000  }
0x359: {  	[spmem:s2] =	stream.indirect.scatter.add.f32 [tilespmem:s12], [sflag:$0x6], $0x40, s5, s23, $0xb8;
	[tilespmem:$0x1EEF0] =	vst v63  }
0x35a: {  	_ =	swait.ge [sflag:s25], $0x2000  }
0x35b: {  	[sflag:s25] =	ssyncset.done $0x0  }
0x35c: {  	s6 =	rddreg [dreg:$0xd];
	[sflag:s25] =	ssyncadd.s32 $0xFFFFE000  }
0x35d: {  	[tilespmem:s12], [sflag:$0x3] =	stream.indirect.gather [spmem:s3], $0x40, s6, s23, $0xb8;
	[tilespmem:$0x1EEF0] =	vst v63  }
0x35e: {  	_ =	swait.ge [sflag:s14], $0x2000  }
0x35f: {  	[sflag:s14] =	ssyncset.done $0x0  }
0x360: {  	s10 =	simm.s32 $0x14220;
	[sflag:s14] =	ssyncadd.s32 $0xFFFFE000  }
0x361: {  	[spmem:s2] =	stream.indirect.scatter.add.f32 [tilespmem:s24], [sflag:$0x4], $0x40, s10, s23, $0xb8;
	[tilespmem:$0x1EEF0] =	vst v63  }
0x362: {  	_ =	swait.ge [sflag:s16], $0x2000  }
0x363: {  	[sflag:s16] =	ssyncset.done $0x0  }
0x364: {  	s7 =	rddreg [dreg:$0xe];
	[sflag:s16] =	ssyncadd.s32 $0xFFFFE000  }
0x365: {  	[tilespmem:s24], [sflag:$0x1] =	stream.indirect.gather [spmem:s3], $0x40, s7, s23, $0xb8;
	[tilespmem:$0x1EEF0] =	vst v63  }
0x366: {  	_ =	swait.ge [sflag:s1], $0x2000  }
0x367: {  	[sflag:s1] =	ssyncset.done $0x0  }
0x368: {  	s18 =	simm.s32 $0x142A0;
	[sflag:s1] =	ssyncadd.s32 $0xFFFFE000  }
0x369: {  	[spmem:s2] =	stream.indirect.scatter.add.f32 [tilespmem:s9], [sflag:$0x5], $0x40, s18, s23, $0xb8;
	[tilespmem:$0x1EEF0] =	vst v63  }
0x36a: {  	_ =	swait.ge [sflag:s31], $0x2000  }
0x36b: {  	[sflag:s31] =	ssyncset.done $0x0  }
0x36c: {  	s8 =	rddreg [dreg:$0xf];
	[sflag:s31] =	ssyncadd.s32 $0xFFFFE000  }
0x36d: {  	[tilespmem:s9], [sflag:$0x2] =	stream.indirect.gather [spmem:s3], $0x40, s8, s23, $0xb8;
	[tilespmem:$0x1EEF0] =	vst v63  }
0x36e: {  	_ =	swait.ge [sflag:s17], $0x2000  }
0x36f: {  	[sflag:s17] =	ssyncset.done $0x0  }
0x370: {  	s19 =	simm.s32 $0x14320;
	[sflag:s17] =	ssyncadd.s32 $0xFFFFE000  }
0x371: {  	[spmem:s2] =	stream.indirect.scatter.add.f32 [tilespmem:s12], [sflag:$0x6], $0x40, s19, s23, $0xb8;
	[tilespmem:$0x1EEF0] =	vst v63  }
0x372: {  	_ =	swait.ge [sflag:s25], $0x2000  }
0x373: {  	[sflag:s25] =	ssyncset.done $0x0  }
0x374: {  	s11 =	rddreg [dreg:$0x10];
	[sflag:s25] =	ssyncadd.s32 $0xFFFFE000  }
0x375: {  	[tilespmem:s12], [sflag:$0x3] =	stream.indirect.gather [spmem:s3], $0x40, s11, s23, $0xb8;
	[tilespmem:$0x1EEF0] =	vst v63  }
0x376: {  	_ =	swait.ge [sflag:s14], $0x2000  }
0x377: {  	[sflag:s14] =	ssyncset.done $0x0  }
0x378: {  	s21 =	simm.s32 $0x143A0;
	[sflag:s14] =	ssyncadd.s32 $0xFFFFE000  }
0x379: {  	[spmem:s2] =	stream.indirect.scatter.add.f32 [tilespmem:s24], [sflag:$0x4], $0x40, s21, s23, $0xb8;
	[tilespmem:$0x1EEF0] =	vst v63  }
0x37a: {  	_ =	swait.ge [sflag:s16], $0x2000  }
0x37b: {  	[sflag:s16] =	ssyncset.done $0x0  }
0x37c: {  	s13 =	rddreg [dreg:$0x11];
	[sflag:s16] =	ssyncadd.s32 $0xFFFFE000  }
0x37d: {  	[tilespmem:s24], [sflag:$0x1] =	stream.indirect.gather [spmem:s3], $0x40, s13, s23, $0xb8;
	[tilespmem:$0x1EEF0] =	vst v63  }
0x37e: {  	_ =	swait.ge [sflag:s1], $0x2000  }
0x37f: {  	[sflag:s1] =	ssyncset.done $0x0  }
0x380: {  	s15 =	simm.s32 $0x14420;
	[sflag:s1] =	ssyncadd.s32 $0xFFFFE000  }
0x381: {  	[spmem:s2] =	stream.indirect.scatter.add.f32 [tilespmem:s9], [sflag:$0x5], $0x40, s15, s23, $0xb8;
	[tilespmem:$0x1EEF0] =	vst v63  }
0x382: {  	_ =	swait.ge [sflag:s31], $0x2000  }
0x383: {  	[sflag:s31] =	ssyncset.done $0x0  }
0x384: {  	s8 =	rddreg [dreg:$0x12];
	[sflag:s31] =	ssyncadd.s32 $0xFFFFE000  }
0x385: {  	[tilespmem:s9], [sflag:$0x2] =	stream.indirect.gather [spmem:s3], $0x40, s8, s23, $0xb8;
	[tilespmem:$0x1EEF0] =	vst v63  }
0x386: {  	_ =	swait.ge [sflag:s17], $0x2000  }
0x387: {  	[sflag:s17] =	ssyncset.done $0x0  }
0x388: {  	s8 =	simm.s32 $0x144A0;
	[sflag:s17] =	ssyncadd.s32 $0xFFFFE000  }
0x389: {  	[spmem:s2] =	stream.indirect.scatter.add.f32 [tilespmem:s12], [sflag:$0x6], $0x40, s8, s23, $0xb8;
	[tilespmem:$0x1EEF0] =	vst v63  }
0x38a: {  	_ =	swait.ge [sflag:s25], $0x2000  }
0x38b: {  	[sflag:s25] =	ssyncset.done $0x0  }
0x38c: {  	s11 =	rddreg [dreg:$0x13];
	[sflag:s25] =	ssyncadd.s32 $0xFFFFE000  }
0x38d: {  	[tilespmem:s12], [sflag:$0x3] =	stream.indirect.gather [spmem:s3], $0x40, s11, s23, $0xb8;
	[tilespmem:$0x1EEF0] =	vst v63  }
0x38e: {  	_ =	swait.ge [sflag:s14], $0x2000  }
0x38f: {  	[sflag:s14] =	ssyncset.done $0x0  }
0x390: {  	s11 =	simm.s32 $0x14520;
	[sflag:s14] =	ssyncadd.s32 $0xFFFFE000  }
0x391: {  	[spmem:s2] =	stream.indirect.scatter.add.f32 [tilespmem:s24], [sflag:$0x4], $0x40, s11, s23, $0xb8;
	[tilespmem:$0x1EEF0] =	vst v63  }
0x392: {  	_ =	swait.ge [sflag:s16], $0x2000  }
0x393: {  	[sflag:s16] =	ssyncset.done $0x0  }
0x394: {  	s13 =	rddreg [dreg:$0x14];
	[sflag:s16] =	ssyncadd.s32 $0xFFFFE000  }
0x395: {  	[tilespmem:s24], [sflag:$0x1] =	stream.indirect.gather [spmem:s3], $0x40, s13, s23, $0xb8;
	[tilespmem:$0x1EEF0] =	vst v63  }
0x396: {  	_ =	swait.ge [sflag:s1], $0x2000  }
0x397: {  	[sflag:s1] =	ssyncset.done $0x0  }
0x398: {  	s13 =	simm.s32 $0x145A0;
	[sflag:s1] =	ssyncadd.s32 $0xFFFFE000  }
0x399: {  	[spmem:s2] =	stream.indirect.scatter.add.f32 [tilespmem:s9], [sflag:$0x5], $0x40, s13, s23, $0xb8;
	[tilespmem:$0x1EEF0] =	vst v63  }
0x39a: {  	_ =	swait.ge [sflag:s31], $0x2000  }
0x39b: {  	[sflag:s31] =	ssyncset.done $0x0  }
0x39c: {  	s15 =	rddreg [dreg:$0x15];
	[sflag:s31] =	ssyncadd.s32 $0xFFFFE000  }
0x39d: {  	[tilespmem:s9], [sflag:$0x2] =	stream.indirect.gather [spmem:s3], $0x40, s15, s23, $0xb8;
	[tilespmem:$0x1EEF0] =	vst v63  }
0x39e: {  	_ =	swait.ge [sflag:s17], $0x2000  }
0x39f: {  	[sflag:s17] =	ssyncset.done $0x0  }
0x3a0: {  	s15 =	simm.s32 $0x14620;
	[sflag:s17] =	ssyncadd.s32 $0xFFFFE000  }
0x3a1: {  	[spmem:s2] =	stream.indirect.scatter.add.f32 [tilespmem:s12], [sflag:$0x6], $0x40, s15, s23, $0xb8;
	[tilespmem:$0x1EEF0] =	vst v63  }
0x3a2: {  	_ =	swait.ge [sflag:s25], $0x2000  }
0x3a3: {  	[sflag:s25] =	ssyncset.done $0x0  }
0x3a4: {  	s15 =	rddreg [dreg:$0x16];
	[sflag:s25] =	ssyncadd.s32 $0xFFFFE000  }
0x3a5: {  	[tilespmem:s12], [sflag:$0x3] =	stream.indirect.gather [spmem:s3], $0x40, s15, s23, $0xb8;
	[tilespmem:$0x1EEF0] =	vst v63  }
0x3a6: {  	_ =	swait.ge [sflag:s14], $0x2000  }
0x3a7: {  	[sflag:s14] =	ssyncset.done $0x0  }
0x3a8: {  	s15 =	simm.s32 $0x146A0;
	[sflag:s14] =	ssyncadd.s32 $0xFFFFE000  }
0x3a9: {  	[spmem:s2] =	stream.indirect.scatter.add.f32 [tilespmem:s24], [sflag:$0x4], $0x40, s15, s23, $0xb8;
	[tilespmem:$0x1EEF0] =	vst v63  }
0x3aa: {  	_ =	swait.ge [sflag:s16], $0x2000  }
0x3ab: {  	[sflag:s16] =	ssyncset.done $0x0  }
0x3ac: {  	s5 =	rddreg [dreg:$0x17];
	[sflag:s16] =	ssyncadd.s32 $0xFFFFE000  }
0x3ad: {  	[tilespmem:s24], [sflag:$0x1] =	stream.indirect.gather [spmem:s3], $0x40, s5, s23, $0xb8;
	[tilespmem:$0x1EEF0] =	vst v63  }
0x3ae: {  	_ =	swait.ge [sflag:s1], $0x2000  }
0x3af: {  	[sflag:s1] =	ssyncset.done $0x0  }
0x3b0: {  	s5 =	simm.s32 $0x14720;
	[sflag:s1] =	ssyncadd.s32 $0xFFFFE000  }
0x3b1: {  	[spmem:s2] =	stream.indirect.scatter.add.f32 [tilespmem:s9], [sflag:$0x5], $0x40, s5, s23, $0xb8;
	[tilespmem:$0x1EEF0] =	vst v63  }
0x3b2: {  	_ =	swait.ge [sflag:s17], $0x2000  }
0x3b3: {  	[sflag:s17] =	ssyncset.done $0x0  }
0x3b4: {  	s28 =	simm.s32 $0x147A0;
	[sflag:s17] =	ssyncadd.s32 $0xFFFFE000  }
0x3b5: {  	[spmem:s2] =	stream.indirect.scatter.add.f32 [tilespmem:s12], [sflag:$0x6], $0x40, s28, s23, $0xb8;
	[tilespmem:$0x1EEF0] =	vst v63  }
0x3b6: {  	_ =	swait.ge [sflag:s14], $0x2000  }
0x3b7: {  	[sflag:s14] =	ssyncset.done $0x0  }
0x3b8: {  	s26 =	simm.s32 $0x14820;
	[sflag:s14] =	ssyncadd.s32 $0xFFFFE000  }
0x3b9: {  	[spmem:s2] =	stream.indirect.scatter.add.f32 [tilespmem:s24], [sflag:$0x4], $0x40, s26, s23, $0xb8;
	[tilespmem:$0x1EEF0] =	vst v63  }
0x3ba: {  	_ =	swait.ge [sflag:s16], $0x2000  }
0x3bb: {  	[sflag:s16] =	ssyncset.done $0x0  }
0x3bc: {  	[sflag:s16] =	ssyncadd.s32 $0xFFFFE000  }
0x3bd: {  	_ =	swait.ge [sflag:s31], $0x2000  }
0x3be: {  	s0 =	simm.s32 $0x140A0;
	[sflag:s31] =	ssyncset.done $0x0  }
0x3bf: {  	s4 =	simm.s32 $0x138A0;
	s6 =	simm.s32 $0x14420;
	[sflag:s31] =	ssyncadd.s32 $0xFFFFE000  }
0x3c0: {  	s7 =	simm.s32 $0x0;
	s28 =	simm.s32 $0x200;
	_ =	swait.ge [sflag:s25], $0x2000  }
0x3c1: {  	s26 =	simm.s32 $0x100;
	s29 =	rddreg [dreg:$0x8];
	[sflag:s25] =	ssyncset.done $0x0  }
.LBB2_19:
0x3c2: {  	[sflag:s25] =	ssyncadd.s32 $0xFFFFE000;
	s29 =	sadd.s32 s26, s29  }
0x3c3: {  	[tilespmem:s4], [sflag:$0x7] =	stream.linear.gather [hbm4b:s29+s7], $0x800, $0x38;
	[tilespmem:$0x1EEF0] =	vst v63  }
0x3c4: {  	_ =	swait.ge [sflag:s20], $0x800  }
0x3c5: {  	[sflag:s20] =	ssyncset.done $0x0  }
0x3c6: {  	s29 =	sadd.s32 s26, s22;
	[sflag:s20] =	ssyncadd.s32 $0xFFFFF800  }
0x3c7: {  	[tilespmem:s0], [sflag:$0x7] =	stream.linear.gather [hbm4b:s29+s7], $0x800, $0x38;
	[tilespmem:$0x1EEF0] =	vst v63  }
0x3c8: {  	_ =	swait.ge [sflag:s20], $0x800  }
0x3c9: {  	[sflag:s20] =	ssyncset.done $0x0  }
0x3ca: {  	s5 =	smov.u32 s28;
	[sflag:s20] =	ssyncadd.s32 $0xFFFFF800  }
0x3cb: {  	[tilespmem:s24], [sflag:$0x1] =	stream.indirect.gather [spmem:s3], $0x40, s4, s23, $0xb8;
	[tilespmem:$0x1EEF0] =	vst v63  }
0x3cc: {  	s26 =	smov.u32 s5;
	s5 =	rddreg [dreg:$0x9]  }
0x3cd: {  	[tilespmem:s9], [sflag:$0x2] =	stream.indirect.gather [spmem:s3], $0x40, s5, s23, $0xb8;
	[tilespmem:$0x1EEF0] =	vst v63  }
0x3ce: {  	s29 =	rddreg [dreg:$0xa]  }
0x3cf: {  	[tilespmem:s12], [sflag:$0x3] =	stream.indirect.gather [spmem:s3], $0x40, s29, s23, $0xb8;
	[tilespmem:$0x1EEF0] =	vst v63  }
0x3d0: {  	_ =	swait.ge [sflag:s14], $0x2000  }
0x3d1: {  	[sflag:s14] =	ssyncset.done $0x0  }
0x3d2: {  	[sflag:s14] =	ssyncadd.s32 $0xFFFFE000  }
0x3d3: {  	[spmem:s2] =	stream.indirect.scatter.add.f32 [tilespmem:s24], [sflag:$0x4], $0x40, s0, s23, $0xb8;
	[tilespmem:$0x1EEF0] =	vst v63  }
0x3d4: {  	_ =	swait.ge [sflag:s16], $0x2000  }
0x3d5: {  	[sflag:s16] =	ssyncset.done $0x0  }
0x3d6: {  	s5 =	rddreg [dreg:$0xb];
	[sflag:s16] =	ssyncadd.s32 $0xFFFFE000  }
0x3d7: {  	[tilespmem:s24], [sflag:$0x1] =	stream.indirect.gather [spmem:s3], $0x40, s5, s23, $0xb8;
	[tilespmem:$0x1EEF0] =	vst v63  }
0x3d8: {  	_ =	swait.ge [sflag:s1], $0x2000  }
0x3d9: {  	[sflag:s1] =	ssyncset.done $0x0  }
0x3da: {  	[sflag:s1] =	ssyncadd.s32 $0xFFFFE000  }
0x3db: {  	[spmem:s2] =	stream.indirect.scatter.add.f32 [tilespmem:s9], [sflag:$0x5], $0x40, s30, s23, $0xb8;
	[tilespmem:$0x1EEF0] =	vst v63  }
0x3dc: {  	_ =	swait.ge [sflag:s31], $0x2000  }
0x3dd: {  	[sflag:s31] =	ssyncset.done $0x0  }
0x3de: {  	s5 =	rddreg [dreg:$0xc];
	[sflag:s31] =	ssyncadd.s32 $0xFFFFE000  }
0x3df: {  	[tilespmem:s9], [sflag:$0x2] =	stream.indirect.gather [spmem:s3], $0x40, s5, s23, $0xb8;
	[tilespmem:$0x1EEF0] =	vst v63  }
0x3e0: {  	_ =	swait.ge [sflag:s17], $0x2000  }
0x3e1: {  	[sflag:s17] =	ssyncset.done $0x0  }
0x3e2: {  	s5 =	simm.s32 $0x141A0;
	[sflag:s17] =	ssyncadd.s32 $0xFFFFE000  }
0x3e3: {  	[spmem:s2] =	stream.indirect.scatter.add.f32 [tilespmem:s12], [sflag:$0x6], $0x40, s5, s23, $0xb8;
	[tilespmem:$0x1EEF0] =	vst v63  }
0x3e4: {  	_ =	swait.ge [sflag:s25], $0x2000  }
0x3e5: {  	[sflag:s25] =	ssyncset.done $0x0  }
0x3e6: {  	s5 =	rddreg [dreg:$0xd];
	[sflag:s25] =	ssyncadd.s32 $0xFFFFE000  }
0x3e7: {  	[tilespmem:s12], [sflag:$0x3] =	stream.indirect.gather [spmem:s3], $0x40, s5, s23, $0xb8;
	[tilespmem:$0x1EEF0] =	vst v63  }
0x3e8: {  	_ =	swait.ge [sflag:s14], $0x2000  }
0x3e9: {  	[sflag:s14] =	ssyncset.done $0x0  }
0x3ea: {  	[sflag:s14] =	ssyncadd.s32 $0xFFFFE000  }
0x3eb: {  	[spmem:s2] =	stream.indirect.scatter.add.f32 [tilespmem:s24], [sflag:$0x4], $0x40, s10, s23, $0xb8;
	[tilespmem:$0x1EEF0] =	vst v63  }
0x3ec: {  	_ =	swait.ge [sflag:s16], $0x2000  }
0x3ed: {  	[sflag:s16] =	ssyncset.done $0x0  }
0x3ee: {  	s5 =	rddreg [dreg:$0xe];
	[sflag:s16] =	ssyncadd.s32 $0xFFFFE000  }
0x3ef: {  	[tilespmem:s24], [sflag:$0x1] =	stream.indirect.gather [spmem:s3], $0x40, s5, s23, $0xb8;
	[tilespmem:$0x1EEF0] =	vst v63  }
0x3f0: {  	_ =	swait.ge [sflag:s1], $0x2000  }
0x3f1: {  	[sflag:s1] =	ssyncset.done $0x0  }
0x3f2: {  	[sflag:s1] =	ssyncadd.s32 $0xFFFFE000  }
0x3f3: {  	[spmem:s2] =	stream.indirect.scatter.add.f32 [tilespmem:s9], [sflag:$0x5], $0x40, s18, s23, $0xb8;
	[tilespmem:$0x1EEF0] =	vst v63  }
0x3f4: {  	_ =	swait.ge [sflag:s31], $0x2000  }
0x3f5: {  	[sflag:s31] =	ssyncset.done $0x0  }
0x3f6: {  	s5 =	rddreg [dreg:$0xf];
	[sflag:s31] =	ssyncadd.s32 $0xFFFFE000  }
0x3f7: {  	[tilespmem:s9], [sflag:$0x2] =	stream.indirect.gather [spmem:s3], $0x40, s5, s23, $0xb8;
	[tilespmem:$0x1EEF0] =	vst v63  }
0x3f8: {  	_ =	swait.ge [sflag:s17], $0x2000  }
0x3f9: {  	[sflag:s17] =	ssyncset.done $0x0  }
0x3fa: {  	[sflag:s17] =	ssyncadd.s32 $0xFFFFE000  }
0x3fb: {  	[spmem:s2] =	stream.indirect.scatter.add.f32 [tilespmem:s12], [sflag:$0x6], $0x40, s19, s23, $0xb8;
	[tilespmem:$0x1EEF0] =	vst v63  }
0x3fc: {  	_ =	swait.ge [sflag:s25], $0x2000  }
0x3fd: {  	[sflag:s25] =	ssyncset.done $0x0  }
0x3fe: {  	s5 =	rddreg [dreg:$0x10];
	[sflag:s25] =	ssyncadd.s32 $0xFFFFE000  }
0x3ff: {  	[tilespmem:s12], [sflag:$0x3] =	stream.indirect.gather [spmem:s3], $0x40, s5, s23, $0xb8;
	[tilespmem:$0x1EEF0] =	vst v63  }
0x400: {  	_ =	swait.ge [sflag:s14], $0x2000  }
0x401: {  	[sflag:s14] =	ssyncset.done $0x0  }
0x402: {  	[sflag:s14] =	ssyncadd.s32 $0xFFFFE000  }
0x403: {  	[spmem:s2] =	stream.indirect.scatter.add.f32 [tilespmem:s24], [sflag:$0x4], $0x40, s21, s23, $0xb8;
	[tilespmem:$0x1EEF0] =	vst v63  }
0x404: {  	_ =	swait.ge [sflag:s16], $0x2000  }
0x405: {  	[sflag:s16] =	ssyncset.done $0x0  }
0x406: {  	s5 =	rddreg [dreg:$0x11];
	[sflag:s16] =	ssyncadd.s32 $0xFFFFE000  }
0x407: {  	[tilespmem:s24], [sflag:$0x1] =	stream.indirect.gather [spmem:s3], $0x40, s5, s23, $0xb8;
	[tilespmem:$0x1EEF0] =	vst v63  }
0x408: {  	_ =	swait.ge [sflag:s1], $0x2000  }
0x409: {  	[sflag:s1] =	ssyncset.done $0x0  }
0x40a: {  	[sflag:s1] =	ssyncadd.s32 $0xFFFFE000  }
0x40b: {  	[spmem:s2] =	stream.indirect.scatter.add.f32 [tilespmem:s9], [sflag:$0x5], $0x40, s6, s23, $0xb8;
	[tilespmem:$0x1EEF0] =	vst v63  }
0x40c: {  	_ =	swait.ge [sflag:s31], $0x2000  }
0x40d: {  	[sflag:s31] =	ssyncset.done $0x0  }
0x40e: {  	s5 =	rddreg [dreg:$0x12];
	[sflag:s31] =	ssyncadd.s32 $0xFFFFE000  }
0x40f: {  	[tilespmem:s9], [sflag:$0x2] =	stream.indirect.gather [spmem:s3], $0x40, s5, s23, $0xb8;
	[tilespmem:$0x1EEF0] =	vst v63  }
0x410: {  	_ =	swait.ge [sflag:s17], $0x2000  }
0x411: {  	[sflag:s17] =	ssyncset.done $0x0  }
0x412: {  	[sflag:s17] =	ssyncadd.s32 $0xFFFFE000  }
0x413: {  	[spmem:s2] =	stream.indirect.scatter.add.f32 [tilespmem:s12], [sflag:$0x6], $0x40, s8, s23, $0xb8;
	[tilespmem:$0x1EEF0] =	vst v63  }
0x414: {  	_ =	swait.ge [sflag:s25], $0x2000  }
0x415: {  	[sflag:s25] =	ssyncset.done $0x0  }
0x416: {  	s5 =	rddreg [dreg:$0x13];
	[sflag:s25] =	ssyncadd.s32 $0xFFFFE000  }
0x417: {  	[tilespmem:s12], [sflag:$0x3] =	stream.indirect.gather [spmem:s3], $0x40, s5, s23, $0xb8;
	[tilespmem:$0x1EEF0] =	vst v63  }
0x418: {  	_ =	swait.ge [sflag:s14], $0x2000  }
0x419: {  	[sflag:s14] =	ssyncset.done $0x0  }
0x41a: {  	[sflag:s14] =	ssyncadd.s32 $0xFFFFE000  }
0x41b: {  	[spmem:s2] =	stream.indirect.scatter.add.f32 [tilespmem:s24], [sflag:$0x4], $0x40, s11, s23, $0xb8;
	[tilespmem:$0x1EEF0] =	vst v63  }
0x41c: {  	_ =	swait.ge [sflag:s16], $0x2000  }
0x41d: {  	[sflag:s16] =	ssyncset.done $0x0  }
0x41e: {  	s5 =	rddreg [dreg:$0x14];
	[sflag:s16] =	ssyncadd.s32 $0xFFFFE000  }
0x41f: {  	[tilespmem:s24], [sflag:$0x1] =	stream.indirect.gather [spmem:s3], $0x40, s5, s23, $0xb8;
	[tilespmem:$0x1EEF0] =	vst v63  }
0x420: {  	_ =	swait.ge [sflag:s1], $0x2000  }
0x421: {  	[sflag:s1] =	ssyncset.done $0x0  }
0x422: {  	[sflag:s1] =	ssyncadd.s32 $0xFFFFE000  }
0x423: {  	[spmem:s2] =	stream.indirect.scatter.add.f32 [tilespmem:s9], [sflag:$0x5], $0x40, s13, s23, $0xb8;
	[tilespmem:$0x1EEF0] =	vst v63  }
0x424: {  	_ =	swait.ge [sflag:s31], $0x2000  }
0x425: {  	[sflag:s31] =	ssyncset.done $0x0  }
0x426: {  	s5 =	rddreg [dreg:$0x15];
	[sflag:s31] =	ssyncadd.s32 $0xFFFFE000  }
0x427: {  	[tilespmem:s9], [sflag:$0x2] =	stream.indirect.gather [spmem:s3], $0x40, s5, s23, $0xb8;
	[tilespmem:$0x1EEF0] =	vst v63  }
0x428: {  	_ =	swait.ge [sflag:s17], $0x2000  }
0x429: {  	[sflag:s17] =	ssyncset.done $0x0  }
0x42a: {  	s5 =	simm.s32 $0x14620;
	[sflag:s17] =	ssyncadd.s32 $0xFFFFE000  }
0x42b: {  	[spmem:s2] =	stream.indirect.scatter.add.f32 [tilespmem:s12], [sflag:$0x6], $0x40, s5, s23, $0xb8;
	[tilespmem:$0x1EEF0] =	vst v63  }
0x42c: {  	_ =	swait.ge [sflag:s25], $0x2000  }
0x42d: {  	[sflag:s25] =	ssyncset.done $0x0  }
0x42e: {  	s5 =	rddreg [dreg:$0x16];
	[sflag:s25] =	ssyncadd.s32 $0xFFFFE000  }
0x42f: {  	[tilespmem:s12], [sflag:$0x3] =	stream.indirect.gather [spmem:s3], $0x40, s5, s23, $0xb8;
	[tilespmem:$0x1EEF0] =	vst v63  }
0x430: {  	_ =	swait.ge [sflag:s14], $0x2000  }
0x431: {  	[sflag:s14] =	ssyncset.done $0x0  }
0x432: {  	[sflag:s14] =	ssyncadd.s32 $0xFFFFE000  }
0x433: {  	[spmem:s2] =	stream.indirect.scatter.add.f32 [tilespmem:s24], [sflag:$0x4], $0x40, s15, s23, $0xb8;
	[tilespmem:$0x1EEF0] =	vst v63  }
0x434: {  	_ =	swait.ge [sflag:s16], $0x2000  }
0x435: {  	[sflag:s16] =	ssyncset.done $0x0  }
0x436: {  	s5 =	rddreg [dreg:$0x17];
	[sflag:s16] =	ssyncadd.s32 $0xFFFFE000  }
0x437: {  	[tilespmem:s24], [sflag:$0x1] =	stream.indirect.gather [spmem:s3], $0x40, s5, s23, $0xb8;
	[tilespmem:$0x1EEF0] =	vst v63  }
0x438: {  	_ =	swait.ge [sflag:s1], $0x2000  }
0x439: {  	[sflag:s1] =	ssyncset.done $0x0  }
0x43a: {  	s5 =	simm.s32 $0x14720;
	[sflag:s1] =	ssyncadd.s32 $0xFFFFE000  }
0x43b: {  	[spmem:s2] =	stream.indirect.scatter.add.f32 [tilespmem:s9], [sflag:$0x5], $0x40, s5, s23, $0xb8;
	[tilespmem:$0x1EEF0] =	vst v63  }
0x43c: {  	_ =	swait.ge [sflag:s17], $0x2000  }
0x43d: {  	[sflag:s17] =	ssyncset.done $0x0  }
0x43e: {  	s5 =	simm.s32 $0x147A0;
	[sflag:s17] =	ssyncadd.s32 $0xFFFFE000  }
0x43f: {  	[spmem:s2] =	stream.indirect.scatter.add.f32 [tilespmem:s12], [sflag:$0x6], $0x40, s5, s23, $0xb8;
	[tilespmem:$0x1EEF0] =	vst v63  }
0x440: {  	_ =	swait.ge [sflag:s14], $0x2000  }
0x441: {  	[sflag:s14] =	ssyncset.done $0x0  }
0x442: {  	s5 =	simm.s32 $0x14820;
	[sflag:s14] =	ssyncadd.s32 $0xFFFFE000  }
0x443: {  	[spmem:s2] =	stream.indirect.scatter.add.f32 [tilespmem:s24], [sflag:$0x4], $0x40, s5, s23, $0xb8;
	[tilespmem:$0x1EEF0] =	vst v63  }
0x444: {  	_ =	swait.ge [sflag:s16], $0x2000  }
0x445: {  	[sflag:s16] =	ssyncset.done $0x0  }
0x446: {  	p2 =	sne.s32 s28, $0x900;
	[sflag:s16] =	ssyncadd.s32 $0xFFFFE000  }
.Ltmp8:
0x447: {  	_ =	swait.ge [sflag:s31], $0x2000;
	(pc) =	sbr.rel @p2 .LBB2_19-.Ltmp8, $4  }
0x448: {  	[sflag:s31] =	ssyncset.done $0x0  }
0x449: {  	[sflag:s31] =	ssyncadd.s32 $0xFFFFE000  }
0x44a: {  	_ =	swait.ge [sflag:s25], $0x2000  }
0x44b: {  	s28 =	sadd.s32 $0x100, s28;
	s29 =	rddreg [dreg:$0x8];
	[sflag:s25] =	ssyncset.done $0x0  }
0x44c: {  	[sflag:s25] =	ssyncadd.s32 $0xFFFFE000;
	s5 =	sadd.s32 s26, s29  }
0x44d: {  	[tilespmem:s4], [sflag:$0x7] =	stream.linear.gather [hbm4b:s5+s7], $0x800, $0x38;
	[tilespmem:$0x1EEF0] =	vst v63  }
0x44e: {  	_ =	swait.ge [sflag:s20], $0x800  }
0x44f: {  	[sflag:s20] =	ssyncset.done $0x0  }
0x450: {  	s22 =	sadd.s32 s26, s22;
	[sflag:s20] =	ssyncadd.s32 $0xFFFFF800  }
0x451: {  	[tilespmem:s0], [sflag:$0x7] =	stream.linear.gather [hbm4b:s22+s7], $0x800, $0x38;
	[tilespmem:$0x1EEF0] =	vst v63  }
0x452: {  	_ =	swait.ge [sflag:s20], $0x800  }
0x453: {  	[sflag:s20] =	ssyncset.done $0x0  }
0x454: {  	[sflag:s20] =	ssyncadd.s32 $0xFFFFF800  }
0x455: {  	[tilespmem:s24], [sflag:$0x1] =	stream.indirect.gather [spmem:s3], $0x40, s4, s23, $0xb8;
	[tilespmem:$0x1EEF0] =	vst v63  }
0x456: {  	s26 =	rddreg [dreg:$0x9]  }
0x457: {  	[tilespmem:s9], [sflag:$0x2] =	stream.indirect.gather [spmem:s3], $0x40, s26, s23, $0xb8;
	[tilespmem:$0x1EEF0] =	vst v63  }
0x458: {  	s29 =	rddreg [dreg:$0xa]  }
0x459: {  	[tilespmem:s12], [sflag:$0x3] =	stream.indirect.gather [spmem:s3], $0x40, s29, s23, $0xb8;
	[tilespmem:$0x1EEF0] =	vst v63  }
0x45a: {  	_ =	swait.ge [sflag:s14], $0x2000  }
0x45b: {  	[sflag:s14] =	ssyncset.done $0x0  }
0x45c: {  	[sflag:s14] =	ssyncadd.s32 $0xFFFFE000  }
0x45d: {  	[spmem:s2] =	stream.indirect.scatter.add.f32 [tilespmem:s24], [sflag:$0x4], $0x40, s0, s23, $0xb8;
	[tilespmem:$0x1EEF0] =	vst v63  }
0x45e: {  	_ =	swait.ge [sflag:s16], $0x2000  }
0x45f: {  	[sflag:s16] =	ssyncset.done $0x0  }
0x460: {  	s4 =	rddreg [dreg:$0xb];
	[sflag:s16] =	ssyncadd.s32 $0xFFFFE000  }
0x461: {  	[tilespmem:s24], [sflag:$0x1] =	stream.indirect.gather [spmem:s3], $0x40, s4, s23, $0xb8;
	[tilespmem:$0x1EEF0] =	vst v63  }
0x462: {  	_ =	swait.ge [sflag:s1], $0x2000  }
0x463: {  	[sflag:s1] =	ssyncset.done $0x0  }
0x464: {  	[sflag:s1] =	ssyncadd.s32 $0xFFFFE000  }
0x465: {  	[spmem:s2] =	stream.indirect.scatter.add.f32 [tilespmem:s9], [sflag:$0x5], $0x40, s30, s23, $0xb8;
	[tilespmem:$0x1EEF0] =	vst v63  }
0x466: {  	_ =	swait.ge [sflag:s31], $0x2000  }
0x467: {  	[sflag:s31] =	ssyncset.done $0x0  }
0x468: {  	s7 =	rddreg [dreg:$0xc];
	[sflag:s31] =	ssyncadd.s32 $0xFFFFE000  }
0x469: {  	[tilespmem:s9], [sflag:$0x2] =	stream.indirect.gather [spmem:s3], $0x40, s7, s23, $0xb8;
	[tilespmem:$0x1EEF0] =	vst v63  }
0x46a: {  	_ =	swait.ge [sflag:s17], $0x2000  }
0x46b: {  	[sflag:s17] =	ssyncset.done $0x0  }
0x46c: {  	s22 =	simm.s32 $0x141A0;
	[sflag:s17] =	ssyncadd.s32 $0xFFFFE000  }
0x46d: {  	[spmem:s2] =	stream.indirect.scatter.add.f32 [tilespmem:s12], [sflag:$0x6], $0x40, s22, s23, $0xb8;
	[tilespmem:$0x1EEF0] =	vst v63  }
0x46e: {  	_ =	swait.ge [sflag:s25], $0x2000  }
0x46f: {  	[sflag:s25] =	ssyncset.done $0x0  }
0x470: {  	s26 =	rddreg [dreg:$0xd];
	[sflag:s25] =	ssyncadd.s32 $0xFFFFE000  }
0x471: {  	[tilespmem:s12], [sflag:$0x3] =	stream.indirect.gather [spmem:s3], $0x40, s26, s23, $0xb8;
	[tilespmem:$0x1EEF0] =	vst v63  }
0x472: {  	_ =	swait.ge [sflag:s14], $0x2000  }
0x473: {  	[sflag:s14] =	ssyncset.done $0x0  }
0x474: {  	[sflag:s14] =	ssyncadd.s32 $0xFFFFE000  }
0x475: {  	[spmem:s2] =	stream.indirect.scatter.add.f32 [tilespmem:s24], [sflag:$0x4], $0x40, s10, s23, $0xb8;
	[tilespmem:$0x1EEF0] =	vst v63  }
0x476: {  	_ =	swait.ge [sflag:s16], $0x2000  }
0x477: {  	[sflag:s16] =	ssyncset.done $0x0  }
0x478: {  	s29 =	rddreg [dreg:$0xe];
	[sflag:s16] =	ssyncadd.s32 $0xFFFFE000  }
0x479: {  	[tilespmem:s24], [sflag:$0x1] =	stream.indirect.gather [spmem:s3], $0x40, s29, s23, $0xb8;
	[tilespmem:$0x1EEF0] =	vst v63  }
0x47a: {  	_ =	swait.ge [sflag:s1], $0x2000  }
0x47b: {  	[sflag:s1] =	ssyncset.done $0x0  }
0x47c: {  	[sflag:s1] =	ssyncadd.s32 $0xFFFFE000  }
0x47d: {  	[spmem:s2] =	stream.indirect.scatter.add.f32 [tilespmem:s9], [sflag:$0x5], $0x40, s18, s23, $0xb8;
	[tilespmem:$0x1EEF0] =	vst v63  }
0x47e: {  	_ =	swait.ge [sflag:s31], $0x2000  }
0x47f: {  	[sflag:s31] =	ssyncset.done $0x0  }
0x480: {  	s30 =	rddreg [dreg:$0xf];
	[sflag:s31] =	ssyncadd.s32 $0xFFFFE000  }
0x481: {  	[tilespmem:s9], [sflag:$0x2] =	stream.indirect.gather [spmem:s3], $0x40, s30, s23, $0xb8;
	[tilespmem:$0x1EEF0] =	vst v63  }
0x482: {  	_ =	swait.ge [sflag:s17], $0x2000  }
0x483: {  	[sflag:s17] =	ssyncset.done $0x0  }
0x484: {  	[sflag:s17] =	ssyncadd.s32 $0xFFFFE000  }
0x485: {  	[spmem:s2] =	stream.indirect.scatter.add.f32 [tilespmem:s12], [sflag:$0x6], $0x40, s19, s23, $0xb8;
	[tilespmem:$0x1EEF0] =	vst v63  }
0x486: {  	_ =	swait.ge [sflag:s25], $0x2000  }
0x487: {  	[sflag:s25] =	ssyncset.done $0x0  }
0x488: {  	s0 =	rddreg [dreg:$0x10];
	[sflag:s25] =	ssyncadd.s32 $0xFFFFE000  }
0x489: {  	[tilespmem:s12], [sflag:$0x3] =	stream.indirect.gather [spmem:s3], $0x40, s0, s23, $0xb8;
	[tilespmem:$0x1EEF0] =	vst v63  }
0x48a: {  	_ =	swait.ge [sflag:s14], $0x2000  }
0x48b: {  	[sflag:s14] =	ssyncset.done $0x0  }
0x48c: {  	[sflag:s14] =	ssyncadd.s32 $0xFFFFE000  }
0x48d: {  	[spmem:s2] =	stream.indirect.scatter.add.f32 [tilespmem:s24], [sflag:$0x4], $0x40, s21, s23, $0xb8;
	[tilespmem:$0x1EEF0] =	vst v63  }
0x48e: {  	_ =	swait.ge [sflag:s16], $0x2000  }
0x48f: {  	[sflag:s16] =	ssyncset.done $0x0  }
0x490: {  	s4 =	rddreg [dreg:$0x11];
	[sflag:s16] =	ssyncadd.s32 $0xFFFFE000  }
0x491: {  	[tilespmem:s24], [sflag:$0x1] =	stream.indirect.gather [spmem:s3], $0x40, s4, s23, $0xb8;
	[tilespmem:$0x1EEF0] =	vst v63  }
0x492: {  	_ =	swait.ge [sflag:s1], $0x2000  }
0x493: {  	[sflag:s1] =	ssyncset.done $0x0  }
0x494: {  	[sflag:s1] =	ssyncadd.s32 $0xFFFFE000  }
0x495: {  	[spmem:s2] =	stream.indirect.scatter.add.f32 [tilespmem:s9], [sflag:$0x5], $0x40, s6, s23, $0xb8;
	[tilespmem:$0x1EEF0] =	vst v63  }
0x496: {  	_ =	swait.ge [sflag:s31], $0x2000  }
0x497: {  	[sflag:s31] =	ssyncset.done $0x0  }
0x498: {  	s7 =	rddreg [dreg:$0x12];
	[sflag:s31] =	ssyncadd.s32 $0xFFFFE000  }
0x499: {  	[tilespmem:s9], [sflag:$0x2] =	stream.indirect.gather [spmem:s3], $0x40, s7, s23, $0xb8;
	[tilespmem:$0x1EEF0] =	vst v63  }
0x49a: {  	_ =	swait.ge [sflag:s17], $0x2000  }
0x49b: {  	[sflag:s17] =	ssyncset.done $0x0  }
0x49c: {  	[sflag:s17] =	ssyncadd.s32 $0xFFFFE000  }
0x49d: {  	[spmem:s2] =	stream.indirect.scatter.add.f32 [tilespmem:s12], [sflag:$0x6], $0x40, s8, s23, $0xb8;
	[tilespmem:$0x1EEF0] =	vst v63  }
0x49e: {  	_ =	swait.ge [sflag:s25], $0x2000  }
0x49f: {  	[sflag:s25] =	ssyncset.done $0x0  }
0x4a0: {  	s10 =	rddreg [dreg:$0x13];
	[sflag:s25] =	ssyncadd.s32 $0xFFFFE000  }
0x4a1: {  	[tilespmem:s12], [sflag:$0x3] =	stream.indirect.gather [spmem:s3], $0x40, s10, s23, $0xb8;
	[tilespmem:$0x1EEF0] =	vst v63  }
0x4a2: {  	_ =	swait.ge [sflag:s14], $0x2000  }
0x4a3: {  	[sflag:s14] =	ssyncset.done $0x0  }
0x4a4: {  	[sflag:s14] =	ssyncadd.s32 $0xFFFFE000  }
0x4a5: {  	[spmem:s2] =	stream.indirect.scatter.add.f32 [tilespmem:s24], [sflag:$0x4], $0x40, s11, s23, $0xb8;
	[tilespmem:$0x1EEF0] =	vst v63  }
0x4a6: {  	_ =	swait.ge [sflag:s16], $0x2000  }
0x4a7: {  	[sflag:s16] =	ssyncset.done $0x0  }
0x4a8: {  	s11 =	rddreg [dreg:$0x14];
	[sflag:s16] =	ssyncadd.s32 $0xFFFFE000  }
0x4a9: {  	[tilespmem:s24], [sflag:$0x1] =	stream.indirect.gather [spmem:s3], $0x40, s11, s23, $0xb8;
	[tilespmem:$0x1EEF0] =	vst v63  }
0x4aa: {  	_ =	swait.ge [sflag:s1], $0x2000  }
0x4ab: {  	[sflag:s1] =	ssyncset.done $0x0  }
0x4ac: {  	[sflag:s1] =	ssyncadd.s32 $0xFFFFE000  }
0x4ad: {  	[spmem:s2] =	stream.indirect.scatter.add.f32 [tilespmem:s9], [sflag:$0x5], $0x40, s13, s23, $0xb8;
	[tilespmem:$0x1EEF0] =	vst v63  }
0x4ae: {  	_ =	swait.ge [sflag:s31], $0x2000  }
0x4af: {  	[sflag:s31] =	ssyncset.done $0x0  }
0x4b0: {  	s18 =	rddreg [dreg:$0x15];
	[sflag:s31] =	ssyncadd.s32 $0xFFFFE000  }
0x4b1: {  	[tilespmem:s9], [sflag:$0x2] =	stream.indirect.gather [spmem:s3], $0x40, s18, s23, $0xb8;
	[tilespmem:$0x1EEF0] =	vst v63  }
0x4b2: {  	_ =	swait.ge [sflag:s17], $0x2000  }
0x4b3: {  	[sflag:s17] =	ssyncset.done $0x0  }
0x4b4: {  	s19 =	simm.s32 $0x14620;
	[sflag:s17] =	ssyncadd.s32 $0xFFFFE000  }
0x4b5: {  	[spmem:s2] =	stream.indirect.scatter.add.f32 [tilespmem:s12], [sflag:$0x6], $0x40, s19, s23, $0xb8;
	[tilespmem:$0x1EEF0] =	vst v63  }
0x4b6: {  	_ =	swait.ge [sflag:s25], $0x2000  }
0x4b7: {  	[sflag:s25] =	ssyncset.done $0x0  }
0x4b8: {  	s21 =	rddreg [dreg:$0x16];
	[sflag:s25] =	ssyncadd.s32 $0xFFFFE000  }
0x4b9: {  	[tilespmem:s12], [sflag:$0x3] =	stream.indirect.gather [spmem:s3], $0x40, s21, s23, $0xb8;
	[tilespmem:$0x1EEF0] =	vst v63  }
0x4ba: {  	_ =	swait.ge [sflag:s14], $0x2000  }
0x4bb: {  	[sflag:s14] =	ssyncset.done $0x0  }
0x4bc: {  	[sflag:s14] =	ssyncadd.s32 $0xFFFFE000  }
0x4bd: {  	[spmem:s2] =	stream.indirect.scatter.add.f32 [tilespmem:s24], [sflag:$0x4], $0x40, s15, s23, $0xb8;
	[tilespmem:$0x1EEF0] =	vst v63  }
0x4be: {  	_ =	swait.ge [sflag:s16], $0x2000  }
0x4bf: {  	[sflag:s16] =	ssyncset.done $0x0  }
0x4c0: {  	s22 =	rddreg [dreg:$0x17];
	[sflag:s16] =	ssyncadd.s32 $0xFFFFE000  }
0x4c1: {  	[tilespmem:s24], [sflag:$0x1] =	stream.indirect.gather [spmem:s3], $0x40, s22, s23, $0xb8;
	[tilespmem:$0x1EEF0] =	vst v63  }
0x4c2: {  	_ =	swait.ge [sflag:s1], $0x2000  }
0x4c3: {  	[sflag:s1] =	ssyncset.done $0x0  }
0x4c4: {  	s26 =	simm.s32 $0x14720;
	[sflag:s1] =	ssyncadd.s32 $0xFFFFE000  }
0x4c5: {  	[spmem:s2] =	stream.indirect.scatter.add.f32 [tilespmem:s9], [sflag:$0x5], $0x40, s26, s23, $0xb8;
	[tilespmem:$0x1EEF0] =	vst v63  }
0x4c6: {  	_ =	swait.ge [sflag:s17], $0x2000  }
0x4c7: {  	[sflag:s17] =	ssyncset.done $0x0  }
0x4c8: {  	s29 =	simm.s32 $0x147A0;
	[sflag:s17] =	ssyncadd.s32 $0xFFFFE000  }
0x4c9: {  	[spmem:s2] =	stream.indirect.scatter.add.f32 [tilespmem:s12], [sflag:$0x6], $0x40, s29, s23, $0xb8;
	[tilespmem:$0x1EEF0] =	vst v63  }
0x4ca: {  	_ =	swait.ge [sflag:s14], $0x2000  }
0x4cb: {  	[sflag:s14] =	ssyncset.done $0x0  }
0x4cc: {  	s30 =	simm.s32 $0x14820;
	[sflag:s14] =	ssyncadd.s32 $0xFFFFE000  }
0x4cd: {  	[spmem:s2] =	stream.indirect.scatter.add.f32 [tilespmem:s24], [sflag:$0x4], $0x40, s30, s23, $0xb8;
	[tilespmem:$0x1EEF0] =	vst v63  }
0x4ce: {  	_ =	swait.ge [sflag:s16], $0x2000  }
0x4cf: {  	[sflag:s16] =	ssyncset.done $0x0  }
0x4d0: {  	[sflag:s16] =	ssyncadd.s32 $0xFFFFE000  }
0x4d1: {  	_ =	swait.ge [sflag:s31], $0x2000  }
0x4d2: {  	[sflag:s31] =	ssyncset.done $0x0  }
0x4d3: {  	[sflag:s31] =	ssyncadd.s32 $0xFFFFE000  }
0x4d4: {  	_ =	swait.ge [sflag:s25], $0x2000  }
0x4d5: {  	[sflag:s25] =	ssyncset.done $0x0  }
0x4d6: {  	s28 =	simm.s32 $0x100;
	s4 =	simm.s32 $0x140A0;
	[sflag:s25] =	ssyncadd.s32 $0xFFFFE000  }
0x4d7: {  	s6 =	simm.s32 $0x138A0;
	s26 =	simm.s32 $0x0;
	[bflag:$0x0] =	sbarrier.arrive $0xFFFF  }
.LBB2_21:
0x4d8: {  	p2 =	sne.s32 s28, $0x7F00;
	[tilespmem:s26+$0x148D0] =	vst v1;
	s5 =	smov.u32 s28;
	s28 =	sadd.s32 $0x100, s28  }
.Ltmp9:
0x4d9: {  	[tilespmem:s26+$0x148C0] =	vst v1;
	(pc) =	sbr.rel @p2 .LBB2_21-.Ltmp9, $3  }
0x4da: {  	[tilespmem:s26+$0x148A0] =	vst v1  }
0x4db: {  	[tilespmem:s26+$0x148B0] =	vst v1;
	_ =	sdelay $0x1  }
0x4dc: {  	s26 =	sshra.s32 s5, $0x2  }
0x4dd: {  	[tilespmem:s26+$0x148D0] =	vst v1  }
0x4de: {  	[tilespmem:s26+$0x148C0] =	vst v1;
	s5 =	sld [smem:$0x7F1]  }
0x4df: {  	[tilespmem:s26+$0x148A0] =	vst v1  }
0x4e0: {  	[tilespmem:s26+$0x148B0] =	vst v1;
	s22 =	simm.s32 $0x1A8A0  }
0x4e1: {  	[tilespmem:s22], [sflag:$0x7] =	stream.linear.gather [spmem:s5], $0x1F40, $0x38;
	[tilespmem:$0x1EEF0] =	vst v63  }
0x4e2: {  	_ =	swait.ge [sflag:s20], $0x1F40  }
0x4e3: {  	[sflag:s20] =	ssyncset.done $0x0  }
0x4e4: {  	[sflag:s20] =	ssyncadd.s32 $0xFFFFE0C0  }
0x4e5: {  	[spmem:s5] =	stream.linear.scatter [tilespmem:s24], [sflag:$0x7], $0x1F40, $0x38;
	[tilespmem:$0x1EEF0] =	vst v63  }
0x4e6: {  	_ =	swait.ge [sflag:s20], $0x1F40  }
0x4e7: {  	[sflag:s20] =	ssyncset.done $0x0  }
0x4e8: {  	s26 =	simm.s32 $0x1A8C0;
	[sflag:s20] =	ssyncadd.s32 $0xFFFFE0C0  }
0x4e9: {  	v2 =	vld [tilespmem:s26+$0xFFFFFFF0]  }
0x4ea: {  	v4 =	vld [tilespmem:s26+$0x10]  }
0x4eb: {  	s30 =	simm.s32 $0x0;
	v3 =	vld [tilespmem:s26+$0xFFFFFFE0]  }
0x4ec: {  	v6 =	vld [tilespmem:s30+$0x1C7E0]  }
0x4ed: {  	v7 =	vld [tilespmem:s26+$0x0];
	_ =	sdelay $0x3  }
0x4ee: {  	v3 =	vmul.f32 v3, v6;
	v5 =	vmul.f32 v4, v6  }
0x4ef: {  	s28 =	simm.s32 $0x40;
	s29 =	simm.s32 $0x1A8C0;
	s7 =	sld [smem:$0x7E1];
	v4 =	vmul.f32 v2, v6;
	v2 =	vmul.f32 v7, v6  }
.LBB2_23:
0x4f0: {  	p2 =	sne.s32 s28, $0x1F00  }
0x4f1: {  	[tilespmem:s26+$0x10] =	vst v5;
	s29 =	sadd.s32 $0x40, s29;
	s5 =	smov.u32 s28;
	s28 =	sadd.s32 $0x40, s28  }
0x4f2: {  	v6 =	vld [tilespmem:s29+$0xFFFFFFF0];
	[tilespmem:s26+$0xFFFFFFE0] =	vst v3  }
0x4f3: {  	v5 =	vld [tilespmem:s29+$0x10];
	[tilespmem:s26+$0xFFFFFFF0] =	vst v4  }
0x4f4: {  	s5 =	sshra.s32 s5, $0x2;
	v3 =	vld [tilespmem:s29+$0xFFFFFFE0];
	[tilespmem:s26+$0x0] =	vst v2;
	s26 =	smov.u32 s29  }
0x4f5: {  	v2 =	vld [tilespmem:s5+$0x1C7E0]  }
0x4f6: {  	v7 =	vld [tilespmem:s29+$0x0]  }
.Ltmp10:
0x4f7: {  	(pc) =	sbr.rel @p2 .LBB2_23-.Ltmp10, $3  }
0x4f8: {  	_ =	sdelay $0x1  }
0x4f9: {  	v3 =	vmul.f32 v3, v2;
	v5 =	vmul.f32 v5, v2  }
0x4fa: {  	v4 =	vmul.f32 v6, v2;
	v2 =	vmul.f32 v7, v2  }
0x4fb: {  	[tilespmem:s26+$0x10] =	vst v5  }
0x4fc: {  	[tilespmem:s26+$0xFFFFFFE0] =	vst v3;
	s15 =	sld [smem:$0x7F2]  }
0x4fd: {  	s7 =	sadd.s32 $0x1, s7;
	[tilespmem:s26+$0xFFFFFFF0] =	vst v4  }
0x4fe: {  	s29 =	simm.s32 $0x1A8A0;
	[tilespmem:s26+$0x0] =	vst v2;
	s5 =	smul.u32 $0x138800, s7  }
0x4ff: {  	[spmem:s15] =	stream.linear.scatter [tilespmem:s29], [sflag:$0x7], $0x1F40, $0x38;
	[tilespmem:$0x1EEF0] =	vst v63  }
0x500: {  	s18 =	rddreg [dreg:$0x1a];
	_ =	swait.ge [sflag:s20], $0x1F40  }
0x501: {  	s26 =	sadd.s32 s18, s5;
	s19 =	rddreg [dreg:$0x19];
	[sflag:s20] =	ssyncset.done $0x0  }
0x502: {  	s5 =	sadd.s32 s19, s26;
	[sflag:s20] =	ssyncadd.s32 $0xFFFFE0C0  }
0x503: {  	s5 =	sshrl.u32 s5, $0x3;
	s28 =	rddreg [dreg:$0x3]  }
0x504: {  	s5 =	sadd.s32 s28, s5;
	s28 =	simm.s32 $0x0  }
0x505: {  	[hbm4b:s5+s28] =	stream.linear.scatter [tilespmem:s29], [sflag:$0x7], $0x1F40, $0x38;
	[tilespmem:$0x1EEF0] =	vst v63  }
0x506: {  	_ =	swait.ge [sflag:s20], $0x1F40  }
0x507: {  	s21 =	sld [smem:$0x7F3]  }
0x508: {  	[sflag:s20] =	ssyncset.done $0x0  }
0x509: {  	[sflag:s20] =	ssyncadd.s32 $0xFFFFE0C0  }
0x50a: {  	[tilespmem:s29], [sflag:$0x7] =	stream.linear.gather [spmem:s21], $0x1F40, $0x38;
	[tilespmem:$0x1EEF0] =	vst v63  }
0x50b: {  	_ =	swait.ge [sflag:s20], $0x1F40  }
0x50c: {  	[sflag:s20] =	ssyncset.done $0x0  }
0x50d: {  	[sflag:s20] =	ssyncadd.s32 $0xFFFFE0C0  }
0x50e: {  	[spmem:s21] =	stream.linear.scatter [tilespmem:s24], [sflag:$0x7], $0x1F40, $0x38;
	[tilespmem:$0x1EEF0] =	vst v63  }
0x50f: {  	_ =	swait.ge [sflag:s20], $0x1F40  }
0x510: {  	[sflag:s20] =	ssyncset.done $0x0  }
0x511: {  	s28 =	simm.s32 $0x1A8C0;
	[sflag:s20] =	ssyncadd.s32 $0xFFFFE0C0  }
0x512: {  	v2 =	vld [tilespmem:s28+$0xFFFFFFF0]  }
0x513: {  	v4 =	vld [tilespmem:s28+$0x10]  }
0x514: {  	s22 =	simm.s32 $0x0;
	v3 =	vld [tilespmem:s28+$0xFFFFFFE0]  }
0x515: {  	v6 =	vld [tilespmem:s22+$0x1CFB0]  }
0x516: {  	v7 =	vld [tilespmem:s28+$0x0];
	_ =	sdelay $0x3  }
0x517: {  	v3 =	vmul.f32 v3, v6;
	v5 =	vmul.f32 v4, v6  }
0x518: {  	s30 =	simm.s32 $0x1A8C0;
	s0 =	simm.s32 $0x0;
	s29 =	simm.s32 $0x40;
	v4 =	vmul.f32 v2, v6;
	v2 =	vmul.f32 v7, v6  }
.LBB2_25:
0x519: {  	p2 =	sne.s32 s29, $0x1F00  }
0x51a: {  	[tilespmem:s28+$0x10] =	vst v5;
	s30 =	sadd.s32 $0x40, s30;
	s5 =	smov.u32 s29;
	s29 =	sadd.s32 $0x40, s29  }
0x51b: {  	v6 =	vld [tilespmem:s30+$0xFFFFFFF0];
	[tilespmem:s28+$0xFFFFFFE0] =	vst v3  }
0x51c: {  	v5 =	vld [tilespmem:s30+$0x10];
	[tilespmem:s28+$0xFFFFFFF0] =	vst v4  }
0x51d: {  	s5 =	sshra.s32 s5, $0x2;
	v3 =	vld [tilespmem:s30+$0xFFFFFFE0];
	[tilespmem:s28+$0x0] =	vst v2;
	s28 =	smov.u32 s30  }
0x51e: {  	v2 =	vld [tilespmem:s5+$0x1CFB0]  }
0x51f: {  	v7 =	vld [tilespmem:s30+$0x0]  }
.Ltmp11:
0x520: {  	(pc) =	sbr.rel @p2 .LBB2_25-.Ltmp11, $3  }
0x521: {  	_ =	sdelay $0x1  }
0x522: {  	v3 =	vmul.f32 v3, v2;
	v5 =	vmul.f32 v5, v2  }
0x523: {  	v4 =	vmul.f32 v6, v2;
	v2 =	vmul.f32 v7, v2  }
0x524: {  	[tilespmem:s28+$0x10] =	vst v5  }
0x525: {  	[tilespmem:s28+$0xFFFFFFE0] =	vst v3;
	s5 =	sld [smem:$0x7F4]  }
0x526: {  	[tilespmem:s28+$0xFFFFFFF0] =	vst v4  }
0x527: {  	s29 =	simm.s32 $0x1A8A0;
	[tilespmem:s28+$0x0] =	vst v2  }
0x528: {  	[spmem:s5] =	stream.linear.scatter [tilespmem:s29], [sflag:$0x7], $0x1F40, $0x38;
	[tilespmem:$0x1EEF0] =	vst v63  }
0x529: {  	_ =	swait.ge [sflag:s20], $0x1F40  }
0x52a: {  	s19 =	rddreg [dreg:$0x1e];
	[sflag:s20] =	ssyncset.done $0x0  }
0x52b: {  	s5 =	sadd.s32 s19, s26;
	[sflag:s20] =	ssyncadd.s32 $0xFFFFE0C0  }
0x52c: {  	s5 =	sshrl.u32 s5, $0x3;
	s28 =	rddreg [dreg:$0x3]  }
0x52d: {  	s5 =	sadd.s32 s28, s5;
	s28 =	simm.s32 $0x0  }
0x52e: {  	[hbm4b:s5+s28] =	stream.linear.scatter [tilespmem:s29], [sflag:$0x7], $0x1F40, $0x38;
	[tilespmem:$0x1EEF0] =	vst v63  }
0x52f: {  	_ =	swait.ge [sflag:s20], $0x1F40  }
0x530: {  	s21 =	sld [smem:$0x7F5]  }
0x531: {  	[sflag:s20] =	ssyncset.done $0x0  }
0x532: {  	[sflag:s20] =	ssyncadd.s32 $0xFFFFE0C0  }
0x533: {  	[tilespmem:s29], [sflag:$0x7] =	stream.linear.gather [spmem:s21], $0x1F40, $0x38;
	[tilespmem:$0x1EEF0] =	vst v63  }
0x534: {  	_ =	swait.ge [sflag:s20], $0x1F40  }
0x535: {  	[sflag:s20] =	ssyncset.done $0x0  }
0x536: {  	[sflag:s20] =	ssyncadd.s32 $0xFFFFE0C0  }
0x537: {  	[spmem:s21] =	stream.linear.scatter [tilespmem:s24], [sflag:$0x7], $0x1F40, $0x38;
	[tilespmem:$0x1EEF0] =	vst v63  }
0x538: {  	_ =	swait.ge [sflag:s20], $0x1F40  }
0x539: {  	[sflag:s20] =	ssyncset.done $0x0  }
0x53a: {  	s28 =	simm.s32 $0x1A8C0;
	[sflag:s20] =	ssyncadd.s32 $0xFFFFE0C0  }
0x53b: {  	v2 =	vld [tilespmem:s28+$0xFFFFFFF0]  }
0x53c: {  	v4 =	vld [tilespmem:s28+$0x10]  }
0x53d: {  	s22 =	simm.s32 $0x0;
	v3 =	vld [tilespmem:s28+$0xFFFFFFE0]  }
0x53e: {  	v6 =	vld [tilespmem:s22+$0x1D780]  }
0x53f: {  	v7 =	vld [tilespmem:s28+$0x0];
	_ =	sdelay $0x3  }
0x540: {  	v3 =	vmul.f32 v3, v6;
	v5 =	vmul.f32 v4, v6  }
0x541: {  	s30 =	simm.s32 $0x1A8C0;
	s29 =	simm.s32 $0x40;
	v4 =	vmul.f32 v2, v6;
	v2 =	vmul.f32 v7, v6  }
.LBB2_27:
0x542: {  	p2 =	sne.s32 s29, $0x1F00  }
0x543: {  	[tilespmem:s28+$0x10] =	vst v5;
	s30 =	sadd.s32 $0x40, s30;
	s5 =	smov.u32 s29;
	s29 =	sadd.s32 $0x40, s29  }
0x544: {  	v6 =	vld [tilespmem:s30+$0xFFFFFFF0];
	[tilespmem:s28+$0xFFFFFFE0] =	vst v3  }
0x545: {  	v5 =	vld [tilespmem:s30+$0x10];
	[tilespmem:s28+$0xFFFFFFF0] =	vst v4  }
0x546: {  	s5 =	sshra.s32 s5, $0x2;
	v3 =	vld [tilespmem:s30+$0xFFFFFFE0];
	[tilespmem:s28+$0x0] =	vst v2;
	s28 =	smov.u32 s30  }
0x547: {  	v2 =	vld [tilespmem:s5+$0x1D780]  }
0x548: {  	v7 =	vld [tilespmem:s30+$0x0]  }
.Ltmp12:
0x549: {  	(pc) =	sbr.rel @p2 .LBB2_27-.Ltmp12, $3  }
0x54a: {  	_ =	sdelay $0x1  }
0x54b: {  	v3 =	vmul.f32 v3, v2;
	v5 =	vmul.f32 v5, v2  }
0x54c: {  	v4 =	vmul.f32 v6, v2;
	v2 =	vmul.f32 v7, v2  }
0x54d: {  	[tilespmem:s28+$0x10] =	vst v5  }
0x54e: {  	[tilespmem:s28+$0xFFFFFFE0] =	vst v3;
	s5 =	sld [smem:$0x7F7]  }
0x54f: {  	[tilespmem:s28+$0xFFFFFFF0] =	vst v4  }
0x550: {  	s29 =	simm.s32 $0x1A8A0;
	[tilespmem:s28+$0x0] =	vst v2  }
0x551: {  	[spmem:s5] =	stream.linear.scatter [tilespmem:s29], [sflag:$0x7], $0x1F40, $0x38;
	[tilespmem:$0x1EEF0] =	vst v63  }
0x552: {  	_ =	swait.ge [sflag:s20], $0x1F40  }
0x553: {  	s19 =	sld [smem:$0x7F6];
	_ =	sdelay $0x1  }
0x554: {  	[sflag:s20] =	ssyncset.done $0x0  }
0x555: {  	[sflag:s20] =	ssyncadd.s32 $0xFFFFE0C0;
	s5 =	sadd.s32 s19, s26  }
0x556: {  	s28 =	rddreg [dreg:$0x3];
	s5 =	sshrl.u32 s5, $0x3  }
0x557: {  	s5 =	sadd.s32 s28, s5;
	s28 =	simm.s32 $0x0  }
0x558: {  	[hbm4b:s5+s28] =	stream.linear.scatter [tilespmem:s29], [sflag:$0x7], $0x1F40, $0x38;
	[tilespmem:$0x1EEF0] =	vst v63  }
0x559: {  	_ =	swait.ge [sflag:s20], $0x1F40  }
0x55a: {  	s21 =	sld [smem:$0x7F8]  }
0x55b: {  	[sflag:s20] =	ssyncset.done $0x0  }
0x55c: {  	[sflag:s20] =	ssyncadd.s32 $0xFFFFE0C0  }
0x55d: {  	[tilespmem:s29], [sflag:$0x7] =	stream.linear.gather [spmem:s21], $0x1F40, $0x38;
	[tilespmem:$0x1EEF0] =	vst v63  }
0x55e: {  	_ =	swait.ge [sflag:s20], $0x1F40  }
0x55f: {  	[sflag:s20] =	ssyncset.done $0x0  }
0x560: {  	[sflag:s20] =	ssyncadd.s32 $0xFFFFE0C0  }
0x561: {  	[spmem:s21] =	stream.linear.scatter [tilespmem:s24], [sflag:$0x7], $0x1F40, $0x38;
	[tilespmem:$0x1EEF0] =	vst v63  }
0x562: {  	_ =	swait.ge [sflag:s20], $0x1F40  }
0x563: {  	[sflag:s20] =	ssyncset.done $0x0  }
0x564: {  	s28 =	simm.s32 $0x1A8C0;
	[sflag:s20] =	ssyncadd.s32 $0xFFFFE0C0  }
0x565: {  	v2 =	vld [tilespmem:s28+$0xFFFFFFF0]  }
0x566: {  	v4 =	vld [tilespmem:s28+$0x10]  }
0x567: {  	s22 =	simm.s32 $0x0;
	v3 =	vld [tilespmem:s28+$0xFFFFFFE0]  }
0x568: {  	v6 =	vld [tilespmem:s22+$0x1DF50]  }
0x569: {  	v7 =	vld [tilespmem:s28+$0x0];
	_ =	sdelay $0x3  }
0x56a: {  	v3 =	vmul.f32 v3, v6;
	v5 =	vmul.f32 v4, v6  }
0x56b: {  	s30 =	simm.s32 $0x1A8C0;
	s29 =	simm.s32 $0x40;
	v4 =	vmul.f32 v2, v6;
	v2 =	vmul.f32 v7, v6  }
.LBB2_29:
0x56c: {  	p2 =	sne.s32 s29, $0x1F00  }
0x56d: {  	[tilespmem:s28+$0x10] =	vst v5;
	s30 =	sadd.s32 $0x40, s30;
	s5 =	smov.u32 s29;
	s29 =	sadd.s32 $0x40, s29  }
0x56e: {  	v6 =	vld [tilespmem:s30+$0xFFFFFFF0];
	[tilespmem:s28+$0xFFFFFFE0] =	vst v3  }
0x56f: {  	v5 =	vld [tilespmem:s30+$0x10];
	[tilespmem:s28+$0xFFFFFFF0] =	vst v4  }
0x570: {  	s5 =	sshra.s32 s5, $0x2;
	v3 =	vld [tilespmem:s30+$0xFFFFFFE0];
	[tilespmem:s28+$0x0] =	vst v2;
	s28 =	smov.u32 s30  }
0x571: {  	v2 =	vld [tilespmem:s5+$0x1DF50]  }
0x572: {  	v7 =	vld [tilespmem:s30+$0x0]  }
.Ltmp13:
0x573: {  	(pc) =	sbr.rel @p2 .LBB2_29-.Ltmp13, $3  }
0x574: {  	_ =	sdelay $0x1  }
0x575: {  	v3 =	vmul.f32 v3, v2;
	v5 =	vmul.f32 v5, v2  }
0x576: {  	v4 =	vmul.f32 v6, v2;
	v2 =	vmul.f32 v7, v2  }
0x577: {  	[tilespmem:s28+$0x10] =	vst v5  }
0x578: {  	[tilespmem:s28+$0xFFFFFFE0] =	vst v3;
	s5 =	sld [smem:$0x7FA]  }
0x579: {  	[tilespmem:s28+$0xFFFFFFF0] =	vst v4  }
0x57a: {  	s29 =	simm.s32 $0x1A8A0;
	[tilespmem:s28+$0x0] =	vst v2  }
0x57b: {  	[spmem:s5] =	stream.linear.scatter [tilespmem:s29], [sflag:$0x7], $0x1F40, $0x38;
	[tilespmem:$0x1EEF0] =	vst v63  }
0x57c: {  	_ =	swait.ge [sflag:s20], $0x1F40  }
0x57d: {  	s19 =	sld [smem:$0x7F9];
	_ =	sdelay $0x1  }
0x57e: {  	[sflag:s20] =	ssyncset.done $0x0  }
0x57f: {  	[sflag:s20] =	ssyncadd.s32 $0xFFFFE0C0;
	s5 =	sadd.s32 s19, s26  }
0x580: {  	s28 =	rddreg [dreg:$0x3];
	s5 =	sshrl.u32 s5, $0x3  }
0x581: {  	s5 =	sadd.s32 s28, s5;
	s28 =	simm.s32 $0x0  }
0x582: {  	[hbm4b:s5+s28] =	stream.linear.scatter [tilespmem:s29], [sflag:$0x7], $0x1F40, $0x38;
	[tilespmem:$0x1EEF0] =	vst v63  }
0x583: {  	_ =	swait.ge [sflag:s20], $0x1F40  }
0x584: {  	s21 =	sld [smem:$0x7FB]  }
0x585: {  	[sflag:s20] =	ssyncset.done $0x0  }
0x586: {  	[sflag:s20] =	ssyncadd.s32 $0xFFFFE0C0  }
0x587: {  	[tilespmem:s29], [sflag:$0x7] =	stream.linear.gather [spmem:s21], $0x1F40, $0x38;
	[tilespmem:$0x1EEF0] =	vst v63  }
0x588: {  	_ =	swait.ge [sflag:s20], $0x1F40  }
0x589: {  	[sflag:s20] =	ssyncset.done $0x0  }
0x58a: {  	[sflag:s20] =	ssyncadd.s32 $0xFFFFE0C0  }
0x58b: {  	[spmem:s21] =	stream.linear.scatter [tilespmem:s24], [sflag:$0x7], $0x1F40, $0x38;
	[tilespmem:$0x1EEF0] =	vst v63  }
0x58c: {  	_ =	swait.ge [sflag:s20], $0x1F40  }
0x58d: {  	[sflag:s20] =	ssyncset.done $0x0  }
0x58e: {  	s28 =	simm.s32 $0x1A8C0;
	[sflag:s20] =	ssyncadd.s32 $0xFFFFE0C0  }
0x58f: {  	v2 =	vld [tilespmem:s28+$0xFFFFFFF0]  }
0x590: {  	v4 =	vld [tilespmem:s28+$0x10]  }
0x591: {  	s22 =	simm.s32 $0x0;
	v3 =	vld [tilespmem:s28+$0xFFFFFFE0]  }
0x592: {  	v6 =	vld [tilespmem:s22+$0x1E720]  }
0x593: {  	v7 =	vld [tilespmem:s28+$0x0];
	_ =	sdelay $0x3  }
0x594: {  	v3 =	vmul.f32 v3, v6;
	v5 =	vmul.f32 v4, v6  }
0x595: {  	s30 =	simm.s32 $0x1A8C0;
	s29 =	simm.s32 $0x40;
	v4 =	vmul.f32 v2, v6;
	v2 =	vmul.f32 v7, v6  }
.LBB2_31:
0x596: {  	p2 =	sne.s32 s29, $0x1F00  }
0x597: {  	[tilespmem:s28+$0x10] =	vst v5;
	s30 =	sadd.s32 $0x40, s30;
	s5 =	smov.u32 s29;
	s29 =	sadd.s32 $0x40, s29  }
0x598: {  	v6 =	vld [tilespmem:s30+$0xFFFFFFF0];
	[tilespmem:s28+$0xFFFFFFE0] =	vst v3  }
0x599: {  	v5 =	vld [tilespmem:s30+$0x10];
	[tilespmem:s28+$0xFFFFFFF0] =	vst v4  }
0x59a: {  	s5 =	sshra.s32 s5, $0x2;
	v3 =	vld [tilespmem:s30+$0xFFFFFFE0];
	[tilespmem:s28+$0x0] =	vst v2;
	s28 =	smov.u32 s30  }
0x59b: {  	v2 =	vld [tilespmem:s5+$0x1E720]  }
0x59c: {  	v7 =	vld [tilespmem:s30+$0x0]  }
.Ltmp14:
0x59d: {  	(pc) =	sbr.rel @p2 .LBB2_31-.Ltmp14, $3  }
0x59e: {  	_ =	sdelay $0x1  }
0x59f: {  	v3 =	vmul.f32 v3, v2;
	v5 =	vmul.f32 v5, v2  }
0x5a0: {  	v4 =	vmul.f32 v6, v2;
	v2 =	vmul.f32 v7, v2  }
0x5a1: {  	[tilespmem:s28+$0x10] =	vst v5  }
0x5a2: {  	[tilespmem:s28+$0xFFFFFFE0] =	vst v3;
	s5 =	sld [smem:$0x7FD]  }
0x5a3: {  	[tilespmem:s28+$0xFFFFFFF0] =	vst v4  }
0x5a4: {  	s22 =	simm.s32 $0x1A8A0;
	[tilespmem:s28+$0x0] =	vst v2  }
0x5a5: {  	[spmem:s5] =	stream.linear.scatter [tilespmem:s22], [sflag:$0x7], $0x1F40, $0x38;
	[tilespmem:$0x1EEF0] =	vst v63  }
0x5a6: {  	_ =	swait.ge [sflag:s20], $0x1F40  }
0x5a7: {  	s29 =	sld [smem:$0x7FC];
	_ =	sdelay $0x1  }
0x5a8: {  	[sflag:s20] =	ssyncset.done $0x0  }
0x5a9: {  	[sflag:s20] =	ssyncadd.s32 $0xFFFFE0C0;
	s5 =	sadd.s32 s29, s26  }
0x5aa: {  	s30 =	rddreg [dreg:$0x3];
	s5 =	sshrl.u32 s5, $0x3  }
0x5ab: {  	p2 =	sne.s32 s7, $0x8;
	s5 =	sadd.s32 s30, s5  }
0x5ac: {  	[hbm4b:s5+s0] =	stream.linear.scatter [tilespmem:s22], [sflag:$0x7], $0x1F40, $0x38;
	[tilespmem:$0x1EEF0] =	vst v63  }
.Ltmp15:
0x5ad: {  	_ =	swait.ge [sflag:s20], $0x1F40;
	(pc) =	sbr.rel @p2 .LBB2_18-.Ltmp15, $3  }
0x5ae: {  	[sflag:s20] =	ssyncset.done $0x0  }
0x5af: {  	[sflag:s20] =	ssyncadd.s32 $0xFFFFE0C0  }
0x5b0: {  	[bflag:$0x0] =	sbarrier.arrive $0xFFFF;
	_ =	sdelay $0x1  }
0x5b1: {  	s7 =	sld [smem:$0x7E2]  }
0x5b2: {  	s5 =	sld [smem:$0x7EE];
	_ =	sdelay $0x1  }
0x5b3: {  	s7 =	sadd.s32 $0x1, s7  }
0x5b4: {  	p2 =	sne.s32 s7, s5  }
.Ltmp16:
0x5b5: {  	s6 =	simm.s32 $0x141A0;
	(pc) =	sbr.rel @p2 .LBB2_1-.Ltmp16, $4  }
0x5b6: {  	s10 =	simm.s32 $0x14220;
	s18 =	simm.s32 $0x142A0;
	s19 =	simm.s32 $0x14320  }
0x5b7: {  	s21 =	simm.s32 $0x143A0;
	s0 =	simm.s32 $0x14420;
	s8 =	simm.s32 $0x144A0  }
0x5b8: {  	s11 =	simm.s32 $0x14520;
	s13 =	simm.s32 $0x145A0;
	s4 =	simm.s32 $0x14620  }
0x5b9: {  	s15 =	simm.s32 $0x146A0;
	s22 =	rddreg [dreg:$0x18];
	s30 =	simm.s32 $0x14720  }
0x5ba: {  	_ =	sfence.sel $0x180000  }
0x5bb: {  	[bflag:$0x0] =	sbarrier.arrive $0xFFFF  }
0x5bc: {  	_ =	strace $0x90000047  }
0x5bd: {  	[bflag:$0x2] =	sbarrier.arrive $0xFFFF  }
0x5be: {  	s0 =	rddreg [dreg:$0x7]  }
0x5bf: {  	s0 =	sadd.s32 @!p1 $0x100000, s0  }
0x5c0: {  	[sflag:s0] =	ssyncadd.tile.s32 @!p1 $0x1;
	_ =	shalt  }
.Lfunc_end2:
_tile_overlayer_lowered:
.L_overlay_start_2:
0x5c1: {  	(tag) =	ssettag $0x2  }
0x5c2: {  	s0 =	rddreg [dreg:$0x0];
	s2 =	stileid.u32  }
0x5c3: {  	s1 =	rddreg [dreg:$0x1];
	p0 =	sne.s32 s2, $0x0  }
0x5c4: {  	s3 =	rddreg [dreg:$0x2];
	[bflag:$0x3] =	sbarrier.arrive $0xFFFF;
	s2 =	simm.s32 @!p0 $0x1C07  }
0x5c5: {  	[timem:s3], [sflag:s2] =	dma.local @!p0 [hbm:s0], s1  }
0x5c6: {  	s0 =	simm.s32 @!p0 $0x7  }
0x5c7: {  	_ =	swait.ge @!p0 [sflag:s0], s1  }
0x5c8: {  	s1 =	ssub.s32 @!p0 $0x0, s1;
	[sflag:s0] =	ssyncset.done @!p0 $0x0  }
0x5c9: {  	[sflag:s0] =	ssyncadd.s32 @!p0 s1  }
0x5ca: {  	[bflag:$0x3] =	sbarrier.arrive $0xFFFF  }
0x5cb: {  	_ =	shalt  }

// kernel: sparse-core-data-format-call.cloned.1.call-start
scs
called_computation_lowered:
.L_overlay_start_0:
0x0: {  	s2 =	sld [smem:$0x3FD9]  }
0x1: {  	s3 =	sld [smem:$0x3FFE];
	_ =	sdelay $0x1  }
0x2: {  	s1 =	srdreg.scid  }
0x3: {  	s0 =	sand.u32 $0x1, s1  }
0x4: {  	s15 =	sshll.u32 s0, $0xA;
	s2 =	sadd.s32 s3, s2  }
0x5: {  	s2 =	sadd.s32 s2, s15  }
0x6: {  	[smem:$0x3FC5] =	sst s2  }
0x7: {  	_ = 	snop  }
0x8: {  	s2 =	sld [smem:$0x3FD0];
	_ =	sdelay $0x2  }
0x9: {  	s16 =	simm.s32 $0xA;
	s4 =	simm.s32 $0x10  }
0xa: {  	[smem:s4], [sflag:s16] =	dma.local [hbm:s2], $0x1  }
0xb: {  	_ =	swait.eq [sflag:s16], $0x1  }
0xc: {  	[sflag:s16] =	ssyncset.done $0x0  }
0xd: {  	[sflag:s16] =	ssyncadd.s32 $0xFFFFFFFF  }
0xe: {  	s17 =	sld [smem:$0x10];
	(tm) =	ssettm $0x1  }
0xf: {  	s18 =	sld [smem:$0x3FFB];
	_ =	sdelay $0x3  }
0x10: {  	_ =	strace s18  }
0x11: {  	s3 =	sld [smem:$0x3FFC];
	_ =	sdelay $0x3  }
0x12: {  	_ =	strace s3  }
0x13: {  	s3 =	sld [smem:$0x3FFD];
	_ =	sdelay $0x3  }
0x14: {  	_ =	strace s3  }
0x15: {  	_ =	strace $0x8FFFFFFF  }
0x16: {  	s19 =	sld [smem:$0x3FDB];
	_ =	sdelay $0x1  }
0x17: {  	s20 =	simm.s32 $_scs_section_size  }
0x18: {  	s5 =	simm.s32 $_size__tile_overlayer_lowered;
	s6 =	simm.s32 $_tile_overlayer_lowered  }
0x19: {  	s23 =	simm.s32 $0x1BFF;
	s22 =	sshll.u32 s6, $0x1;
	s3 =	sadd.s32 s20, s19  }
0x1a: {  	s7 =	simm.s32 $0x0;
	s21 =	sshll.u32 s5, $0x1;
	s5 =	sadd.s32 s22, s3  }
0x1b: {  	[timem:s7], [sflag:s23] =	dma.local [hbm:s5], s21  }
0x1c: {  	_ =	swait.ge [sflag:s23], s21  }
0x1d: {  	s4 =	ssub.s32 $0x0, s21;
	[sflag:s23] =	ssyncset.done $0x0  }
0x1e: {  	[sflag:s23] =	ssyncadd.s32 s4;
	_ =	sdelay $0x1  }
0x1f: {  	s24 =	simm.s32 $0x1B8B  }
0x20: {  	_ =	swait.ge [sflag:s24], $0x1  }
0x21: {  	[sflag:s24] =	ssyncset.done $0x0  }
0x22: {  	s26 =	simm.s32 $0x1B8E;
	s25 =	sld [smem:$0x3FFE];
	[sflag:s24] =	ssyncadd.s32 $0xFFFFFFFF  }
0x23: {  	s27 =	simm.s32 $execute0_lowered;
	[smem:$0x3FD2] =	sst s26  }
0x24: {  	s5 =	sshll.u32 s27, $0x1;
	_ =	strace $0x80000049;
	[dreg:$0x1] =	wrdreg $0xFFFFFFFF  }
0x25: {  	s28 =	simm.s32 $_size_execute0_lowered;
	s3 =	sadd.s32 s3, s5;
	[dreg:$0x0] =	wrdreg $0x0  }
0x26: {  	s5 =	sshll.u32 s28, $0x1;
	[dreg:$0x2] =	wrdreg s3  }
0x27: {  	[dreg:$0x3] =	wrdreg s5  }
0x28: {  	[dreg:$0x4] =	wrdreg $0xC0  }
0x29: {  	_ =	task [dreg:s7], $0x5FFFF  }
0x2a: {  	[dreg:$0x1] =	wrdreg $0xFFFFFFFF  }
0x2b: {  	[dreg:$0x0] =	wrdreg $0x60  }
0x2c: {  	[dreg:$0x2] =	wrdreg s25  }
0x2d: {  	[dreg:$0x3] =	wrdreg s17  }
0x2e: {  	[dreg:$0x4] =	wrdreg $0x9  }
0x2f: {  	_ =	task.clear_ibuf [dreg:s7], $0x5FFFF;
	_ =	strace $0x90000049  }
0x30: {  	s29 =	simm.s32 $0x9;
	_ =	strace $0x8000004B  }
0x31: {  	_ =	swait.ge [sflag:s29], $0x1  }
0x32: {  	[sflag:s29] =	ssyncadd.s32 $0xFFFFFFFF  }
0x33: {  	_ =	strace $0x9000004B  }
0x34: {  	_ =	sfence  }
0x35: {  	s30 =	sld [smem:$0x0];
	_ =	sdelay $0x2  }
0x36: {  	s31 =	sshll.u32 s1, $0xD;
	s1 =	sshrl.u32 s1, $0x2  }
0x37: {  	s3 =	sand.u32 $0x4000, s31;
	s1 =	sadd.s32 s1, s30  }
0x38: {  	s0 =	sor.u32 s3, s0;
	s1 =	sshll.u32 s1, $0x11  }
0x39: {  	s0 =	sor.u32 s1, s0  }
0x3a: {  	s0 =	sadd.s32 $0x8F2B, s0  }
0x3b: {  	[sflag:s0] =	ssyncadd.remote.s32 $0x1  }
0x3c: {  	_ =	sfence.sel $0xFFFF  }
0x3d: {  	[dreg:$0x0] =	wrdreg $0xFFFFFFFF;
	(pc) =	sbr.abs _section_cstart, $3  }
0x3e: {  	[dreg:$0x1] =	wrdreg $0xFFFFFFFF  }
0x3f: {  	_ =	task.clear_ibuf [dreg:s7], $0x2FFFF;
	_ =	strace $0x9FFFFFFF  }
0x40: {  	(tm) =	ssettm $0x7FFFFFFF  }
0x41: {  	_ =	shalt  }
tec
execute0_lowered:
.L_overlay_start_1:
0x0: {  	(tag) =	ssettag $0x1  }
0x1: {  	s0 =	stileid.u32;
	s1 =	srdreg.scid  }
0x2: {  	s2 =	sshll.u32 s0, $0x6;
	s1 =	sshll.u32 s1, $0xA  }
0x3: {  	s7 =	rddreg [dreg:$0x0];
	s2 =	sor.u32 s2, s1  }
0x4: {  	s8 =	simm.s32 $0x2;
	s1 =	sand.u32 $0x1, s0;
	s2 =	sand.u32 $0x780, s2  }
0x5: {  	s16 =	simm.s32 $0x0;
	s3 =	ssub.s32 $0x2, s1;
	s4 =	ssub.s32 $0x2700, s2  }
0x6: {  	s5 =	sshrl.u32 s3, $0x1;
	s3 =	sand.u32 $0x1, s3;
	s4 =	sshrl.u32 s4, $0xB  }
0x7: {  	p0 =	por $0x0, $0x0;
	s3 =	sadd.s32 s3, s5;
	s31 =	sadd.s32 $0x1, s4  }
0x8: {  	s9 =	simm.s32 $0x13C00;
	s14 =	simm.s32 $0x0;
	s6 =	smul.u32 s31, s3  }
.Ltmp0:
0x9: {  	s15 =	simm.s32 $0x0;
	s12 =	simm.s32 $0x0;
	(pc) =	sbr.rel .LBB1_1-.Ltmp0, $4  }
0xa: {  	s13 =	simm.s32 $0x0;
	s5 =	simm.s32 $0x1;
	s4 =	rddreg [dreg:$0x1]  }
0xb: {  	s3 =	rddreg [dreg:$0x2];
	_ =	strace $0x8000004A;
	s6 =	smul.u32 $0x9, s6  }
0xc: {  	s7 =	sadd.s32 $0xE00, s7;
	s11 =	smov.u32 s1;
	[sflag:s5] =	ssyncpa.u1 $0x0  }
0xd: {  	s10 =	smov.u32 s2;
	[sflag:s8] =	ssyncpa.u1 $0x0;
	s8 =	sadd.s32 $0x1, s6  }
.LBB1_4:
0xe: {  	s19 =	sshll.u32 s16, $0x3  }
0xf: {  	s30 =	sand.u32 $0x7F, s16;
	s19 =	sand.u32 $0xFFFFFC00, s19  }
0x10: {  	s16 =	sor.u32 s30, s19  }
0x11: {  	s20 =	smulhi.u32 $0xCF6474A9, s16  }
0x12: {  	s19 =	smulhi.u32 $0xCF6474A9, s19  }
0x13: {  	s15 =	smul.u32 $0x27800, s15;
	s20 =	sshrl.u32 s20, $0xD  }
0x14: {  	s19 =	sshrl.u32 s19, $0xD;
	s20 =	smul.u32 $0x2780, s20  }
0x15: {  	s14 =	smul.u32 $0x13C00, s14;
	s19 =	sand.u32 $0x3F, s19  }
0x16: {  	s15 =	sadd.s32 s4, s15;
	s19 =	smul.u32 $0x4F0, s19;
	s16 =	ssub.s32 s16, s20  }
0x17: {  	[tilespmem:s18+$0x810 ss:$0x81] =	vst.msk $0xffff, v2;
	s14 =	sadd.s32 s14, s15;
	s31 =	sand.u32 $0x7, s16  }
0x18: {  	[tilespmem:s18+$0x1020 ss:$0x81] =	vst.msk $0xffff, v0;
	s14 =	sadd.s32 s19, s14;
	s16 =	sshrl.u32 s16, $0x3;
	s15 =	sshll.u32 s31, $0x12  }
0x19: {  	[tilespmem:s18+$0x0 ss:$0x81] =	vst.msk $0xffff, v1;
	s14 =	sadd.s32 s16, s14;
	s15 =	sor.u32 $0x400, s15  }
0x1a: {  	[hbm4b:s14+s15] =	stream.strided.scatter [tilespmem:s17], [sflag:$0x2], $0x2000, s9, s15, $0x20;
	[tilespmem:$0x8080] =	vst v63  }
.LBB1_5:
0x1b: {  	s17 =	sadd.s32 $0x800, s10  }
0x1c: {  	s14 =	sadd.s32 $0x2, s11;
	s18 =	smov.u32 s11;
	p2 =	sgt.s32 s17, $0x270F  }
0x1d: {  	s18 =	smov.u32 @p2 s14  }
0x1e: {  	s14 =	simm.s32 $0x1;
	p3 =	sgt.s32 s18, $0x1  }
0x1f: {  	s14 =	simm.s32 @!p3 $0x0  }
0x20: {  	s20 =	sadd.s32 s14, s12  }
0x21: {  	s17 =	smov.u32 @p2 s2;
	p2 =	sgt.s32 s20, $0x8  }
0x22: {  	p1 =	slt.u32 s13, $0x2;
	s20 =	simm.s32 @p2 $0x0;
	p2 =	sne.s32 s13, s8  }
.Ltmp1:
0x23: {  	s19 =	simm.s32 @!p1 $0x2;
	(pc) =	sbr.rel @!p2 .LBB1_6-.Ltmp1, $4  }
0x24: {  	s16 =	smov.u32 s10;
	s15 =	smov.u32 s12;
	_ =	swait.ge @!p1 [sflag:s19], $0x2000  }
0x25: {  	p0 =	por !p0, !p0;
	[sflag:s19] =	ssyncset.done @!p1 $0x0;
	s10 =	smov.u32 s17  }
0x26: {  	s18 =	smov.u32 @p3 s1;
	[sflag:s19] =	ssyncadd.s32 @!p1 $0xFFFFE000;
	s14 =	smov.u32 s11  }
0x27: {  	s11 =	smov.u32 s18;
	s13 =	sadd.s32 $0x1, s13;
	s12 =	smov.u32 s20  }
.LBB1_1:
0x28: {  	p1 =	sge.u32 s13, s6  }
0x29: {  	s18 =	smov.u32 s12;
	p2 =	sgt.s32 @!p1 s12, $0x8  }
0x2a: {  	s17 =	sand.u32 @!p1 $0x1FFFFFF, s10;
	s19 =	sshra.s32 @!p1 s12, $0x1F;
	p2 =	por !p2, p1  }
0x2b: {  	s20 =	smulhi.u32 @!p1 $0x1A36E2F, s17;
	s19 =	sand.u32 @!p1 s19, s12;
	s18 =	simm.s32 @p2 $0x8  }
0x2c: {  	s21 =	smov.u32 s11;
	s18 =	ssub.s32 @!p1 s18, s19  }
0x2d: {  	p3 =	sgt.s32 @!p1 s11, $0x1;
	s19 =	sshrl.u32 @!p1 s20, $0x6;
	s20 =	sadd.s32 @!p1 $0xFFFFFFF8, s18  }
0x2e: {  	s22 =	sshra.s32 @!p1 s10, $0x1F;
	p2 =	sgt.s32 @!p1 s20, $0x0;
	s20 =	sshra.s32 @!p1 s11, $0x1F  }
0x2f: {  	p3 =	por !p3, p1;
	s22 =	sand.u32 @!p1 s22, s10;
	s20 =	sand.u32 @!p1 s20, s11  }
0x30: {  	s21 =	simm.s32 @p3 $0x1;
	p3 =	sgt.s32 @!p1 s10, $0x2690;
	s20 =	sxor.u32 @!p1 $0xFFFFFFFF, s20  }
0x31: {  	p3 =	por !p3, p1;
	s20 =	sadd.s32 @!p1 s20, s21;
	s21 =	smov.u32 s10  }
0x32: {  	s18 =	ssub.s32 @!p1 $0x9, s18;
	p2 =	por !p2, p1;
	s21 =	simm.s32 @p3 $0x2690  }
0x33: {  	p3 =	sgt.s32 @!p1 s20, $0x0;
	s20 =	sshll.u32 @!p1 s20, $0x6;
	s21 =	ssub.s32 @!p1 s21, s22  }
0x34: {  	s20 =	ssub.s32 @!p1 $0x40, s20;
	p3 =	por !p3, p1;
	s22 =	sadd.s32 @!p1 $0xFFFFD970, s21  }
0x35: {  	s18 =	simm.s32 @!p2 $0x0;
	s20 =	simm.s32 @!p3 $0x0;
	p2 =	sgt.s32 @!p1 s22, $0x7F  }
0x36: {  	s21 =	ssub.s32 @!p1 $0x2710, s21;
	s18 =	smul.u32 @!p1 s18, s20;
	p2 =	por !p2, p1  }
0x37: {  	s19 =	smul.u32 @!p1 $0x2710, s19;
	s21 =	simm.s32 @!p2 $0x0  }
0x38: {  	s18 =	smul.u32 @!p1 s21, s18  }
0x39: {  	s31 =	sadd.s32 $0xFFFFFFFF, s13;
	s21 =	smul.u32 @!p1 $0x4E200, s12  }
0x3a: {  	s17 =	ssub.s32 @!p1 s17, s19;
	s20 =	sxor.u32 @!p1 $0xFFFFFFFF, s13;
	s22 =	smul.u32 @!p1 $0x27100, s11  }
0x3b: {  	s17 =	sshll.u32 @!p1 s17, $0x4;
	s20 =	sshll.u32 @!p1 s20, $0xD;
	s19 =	sadd.s32 @!p1 s7, s21  }
0x3c: {  	s20 =	sand.u32 @!p1 $0x2000, s20;
	s18 =	sand.u32 @!p1 $0x3FFFFFC0, s18;
	s19 =	sadd.s32 @!p1 s22, s19  }
0x3d: {  	s21 =	simm.s32 @!p1 $0x80;
	s17 =	sadd.s32 @!p1 s17, s19;
	s19 =	simm.s32 @!p1 $0x40  }
0x3e: {  	[tilespmem:s20], [sflag:$0x1] =	stream.strided.gather @!p1 [hbm4b:s17+s19], s18, s21, s19, $0x38;
	[tilespmem:$0x8080] =	vst v63  }
0x3f: {  	p1 =	sge.u32 s31, s6  }
.Ltmp2:
0x40: {  	_ = 	snop;
	(pc) =	sbr.rel @p1 .LBB1_5-.Ltmp2, $1  }
0x41: {  	_ =	sdelay $0x3  }
0x42: {  	p1 =	sgt.s32 s15, $0x8;
	s17 =	smov.u32 s15;
	s18 =	sshra.s32 s15, $0x1F  }
0x43: {  	s17 =	simm.s32 @!p1 $0x8;
	s18 =	sand.u32 s18, s15  }
0x44: {  	s19 =	sshra.s32 s14, $0x1F;
	s17 =	ssub.s32 s17, s18  }
0x45: {  	p2 =	sgt.s32 s14, $0x1;
	s20 =	sshra.s32 s16, $0x1F;
	s18 =	sadd.s32 $0xFFFFFFF8, s17  }
0x46: {  	s19 =	sand.u32 s19, s14;
	p1 =	sgt.s32 s18, $0x0;
	s18 =	smov.u32 s14  }
0x47: {  	s20 =	sand.u32 s20, s16;
	s19 =	sxor.u32 $0xFFFFFFFF, s19;
	s18 =	simm.s32 @!p2 $0x1  }
0x48: {  	p2 =	sgt.s32 s16, $0x2690;
	s18 =	sadd.s32 s19, s18;
	s19 =	smov.u32 s16  }
0x49: {  	s17 =	ssub.s32 $0x9, s17;
	s19 =	simm.s32 @!p2 $0x2690;
	s21 =	sshll.u32 s18, $0x6  }
0x4a: {  	p2 =	sgt.s32 s18, $0x0;
	s26 =	ssub.s32 s19, s20;
	s19 =	ssub.s32 $0x40, s21  }
0x4b: {  	s17 =	simm.s32 @p1 $0x0;
	s20 =	sadd.s32 $0xFFFFD970, s26;
	s19 =	simm.s32 @p2 $0x0  }
0x4c: {  	s18 =	ssub.s32 $0x2710, s26;
	p1 =	sgt.s32 s20, $0x7F;
	s17 =	smul.u32 s17, s19  }
0x4d: {  	s18 =	simm.s32 @p1 $0x0  }
0x4e: {  	s17 =	smul.u32 s18, s17;
	_ =	sdelay $0x1  }
0x4f: {  	s18 =	simm.s32 $0x1;
	s17 =	sand.u32 $0x3FFFFFC0, s17  }
0x50: {  	s18 =	simm.s32 @!p0 $0x0;
	_ =	swait.ge [sflag:s5], s17  }
0x51: {  	s27 =	sshll.u32 s18, $0xD;
	s17 =	ssub.s32 $0x0, s17;
	[sflag:s5] =	ssyncset.done $0x0  }
0x52: {  	s28 =	sor.u32 $0x20, s27;
	[sflag:s5] =	ssyncadd.s32 s17  }
0x53: {  	s29 =	smul.u32 $0x8100, s18;
	v3 =	vld [tilespmem:s28+$0x10]  }
0x54: {  	s30 =	sand.u32 $0x1, s13;
	v2 =	vld [tilespmem:s28+$0xFFFFFFF0]  }
0x55: {  	s18 =	smul.u32 $0x8100, s30;
	s17 =	sshrl.u32 s29, $0x2;
	v0 =	vld [tilespmem:s28+$0x0]  }
0x56: {  	s19 =	sor.u32 $0x4000, s17;
	v1 =	vld [tilespmem:s28+$0xFFFFFFE0]  }
0x57: {  	s31 =	sshrl.u32 s18, $0x2;
	s18 =	sadd.s32 $0x0, s19  }
0x58: {  	s20 =	simm.s32 $0x4;
	s21 =	sadd.s32 $0x40, s28;
	s17 =	sor.u32 $0x4000, s31;
	[tilespmem:s18+$0x1830 ss:$0x81] =	vst.msk $0xffff, v3  }
.LBB1_3:
0x59: {  	v3 =	vld [tilespmem:s21+$0x10];
	p1 =	sne.s32 s20, $0x1FC;
	[tilespmem:s18+$0x810 ss:$0x81] =	vst.msk $0xffff, v2;
	s22 =	smov.u32 s20;
	s20 =	sadd.s32 $0x4, s20  }
.Ltmp3:
0x5a: {  	v2 =	vld [tilespmem:s21+$0xFFFFFFF0];
	[tilespmem:s18+$0x1020 ss:$0x81] =	vst.msk $0xffff, v0;
	(pc) =	sbr.rel @p1 .LBB1_3-.Ltmp3, $4  }
0x5b: {  	v0 =	vld [tilespmem:s21+$0x0];
	[tilespmem:s18+$0x0 ss:$0x81] =	vst.msk $0xffff, v1  }
0x5c: {  	s18 =	sshra.s32 s22, $0x2;
	v1 =	vld [tilespmem:s21+$0xFFFFFFE0]  }
0x5d: {  	s18 =	sadd.s32 s18, s19  }
0x5e: {  	s21 =	sadd.s32 $0x40, s21;
	[tilespmem:s18+$0x1830 ss:$0x81] =	vst.msk $0xffff, v3  }
.Ltmp4:
0x5f: {  	_ = 	snop;
	(pc) =	sbr.rel .LBB1_4-.Ltmp4, $1  }
0x60: {  	_ =	sdelay $0x3  }
.LBB1_6:
0x61: {  	_ =	sfence.sel $0x180000  }
0x62: {  	s1 =	simm.s32 $0x1;
	[bflag:$0x0] =	sbarrier.arrive $0xFFFF  }
0x63: {  	s31 =	simm.s32 $0x2;
	[sflag:s1] =	ssyncpa.u1 $0x1  }
0x64: {  	[sflag:s31] =	ssyncpa.u1 $0x1  }
0x65: {  	p0 =	sne.s32 s0, $0x0;
	_ =	strace $0x9000004A  }
0x66: {  	s0 =	sadd.s32 @!p0 $0x100000, s3;
	[bflag:$0x2] =	sbarrier.arrive $0xFFFF  }
0x67: {  	[sflag:s0] =	ssyncadd.tile.s32 @!p0 $0x1;
	_ =	shalt  }
.Lfunc_end1:
_tile_overlayer_lowered:
.L_overlay_start_2:
0x68: {  	(tag) =	ssettag $0x2  }
0x69: {  	s0 =	rddreg [dreg:$0x0];
	s2 =	stileid.u32  }
0x6a: {  	s1 =	rddreg [dreg:$0x1];
	p0 =	sne.s32 s2, $0x0  }
0x6b: {  	s3 =	rddreg [dreg:$0x2];
	[bflag:$0x3] =	sbarrier.arrive $0xFFFF;
	s2 =	simm.s32 @!p0 $0x1C01  }
0x6c: {  	[timem:s3], [sflag:s2] =	dma.local @!p0 [hbm:s0], s1  }
0x6d: {  	s0 =	simm.s32 @!p0 $0x1  }
0x6e: {  	_ =	swait.ge @!p0 [sflag:s0], s1  }
0x6f: {  	s1 =	ssub.s32 @!p0 $0x0, s1;
	[sflag:s0] =	ssyncset.done @!p0 $0x0  }
0x70: {  	[sflag:s0] =	ssyncadd.s32 @!p0 s1  }
0x71: {  	[bflag:$0x3] =	sbarrier.arrive $0xFFFF  }
0x72: {  	_ =	shalt  }

</sc_bundles>
